<compile_context>
chip_gen: v7x
topology: tpu7x:2x2x1
jax: 0.10.2.dev20260603
libtpu: 0.0.44.dev20260713+nightly
codegen_flags: <defaults>
</compile_context>

<pallas_src>
import functools

import jax
import jax.numpy as jnp
from jax import lax
from jax.experimental import pallas as pl
from jax.experimental.pallas import tpu as pltpu
from jax.experimental.pallas import tpu_sc as plsc

N = 20000
C = 64
MAX_OUT = 1000
IOU_THRESH = 0.5
BLK = 128
NB = (N + BLK - 1) // BLK
NPAD = NB * BLK
KBUF = MAX_OUT + BLK + 24
NKCH = 3
KCH = KBUF // NKCH
GPAD = 1024
_NC, _NS = 2, 16
_NW = _NC * _NS
_RPW = GPAD // _NW
NBP = 160
_BPW = NBP // _NW
_GRW = 40
_GW = MAX_OUT // _GRW


def _nms_scan_body(sboxes_ref, ord_ref, sc_ref, pad_ref,
                   out_ref, obox_ref, oscr_ref, kept_ref, kmeta_ref):
    lane_i = lax.broadcasted_iota(jnp.int32, (1, BLK), 1)
    sub_b = lax.broadcasted_iota(jnp.int32, (BLK, 1), 0).astype(jnp.float32)
    row_c = lax.broadcasted_iota(jnp.int32, (KCH, 1), 0)
    eye = (lax.broadcasted_iota(jnp.int32, (BLK, BLK), 0)
           == lax.broadcasted_iota(jnp.int32, (BLK, BLK), 1)).astype(jnp.float32)
    lt = (lax.broadcasted_iota(jnp.int32, (BLK, BLK), 0)
          <= lax.broadcasted_iota(jnp.int32, (BLK, BLK), 1)).astype(jnp.float32)

    def exact_mm(a, b, dims):
        return lax.dot_general(a, b, (dims, ((), ())),
                               precision=lax.Precision.HIGHEST,
                               preferred_element_type=jnp.float32)

    def body(state):
        b, cnt = state
        blk = sboxes_ref[pl.ds(b, 1)].reshape(4, BLK)
        ord_row = ord_ref[pl.ds(b, 1)].reshape(1, BLK)
        sc_row = sc_ref[pl.ds(b, 1)].reshape(1, BLK)
        cx1, cy1 = blk[0:1, :], blk[1:2, :]
        cx2, cy2 = blk[2:3, :], blk[3:4, :]
        area_c = (cx2 - cx1) * (cy2 - cy1)

        def kept_chunk(c):
            lo = c * KCH
            kx1 = kept_ref[0, lo:lo + KCH, :]
            ky1 = kept_ref[1, lo:lo + KCH, :]
            kx2 = kept_ref[2, lo:lo + KCH, :]
            ky2 = kept_ref[3, lo:lo + KCH, :]
            area_k = kept_ref[4, lo:lo + KCH, :]
            ix1 = jnp.maximum(kx1, cx1)
            iy1 = jnp.maximum(ky1, cy1)
            ix2 = jnp.minimum(kx2, cx2)
            iy2 = jnp.minimum(ky2, cy2)
            inter = jnp.maximum(ix2 - ix1, 0.0) * jnp.maximum(iy2 - iy1, 0.0)
            iou = inter / ((area_k + area_c) - inter + 1e-9)
            supp = (iou > IOU_THRESH) & ((row_c + lo) < cnt)
            return jnp.max(supp.astype(jnp.float32), axis=0, keepdims=True)

        supp_any = kept_chunk(0)
        for c in range(1, NKCH):
            m = lax.cond(cnt > c * KCH, lambda c=c: kept_chunk(c),
                         lambda: jnp.zeros((1, BLK), jnp.float32))
            supp_any = jnp.maximum(supp_any, m)
        gidx = b * BLK + lane_i
        alive = (supp_any < 0.5) & (gidx < N)

        candT = exact_mm(eye, blk, ((1,), (1,)))
        ax1, ay1 = candT[:, 0:1], candT[:, 1:2]
        ax2, ay2 = candT[:, 2:3], candT[:, 3:4]
        area_a = (ax2 - ax1) * (ay2 - ay1)
        jx1 = jnp.maximum(ax1, cx1)
        jy1 = jnp.maximum(ay1, cy1)
        jx2 = jnp.minimum(ax2, cx2)
        jy2 = jnp.minimum(ay2, cy2)
        jinter = jnp.maximum(jx2 - jx1, 0.0) * jnp.maximum(jy2 - jy1, 0.0)
        jiou = jinter / ((area_a + area_c) - jinter + 1e-9)
        sub_i2 = lax.broadcasted_iota(jnp.int32, (BLK, BLK), 0)
        lane_i2 = lax.broadcasted_iota(jnp.int32, (BLK, BLK), 1)
        sup_f = ((jiou > IOU_THRESH) & (lane_i2 > sub_i2)).astype(jnp.float32)

        base = alive

        def fix_body(st):
            a_f, _ = st
            killed = lax.dot_general(a_f, sup_f,
                                     (((1,), (0,)), ((), ())),
                                     preferred_element_type=jnp.float32)
            a_new = (base & (killed < 0.5)).astype(jnp.float32)
            return a_new, jnp.any(a_new != a_f)

        alive_f0 = base.astype(jnp.float32)
        alive_fix, _ = lax.while_loop(lambda st: st[1], fix_body,
                                      (alive_f0, jnp.bool_(True)))
        alive = alive_fix > 0.5

        alive_f = alive.astype(jnp.float32)
        cum = exact_mm(alive_f, lt, ((1,), (0,)))
        n_alive = jnp.sum(alive_f).astype(jnp.int32)
        onehot = ((sub_b == (cum - 1.0)) & alive).astype(jnp.float32)
        geom = jnp.concatenate([candT, area_a], axis=1)
        geom_new = exact_mm(onehot, geom, ((1,), (0,)))
        for c in range(5):
            kept_ref[c, pl.ds(cnt, BLK), :] = jnp.broadcast_to(
                geom_new[:, c:c + 1], (BLK, BLK))
        rows = jnp.concatenate([ord_row, sc_row], axis=0)
        rows_new = exact_mm(onehot, rows, ((1,), (1,)))
        meta = jnp.concatenate(
            [geom_new[:, 0:4], rows_new,
             jnp.zeros((BLK, 2), jnp.float32)], axis=1)
        kmeta_ref[pl.ds(cnt, BLK), :] = meta
        return b + 1, cnt + n_alive

    def cond(state):
        b, cnt = state
        return (b < NB) & (cnt < MAX_OUT)

    _, cnt_fin = lax.while_loop(cond, body, (jnp.int32(0), jnp.int32(0)))

    row_g = lax.broadcasted_iota(jnp.int32, (GPAD, 1), 0)
    sel = kmeta_ref[0:GPAD, 4:5]
    out_ref[:, :] = jnp.where((row_g < cnt_fin) & (row_g < MAX_OUT),
                              sel, 0.0).astype(jnp.int32)
    row_o = lax.broadcasted_iota(jnp.int32, (MAX_OUT, 1), 0)
    live = row_o < cnt_fin
    obox_ref[:, :] = jnp.where(live, kmeta_ref[0:MAX_OUT, 0:4],
                               pad_ref[0:1, 0:4])
    oscr_ref[:, :] = jnp.where(live, kmeta_ref[0:MAX_OUT, 5:6],
                               pad_ref[0:1, 4:5])


def _nms_scan(sboxes_blk, ord_blk, sc_blk, pad_row):
    return pl.pallas_call(
        _nms_scan_body,
        out_shape=(jax.ShapeDtypeStruct((GPAD, 1), jnp.int32),
                   jax.ShapeDtypeStruct((MAX_OUT, 4), jnp.float32),
                   jax.ShapeDtypeStruct((MAX_OUT, 1), jnp.float32)),
        scratch_shapes=[
            pltpu.VMEM((5, KBUF, BLK), jnp.float32),
            pltpu.VMEM((KBUF, 8), jnp.float32),
        ],
    )(sboxes_blk, ord_blk, sc_blk, pad_row)


def _sc_layout_body(bflat_hbm, ordp_hbm, negsc_hbm,
                    out_hbm, oord_hbm, osc_hbm,
                    idx_v, il_v, tbuf_v, nsc_v, obuf_v, sbuf_v, sem):
    wid = lax.axis_index("s") * _NC + lax.axis_index("c")
    base = wid * _BPW * BLK
    pltpu.sync_copy(ordp_hbm.at[pl.ds(base, _BPW * BLK)], idx_v)
    pltpu.sync_copy(negsc_hbm.at[pl.ds(base, _BPW * BLK)], nsc_v)
    for gg in range(_BPW):
        for c in range(4):
            for h in range(BLK // 16):
                part = idx_v[pl.ds(gg * BLK + h * 16, 16)] * 4 + c
                il_v[gg, c, pl.ds(h * 16, 16)] = part
    copies = [pltpu.async_copy(bflat_hbm.at[il_v.at[gg, c]],
                               tbuf_v.at[gg, c], sem)
              for gg in range(_BPW) for c in range(4)]
    for gg in range(_BPW):
        for h in range(BLK // 16):
            chunk = idx_v[pl.ds(gg * BLK + h * 16, 16)]
            obuf_v[gg, 0, pl.ds(h * 16, 16)] = chunk.astype(jnp.float32)
            sbuf_v[gg, 0, pl.ds(h * 16, 16)] = -nsc_v[pl.ds(gg * BLK + h * 16, 16)]
    pltpu.sync_copy(obuf_v, oord_hbm.at[pl.ds(wid * _BPW, _BPW)])
    pltpu.sync_copy(sbuf_v, osc_hbm.at[pl.ds(wid * _BPW, _BPW)])
    for cp in copies:
        cp.wait()
    pltpu.sync_copy(tbuf_v, out_hbm.at[pl.ds(wid * _BPW, _BPW)])


@functools.lru_cache(maxsize=1)
def _sc_layout():
    return pl.kernel(
        _sc_layout_body,
        out_type=(jax.ShapeDtypeStruct((NBP, 4, BLK), jnp.float32),
                  jax.ShapeDtypeStruct((NBP, 1, BLK), jnp.float32),
                  jax.ShapeDtypeStruct((NBP, 1, BLK), jnp.float32)),
        mesh=plsc.VectorSubcoreMesh(core_axis_name="c", subcore_axis_name="s"),
        scratch_types=[
            pltpu.VMEM((_BPW * BLK,), jnp.int32),
            pltpu.VMEM((_BPW, 4, BLK), jnp.int32),
            pltpu.VMEM((_BPW, 4, BLK), jnp.float32),
            pltpu.VMEM((_BPW * BLK,), jnp.float32),
            pltpu.VMEM((_BPW, 1, BLK), jnp.float32),
            pltpu.VMEM((_BPW, 1, BLK), jnp.float32),
            pltpu.SemaphoreType.DMA,
        ],
        compiler_params=pltpu.CompilerParams(use_tc_tiling_on_sc=False),
    )


def _sc_gather_body(feats_hbm, sel_hbm, out_hbm, idx_v, buf, sem):
    wid = lax.axis_index("s") * _NC + lax.axis_index("c")
    base = wid * _GRW

    @pl.when(wid < _GW)
    def _():
        pltpu.sync_copy(sel_hbm.at[pl.ds(base, _GRW)], idx_v)
        pltpu.async_copy(feats_hbm.at[idx_v], buf, sem).wait()
        pltpu.sync_copy(buf, out_hbm.at[pl.ds(base, _GRW)])


@functools.lru_cache(maxsize=1)
def _sc_gather():
    return pl.kernel(
        _sc_gather_body,
        out_type=jax.ShapeDtypeStruct((MAX_OUT, C), jnp.float32),
        mesh=plsc.VectorSubcoreMesh(core_axis_name="c", subcore_axis_name="s"),
        scratch_types=[
            pltpu.VMEM((_GRW,), jnp.int32),
            pltpu.VMEM((_GRW, C), jnp.float32),
            pltpu.SemaphoreType.DMA,
        ],
        compiler_params=pltpu.CompilerParams(use_tc_tiling_on_sc=False),
    )


def kernel(boxes, scores, feats):
    iota = lax.iota(jnp.int32, N)
    neg_sorted, order = lax.sort((-scores, iota), num_keys=1)
    order_pad = jnp.pad(order, (0, NBP * BLK - N))
    negsc_pad = jnp.pad(neg_sorted, (0, NBP * BLK - N))
    sboxes_blk, ord_blk, sc_blk = _sc_layout()(boxes.reshape(-1), order_pad,
                                               negsc_pad)
    o = (sboxes_blk[0, 0, 0] + ord_blk[0, 0, 0] + sc_blk[0, 0, 0])
    return (jnp.zeros((MAX_OUT, 4), jnp.float32) + o,
            jnp.zeros((MAX_OUT,), jnp.float32) + o,
            jnp.zeros((MAX_OUT, C), jnp.float32) + o)
    pad_row = jnp.concatenate(
        [boxes[0:1, :], scores[0:1, None], jnp.zeros((1, 3), jnp.float32)],
        axis=1)

    sel, kept_boxes, kept_scores = _nms_scan(sboxes_blk, ord_blk, sc_blk,
                                             pad_row)

    feats_g = _sc_gather()(feats, sel.reshape(-1))

    return kept_boxes, kept_scores.reshape(-1), feats_g

# --- scband reference (transcript-rebuilt; emitter-appended) ---
"""Pipeline reference for scband-relation-retina-56014963475159 (READ-ONLY COPY).

The authoritative reference and input builder live on the scoring server;
editing this copy changes nothing except your own understanding.
"""

import jax, jax.numpy as jnp
import numpy as np

N = 20000
C = 64
MAX_OUT = 1000  # num_to_refine
IOU_THRESH = 0.5


def setup_inputs(seed: int = 0) -> dict:
    key = jax.random.key(seed)
    k1, k2, k3, k4 = jax.random.split(key, 4)
    xy = jax.random.uniform(k1, (N, 2)) * 512.0
    wh = jax.random.uniform(k2, (N, 2)) * 96.0 + 4.0
    boxes = jnp.concatenate([xy, xy + wh], axis=-1)
    scores = jax.random.uniform(k3, (N,))
    feats = jax.random.normal(k4, (N, C))
    return {"boxes": boxes, "scores": scores, "feats": feats}


def _iou_one_vs_all(box, boxes):
    x1 = jnp.maximum(box[0], boxes[:, 0])
    y1 = jnp.maximum(box[1], boxes[:, 1])
    x2 = jnp.minimum(box[2], boxes[:, 2])
    y2 = jnp.minimum(box[3], boxes[:, 3])
    inter = jnp.clip(x2 - x1, 0.0) * jnp.clip(y2 - y1, 0.0)
    area_a = (box[2] - box[0]) * (box[3] - box[1])
    area_b = (boxes[:, 2] - boxes[:, 0]) * (boxes[:, 3] - boxes[:, 1])
    return inter / (area_a + area_b - inter + 1e-9)


def _select_indices(boxes, scores):
    # greedy score-ordered NMS (lvl_nms with `preserved` kept boxes)
    neg = jnp.finfo(scores.dtype).min

    def body(i, state):
        sel, s = state
        idx = jnp.argmax(s).astype(jnp.int32)
        iou = _iou_one_vs_all(boxes[idx], boxes)
        s = jnp.where(iou > IOU_THRESH, neg, s)
        s = s.at[idx].set(neg)
        sel = sel.at[i].set(idx)
        return (sel, s)

    sel0 = jnp.zeros((MAX_OUT,), jnp.int32)
    sel, _ = jax.lax.fori_loop(0, MAX_OUT, body, (sel0, scores))
    return sel


def reference(boxes, scores, feats):
    sel = _select_indices(jax.lax.stop_gradient(boxes), jax.lax.stop_gradient(scores))
    # get_top_feats-style gathers of kept anchors / predictions / roi features
    kept_boxes = jnp.take(boxes, sel, axis=0)
    kept_scores = jnp.take(scores, sel, axis=0)
    kept_feats = jnp.take(feats, sel, axis=0)
    return kept_boxes, kept_scores, kept_feats

if __name__ == "__main__":
    import jax
    _d = setup_inputs()
    print(jax.jit(kernel)(*tuple(_d.values())))

</pallas_src>

<mosaic_0001>
#map = affine_map<(d0, d1) -> (0)>
#map1 = affine_map<(d0, d1) -> (0, 0, 0)>
module attributes {stable_mosaic.version = 14 : i64} {
  func.func @_sc_layout_body(%arg0: i32, %arg1: i32, %arg2: memref<80000xf32, #tpu.memory_space<hbm>>, %arg3: memref<20480xi32, #tpu.memory_space<hbm>>, %arg4: memref<20480xf32, #tpu.memory_space<hbm>>, %arg5: memref<160x4x128xf32, #tpu.memory_space<hbm>>, %arg6: memref<160x1x128xf32, #tpu.memory_space<hbm>>, %arg7: memref<160x1x128xf32, #tpu.memory_space<hbm>>, %arg8: memref<640xi32, #tpu.memory_space<vmem>>, %arg9: memref<5x4x128xi32, #tpu.memory_space<vmem>>, %arg10: memref<5x4x128xf32, #tpu.memory_space<vmem>>, %arg11: memref<640xf32, #tpu.memory_space<vmem>>, %arg12: memref<5x1x128xf32, #tpu.memory_space<vmem>>, %arg13: memref<5x1x128xf32, #tpu.memory_space<vmem>>, %arg14: memref<!tpu.dma_semaphore, #tpu.memory_space<semaphore_mem>>) attributes {dimension_semantics = [#tpu.dimension_semantics<core_parallel>, #tpu.dimension_semantics<subcore_parallel>], iteration_bounds = array<i64: 2, 16>, scalar_prefetch = 0 : i64, scratch_operands = 7 : i64, tpu.core_type = #tpu.core_type<sc_vector_subcore>, window_params = [{transform_indices = #map}, {transform_indices = #map}, {transform_indices = #map}, {transform_indices = #map1}, {transform_indices = #map1}, {transform_indices = #map1}]} {
    %mul3A = arith.constant 2 : i32
    %mul3A_0 = arith.muli %arg1, %mul3A : i32
    %add3A = arith.addi %mul3A_0, %arg0 : i32
    %mul3A_1 = arith.constant 5 : i32
    %mul3A_2 = arith.muli %add3A, %mul3A_1 : i32
    %mul3A_3 = arith.constant 128 : i32
    %mul3A_4 = arith.muli %mul3A_2, %mul3A_3 : i32
    "tpu.region"() ({
      %run_scoped3A = tpu.sem_alloc : memref<!tpu.dma_semaphore, #tpu.memory_space<semaphore_mem>>
      %dma_start3A_4245 = tpu.memref_slice %arg3[%mul3A_4] : memref<20480xi32, #tpu.memory_space<hbm>> -> memref<640xi32, #tpu.memory_space<hbm>>
      %dma_start3A_4246 = tpu.memref_slice %arg3[%mul3A_4] : memref<20480xi32, #tpu.memory_space<hbm>> -> memref<640xi32, #tpu.memory_space<hbm>>
      tpu.enqueue_dma source(%dma_start3A_4246 : memref<640xi32, #tpu.memory_space<hbm>>) target(%arg8 : memref<640xi32, #tpu.memory_space<vmem>>) target_semaphore(%run_scoped3A : memref<!tpu.dma_semaphore, #tpu.memory_space<semaphore_mem>>)
      %dma_wait3A_4247 = tpu.memref_slice %arg3[%mul3A_4] : memref<20480xi32, #tpu.memory_space<hbm>> -> memref<640xi32, #tpu.memory_space<hbm>>
      %dma_wait3A_4248 = tpu.memref_slice %arg3[%mul3A_4] : memref<20480xi32, #tpu.memory_space<hbm>> -> memref<640xi32, #tpu.memory_space<hbm>>
      tpu.wait_dma2 semaphore(%run_scoped3A : memref<!tpu.dma_semaphore, #tpu.memory_space<semaphore_mem>>) src(%dma_wait3A_4248 : memref<640xi32, #tpu.memory_space<hbm>>) dst(%arg8 : memref<640xi32, #tpu.memory_space<vmem>>)
      tpu.yield
    }) : () -> ()
    "tpu.region"() ({
      %run_scoped3A = tpu.sem_alloc : memref<!tpu.dma_semaphore, #tpu.memory_space<semaphore_mem>>
      %dma_start3A_4245 = tpu.memref_slice %arg4[%mul3A_4] : memref<20480xf32, #tpu.memory_space<hbm>> -> memref<640xf32, #tpu.memory_space<hbm>>
      %dma_start3A_4246 = tpu.memref_slice %arg4[%mul3A_4] : memref<20480xf32, #tpu.memory_space<hbm>> -> memref<640xf32, #tpu.memory_space<hbm>>
      tpu.enqueue_dma source(%dma_start3A_4246 : memref<640xf32, #tpu.memory_space<hbm>>) target(%arg11 : memref<640xf32, #tpu.memory_space<vmem>>) target_semaphore(%run_scoped3A : memref<!tpu.dma_semaphore, #tpu.memory_space<semaphore_mem>>)
      %dma_wait3A_4247 = tpu.memref_slice %arg4[%mul3A_4] : memref<20480xf32, #tpu.memory_space<hbm>> -> memref<640xf32, #tpu.memory_space<hbm>>
      %dma_wait3A_4248 = tpu.memref_slice %arg4[%mul3A_4] : memref<20480xf32, #tpu.memory_space<hbm>> -> memref<640xf32, #tpu.memory_space<hbm>>
      tpu.wait_dma2 semaphore(%run_scoped3A : memref<!tpu.dma_semaphore, #tpu.memory_space<semaphore_mem>>) src(%dma_wait3A_4248 : memref<640xf32, #tpu.memory_space<hbm>>) dst(%arg11 : memref<640xf32, #tpu.memory_space<vmem>>)
      tpu.yield
    }) : () -> ()
    %get3A = arith.constant 0 : index
    %get3A_5 = tpu.vector_load %arg8[%get3A] {strides = array<i32>} : memref<640xi32, #tpu.memory_space<vmem>>, vector<16xi32>,
    %get3A_6 = vector.shape_cast %get3A_5 : vector<16xi32> to vector<16xi32>
    %mul3A_7 = arith.constant 4 : i32
    %mul3A_8 = vector.broadcast %mul3A_7 : i32 to vector<16xi32>
    %mul3A_9 = arith.muli %get3A_6, %mul3A_8 : vector<16xi32>
    %add3A_10 = arith.constant 0 : i32
    %add3A_11 = vector.broadcast %add3A_10 : i32 to vector<16xi32>
    %add3A_12 = arith.addi %mul3A_9, %add3A_11 : vector<16xi32>
    %swap3A = arith.constant 0 : i32
    %swap3A_13 = arith.constant 0 : i32
    %swap3A_14 = arith.index_cast %swap3A : i32 to index
    %swap3A_15 = arith.index_cast %swap3A_13 : i32 to index
    %swap3A_16 = arith.constant 0 : index
    %swap3A_17 = tpu.vector_load %arg9[%swap3A_14, %swap3A_15, %swap3A_16] {strides = array<i32>} : memref<5x4x128xi32, #tpu.memory_space<vmem>>, vector<1x1x16xi32>,
    %swap3A_18 = vector.shape_cast %swap3A_17 : vector<1x1x16xi32> to vector<16xi32>
    %swap3A_19 = vector.shape_cast %add3A_12 : vector<16xi32> to vector<1x1x16xi32>
    tpu.vector_store %arg9[%swap3A_14, %swap3A_15, %swap3A_16], %swap3A_19 {strides = array<i32>} : memref<5x4x128xi32, #tpu.memory_space<vmem>>, vector<1x1x16xi32>,
    %get3A_20 = arith.constant 16 : index
    %get3A_21 = tpu.vector_load %arg8[%get3A_20] {strides = array<i32>} : memref<640xi32, #tpu.memory_space<vmem>>, vector<16xi32>,
    %get3A_22 = vector.shape_cast %get3A_21 : vector<16xi32> to vector<16xi32>
    %mul3A_23 = arith.constant 4 : i32
    %mul3A_24 = vector.broadcast %mul3A_23 : i32 to vector<16xi32>
    %mul3A_25 = arith.muli %get3A_22, %mul3A_24 : vector<16xi32>
    %add3A_26 = arith.constant 0 : i32
    %add3A_27 = vector.broadcast %add3A_26 : i32 to vector<16xi32>
    %add3A_28 = arith.addi %mul3A_25, %add3A_27 : vector<16xi32>
    %swap3A_29 = arith.constant 0 : i32
    %swap3A_30 = arith.constant 0 : i32
    %swap3A_31 = arith.index_cast %swap3A_29 : i32 to index
    %swap3A_32 = arith.index_cast %swap3A_30 : i32 to index
    %swap3A_33 = arith.constant 16 : index
    %swap3A_34 = tpu.vector_load %arg9[%swap3A_31, %swap3A_32, %swap3A_33] {strides = array<i32>} : memref<5x4x128xi32, #tpu.memory_space<vmem>>, vector<1x1x16xi32>,
    %swap3A_35 = vector.shape_cast %swap3A_34 : vector<1x1x16xi32> to vector<16xi32>
    %swap3A_36 = vector.shape_cast %add3A_28 : vector<16xi32> to vector<1x1x16xi32>
    tpu.vector_store %arg9[%swap3A_31, %swap3A_32, %swap3A_33], %swap3A_36 {strides = array<i32>} : memref<5x4x128xi32, #tpu.memory_space<vmem>>, vector<1x1x16xi32>,
    %get3A_37 = arith.constant 32 : index
    %get3A_38 = tpu.vector_load %arg8[%get3A_37] {strides = array<i32>} : memref<640xi32, #tpu.memory_space<vmem>>, vector<16xi32>,
    %get3A_39 = vector.shape_cast %get3A_38 : vector<16xi32> to vector<16xi32>
    %mul3A_40 = arith.constant 4 : i32
    %mul3A_41 = vector.broadcast %mul3A_40 : i32 to vector<16xi32>
    %mul3A_42 = arith.muli %get3A_39, %mul3A_41 : vector<16xi32>
    %add3A_43 = arith.constant 0 : i32
    %add3A_44 = vector.broadcast %add3A_43 : i32 to vector<16xi32>
    %add3A_45 = arith.addi %mul3A_42, %add3A_44 : vector<16xi32>
    %swap3A_46 = arith.constant 0 : i32
    %swap3A_47 = arith.constant 0 : i32
    %swap3A_48 = arith.index_cast %swap3A_46 : i32 to index
    %swap3A_49 = arith.index_cast %swap3A_47 : i32 to index
    %swap3A_50 = arith.constant 32 : index
    %swap3A_51 = tpu.vector_load %arg9[%swap3A_48, %swap3A_49, %swap3A_50] {strides = array<i32>} : memref<5x4x128xi32, #tpu.memory_space<vmem>>, vector<1x1x16xi32>,
    %swap3A_52 = vector.shape_cast %swap3A_51 : vector<1x1x16xi32> to vector<16xi32>
    %swap3A_53 = vector.shape_cast %add3A_45 : vector<16xi32> to vector<1x1x16xi32>
    tpu.vector_store %arg9[%swap3A_48, %swap3A_49, %swap3A_50], %swap3A_53 {strides = array<i32>} : memref<5x4x128xi32, #tpu.memory_space<vmem>>, vector<1x1x16xi32>,
    %get3A_54 = arith.constant 48 : index
    %get3A_55 = tpu.vector_load %arg8[%get3A_54] {strides = array<i32>} : memref<640xi32, #tpu.memory_space<vmem>>, vector<16xi32>,
    %get3A_56 = vector.shape_cast %get3A_55 : vector<16xi32> to vector<16xi32>
    %mul3A_57 = arith.constant 4 : i32
    %mul3A_58 = vector.broadcast %mul3A_57 : i32 to vector<16xi32>
    %mul3A_59 = arith.muli %get3A_56, %mul3A_58 : vector<16xi32>
    %add3A_60 = arith.constant 0 : i32
    %add3A_61 = vector.broadcast %add3A_60 : i32 to vector<16xi32>
    %add3A_62 = arith.addi %mul3A_59, %add3A_61 : vector<16xi32>
    %swap3A_63 = arith.constant 0 : i32
    %swap3A_64 = arith.constant 0 : i32
    %swap3A_65 = arith.index_cast %swap3A_63 : i32 to index
    %swap3A_66 = arith.index_cast %swap3A_64 : i32 to index
    %swap3A_67 = arith.constant 48 : index
    %swap3A_68 = tpu.vector_load %arg9[%swap3A_65, %swap3A_66, %swap3A_67] {strides = array<i32>} : memref<5x4x128xi32, #tpu.memory_space<vmem>>, vector<1x1x16xi32>,
    %swap3A_69 = vector.shape_cast %swap3A_68 : vector<1x1x16xi32> to vector<16xi32>
    %swap3A_70 = vector.shape_cast %add3A_62 : vector<16xi32> to vector<1x1x16xi32>
    tpu.vector_store %arg9[%swap3A_65, %swap3A_66, %swap3A_67], %swap3A_70 {strides = array<i32>} : memref<5x4x128xi32, #tpu.memory_space<vmem>>, vector<1x1x16xi32>,
    %get3A_71 = arith.constant 64 : index
    %get3A_72 = tpu.vector_load %arg8[%get3A_71] {strides = array<i32>} : memref<640xi32, #tpu.memory_space<vmem>>, vector<16xi32>,
    %get3A_73 = vector.shape_cast %get3A_72 : vector<16xi32> to vector<16xi32>
    %mul3A_74 = arith.constant 4 : i32
    %mul3A_75 = vector.broadcast %mul3A_74 : i32 to vector<16xi32>
    %mul3A_76 = arith.muli %get3A_73, %mul3A_75 : vector<16xi32>
    %add3A_77 = arith.constant 0 : i32
    %add3A_78 = vector.broadcast %add3A_77 : i32 to vector<16xi32>
    %add3A_79 = arith.addi %mul3A_76, %add3A_78 : vector<16xi32>
    %swap3A_80 = arith.constant 0 : i32
    %swap3A_81 = arith.constant 0 : i32
    %swap3A_82 = arith.index_cast %swap3A_80 : i32 to index
    %swap3A_83 = arith.index_cast %swap3A_81 : i32 to index
    %swap3A_84 = arith.constant 64 : index
    %swap3A_85 = tpu.vector_load %arg9[%swap3A_82, %swap3A_83, %swap3A_84] {strides = array<i32>} : memref<5x4x128xi32, #tpu.memory_space<vmem>>, vector<1x1x16xi32>,
    %swap3A_86 = vector.shape_cast %swap3A_85 : vector<1x1x16xi32> to vector<16xi32>
    %swap3A_87 = vector.shape_cast %add3A_79 : vector<16xi32> to vector<1x1x16xi32>
    tpu.vector_store %arg9[%swap3A_82, %swap3A_83, %swap3A_84], %swap3A_87 {strides = array<i32>} : memref<5x4x128xi32, #tpu.memory_space<vmem>>, vector<1x1x16xi32>,
    %get3A_88 = arith.constant 80 : index
    %get3A_89 = tpu.vector_load %arg8[%get3A_88] {strides = array<i32>} : memref<640xi32, #tpu.memory_space<vmem>>, vector<16xi32>,
    %get3A_90 = vector.shape_cast %get3A_89 : vector<16xi32> to vector<16xi32>
    %mul3A_91 = arith.constant 4 : i32
    %mul3A_92 = vector.broadcast %mul3A_91 : i32 to vector<16xi32>
    %mul3A_93 = arith.muli %get3A_90, %mul3A_92 : vector<16xi32>
    %add3A_94 = arith.constant 0 : i32
    %add3A_95 = vector.broadcast %add3A_94 : i32 to vector<16xi32>
    %add3A_96 = arith.addi %mul3A_93, %add3A_95 : vector<16xi32>
    %swap3A_97 = arith.constant 0 : i32
    %swap3A_98 = arith.constant 0 : i32
    %swap3A_99 = arith.index_cast %swap3A_97 : i32 to index
    %swap3A_100 = arith.index_cast %swap3A_98 : i32 to index
    %swap3A_101 = arith.constant 80 : index
    %swap3A_102 = tpu.vector_load %arg9[%swap3A_99, %swap3A_100, %swap3A_101] {strides = array<i32>} : memref<5x4x128xi32, #tpu.memory_space<vmem>>, vector<1x1x16xi32>,
    %swap3A_103 = vector.shape_cast %swap3A_102 : vector<1x1x16xi32> to vector<16xi32>
    %swap3A_104 = vector.shape_cast %add3A_96 : vector<16xi32> to vector<1x1x16xi32>
    tpu.vector_store %arg9[%swap3A_99, %swap3A_100, %swap3A_101], %swap3A_104 {strides = array<i32>} : memref<5x4x128xi32, #tpu.memory_space<vmem>>, vector<1x1x16xi32>,
    %get3A_105 = arith.constant 96 : index
    %get3A_106 = tpu.vector_load %arg8[%get3A_105] {strides = array<i32>} : memref<640xi32, #tpu.memory_space<vmem>>, vector<16xi32>,
    %get3A_107 = vector.shape_cast %get3A_106 : vector<16xi32> to vector<16xi32>
    %mul3A_108 = arith.constant 4 : i32
    %mul3A_109 = vector.broadcast %mul3A_108 : i32 to vector<16xi32>
    %mul3A_110 = arith.muli %get3A_107, %mul3A_109 : vector<16xi32>
    %add3A_111 = arith.constant 0 : i32
    %add3A_112 = vector.broadcast %add3A_111 : i32 to vector<16xi32>
    %add3A_113 = arith.addi %mul3A_110, %add3A_112 : vector<16xi32>
    %swap3A_114 = arith.constant 0 : i32
    %swap3A_115 = arith.constant 0 : i32
    %swap3A_116 = arith.index_cast %swap3A_114 : i32 to index
    %swap3A_117 = arith.index_cast %swap3A_115 : i32 to index
    %swap3A_118 = arith.constant 96 : index
    %swap3A_119 = tpu.vector_load %arg9[%swap3A_116, %swap3A_117, %swap3A_118] {strides = array<i32>} : memref<5x4x128xi32, #tpu.memory_space<vmem>>, vector<1x1x16xi32>,
    %swap3A_120 = vector.shape_cast %swap3A_119 : vector<1x1x16xi32> to vector<16xi32>
    %swap3A_121 = vector.shape_cast %add3A_113 : vector<16xi32> to vector<1x1x16xi32>
    tpu.vector_store %arg9[%swap3A_116, %swap3A_117, %swap3A_118], %swap3A_121 {strides = array<i32>} : memref<5x4x128xi32, #tpu.memory_space<vmem>>, vector<1x1x16xi32>,
    %get3A_122 = arith.constant 112 : index
    %get3A_123 = tpu.vector_load %arg8[%get3A_122] {strides = array<i32>} : memref<640xi32, #tpu.memory_space<vmem>>, vector<16xi32>,
    %get3A_124 = vector.shape_cast %get3A_123 : vector<16xi32> to vector<16xi32>
    %mul3A_125 = arith.constant 4 : i32
    %mul3A_126 = vector.broadcast %mul3A_125 : i32 to vector<16xi32>
    %mul3A_127 = arith.muli %get3A_124, %mul3A_126 : vector<16xi32>
    %add3A_128 = arith.constant 0 : i32
    %add3A_129 = vector.broadcast %add3A_128 : i32 to vector<16xi32>
    %add3A_130 = arith.addi %mul3A_127, %add3A_129 : vector<16xi32>
    %swap3A_131 = arith.constant 0 : i32
    %swap3A_132 = arith.constant 0 : i32
    %swap3A_133 = arith.index_cast %swap3A_131 : i32 to index
    %swap3A_134 = arith.index_cast %swap3A_132 : i32 to index
    %swap3A_135 = arith.constant 112 : index
    %swap3A_136 = tpu.vector_load %arg9[%swap3A_133, %swap3A_134, %swap3A_135] {strides = array<i32>} : memref<5x4x128xi32, #tpu.memory_space<vmem>>, vector<1x1x16xi32>,
    %swap3A_137 = vector.shape_cast %swap3A_136 : vector<1x1x16xi32> to vector<16xi32>
    %swap3A_138 = vector.shape_cast %add3A_130 : vector<16xi32> to vector<1x1x16xi32>
    tpu.vector_store %arg9[%swap3A_133, %swap3A_134, %swap3A_135], %swap3A_138 {strides = array<i32>} : memref<5x4x128xi32, #tpu.memory_space<vmem>>, vector<1x1x16xi32>,
    %get3A_139 = arith.constant 0 : index
    %get3A_140 = tpu.vector_load %arg8[%get3A_139] {strides = array<i32>} : memref<640xi32, #tpu.memory_space<vmem>>, vector<16xi32>,
    %get3A_141 = vector.shape_cast %get3A_140 : vector<16xi32> to vector<16xi32>
    %mul3A_142 = arith.constant 4 : i32
    %mul3A_143 = vector.broadcast %mul3A_142 : i32 to vector<16xi32>
    %mul3A_144 = arith.muli %get3A_141, %mul3A_143 : vector<16xi32>
    %add3A_145 = arith.constant 1 : i32
    %add3A_146 = vector.broadcast %add3A_145 : i32 to vector<16xi32>
    %add3A_147 = arith.addi %mul3A_144, %add3A_146 : vector<16xi32>
    %swap3A_148 = arith.constant 0 : i32
    %swap3A_149 = arith.constant 1 : i32
    %swap3A_150 = arith.index_cast %swap3A_148 : i32 to index
    %swap3A_151 = arith.index_cast %swap3A_149 : i32 to index
    %swap3A_152 = arith.constant 0 : index
    %swap3A_153 = tpu.vector_load %arg9[%swap3A_150, %swap3A_151, %swap3A_152] {strides = array<i32>} : memref<5x4x128xi32, #tpu.memory_space<vmem>>, vector<1x1x16xi32>,
    %swap3A_154 = vector.shape_cast %swap3A_153 : vector<1x1x16xi32> to vector<16xi32>
    %swap3A_155 = vector.shape_cast %add3A_147 : vector<16xi32> to vector<1x1x16xi32>
    tpu.vector_store %arg9[%swap3A_150, %swap3A_151, %swap3A_152], %swap3A_155 {strides = array<i32>} : memref<5x4x128xi32, #tpu.memory_space<vmem>>, vector<1x1x16xi32>,
    %get3A_156 = arith.constant 16 : index
    %get3A_157 = tpu.vector_load %arg8[%get3A_156] {strides = array<i32>} : memref<640xi32, #tpu.memory_space<vmem>>, vector<16xi32>,
    %get3A_158 = vector.shape_cast %get3A_157 : vector<16xi32> to vector<16xi32>
    %mul3A_159 = arith.constant 4 : i32
    %mul3A_160 = vector.broadcast %mul3A_159 : i32 to vector<16xi32>
    %mul3A_161 = arith.muli %get3A_158, %mul3A_160 : vector<16xi32>
    %add3A_162 = arith.constant 1 : i32
    %add3A_163 = vector.broadcast %add3A_162 : i32 to vector<16xi32>
    %add3A_164 = arith.addi %mul3A_161, %add3A_163 : vector<16xi32>
    %swap3A_165 = arith.constant 0 : i32
    %swap3A_166 = arith.constant 1 : i32
    %swap3A_167 = arith.index_cast %swap3A_165 : i32 to index
    %swap3A_168 = arith.index_cast %swap3A_166 : i32 to index
    %swap3A_169 = arith.constant 16 : index
    %swap3A_170 = tpu.vector_load %arg9[%swap3A_167, %swap3A_168, %swap3A_169] {strides = array<i32>} : memref<5x4x128xi32, #tpu.memory_space<vmem>>, vector<1x1x16xi32>,
    %swap3A_171 = vector.shape_cast %swap3A_170 : vector<1x1x16xi32> to vector<16xi32>
    %swap3A_172 = vector.shape_cast %add3A_164 : vector<16xi32> to vector<1x1x16xi32>
    tpu.vector_store %arg9[%swap3A_167, %swap3A_168, %swap3A_169], %swap3A_172 {strides = array<i32>} : memref<5x4x128xi32, #tpu.memory_space<vmem>>, vector<1x1x16xi32>,
    %get3A_173 = arith.constant 32 : index
    %get3A_174 = tpu.vector_load %arg8[%get3A_173] {strides = array<i32>} : memref<640xi32, #tpu.memory_space<vmem>>, vector<16xi32>,
    %get3A_175 = vector.shape_cast %get3A_174 : vector<16xi32> to vector<16xi32>
    %mul3A_176 = arith.constant 4 : i32
    %mul3A_177 = vector.broadcast %mul3A_176 : i32 to vector<16xi32>
    %mul3A_178 = arith.muli %get3A_175, %mul3A_177 : vector<16xi32>
    %add3A_179 = arith.constant 1 : i32
    %add3A_180 = vector.broadcast %add3A_179 : i32 to vector<16xi32>
    %add3A_181 = arith.addi %mul3A_178, %add3A_180 : vector<16xi32>
    %swap3A_182 = arith.constant 0 : i32
    %swap3A_183 = arith.constant 1 : i32
    %swap3A_184 = arith.index_cast %swap3A_182 : i32 to index
    %swap3A_185 = arith.index_cast %swap3A_183 : i32 to index
    %swap3A_186 = arith.constant 32 : index
    %swap3A_187 = tpu.vector_load %arg9[%swap3A_184, %swap3A_185, %swap3A_186] {strides = array<i32>} : memref<5x4x128xi32, #tpu.memory_space<vmem>>, vector<1x1x16xi32>,
    %swap3A_188 = vector.shape_cast %swap3A_187 : vector<1x1x16xi32> to vector<16xi32>
    %swap3A_189 = vector.shape_cast %add3A_181 : vector<16xi32> to vector<1x1x16xi32>
    tpu.vector_store %arg9[%swap3A_184, %swap3A_185, %swap3A_186], %swap3A_189 {strides = array<i32>} : memref<5x4x128xi32, #tpu.memory_space<vmem>>, vector<1x1x16xi32>,
    %get3A_190 = arith.constant 48 : index
    %get3A_191 = tpu.vector_load %arg8[%get3A_190] {strides = array<i32>} : memref<640xi32, #tpu.memory_space<vmem>>, vector<16xi32>,
    %get3A_192 = vector.shape_cast %get3A_191 : vector<16xi32> to vector<16xi32>
    %mul3A_193 = arith.constant 4 : i32
    %mul3A_194 = vector.broadcast %mul3A_193 : i32 to vector<16xi32>
    %mul3A_195 = arith.muli %get3A_192, %mul3A_194 : vector<16xi32>
    %add3A_196 = arith.constant 1 : i32
    %add3A_197 = vector.broadcast %add3A_196 : i32 to vector<16xi32>
    %add3A_198 = arith.addi %mul3A_195, %add3A_197 : vector<16xi32>
    %swap3A_199 = arith.constant 0 : i32
    %swap3A_200 = arith.constant 1 : i32
    %swap3A_201 = arith.index_cast %swap3A_199 : i32 to index
    %swap3A_202 = arith.index_cast %swap3A_200 : i32 to index
    %swap3A_203 = arith.constant 48 : index
    %swap3A_204 = tpu.vector_load %arg9[%swap3A_201, %swap3A_202, %swap3A_203] {strides = array<i32>} : memref<5x4x128xi32, #tpu.memory_space<vmem>>, vector<1x1x16xi32>,
    %swap3A_205 = vector.shape_cast %swap3A_204 : vector<1x1x16xi32> to vector<16xi32>
    %swap3A_206 = vector.shape_cast %add3A_198 : vector<16xi32> to vector<1x1x16xi32>
    tpu.vector_store %arg9[%swap3A_201, %swap3A_202, %swap3A_203], %swap3A_206 {strides = array<i32>} : memref<5x4x128xi32, #tpu.memory_space<vmem>>, vector<1x1x16xi32>,
    %get3A_207 = arith.constant 64 : index
    %get3A_208 = tpu.vector_load %arg8[%get3A_207] {strides = array<i32>} : memref<640xi32, #tpu.memory_space<vmem>>, vector<16xi32>,
    %get3A_209 = vector.shape_cast %get3A_208 : vector<16xi32> to vector<16xi32>
    %mul3A_210 = arith.constant 4 : i32
    %mul3A_211 = vector.broadcast %mul3A_210 : i32 to vector<16xi32>
    %mul3A_212 = arith.muli %get3A_209, %mul3A_211 : vector<16xi32>
    %add3A_213 = arith.constant 1 : i32
    %add3A_214 = vector.broadcast %add3A_213 : i32 to vector<16xi32>
    %add3A_215 = arith.addi %mul3A_212, %add3A_214 : vector<16xi32>
    %swap3A_216 = arith.constant 0 : i32
    %swap3A_217 = arith.constant 1 : i32
    %swap3A_218 = arith.index_cast %swap3A_216 : i32 to index
    %swap3A_219 = arith.index_cast %swap3A_217 : i32 to index
    %swap3A_220 = arith.constant 64 : index
    %swap3A_221 = tpu.vector_load %arg9[%swap3A_218, %swap3A_219, %swap3A_220] {strides = array<i32>} : memref<5x4x128xi32, #tpu.memory_space<vmem>>, vector<1x1x16xi32>,
    %swap3A_222 = vector.shape_cast %swap3A_221 : vector<1x1x16xi32> to vector<16xi32>
    %swap3A_223 = vector.shape_cast %add3A_215 : vector<16xi32> to vector<1x1x16xi32>
    tpu.vector_store %arg9[%swap3A_218, %swap3A_219, %swap3A_220], %swap3A_223 {strides = array<i32>} : memref<5x4x128xi32, #tpu.memory_space<vmem>>, vector<1x1x16xi32>,
    %get3A_224 = arith.constant 80 : index
    %get3A_225 = tpu.vector_load %arg8[%get3A_224] {strides = array<i32>} : memref<640xi32, #tpu.memory_space<vmem>>, vector<16xi32>,
    %get3A_226 = vector.shape_cast %get3A_225 : vector<16xi32> to vector<16xi32>
    %mul3A_227 = arith.constant 4 : i32
    %mul3A_228 = vector.broadcast %mul3A_227 : i32 to vector<16xi32>
    %mul3A_229 = arith.muli %get3A_226, %mul3A_228 : vector<16xi32>
    %add3A_230 = arith.constant 1 : i32
    %add3A_231 = vector.broadcast %add3A_230 : i32 to vector<16xi32>
    %add3A_232 = arith.addi %mul3A_229, %add3A_231 : vector<16xi32>
    %swap3A_233 = arith.constant 0 : i32
    %swap3A_234 = arith.constant 1 : i32
    %swap3A_235 = arith.index_cast %swap3A_233 : i32 to index
    %swap3A_236 = arith.index_cast %swap3A_234 : i32 to index
    %swap3A_237 = arith.constant 80 : index
    %swap3A_238 = tpu.vector_load %arg9[%swap3A_235, %swap3A_236, %swap3A_237] {strides = array<i32>} : memref<5x4x128xi32, #tpu.memory_space<vmem>>, vector<1x1x16xi32>,
    %swap3A_239 = vector.shape_cast %swap3A_238 : vector<1x1x16xi32> to vector<16xi32>
    %swap3A_240 = vector.shape_cast %add3A_232 : vector<16xi32> to vector<1x1x16xi32>
    tpu.vector_store %arg9[%swap3A_235, %swap3A_236, %swap3A_237], %swap3A_240 {strides = array<i32>} : memref<5x4x128xi32, #tpu.memory_space<vmem>>, vector<1x1x16xi32>,
    %get3A_241 = arith.constant 96 : index
    %get3A_242 = tpu.vector_load %arg8[%get3A_241] {strides = array<i32>} : memref<640xi32, #tpu.memory_space<vmem>>, vector<16xi32>,
    %get3A_243 = vector.shape_cast %get3A_242 : vector<16xi32> to vector<16xi32>
    %mul3A_244 = arith.constant 4 : i32
    %mul3A_245 = vector.broadcast %mul3A_244 : i32 to vector<16xi32>
    %mul3A_246 = arith.muli %get3A_243, %mul3A_245 : vector<16xi32>
    %add3A_247 = arith.constant 1 : i32
    %add3A_248 = vector.broadcast %add3A_247 : i32 to vector<16xi32>
    %add3A_249 = arith.addi %mul3A_246, %add3A_248 : vector<16xi32>
    %swap3A_250 = arith.constant 0 : i32
    %swap3A_251 = arith.constant 1 : i32
    %swap3A_252 = arith.index_cast %swap3A_250 : i32 to index
    %swap3A_253 = arith.index_cast %swap3A_251 : i32 to index
    %swap3A_254 = arith.constant 96 : index
    %swap3A_255 = tpu.vector_load %arg9[%swap3A_252, %swap3A_253, %swap3A_254] {strides = array<i32>} : memref<5x4x128xi32, #tpu.memory_space<vmem>>, vector<1x1x16xi32>,
    %swap3A_256 = vector.shape_cast %swap3A_255 : vector<1x1x16xi32> to vector<16xi32>
    %swap3A_257 = vector.shape_cast %add3A_249 : vector<16xi32> to vector<1x1x16xi32>
    tpu.vector_store %arg9[%swap3A_252, %swap3A_253, %swap3A_254], %swap3A_257 {strides = array<i32>} : memref<5x4x128xi32, #tpu.memory_space<vmem>>, vector<1x1x16xi32>,
    %get3A_258 = arith.constant 112 : index
    %get3A_259 = tpu.vector_load %arg8[%get3A_258] {strides = array<i32>} : memref<640xi32, #tpu.memory_space<vmem>>, vector<16xi32>,
    %get3A_260 = vector.shape_cast %get3A_259 : vector<16xi32> to vector<16xi32>
    %mul3A_261 = arith.constant 4 : i32
    %mul3A_262 = vector.broadcast %mul3A_261 : i32 to vector<16xi32>
    %mul3A_263 = arith.muli %get3A_260, %mul3A_262 : vector<16xi32>
    %add3A_264 = arith.constant 1 : i32
    %add3A_265 = vector.broadcast %add3A_264 : i32 to vector<16xi32>
    %add3A_266 = arith.addi %mul3A_263, %add3A_265 : vector<16xi32>
    %swap3A_267 = arith.constant 0 : i32
    %swap3A_268 = arith.constant 1 : i32
    %swap3A_269 = arith.index_cast %swap3A_267 : i32 to index
    %swap3A_270 = arith.index_cast %swap3A_268 : i32 to index
    %swap3A_271 = arith.constant 112 : index
    %swap3A_272 = tpu.vector_load %arg9[%swap3A_269, %swap3A_270, %swap3A_271] {strides = array<i32>} : memref<5x4x128xi32, #tpu.memory_space<vmem>>, vector<1x1x16xi32>,
    %swap3A_273 = vector.shape_cast %swap3A_272 : vector<1x1x16xi32> to vector<16xi32>
    %swap3A_274 = vector.shape_cast %add3A_266 : vector<16xi32> to vector<1x1x16xi32>
    tpu.vector_store %arg9[%swap3A_269, %swap3A_270, %swap3A_271], %swap3A_274 {strides = array<i32>} : memref<5x4x128xi32, #tpu.memory_space<vmem>>, vector<1x1x16xi32>,
    %get3A_275 = arith.constant 0 : index
    %get3A_276 = tpu.vector_load %arg8[%get3A_275] {strides = array<i32>} : memref<640xi32, #tpu.memory_space<vmem>>, vector<16xi32>,
    %get3A_277 = vector.shape_cast %get3A_276 : vector<16xi32> to vector<16xi32>
    %mul3A_278 = arith.constant 4 : i32
    %mul3A_279 = vector.broadcast %mul3A_278 : i32 to vector<16xi32>
    %mul3A_280 = arith.muli %get3A_277, %mul3A_279 : vector<16xi32>
    %add3A_281 = arith.constant 2 : i32
    %add3A_282 = vector.broadcast %add3A_281 : i32 to vector<16xi32>
    %add3A_283 = arith.addi %mul3A_280, %add3A_282 : vector<16xi32>
    %swap3A_284 = arith.constant 0 : i32
    %swap3A_285 = arith.constant 2 : i32
    %swap3A_286 = arith.index_cast %swap3A_284 : i32 to index
    %swap3A_287 = arith.index_cast %swap3A_285 : i32 to index
    %swap3A_288 = arith.constant 0 : index
    %swap3A_289 = tpu.vector_load %arg9[%swap3A_286, %swap3A_287, %swap3A_288] {strides = array<i32>} : memref<5x4x128xi32, #tpu.memory_space<vmem>>, vector<1x1x16xi32>,
    %swap3A_290 = vector.shape_cast %swap3A_289 : vector<1x1x16xi32> to vector<16xi32>
    %swap3A_291 = vector.shape_cast %add3A_283 : vector<16xi32> to vector<1x1x16xi32>
    tpu.vector_store %arg9[%swap3A_286, %swap3A_287, %swap3A_288], %swap3A_291 {strides = array<i32>} : memref<5x4x128xi32, #tpu.memory_space<vmem>>, vector<1x1x16xi32>,
    %get3A_292 = arith.constant 16 : index
    %get3A_293 = tpu.vector_load %arg8[%get3A_292] {strides = array<i32>} : memref<640xi32, #tpu.memory_space<vmem>>, vector<16xi32>,
    %get3A_294 = vector.shape_cast %get3A_293 : vector<16xi32> to vector<16xi32>
    %mul3A_295 = arith.constant 4 : i32
    %mul3A_296 = vector.broadcast %mul3A_295 : i32 to vector<16xi32>
    %mul3A_297 = arith.muli %get3A_294, %mul3A_296 : vector<16xi32>
    %add3A_298 = arith.constant 2 : i32
    %add3A_299 = vector.broadcast %add3A_298 : i32 to vector<16xi32>
    %add3A_300 = arith.addi %mul3A_297, %add3A_299 : vector<16xi32>
    %swap3A_301 = arith.constant 0 : i32
    %swap3A_302 = arith.constant 2 : i32
    %swap3A_303 = arith.index_cast %swap3A_301 : i32 to index
    %swap3A_304 = arith.index_cast %swap3A_302 : i32 to index
    %swap3A_305 = arith.constant 16 : index
    %swap3A_306 = tpu.vector_load %arg9[%swap3A_303, %swap3A_304, %swap3A_305] {strides = array<i32>} : memref<5x4x128xi32, #tpu.memory_space<vmem>>, vector<1x1x16xi32>,
    %swap3A_307 = vector.shape_cast %swap3A_306 : vector<1x1x16xi32> to vector<16xi32>
    %swap3A_308 = vector.shape_cast %add3A_300 : vector<16xi32> to vector<1x1x16xi32>
    tpu.vector_store %arg9[%swap3A_303, %swap3A_304, %swap3A_305], %swap3A_308 {strides = array<i32>} : memref<5x4x128xi32, #tpu.memory_space<vmem>>, vector<1x1x16xi32>,
    %get3A_309 = arith.constant 32 : index
    %get3A_310 = tpu.vector_load %arg8[%get3A_309] {strides = array<i32>} : memref<640xi32, #tpu.memory_space<vmem>>, vector<16xi32>,
    %get3A_311 = vector.shape_cast %get3A_310 : vector<16xi32> to vector<16xi32>
    %mul3A_312 = arith.constant 4 : i32
    %mul3A_313 = vector.broadcast %mul3A_312 : i32 to vector<16xi32>
    %mul3A_314 = arith.muli %get3A_311, %mul3A_313 : vector<16xi32>
    %add3A_315 = arith.constant 2 : i32
    %add3A_316 = vector.broadcast %add3A_315 : i32 to vector<16xi32>
    %add3A_317 = arith.addi %mul3A_314, %add3A_316 : vector<16xi32>
    %swap3A_318 = arith.constant 0 : i32
    %swap3A_319 = arith.constant 2 : i32
    %swap3A_320 = arith.index_cast %swap3A_318 : i32 to index
    %swap3A_321 = arith.index_cast %swap3A_319 : i32 to index
    %swap3A_322 = arith.constant 32 : index
    %swap3A_323 = tpu.vector_load %arg9[%swap3A_320, %swap3A_321, %swap3A_322] {strides = array<i32>} : memref<5x4x128xi32, #tpu.memory_space<vmem>>, vector<1x1x16xi32>,
    %swap3A_324 = vector.shape_cast %swap3A_323 : vector<1x1x16xi32> to vector<16xi32>
    %swap3A_325 = vector.shape_cast %add3A_317 : vector<16xi32> to vector<1x1x16xi32>
    tpu.vector_store %arg9[%swap3A_320, %swap3A_321, %swap3A_322], %swap3A_325 {strides = array<i32>} : memref<5x4x128xi32, #tpu.memory_space<vmem>>, vector<1x1x16xi32>,
    %get3A_326 = arith.constant 48 : index
    %get3A_327 = tpu.vector_load %arg8[%get3A_326] {strides = array<i32>} : memref<640xi32, #tpu.memory_space<vmem>>, vector<16xi32>,
    %get3A_328 = vector.shape_cast %get3A_327 : vector<16xi32> to vector<16xi32>
    %mul3A_329 = arith.constant 4 : i32
    %mul3A_330 = vector.broadcast %mul3A_329 : i32 to vector<16xi32>
    %mul3A_331 = arith.muli %get3A_328, %mul3A_330 : vector<16xi32>
    %add3A_332 = arith.constant 2 : i32
    %add3A_333 = vector.broadcast %add3A_332 : i32 to vector<16xi32>
    %add3A_334 = arith.addi %mul3A_331, %add3A_333 : vector<16xi32>
    %swap3A_335 = arith.constant 0 : i32
    %swap3A_336 = arith.constant 2 : i32
    %swap3A_337 = arith.index_cast %swap3A_335 : i32 to index
    %swap3A_338 = arith.index_cast %swap3A_336 : i32 to index
    %swap3A_339 = arith.constant 48 : index
    %swap3A_340 = tpu.vector_load %arg9[%swap3A_337, %swap3A_338, %swap3A_339] {strides = array<i32>} : memref<5x4x128xi32, #tpu.memory_space<vmem>>, vector<1x1x16xi32>,
    %swap3A_341 = vector.shape_cast %swap3A_340 : vector<1x1x16xi32> to vector<16xi32>
    %swap3A_342 = vector.shape_cast %add3A_334 : vector<16xi32> to vector<1x1x16xi32>
    tpu.vector_store %arg9[%swap3A_337, %swap3A_338, %swap3A_339], %swap3A_342 {strides = array<i32>} : memref<5x4x128xi32, #tpu.memory_space<vmem>>, vector<1x1x16xi32>,
    %get3A_343 = arith.constant 64 : index
    %get3A_344 = tpu.vector_load %arg8[%get3A_343] {strides = array<i32>} : memref<640xi32, #tpu.memory_space<vmem>>, vector<16xi32>,
    %get3A_345 = vector.shape_cast %get3A_344 : vector<16xi32> to vector<16xi32>
    %mul3A_346 = arith.constant 4 : i32
    %mul3A_347 = vector.broadcast %mul3A_346 : i32 to vector<16xi32>
    %mul3A_348 = arith.muli %get3A_345, %mul3A_347 : vector<16xi32>
    %add3A_349 = arith.constant 2 : i32
    %add3A_350 = vector.broadcast %add3A_349 : i32 to vector<16xi32>
    %add3A_351 = arith.addi %mul3A_348, %add3A_350 : vector<16xi32>
    %swap3A_352 = arith.constant 0 : i32
    %swap3A_353 = arith.constant 2 : i32
    %swap3A_354 = arith.index_cast %swap3A_352 : i32 to index
    %swap3A_355 = arith.index_cast %swap3A_353 : i32 to index
    %swap3A_356 = arith.constant 64 : index
    %swap3A_357 = tpu.vector_load %arg9[%swap3A_354, %swap3A_355, %swap3A_356] {strides = array<i32>} : memref<5x4x128xi32, #tpu.memory_space<vmem>>, vector<1x1x16xi32>,
    %swap3A_358 = vector.shape_cast %swap3A_357 : vector<1x1x16xi32> to vector<16xi32>
    %swap3A_359 = vector.shape_cast %add3A_351 : vector<16xi32> to vector<1x1x16xi32>
    tpu.vector_store %arg9[%swap3A_354, %swap3A_355, %swap3A_356], %swap3A_359 {strides = array<i32>} : memref<5x4x128xi32, #tpu.memory_space<vmem>>, vector<1x1x16xi32>,
    %get3A_360 = arith.constant 80 : index
    %get3A_361 = tpu.vector_load %arg8[%get3A_360] {strides = array<i32>} : memref<640xi32, #tpu.memory_space<vmem>>, vector<16xi32>,
    %get3A_362 = vector.shape_cast %get3A_361 : vector<16xi32> to vector<16xi32>
    %mul3A_363 = arith.constant 4 : i32
    %mul3A_364 = vector.broadcast %mul3A_363 : i32 to vector<16xi32>
    %mul3A_365 = arith.muli %get3A_362, %mul3A_364 : vector<16xi32>
    %add3A_366 = arith.constant 2 : i32
    %add3A_367 = vector.broadcast %add3A_366 : i32 to vector<16xi32>
    %add3A_368 = arith.addi %mul3A_365, %add3A_367 : vector<16xi32>
    %swap3A_369 = arith.constant 0 : i32
    %swap3A_370 = arith.constant 2 : i32
    %swap3A_371 = arith.index_cast %swap3A_369 : i32 to index
    %swap3A_372 = arith.index_cast %swap3A_370 : i32 to index
    %swap3A_373 = arith.constant 80 : index
    %swap3A_374 = tpu.vector_load %arg9[%swap3A_371, %swap3A_372, %swap3A_373] {strides = array<i32>} : memref<5x4x128xi32, #tpu.memory_space<vmem>>, vector<1x1x16xi32>,
    %swap3A_375 = vector.shape_cast %swap3A_374 : vector<1x1x16xi32> to vector<16xi32>
    %swap3A_376 = vector.shape_cast %add3A_368 : vector<16xi32> to vector<1x1x16xi32>
    tpu.vector_store %arg9[%swap3A_371, %swap3A_372, %swap3A_373], %swap3A_376 {strides = array<i32>} : memref<5x4x128xi32, #tpu.memory_space<vmem>>, vector<1x1x16xi32>,
    %get3A_377 = arith.constant 96 : index
    %get3A_378 = tpu.vector_load %arg8[%get3A_377] {strides = array<i32>} : memref<640xi32, #tpu.memory_space<vmem>>, vector<16xi32>,
    %get3A_379 = vector.shape_cast %get3A_378 : vector<16xi32> to vector<16xi32>
    %mul3A_380 = arith.constant 4 : i32
    %mul3A_381 = vector.broadcast %mul3A_380 : i32 to vector<16xi32>
    %mul3A_382 = arith.muli %get3A_379, %mul3A_381 : vector<16xi32>
    %add3A_383 = arith.constant 2 : i32
    %add3A_384 = vector.broadcast %add3A_383 : i32 to vector<16xi32>
    %add3A_385 = arith.addi %mul3A_382, %add3A_384 : vector<16xi32>
    %swap3A_386 = arith.constant 0 : i32
    %swap3A_387 = arith.constant 2 : i32
    %swap3A_388 = arith.index_cast %swap3A_386 : i32 to index
    %swap3A_389 = arith.index_cast %swap3A_387 : i32 to index
    %swap3A_390 = arith.constant 96 : index
    %swap3A_391 = tpu.vector_load %arg9[%swap3A_388, %swap3A_389, %swap3A_390] {strides = array<i32>} : memref<5x4x128xi32, #tpu.memory_space<vmem>>, vector<1x1x16xi32>,
    %swap3A_392 = vector.shape_cast %swap3A_391 : vector<1x1x16xi32> to vector<16xi32>
    %swap3A_393 = vector.shape_cast %add3A_385 : vector<16xi32> to vector<1x1x16xi32>
    tpu.vector_store %arg9[%swap3A_388, %swap3A_389, %swap3A_390], %swap3A_393 {strides = array<i32>} : memref<5x4x128xi32, #tpu.memory_space<vmem>>, vector<1x1x16xi32>,
    %get3A_394 = arith.constant 112 : index
    %get3A_395 = tpu.vector_load %arg8[%get3A_394] {strides = array<i32>} : memref<640xi32, #tpu.memory_space<vmem>>, vector<16xi32>,
    %get3A_396 = vector.shape_cast %get3A_395 : vector<16xi32> to vector<16xi32>
    %mul3A_397 = arith.constant 4 : i32
    %mul3A_398 = vector.broadcast %mul3A_397 : i32 to vector<16xi32>
    %mul3A_399 = arith.muli %get3A_396, %mul3A_398 : vector<16xi32>
    %add3A_400 = arith.constant 2 : i32
    %add3A_401 = vector.broadcast %add3A_400 : i32 to vector<16xi32>
    %add3A_402 = arith.addi %mul3A_399, %add3A_401 : vector<16xi32>
    %swap3A_403 = arith.constant 0 : i32
    %swap3A_404 = arith.constant 2 : i32
    %swap3A_405 = arith.index_cast %swap3A_403 : i32 to index
    %swap3A_406 = arith.index_cast %swap3A_404 : i32 to index
    %swap3A_407 = arith.constant 112 : index
    %swap3A_408 = tpu.vector_load %arg9[%swap3A_405, %swap3A_406, %swap3A_407] {strides = array<i32>} : memref<5x4x128xi32, #tpu.memory_space<vmem>>, vector<1x1x16xi32>,
    %swap3A_409 = vector.shape_cast %swap3A_408 : vector<1x1x16xi32> to vector<16xi32>
    %swap3A_410 = vector.shape_cast %add3A_402 : vector<16xi32> to vector<1x1x16xi32>
    tpu.vector_store %arg9[%swap3A_405, %swap3A_406, %swap3A_407], %swap3A_410 {strides = array<i32>} : memref<5x4x128xi32, #tpu.memory_space<vmem>>, vector<1x1x16xi32>,
    %get3A_411 = arith.constant 0 : index
    %get3A_412 = tpu.vector_load %arg8[%get3A_411] {strides = array<i32>} : memref<640xi32, #tpu.memory_space<vmem>>, vector<16xi32>,
    %get3A_413 = vector.shape_cast %get3A_412 : vector<16xi32> to vector<16xi32>
    %mul3A_414 = arith.constant 4 : i32
    %mul3A_415 = vector.broadcast %mul3A_414 : i32 to vector<16xi32>
    %mul3A_416 = arith.muli %get3A_413, %mul3A_415 : vector<16xi32>
    %add3A_417 = arith.constant 3 : i32
    %add3A_418 = vector.broadcast %add3A_417 : i32 to vector<16xi32>
    %add3A_419 = arith.addi %mul3A_416, %add3A_418 : vector<16xi32>
    %swap3A_420 = arith.constant 0 : i32
    %swap3A_421 = arith.constant 3 : i32
    %swap3A_422 = arith.index_cast %swap3A_420 : i32 to index
    %swap3A_423 = arith.index_cast %swap3A_421 : i32 to index
    %swap3A_424 = arith.constant 0 : index
    %swap3A_425 = tpu.vector_load %arg9[%swap3A_422, %swap3A_423, %swap3A_424] {strides = array<i32>} : memref<5x4x128xi32, #tpu.memory_space<vmem>>, vector<1x1x16xi32>,
    %swap3A_426 = vector.shape_cast %swap3A_425 : vector<1x1x16xi32> to vector<16xi32>
    %swap3A_427 = vector.shape_cast %add3A_419 : vector<16xi32> to vector<1x1x16xi32>
    tpu.vector_store %arg9[%swap3A_422, %swap3A_423, %swap3A_424], %swap3A_427 {strides = array<i32>} : memref<5x4x128xi32, #tpu.memory_space<vmem>>, vector<1x1x16xi32>,
    %get3A_428 = arith.constant 16 : index
    %get3A_429 = tpu.vector_load %arg8[%get3A_428] {strides = array<i32>} : memref<640xi32, #tpu.memory_space<vmem>>, vector<16xi32>,
    %get3A_430 = vector.shape_cast %get3A_429 : vector<16xi32> to vector<16xi32>
    %mul3A_431 = arith.constant 4 : i32
    %mul3A_432 = vector.broadcast %mul3A_431 : i32 to vector<16xi32>
    %mul3A_433 = arith.muli %get3A_430, %mul3A_432 : vector<16xi32>
    %add3A_434 = arith.constant 3 : i32
    %add3A_435 = vector.broadcast %add3A_434 : i32 to vector<16xi32>
    %add3A_436 = arith.addi %mul3A_433, %add3A_435 : vector<16xi32>
    %swap3A_437 = arith.constant 0 : i32
    %swap3A_438 = arith.constant 3 : i32
    %swap3A_439 = arith.index_cast %swap3A_437 : i32 to index
    %swap3A_440 = arith.index_cast %swap3A_438 : i32 to index
    %swap3A_441 = arith.constant 16 : index
    %swap3A_442 = tpu.vector_load %arg9[%swap3A_439, %swap3A_440, %swap3A_441] {strides = array<i32>} : memref<5x4x128xi32, #tpu.memory_space<vmem>>, vector<1x1x16xi32>,
    %swap3A_443 = vector.shape_cast %swap3A_442 : vector<1x1x16xi32> to vector<16xi32>
    %swap3A_444 = vector.shape_cast %add3A_436 : vector<16xi32> to vector<1x1x16xi32>
    tpu.vector_store %arg9[%swap3A_439, %swap3A_440, %swap3A_441], %swap3A_444 {strides = array<i32>} : memref<5x4x128xi32, #tpu.memory_space<vmem>>, vector<1x1x16xi32>,
    %get3A_445 = arith.constant 32 : index
    %get3A_446 = tpu.vector_load %arg8[%get3A_445] {strides = array<i32>} : memref<640xi32, #tpu.memory_space<vmem>>, vector<16xi32>,
    %get3A_447 = vector.shape_cast %get3A_446 : vector<16xi32> to vector<16xi32>
    %mul3A_448 = arith.constant 4 : i32
    %mul3A_449 = vector.broadcast %mul3A_448 : i32 to vector<16xi32>
    %mul3A_450 = arith.muli %get3A_447, %mul3A_449 : vector<16xi32>
    %add3A_451 = arith.constant 3 : i32
    %add3A_452 = vector.broadcast %add3A_451 : i32 to vector<16xi32>
    %add3A_453 = arith.addi %mul3A_450, %add3A_452 : vector<16xi32>
    %swap3A_454 = arith.constant 0 : i32
    %swap3A_455 = arith.constant 3 : i32
    %swap3A_456 = arith.index_cast %swap3A_454 : i32 to index
    %swap3A_457 = arith.index_cast %swap3A_455 : i32 to index
    %swap3A_458 = arith.constant 32 : index
    %swap3A_459 = tpu.vector_load %arg9[%swap3A_456, %swap3A_457, %swap3A_458] {strides = array<i32>} : memref<5x4x128xi32, #tpu.memory_space<vmem>>, vector<1x1x16xi32>,
    %swap3A_460 = vector.shape_cast %swap3A_459 : vector<1x1x16xi32> to vector<16xi32>
    %swap3A_461 = vector.shape_cast %add3A_453 : vector<16xi32> to vector<1x1x16xi32>
    tpu.vector_store %arg9[%swap3A_456, %swap3A_457, %swap3A_458], %swap3A_461 {strides = array<i32>} : memref<5x4x128xi32, #tpu.memory_space<vmem>>, vector<1x1x16xi32>,
    %get3A_462 = arith.constant 48 : index
    %get3A_463 = tpu.vector_load %arg8[%get3A_462] {strides = array<i32>} : memref<640xi32, #tpu.memory_space<vmem>>, vector<16xi32>,
    %get3A_464 = vector.shape_cast %get3A_463 : vector<16xi32> to vector<16xi32>
    %mul3A_465 = arith.constant 4 : i32
    %mul3A_466 = vector.broadcast %mul3A_465 : i32 to vector<16xi32>
    %mul3A_467 = arith.muli %get3A_464, %mul3A_466 : vector<16xi32>
    %add3A_468 = arith.constant 3 : i32
    %add3A_469 = vector.broadcast %add3A_468 : i32 to vector<16xi32>
    %add3A_470 = arith.addi %mul3A_467, %add3A_469 : vector<16xi32>
    %swap3A_471 = arith.constant 0 : i32
    %swap3A_472 = arith.constant 3 : i32
    %swap3A_473 = arith.index_cast %swap3A_471 : i32 to index
    %swap3A_474 = arith.index_cast %swap3A_472 : i32 to index
    %swap3A_475 = arith.constant 48 : index
    %swap3A_476 = tpu.vector_load %arg9[%swap3A_473, %swap3A_474, %swap3A_475] {strides = array<i32>} : memref<5x4x128xi32, #tpu.memory_space<vmem>>, vector<1x1x16xi32>,
    %swap3A_477 = vector.shape_cast %swap3A_476 : vector<1x1x16xi32> to vector<16xi32>
    %swap3A_478 = vector.shape_cast %add3A_470 : vector<16xi32> to vector<1x1x16xi32>
    tpu.vector_store %arg9[%swap3A_473, %swap3A_474, %swap3A_475], %swap3A_478 {strides = array<i32>} : memref<5x4x128xi32, #tpu.memory_space<vmem>>, vector<1x1x16xi32>,
    %get3A_479 = arith.constant 64 : index
    %get3A_480 = tpu.vector_load %arg8[%get3A_479] {strides = array<i32>} : memref<640xi32, #tpu.memory_space<vmem>>, vector<16xi32>,
    %get3A_481 = vector.shape_cast %get3A_480 : vector<16xi32> to vector<16xi32>
    %mul3A_482 = arith.constant 4 : i32
    %mul3A_483 = vector.broadcast %mul3A_482 : i32 to vector<16xi32>
    %mul3A_484 = arith.muli %get3A_481, %mul3A_483 : vector<16xi32>
    %add3A_485 = arith.constant 3 : i32
    %add3A_486 = vector.broadcast %add3A_485 : i32 to vector<16xi32>
    %add3A_487 = arith.addi %mul3A_484, %add3A_486 : vector<16xi32>
    %swap3A_488 = arith.constant 0 : i32
    %swap3A_489 = arith.constant 3 : i32
    %swap3A_490 = arith.index_cast %swap3A_488 : i32 to index
    %swap3A_491 = arith.index_cast %swap3A_489 : i32 to index
    %swap3A_492 = arith.constant 64 : index
    %swap3A_493 = tpu.vector_load %arg9[%swap3A_490, %swap3A_491, %swap3A_492] {strides = array<i32>} : memref<5x4x128xi32, #tpu.memory_space<vmem>>, vector<1x1x16xi32>,
    %swap3A_494 = vector.shape_cast %swap3A_493 : vector<1x1x16xi32> to vector<16xi32>
    %swap3A_495 = vector.shape_cast %add3A_487 : vector<16xi32> to vector<1x1x16xi32>
    tpu.vector_store %arg9[%swap3A_490, %swap3A_491, %swap3A_492], %swap3A_495 {strides = array<i32>} : memref<5x4x128xi32, #tpu.memory_space<vmem>>, vector<1x1x16xi32>,
    %get3A_496 = arith.constant 80 : index
    %get3A_497 = tpu.vector_load %arg8[%get3A_496] {strides = array<i32>} : memref<640xi32, #tpu.memory_space<vmem>>, vector<16xi32>,
    %get3A_498 = vector.shape_cast %get3A_497 : vector<16xi32> to vector<16xi32>
    %mul3A_499 = arith.constant 4 : i32
    %mul3A_500 = vector.broadcast %mul3A_499 : i32 to vector<16xi32>
    %mul3A_501 = arith.muli %get3A_498, %mul3A_500 : vector<16xi32>
    %add3A_502 = arith.constant 3 : i32
    %add3A_503 = vector.broadcast %add3A_502 : i32 to vector<16xi32>
    %add3A_504 = arith.addi %mul3A_501, %add3A_503 : vector<16xi32>
    %swap3A_505 = arith.constant 0 : i32
    %swap3A_506 = arith.constant 3 : i32
    %swap3A_507 = arith.index_cast %swap3A_505 : i32 to index
    %swap3A_508 = arith.index_cast %swap3A_506 : i32 to index
    %swap3A_509 = arith.constant 80 : index
    %swap3A_510 = tpu.vector_load %arg9[%swap3A_507, %swap3A_508, %swap3A_509] {strides = array<i32>} : memref<5x4x128xi32, #tpu.memory_space<vmem>>, vector<1x1x16xi32>,
    %swap3A_511 = vector.shape_cast %swap3A_510 : vector<1x1x16xi32> to vector<16xi32>
    %swap3A_512 = vector.shape_cast %add3A_504 : vector<16xi32> to vector<1x1x16xi32>
    tpu.vector_store %arg9[%swap3A_507, %swap3A_508, %swap3A_509], %swap3A_512 {strides = array<i32>} : memref<5x4x128xi32, #tpu.memory_space<vmem>>, vector<1x1x16xi32>,
    %get3A_513 = arith.constant 96 : index
    %get3A_514 = tpu.vector_load %arg8[%get3A_513] {strides = array<i32>} : memref<640xi32, #tpu.memory_space<vmem>>, vector<16xi32>,
    %get3A_515 = vector.shape_cast %get3A_514 : vector<16xi32> to vector<16xi32>
    %mul3A_516 = arith.constant 4 : i32
    %mul3A_517 = vector.broadcast %mul3A_516 : i32 to vector<16xi32>
    %mul3A_518 = arith.muli %get3A_515, %mul3A_517 : vector<16xi32>
    %add3A_519 = arith.constant 3 : i32
    %add3A_520 = vector.broadcast %add3A_519 : i32 to vector<16xi32>
    %add3A_521 = arith.addi %mul3A_518, %add3A_520 : vector<16xi32>
    %swap3A_522 = arith.constant 0 : i32
    %swap3A_523 = arith.constant 3 : i32
    %swap3A_524 = arith.index_cast %swap3A_522 : i32 to index
    %swap3A_525 = arith.index_cast %swap3A_523 : i32 to index
    %swap3A_526 = arith.constant 96 : index
    %swap3A_527 = tpu.vector_load %arg9[%swap3A_524, %swap3A_525, %swap3A_526] {strides = array<i32>} : memref<5x4x128xi32, #tpu.memory_space<vmem>>, vector<1x1x16xi32>,
    %swap3A_528 = vector.shape_cast %swap3A_527 : vector<1x1x16xi32> to vector<16xi32>
    %swap3A_529 = vector.shape_cast %add3A_521 : vector<16xi32> to vector<1x1x16xi32>
    tpu.vector_store %arg9[%swap3A_524, %swap3A_525, %swap3A_526], %swap3A_529 {strides = array<i32>} : memref<5x4x128xi32, #tpu.memory_space<vmem>>, vector<1x1x16xi32>,
    %get3A_530 = arith.constant 112 : index
    %get3A_531 = tpu.vector_load %arg8[%get3A_530] {strides = array<i32>} : memref<640xi32, #tpu.memory_space<vmem>>, vector<16xi32>,
    %get3A_532 = vector.shape_cast %get3A_531 : vector<16xi32> to vector<16xi32>
    %mul3A_533 = arith.constant 4 : i32
    %mul3A_534 = vector.broadcast %mul3A_533 : i32 to vector<16xi32>
    %mul3A_535 = arith.muli %get3A_532, %mul3A_534 : vector<16xi32>
    %add3A_536 = arith.constant 3 : i32
    %add3A_537 = vector.broadcast %add3A_536 : i32 to vector<16xi32>
    %add3A_538 = arith.addi %mul3A_535, %add3A_537 : vector<16xi32>
    %swap3A_539 = arith.constant 0 : i32
    %swap3A_540 = arith.constant 3 : i32
    %swap3A_541 = arith.index_cast %swap3A_539 : i32 to index
    %swap3A_542 = arith.index_cast %swap3A_540 : i32 to index
    %swap3A_543 = arith.constant 112 : index
    %swap3A_544 = tpu.vector_load %arg9[%swap3A_541, %swap3A_542, %swap3A_543] {strides = array<i32>} : memref<5x4x128xi32, #tpu.memory_space<vmem>>, vector<1x1x16xi32>,
    %swap3A_545 = vector.shape_cast %swap3A_544 : vector<1x1x16xi32> to vector<16xi32>
    %swap3A_546 = vector.shape_cast %add3A_538 : vector<16xi32> to vector<1x1x16xi32>
    tpu.vector_store %arg9[%swap3A_541, %swap3A_542, %swap3A_543], %swap3A_546 {strides = array<i32>} : memref<5x4x128xi32, #tpu.memory_space<vmem>>, vector<1x1x16xi32>,
    %get3A_547 = arith.constant 128 : index
    %get3A_548 = tpu.vector_load %arg8[%get3A_547] {strides = array<i32>} : memref<640xi32, #tpu.memory_space<vmem>>, vector<16xi32>,
    %get3A_549 = vector.shape_cast %get3A_548 : vector<16xi32> to vector<16xi32>
    %mul3A_550 = arith.constant 4 : i32
    %mul3A_551 = vector.broadcast %mul3A_550 : i32 to vector<16xi32>
    %mul3A_552 = arith.muli %get3A_549, %mul3A_551 : vector<16xi32>
    %add3A_553 = arith.constant 0 : i32
    %add3A_554 = vector.broadcast %add3A_553 : i32 to vector<16xi32>
    %add3A_555 = arith.addi %mul3A_552, %add3A_554 : vector<16xi32>
    %swap3A_556 = arith.constant 1 : i32
    %swap3A_557 = arith.constant 0 : i32
    %swap3A_558 = arith.index_cast %swap3A_556 : i32 to index
    %swap3A_559 = arith.index_cast %swap3A_557 : i32 to index
    %swap3A_560 = arith.constant 0 : index
    %swap3A_561 = tpu.vector_load %arg9[%swap3A_558, %swap3A_559, %swap3A_560] {strides = array<i32>} : memref<5x4x128xi32, #tpu.memory_space<vmem>>, vector<1x1x16xi32>,
    %swap3A_562 = vector.shape_cast %swap3A_561 : vector<1x1x16xi32> to vector<16xi32>
    %swap3A_563 = vector.shape_cast %add3A_555 : vector<16xi32> to vector<1x1x16xi32>
    tpu.vector_store %arg9[%swap3A_558, %swap3A_559, %swap3A_560], %swap3A_563 {strides = array<i32>} : memref<5x4x128xi32, #tpu.memory_space<vmem>>, vector<1x1x16xi32>,
    %get3A_564 = arith.constant 144 : index
    %get3A_565 = tpu.vector_load %arg8[%get3A_564] {strides = array<i32>} : memref<640xi32, #tpu.memory_space<vmem>>, vector<16xi32>,
    %get3A_566 = vector.shape_cast %get3A_565 : vector<16xi32> to vector<16xi32>
    %mul3A_567 = arith.constant 4 : i32
    %mul3A_568 = vector.broadcast %mul3A_567 : i32 to vector<16xi32>
    %mul3A_569 = arith.muli %get3A_566, %mul3A_568 : vector<16xi32>
    %add3A_570 = arith.constant 0 : i32
    %add3A_571 = vector.broadcast %add3A_570 : i32 to vector<16xi32>
    %add3A_572 = arith.addi %mul3A_569, %add3A_571 : vector<16xi32>
    %swap3A_573 = arith.constant 1 : i32
    %swap3A_574 = arith.constant 0 : i32
    %swap3A_575 = arith.index_cast %swap3A_573 : i32 to index
    %swap3A_576 = arith.index_cast %swap3A_574 : i32 to index
    %swap3A_577 = arith.constant 16 : index
    %swap3A_578 = tpu.vector_load %arg9[%swap3A_575, %swap3A_576, %swap3A_577] {strides = array<i32>} : memref<5x4x128xi32, #tpu.memory_space<vmem>>, vector<1x1x16xi32>,
    %swap3A_579 = vector.shape_cast %swap3A_578 : vector<1x1x16xi32> to vector<16xi32>
    %swap3A_580 = vector.shape_cast %add3A_572 : vector<16xi32> to vector<1x1x16xi32>
    tpu.vector_store %arg9[%swap3A_575, %swap3A_576, %swap3A_577], %swap3A_580 {strides = array<i32>} : memref<5x4x128xi32, #tpu.memory_space<vmem>>, vector<1x1x16xi32>,
    %get3A_581 = arith.constant 160 : index
    %get3A_582 = tpu.vector_load %arg8[%get3A_581] {strides = array<i32>} : memref<640xi32, #tpu.memory_space<vmem>>, vector<16xi32>,
    %get3A_583 = vector.shape_cast %get3A_582 : vector<16xi32> to vector<16xi32>
    %mul3A_584 = arith.constant 4 : i32
    %mul3A_585 = vector.broadcast %mul3A_584 : i32 to vector<16xi32>
    %mul3A_586 = arith.muli %get3A_583, %mul3A_585 : vector<16xi32>
    %add3A_587 = arith.constant 0 : i32
    %add3A_588 = vector.broadcast %add3A_587 : i32 to vector<16xi32>
    %add3A_589 = arith.addi %mul3A_586, %add3A_588 : vector<16xi32>
    %swap3A_590 = arith.constant 1 : i32
    %swap3A_591 = arith.constant 0 : i32
    %swap3A_592 = arith.index_cast %swap3A_590 : i32 to index
    %swap3A_593 = arith.index_cast %swap3A_591 : i32 to index
    %swap3A_594 = arith.constant 32 : index
    %swap3A_595 = tpu.vector_load %arg9[%swap3A_592, %swap3A_593, %swap3A_594] {strides = array<i32>} : memref<5x4x128xi32, #tpu.memory_space<vmem>>, vector<1x1x16xi32>,
    %swap3A_596 = vector.shape_cast %swap3A_595 : vector<1x1x16xi32> to vector<16xi32>
    %swap3A_597 = vector.shape_cast %add3A_589 : vector<16xi32> to vector<1x1x16xi32>
    tpu.vector_store %arg9[%swap3A_592, %swap3A_593, %swap3A_594], %swap3A_597 {strides = array<i32>} : memref<5x4x128xi32, #tpu.memory_space<vmem>>, vector<1x1x16xi32>,
    %get3A_598 = arith.constant 176 : index
    %get3A_599 = tpu.vector_load %arg8[%get3A_598] {strides = array<i32>} : memref<640xi32, #tpu.memory_space<vmem>>, vector<16xi32>,
    %get3A_600 = vector.shape_cast %get3A_599 : vector<16xi32> to vector<16xi32>
    %mul3A_601 = arith.constant 4 : i32
    %mul3A_602 = vector.broadcast %mul3A_601 : i32 to vector<16xi32>
    %mul3A_603 = arith.muli %get3A_600, %mul3A_602 : vector<16xi32>
    %add3A_604 = arith.constant 0 : i32
    %add3A_605 = vector.broadcast %add3A_604 : i32 to vector<16xi32>
    %add3A_606 = arith.addi %mul3A_603, %add3A_605 : vector<16xi32>
    %swap3A_607 = arith.constant 1 : i32
    %swap3A_608 = arith.constant 0 : i32
    %swap3A_609 = arith.index_cast %swap3A_607 : i32 to index
    %swap3A_610 = arith.index_cast %swap3A_608 : i32 to index
    %swap3A_611 = arith.constant 48 : index
    %swap3A_612 = tpu.vector_load %arg9[%swap3A_609, %swap3A_610, %swap3A_611] {strides = array<i32>} : memref<5x4x128xi32, #tpu.memory_space<vmem>>, vector<1x1x16xi32>,
    %swap3A_613 = vector.shape_cast %swap3A_612 : vector<1x1x16xi32> to vector<16xi32>
    %swap3A_614 = vector.shape_cast %add3A_606 : vector<16xi32> to vector<1x1x16xi32>
    tpu.vector_store %arg9[%swap3A_609, %swap3A_610, %swap3A_611], %swap3A_614 {strides = array<i32>} : memref<5x4x128xi32, #tpu.memory_space<vmem>>, vector<1x1x16xi32>,
    %get3A_615 = arith.constant 192 : index
    %get3A_616 = tpu.vector_load %arg8[%get3A_615] {strides = array<i32>} : memref<640xi32, #tpu.memory_space<vmem>>, vector<16xi32>,
    %get3A_617 = vector.shape_cast %get3A_616 : vector<16xi32> to vector<16xi32>
    %mul3A_618 = arith.constant 4 : i32
    %mul3A_619 = vector.broadcast %mul3A_618 : i32 to vector<16xi32>
    %mul3A_620 = arith.muli %get3A_617, %mul3A_619 : vector<16xi32>
    %add3A_621 = arith.constant 0 : i32
    %add3A_622 = vector.broadcast %add3A_621 : i32 to vector<16xi32>
    %add3A_623 = arith.addi %mul3A_620, %add3A_622 : vector<16xi32>
    %swap3A_624 = arith.constant 1 : i32
    %swap3A_625 = arith.constant 0 : i32
    %swap3A_626 = arith.index_cast %swap3A_624 : i32 to index
    %swap3A_627 = arith.index_cast %swap3A_625 : i32 to index
    %swap3A_628 = arith.constant 64 : index
    %swap3A_629 = tpu.vector_load %arg9[%swap3A_626, %swap3A_627, %swap3A_628] {strides = array<i32>} : memref<5x4x128xi32, #tpu.memory_space<vmem>>, vector<1x1x16xi32>,
    %swap3A_630 = vector.shape_cast %swap3A_629 : vector<1x1x16xi32> to vector<16xi32>
    %swap3A_631 = vector.shape_cast %add3A_623 : vector<16xi32> to vector<1x1x16xi32>
    tpu.vector_store %arg9[%swap3A_626, %swap3A_627, %swap3A_628], %swap3A_631 {strides = array<i32>} : memref<5x4x128xi32, #tpu.memory_space<vmem>>, vector<1x1x16xi32>,
    %get3A_632 = arith.constant 208 : index
    %get3A_633 = tpu.vector_load %arg8[%get3A_632] {strides = array<i32>} : memref<640xi32, #tpu.memory_space<vmem>>, vector<16xi32>,
    %get3A_634 = vector.shape_cast %get3A_633 : vector<16xi32> to vector<16xi32>
    %mul3A_635 = arith.constant 4 : i32
    %mul3A_636 = vector.broadcast %mul3A_635 : i32 to vector<16xi32>
    %mul3A_637 = arith.muli %get3A_634, %mul3A_636 : vector<16xi32>
    %add3A_638 = arith.constant 0 : i32
    %add3A_639 = vector.broadcast %add3A_638 : i32 to vector<16xi32>
    %add3A_640 = arith.addi %mul3A_637, %add3A_639 : vector<16xi32>
    %swap3A_641 = arith.constant 1 : i32
    %swap3A_642 = arith.constant 0 : i32
    %swap3A_643 = arith.index_cast %swap3A_641 : i32 to index
    %swap3A_644 = arith.index_cast %swap3A_642 : i32 to index
    %swap3A_645 = arith.constant 80 : index
    %swap3A_646 = tpu.vector_load %arg9[%swap3A_643, %swap3A_644, %swap3A_645] {strides = array<i32>} : memref<5x4x128xi32, #tpu.memory_space<vmem>>, vector<1x1x16xi32>,
    %swap3A_647 = vector.shape_cast %swap3A_646 : vector<1x1x16xi32> to vector<16xi32>
    %swap3A_648 = vector.shape_cast %add3A_640 : vector<16xi32> to vector<1x1x16xi32>
    tpu.vector_store %arg9[%swap3A_643, %swap3A_644, %swap3A_645], %swap3A_648 {strides = array<i32>} : memref<5x4x128xi32, #tpu.memory_space<vmem>>, vector<1x1x16xi32>,
    %get3A_649 = arith.constant 224 : index
    %get3A_650 = tpu.vector_load %arg8[%get3A_649] {strides = array<i32>} : memref<640xi32, #tpu.memory_space<vmem>>, vector<16xi32>,
    %get3A_651 = vector.shape_cast %get3A_650 : vector<16xi32> to vector<16xi32>
    %mul3A_652 = arith.constant 4 : i32
    %mul3A_653 = vector.broadcast %mul3A_652 : i32 to vector<16xi32>
    %mul3A_654 = arith.muli %get3A_651, %mul3A_653 : vector<16xi32>
    %add3A_655 = arith.constant 0 : i32
    %add3A_656 = vector.broadcast %add3A_655 : i32 to vector<16xi32>
    %add3A_657 = arith.addi %mul3A_654, %add3A_656 : vector<16xi32>
    %swap3A_658 = arith.constant 1 : i32
    %swap3A_659 = arith.constant 0 : i32
    %swap3A_660 = arith.index_cast %swap3A_658 : i32 to index
    %swap3A_661 = arith.index_cast %swap3A_659 : i32 to index
    %swap3A_662 = arith.constant 96 : index
    %swap3A_663 = tpu.vector_load %arg9[%swap3A_660, %swap3A_661, %swap3A_662] {strides = array<i32>} : memref<5x4x128xi32, #tpu.memory_space<vmem>>, vector<1x1x16xi32>,
    %swap3A_664 = vector.shape_cast %swap3A_663 : vector<1x1x16xi32> to vector<16xi32>
    %swap3A_665 = vector.shape_cast %add3A_657 : vector<16xi32> to vector<1x1x16xi32>
    tpu.vector_store %arg9[%swap3A_660, %swap3A_661, %swap3A_662], %swap3A_665 {strides = array<i32>} : memref<5x4x128xi32, #tpu.memory_space<vmem>>, vector<1x1x16xi32>,
    %get3A_666 = arith.constant 240 : index
    %get3A_667 = tpu.vector_load %arg8[%get3A_666] {strides = array<i32>} : memref<640xi32, #tpu.memory_space<vmem>>, vector<16xi32>,
    %get3A_668 = vector.shape_cast %get3A_667 : vector<16xi32> to vector<16xi32>
    %mul3A_669 = arith.constant 4 : i32
    %mul3A_670 = vector.broadcast %mul3A_669 : i32 to vector<16xi32>
    %mul3A_671 = arith.muli %get3A_668, %mul3A_670 : vector<16xi32>
    %add3A_672 = arith.constant 0 : i32
    %add3A_673 = vector.broadcast %add3A_672 : i32 to vector<16xi32>
    %add3A_674 = arith.addi %mul3A_671, %add3A_673 : vector<16xi32>
    %swap3A_675 = arith.constant 1 : i32
    %swap3A_676 = arith.constant 0 : i32
    %swap3A_677 = arith.index_cast %swap3A_675 : i32 to index
    %swap3A_678 = arith.index_cast %swap3A_676 : i32 to index
    %swap3A_679 = arith.constant 112 : index
    %swap3A_680 = tpu.vector_load %arg9[%swap3A_677, %swap3A_678, %swap3A_679] {strides = array<i32>} : memref<5x4x128xi32, #tpu.memory_space<vmem>>, vector<1x1x16xi32>,
    %swap3A_681 = vector.shape_cast %swap3A_680 : vector<1x1x16xi32> to vector<16xi32>
    %swap3A_682 = vector.shape_cast %add3A_674 : vector<16xi32> to vector<1x1x16xi32>
    tpu.vector_store %arg9[%swap3A_677, %swap3A_678, %swap3A_679], %swap3A_682 {strides = array<i32>} : memref<5x4x128xi32, #tpu.memory_space<vmem>>, vector<1x1x16xi32>,
    %get3A_683 = arith.constant 128 : index
    %get3A_684 = tpu.vector_load %arg8[%get3A_683] {strides = array<i32>} : memref<640xi32, #tpu.memory_space<vmem>>, vector<16xi32>,
    %get3A_685 = vector.shape_cast %get3A_684 : vector<16xi32> to vector<16xi32>
    %mul3A_686 = arith.constant 4 : i32
    %mul3A_687 = vector.broadcast %mul3A_686 : i32 to vector<16xi32>
    %mul3A_688 = arith.muli %get3A_685, %mul3A_687 : vector<16xi32>
    %add3A_689 = arith.constant 1 : i32
    %add3A_690 = vector.broadcast %add3A_689 : i32 to vector<16xi32>
    %add3A_691 = arith.addi %mul3A_688, %add3A_690 : vector<16xi32>
    %swap3A_692 = arith.constant 1 : i32
    %swap3A_693 = arith.constant 1 : i32
    %swap3A_694 = arith.index_cast %swap3A_692 : i32 to index
    %swap3A_695 = arith.index_cast %swap3A_693 : i32 to index
    %swap3A_696 = arith.constant 0 : index
    %swap3A_697 = tpu.vector_load %arg9[%swap3A_694, %swap3A_695, %swap3A_696] {strides = array<i32>} : memref<5x4x128xi32, #tpu.memory_space<vmem>>, vector<1x1x16xi32>,
    %swap3A_698 = vector.shape_cast %swap3A_697 : vector<1x1x16xi32> to vector<16xi32>
    %swap3A_699 = vector.shape_cast %add3A_691 : vector<16xi32> to vector<1x1x16xi32>
    tpu.vector_store %arg9[%swap3A_694, %swap3A_695, %swap3A_696], %swap3A_699 {strides = array<i32>} : memref<5x4x128xi32, #tpu.memory_space<vmem>>, vector<1x1x16xi32>,
    %get3A_700 = arith.constant 144 : index
    %get3A_701 = tpu.vector_load %arg8[%get3A_700] {strides = array<i32>} : memref<640xi32, #tpu.memory_space<vmem>>, vector<16xi32>,
    %get3A_702 = vector.shape_cast %get3A_701 : vector<16xi32> to vector<16xi32>
    %mul3A_703 = arith.constant 4 : i32
    %mul3A_704 = vector.broadcast %mul3A_703 : i32 to vector<16xi32>
    %mul3A_705 = arith.muli %get3A_702, %mul3A_704 : vector<16xi32>
    %add3A_706 = arith.constant 1 : i32
    %add3A_707 = vector.broadcast %add3A_706 : i32 to vector<16xi32>
    %add3A_708 = arith.addi %mul3A_705, %add3A_707 : vector<16xi32>
    %swap3A_709 = arith.constant 1 : i32
    %swap3A_710 = arith.constant 1 : i32
    %swap3A_711 = arith.index_cast %swap3A_709 : i32 to index
    %swap3A_712 = arith.index_cast %swap3A_710 : i32 to index
    %swap3A_713 = arith.constant 16 : index
    %swap3A_714 = tpu.vector_load %arg9[%swap3A_711, %swap3A_712, %swap3A_713] {strides = array<i32>} : memref<5x4x128xi32, #tpu.memory_space<vmem>>, vector<1x1x16xi32>,
    %swap3A_715 = vector.shape_cast %swap3A_714 : vector<1x1x16xi32> to vector<16xi32>
    %swap3A_716 = vector.shape_cast %add3A_708 : vector<16xi32> to vector<1x1x16xi32>
    tpu.vector_store %arg9[%swap3A_711, %swap3A_712, %swap3A_713], %swap3A_716 {strides = array<i32>} : memref<5x4x128xi32, #tpu.memory_space<vmem>>, vector<1x1x16xi32>,
    %get3A_717 = arith.constant 160 : index
    %get3A_718 = tpu.vector_load %arg8[%get3A_717] {strides = array<i32>} : memref<640xi32, #tpu.memory_space<vmem>>, vector<16xi32>,
    %get3A_719 = vector.shape_cast %get3A_718 : vector<16xi32> to vector<16xi32>
    %mul3A_720 = arith.constant 4 : i32
    %mul3A_721 = vector.broadcast %mul3A_720 : i32 to vector<16xi32>
    %mul3A_722 = arith.muli %get3A_719, %mul3A_721 : vector<16xi32>
    %add3A_723 = arith.constant 1 : i32
    %add3A_724 = vector.broadcast %add3A_723 : i32 to vector<16xi32>
    %add3A_725 = arith.addi %mul3A_722, %add3A_724 : vector<16xi32>
    %swap3A_726 = arith.constant 1 : i32
    %swap3A_727 = arith.constant 1 : i32
    %swap3A_728 = arith.index_cast %swap3A_726 : i32 to index
    %swap3A_729 = arith.index_cast %swap3A_727 : i32 to index
    %swap3A_730 = arith.constant 32 : index
    %swap3A_731 = tpu.vector_load %arg9[%swap3A_728, %swap3A_729, %swap3A_730] {strides = array<i32>} : memref<5x4x128xi32, #tpu.memory_space<vmem>>, vector<1x1x16xi32>,
    %swap3A_732 = vector.shape_cast %swap3A_731 : vector<1x1x16xi32> to vector<16xi32>
    %swap3A_733 = vector.shape_cast %add3A_725 : vector<16xi32> to vector<1x1x16xi32>
    tpu.vector_store %arg9[%swap3A_728, %swap3A_729, %swap3A_730], %swap3A_733 {strides = array<i32>} : memref<5x4x128xi32, #tpu.memory_space<vmem>>, vector<1x1x16xi32>,
    %get3A_734 = arith.constant 176 : index
    %get3A_735 = tpu.vector_load %arg8[%get3A_734] {strides = array<i32>} : memref<640xi32, #tpu.memory_space<vmem>>, vector<16xi32>,
    %get3A_736 = vector.shape_cast %get3A_735 : vector<16xi32> to vector<16xi32>
    %mul3A_737 = arith.constant 4 : i32
    %mul3A_738 = vector.broadcast %mul3A_737 : i32 to vector<16xi32>
    %mul3A_739 = arith.muli %get3A_736, %mul3A_738 : vector<16xi32>
    %add3A_740 = arith.constant 1 : i32
    %add3A_741 = vector.broadcast %add3A_740 : i32 to vector<16xi32>
    %add3A_742 = arith.addi %mul3A_739, %add3A_741 : vector<16xi32>
    %swap3A_743 = arith.constant 1 : i32
    %swap3A_744 = arith.constant 1 : i32
    %swap3A_745 = arith.index_cast %swap3A_743 : i32 to index
    %swap3A_746 = arith.index_cast %swap3A_744 : i32 to index
    %swap3A_747 = arith.constant 48 : index
    %swap3A_748 = tpu.vector_load %arg9[%swap3A_745, %swap3A_746, %swap3A_747] {strides = array<i32>} : memref<5x4x128xi32, #tpu.memory_space<vmem>>, vector<1x1x16xi32>,
    %swap3A_749 = vector.shape_cast %swap3A_748 : vector<1x1x16xi32> to vector<16xi32>
    %swap3A_750 = vector.shape_cast %add3A_742 : vector<16xi32> to vector<1x1x16xi32>
    tpu.vector_store %arg9[%swap3A_745, %swap3A_746, %swap3A_747], %swap3A_750 {strides = array<i32>} : memref<5x4x128xi32, #tpu.memory_space<vmem>>, vector<1x1x16xi32>,
    %get3A_751 = arith.constant 192 : index
    %get3A_752 = tpu.vector_load %arg8[%get3A_751] {strides = array<i32>} : memref<640xi32, #tpu.memory_space<vmem>>, vector<16xi32>,
    %get3A_753 = vector.shape_cast %get3A_752 : vector<16xi32> to vector<16xi32>
    %mul3A_754 = arith.constant 4 : i32
    %mul3A_755 = vector.broadcast %mul3A_754 : i32 to vector<16xi32>
    %mul3A_756 = arith.muli %get3A_753, %mul3A_755 : vector<16xi32>
    %add3A_757 = arith.constant 1 : i32
    %add3A_758 = vector.broadcast %add3A_757 : i32 to vector<16xi32>
    %add3A_759 = arith.addi %mul3A_756, %add3A_758 : vector<16xi32>
    %swap3A_760 = arith.constant 1 : i32
    %swap3A_761 = arith.constant 1 : i32
    %swap3A_762 = arith.index_cast %swap3A_760 : i32 to index
    %swap3A_763 = arith.index_cast %swap3A_761 : i32 to index
    %swap3A_764 = arith.constant 64 : index
    %swap3A_765 = tpu.vector_load %arg9[%swap3A_762, %swap3A_763, %swap3A_764] {strides = array<i32>} : memref<5x4x128xi32, #tpu.memory_space<vmem>>, vector<1x1x16xi32>,
    %swap3A_766 = vector.shape_cast %swap3A_765 : vector<1x1x16xi32> to vector<16xi32>
    %swap3A_767 = vector.shape_cast %add3A_759 : vector<16xi32> to vector<1x1x16xi32>
    tpu.vector_store %arg9[%swap3A_762, %swap3A_763, %swap3A_764], %swap3A_767 {strides = array<i32>} : memref<5x4x128xi32, #tpu.memory_space<vmem>>, vector<1x1x16xi32>,
    %get3A_768 = arith.constant 208 : index
    %get3A_769 = tpu.vector_load %arg8[%get3A_768] {strides = array<i32>} : memref<640xi32, #tpu.memory_space<vmem>>, vector<16xi32>,
    %get3A_770 = vector.shape_cast %get3A_769 : vector<16xi32> to vector<16xi32>
    %mul3A_771 = arith.constant 4 : i32
    %mul3A_772 = vector.broadcast %mul3A_771 : i32 to vector<16xi32>
    %mul3A_773 = arith.muli %get3A_770, %mul3A_772 : vector<16xi32>
    %add3A_774 = arith.constant 1 : i32
    %add3A_775 = vector.broadcast %add3A_774 : i32 to vector<16xi32>
    %add3A_776 = arith.addi %mul3A_773, %add3A_775 : vector<16xi32>
    %swap3A_777 = arith.constant 1 : i32
    %swap3A_778 = arith.constant 1 : i32
    %swap3A_779 = arith.index_cast %swap3A_777 : i32 to index
    %swap3A_780 = arith.index_cast %swap3A_778 : i32 to index
    %swap3A_781 = arith.constant 80 : index
    %swap3A_782 = tpu.vector_load %arg9[%swap3A_779, %swap3A_780, %swap3A_781] {strides = array<i32>} : memref<5x4x128xi32, #tpu.memory_space<vmem>>, vector<1x1x16xi32>,
    %swap3A_783 = vector.shape_cast %swap3A_782 : vector<1x1x16xi32> to vector<16xi32>
    %swap3A_784 = vector.shape_cast %add3A_776 : vector<16xi32> to vector<1x1x16xi32>
    tpu.vector_store %arg9[%swap3A_779, %swap3A_780, %swap3A_781], %swap3A_784 {strides = array<i32>} : memref<5x4x128xi32, #tpu.memory_space<vmem>>, vector<1x1x16xi32>,
    %get3A_785 = arith.constant 224 : index
    %get3A_786 = tpu.vector_load %arg8[%get3A_785] {strides = array<i32>} : memref<640xi32, #tpu.memory_space<vmem>>, vector<16xi32>,
    %get3A_787 = vector.shape_cast %get3A_786 : vector<16xi32> to vector<16xi32>
    %mul3A_788 = arith.constant 4 : i32
    %mul3A_789 = vector.broadcast %mul3A_788 : i32 to vector<16xi32>
    %mul3A_790 = arith.muli %get3A_787, %mul3A_789 : vector<16xi32>
    %add3A_791 = arith.constant 1 : i32
    %add3A_792 = vector.broadcast %add3A_791 : i32 to vector<16xi32>
    %add3A_793 = arith.addi %mul3A_790, %add3A_792 : vector<16xi32>
    %swap3A_794 = arith.constant 1 : i32
    %swap3A_795 = arith.constant 1 : i32
    %swap3A_796 = arith.index_cast %swap3A_794 : i32 to index
    %swap3A_797 = arith.index_cast %swap3A_795 : i32 to index
    %swap3A_798 = arith.constant 96 : index
    %swap3A_799 = tpu.vector_load %arg9[%swap3A_796, %swap3A_797, %swap3A_798] {strides = array<i32>} : memref<5x4x128xi32, #tpu.memory_space<vmem>>, vector<1x1x16xi32>,
    %swap3A_800 = vector.shape_cast %swap3A_799 : vector<1x1x16xi32> to vector<16xi32>
    %swap3A_801 = vector.shape_cast %add3A_793 : vector<16xi32> to vector<1x1x16xi32>
    tpu.vector_store %arg9[%swap3A_796, %swap3A_797, %swap3A_798], %swap3A_801 {strides = array<i32>} : memref<5x4x128xi32, #tpu.memory_space<vmem>>, vector<1x1x16xi32>,
    %get3A_802 = arith.constant 240 : index
    %get3A_803 = tpu.vector_load %arg8[%get3A_802] {strides = array<i32>} : memref<640xi32, #tpu.memory_space<vmem>>, vector<16xi32>,
    %get3A_804 = vector.shape_cast %get3A_803 : vector<16xi32> to vector<16xi32>
    %mul3A_805 = arith.constant 4 : i32
    %mul3A_806 = vector.broadcast %mul3A_805 : i32 to vector<16xi32>
    %mul3A_807 = arith.muli %get3A_804, %mul3A_806 : vector<16xi32>
    %add3A_808 = arith.constant 1 : i32
    %add3A_809 = vector.broadcast %add3A_808 : i32 to vector<16xi32>
    %add3A_810 = arith.addi %mul3A_807, %add3A_809 : vector<16xi32>
    %swap3A_811 = arith.constant 1 : i32
    %swap3A_812 = arith.constant 1 : i32
    %swap3A_813 = arith.index_cast %swap3A_811 : i32 to index
    %swap3A_814 = arith.index_cast %swap3A_812 : i32 to index
    %swap3A_815 = arith.constant 112 : index
    %swap3A_816 = tpu.vector_load %arg9[%swap3A_813, %swap3A_814, %swap3A_815] {strides = array<i32>} : memref<5x4x128xi32, #tpu.memory_space<vmem>>, vector<1x1x16xi32>,
    %swap3A_817 = vector.shape_cast %swap3A_816 : vector<1x1x16xi32> to vector<16xi32>
    %swap3A_818 = vector.shape_cast %add3A_810 : vector<16xi32> to vector<1x1x16xi32>
    tpu.vector_store %arg9[%swap3A_813, %swap3A_814, %swap3A_815], %swap3A_818 {strides = array<i32>} : memref<5x4x128xi32, #tpu.memory_space<vmem>>, vector<1x1x16xi32>,
    %get3A_819 = arith.constant 128 : index
    %get3A_820 = tpu.vector_load %arg8[%get3A_819] {strides = array<i32>} : memref<640xi32, #tpu.memory_space<vmem>>, vector<16xi32>,
    %get3A_821 = vector.shape_cast %get3A_820 : vector<16xi32> to vector<16xi32>
    %mul3A_822 = arith.constant 4 : i32
    %mul3A_823 = vector.broadcast %mul3A_822 : i32 to vector<16xi32>
    %mul3A_824 = arith.muli %get3A_821, %mul3A_823 : vector<16xi32>
    %add3A_825 = arith.constant 2 : i32
    %add3A_826 = vector.broadcast %add3A_825 : i32 to vector<16xi32>
    %add3A_827 = arith.addi %mul3A_824, %add3A_826 : vector<16xi32>
    %swap3A_828 = arith.constant 1 : i32
    %swap3A_829 = arith.constant 2 : i32
    %swap3A_830 = arith.index_cast %swap3A_828 : i32 to index
    %swap3A_831 = arith.index_cast %swap3A_829 : i32 to index
    %swap3A_832 = arith.constant 0 : index
    %swap3A_833 = tpu.vector_load %arg9[%swap3A_830, %swap3A_831, %swap3A_832] {strides = array<i32>} : memref<5x4x128xi32, #tpu.memory_space<vmem>>, vector<1x1x16xi32>,
    %swap3A_834 = vector.shape_cast %swap3A_833 : vector<1x1x16xi32> to vector<16xi32>
    %swap3A_835 = vector.shape_cast %add3A_827 : vector<16xi32> to vector<1x1x16xi32>
    tpu.vector_store %arg9[%swap3A_830, %swap3A_831, %swap3A_832], %swap3A_835 {strides = array<i32>} : memref<5x4x128xi32, #tpu.memory_space<vmem>>, vector<1x1x16xi32>,
    %get3A_836 = arith.constant 144 : index
    %get3A_837 = tpu.vector_load %arg8[%get3A_836] {strides = array<i32>} : memref<640xi32, #tpu.memory_space<vmem>>, vector<16xi32>,
    %get3A_838 = vector.shape_cast %get3A_837 : vector<16xi32> to vector<16xi32>
    %mul3A_839 = arith.constant 4 : i32
    %mul3A_840 = vector.broadcast %mul3A_839 : i32 to vector<16xi32>
    %mul3A_841 = arith.muli %get3A_838, %mul3A_840 : vector<16xi32>
    %add3A_842 = arith.constant 2 : i32
    %add3A_843 = vector.broadcast %add3A_842 : i32 to vector<16xi32>
    %add3A_844 = arith.addi %mul3A_841, %add3A_843 : vector<16xi32>
    %swap3A_845 = arith.constant 1 : i32
    %swap3A_846 = arith.constant 2 : i32
    %swap3A_847 = arith.index_cast %swap3A_845 : i32 to index
    %swap3A_848 = arith.index_cast %swap3A_846 : i32 to index
    %swap3A_849 = arith.constant 16 : index
    %swap3A_850 = tpu.vector_load %arg9[%swap3A_847, %swap3A_848, %swap3A_849] {strides = array<i32>} : memref<5x4x128xi32, #tpu.memory_space<vmem>>, vector<1x1x16xi32>,
    %swap3A_851 = vector.shape_cast %swap3A_850 : vector<1x1x16xi32> to vector<16xi32>
    %swap3A_852 = vector.shape_cast %add3A_844 : vector<16xi32> to vector<1x1x16xi32>
    tpu.vector_store %arg9[%swap3A_847, %swap3A_848, %swap3A_849], %swap3A_852 {strides = array<i32>} : memref<5x4x128xi32, #tpu.memory_space<vmem>>, vector<1x1x16xi32>,
    %get3A_853 = arith.constant 160 : index
    %get3A_854 = tpu.vector_load %arg8[%get3A_853] {strides = array<i32>} : memref<640xi32, #tpu.memory_space<vmem>>, vector<16xi32>,
    %get3A_855 = vector.shape_cast %get3A_854 : vector<16xi32> to vector<16xi32>
    %mul3A_856 = arith.constant 4 : i32
    %mul3A_857 = vector.broadcast %mul3A_856 : i32 to vector<16xi32>
    %mul3A_858 = arith.muli %get3A_855, %mul3A_857 : vector<16xi32>
    %add3A_859 = arith.constant 2 : i32
    %add3A_860 = vector.broadcast %add3A_859 : i32 to vector<16xi32>
    %add3A_861 = arith.addi %mul3A_858, %add3A_860 : vector<16xi32>
    %swap3A_862 = arith.constant 1 : i32
    %swap3A_863 = arith.constant 2 : i32
    %swap3A_864 = arith.index_cast %swap3A_862 : i32 to index
    %swap3A_865 = arith.index_cast %swap3A_863 : i32 to index
    %swap3A_866 = arith.constant 32 : index
    %swap3A_867 = tpu.vector_load %arg9[%swap3A_864, %swap3A_865, %swap3A_866] {strides = array<i32>} : memref<5x4x128xi32, #tpu.memory_space<vmem>>, vector<1x1x16xi32>,
    %swap3A_868 = vector.shape_cast %swap3A_867 : vector<1x1x16xi32> to vector<16xi32>
    %swap3A_869 = vector.shape_cast %add3A_861 : vector<16xi32> to vector<1x1x16xi32>
    tpu.vector_store %arg9[%swap3A_864, %swap3A_865, %swap3A_866], %swap3A_869 {strides = array<i32>} : memref<5x4x128xi32, #tpu.memory_space<vmem>>, vector<1x1x16xi32>,
    %get3A_870 = arith.constant 176 : index
    %get3A_871 = tpu.vector_load %arg8[%get3A_870] {strides = array<i32>} : memref<640xi32, #tpu.memory_space<vmem>>, vector<16xi32>,
    %get3A_872 = vector.shape_cast %get3A_871 : vector<16xi32> to vector<16xi32>
    %mul3A_873 = arith.constant 4 : i32
    %mul3A_874 = vector.broadcast %mul3A_873 : i32 to vector<16xi32>
    %mul3A_875 = arith.muli %get3A_872, %mul3A_874 : vector<16xi32>
    %add3A_876 = arith.constant 2 : i32
    %add3A_877 = vector.broadcast %add3A_876 : i32 to vector<16xi32>
    %add3A_878 = arith.addi %mul3A_875, %add3A_877 : vector<16xi32>
    %swap3A_879 = arith.constant 1 : i32
    %swap3A_880 = arith.constant 2 : i32
    %swap3A_881 = arith.index_cast %swap3A_879 : i32 to index
    %swap3A_882 = arith.index_cast %swap3A_880 : i32 to index
    %swap3A_883 = arith.constant 48 : index
    %swap3A_884 = tpu.vector_load %arg9[%swap3A_881, %swap3A_882, %swap3A_883] {strides = array<i32>} : memref<5x4x128xi32, #tpu.memory_space<vmem>>, vector<1x1x16xi32>,
    %swap3A_885 = vector.shape_cast %swap3A_884 : vector<1x1x16xi32> to vector<16xi32>
    %swap3A_886 = vector.shape_cast %add3A_878 : vector<16xi32> to vector<1x1x16xi32>
    tpu.vector_store %arg9[%swap3A_881, %swap3A_882, %swap3A_883], %swap3A_886 {strides = array<i32>} : memref<5x4x128xi32, #tpu.memory_space<vmem>>, vector<1x1x16xi32>,
    %get3A_887 = arith.constant 192 : index
    %get3A_888 = tpu.vector_load %arg8[%get3A_887] {strides = array<i32>} : memref<640xi32, #tpu.memory_space<vmem>>, vector<16xi32>,
    %get3A_889 = vector.shape_cast %get3A_888 : vector<16xi32> to vector<16xi32>
    %mul3A_890 = arith.constant 4 : i32
    %mul3A_891 = vector.broadcast %mul3A_890 : i32 to vector<16xi32>
    %mul3A_892 = arith.muli %get3A_889, %mul3A_891 : vector<16xi32>
    %add3A_893 = arith.constant 2 : i32
    %add3A_894 = vector.broadcast %add3A_893 : i32 to vector<16xi32>
    %add3A_895 = arith.addi %mul3A_892, %add3A_894 : vector<16xi32>
    %swap3A_896 = arith.constant 1 : i32
    %swap3A_897 = arith.constant 2 : i32
    %swap3A_898 = arith.index_cast %swap3A_896 : i32 to index
    %swap3A_899 = arith.index_cast %swap3A_897 : i32 to index
    %swap3A_900 = arith.constant 64 : index
    %swap3A_901 = tpu.vector_load %arg9[%swap3A_898, %swap3A_899, %swap3A_900] {strides = array<i32>} : memref<5x4x128xi32, #tpu.memory_space<vmem>>, vector<1x1x16xi32>,
    %swap3A_902 = vector.shape_cast %swap3A_901 : vector<1x1x16xi32> to vector<16xi32>
    %swap3A_903 = vector.shape_cast %add3A_895 : vector<16xi32> to vector<1x1x16xi32>
    tpu.vector_store %arg9[%swap3A_898, %swap3A_899, %swap3A_900], %swap3A_903 {strides = array<i32>} : memref<5x4x128xi32, #tpu.memory_space<vmem>>, vector<1x1x16xi32>,
    %get3A_904 = arith.constant 208 : index
    %get3A_905 = tpu.vector_load %arg8[%get3A_904] {strides = array<i32>} : memref<640xi32, #tpu.memory_space<vmem>>, vector<16xi32>,
    %get3A_906 = vector.shape_cast %get3A_905 : vector<16xi32> to vector<16xi32>
    %mul3A_907 = arith.constant 4 : i32
    %mul3A_908 = vector.broadcast %mul3A_907 : i32 to vector<16xi32>
    %mul3A_909 = arith.muli %get3A_906, %mul3A_908 : vector<16xi32>
    %add3A_910 = arith.constant 2 : i32
    %add3A_911 = vector.broadcast %add3A_910 : i32 to vector<16xi32>
    %add3A_912 = arith.addi %mul3A_909, %add3A_911 : vector<16xi32>
    %swap3A_913 = arith.constant 1 : i32
    %swap3A_914 = arith.constant 2 : i32
    %swap3A_915 = arith.index_cast %swap3A_913 : i32 to index
    %swap3A_916 = arith.index_cast %swap3A_914 : i32 to index
    %swap3A_917 = arith.constant 80 : index
    %swap3A_918 = tpu.vector_load %arg9[%swap3A_915, %swap3A_916, %swap3A_917] {strides = array<i32>} : memref<5x4x128xi32, #tpu.memory_space<vmem>>, vector<1x1x16xi32>,
    %swap3A_919 = vector.shape_cast %swap3A_918 : vector<1x1x16xi32> to vector<16xi32>
    %swap3A_920 = vector.shape_cast %add3A_912 : vector<16xi32> to vector<1x1x16xi32>
    tpu.vector_store %arg9[%swap3A_915, %swap3A_916, %swap3A_917], %swap3A_920 {strides = array<i32>} : memref<5x4x128xi32, #tpu.memory_space<vmem>>, vector<1x1x16xi32>,
    %get3A_921 = arith.constant 224 : index
    %get3A_922 = tpu.vector_load %arg8[%get3A_921] {strides = array<i32>} : memref<640xi32, #tpu.memory_space<vmem>>, vector<16xi32>,
    %get3A_923 = vector.shape_cast %get3A_922 : vector<16xi32> to vector<16xi32>
    %mul3A_924 = arith.constant 4 : i32
    %mul3A_925 = vector.broadcast %mul3A_924 : i32 to vector<16xi32>
    %mul3A_926 = arith.muli %get3A_923, %mul3A_925 : vector<16xi32>
    %add3A_927 = arith.constant 2 : i32
    %add3A_928 = vector.broadcast %add3A_927 : i32 to vector<16xi32>
    %add3A_929 = arith.addi %mul3A_926, %add3A_928 : vector<16xi32>
    %swap3A_930 = arith.constant 1 : i32
    %swap3A_931 = arith.constant 2 : i32
    %swap3A_932 = arith.index_cast %swap3A_930 : i32 to index
    %swap3A_933 = arith.index_cast %swap3A_931 : i32 to index
    %swap3A_934 = arith.constant 96 : index
    %swap3A_935 = tpu.vector_load %arg9[%swap3A_932, %swap3A_933, %swap3A_934] {strides = array<i32>} : memref<5x4x128xi32, #tpu.memory_space<vmem>>, vector<1x1x16xi32>,
    %swap3A_936 = vector.shape_cast %swap3A_935 : vector<1x1x16xi32> to vector<16xi32>
    %swap3A_937 = vector.shape_cast %add3A_929 : vector<16xi32> to vector<1x1x16xi32>
    tpu.vector_store %arg9[%swap3A_932, %swap3A_933, %swap3A_934], %swap3A_937 {strides = array<i32>} : memref<5x4x128xi32, #tpu.memory_space<vmem>>, vector<1x1x16xi32>,
    %get3A_938 = arith.constant 240 : index
    %get3A_939 = tpu.vector_load %arg8[%get3A_938] {strides = array<i32>} : memref<640xi32, #tpu.memory_space<vmem>>, vector<16xi32>,
    %get3A_940 = vector.shape_cast %get3A_939 : vector<16xi32> to vector<16xi32>
    %mul3A_941 = arith.constant 4 : i32
    %mul3A_942 = vector.broadcast %mul3A_941 : i32 to vector<16xi32>
    %mul3A_943 = arith.muli %get3A_940, %mul3A_942 : vector<16xi32>
    %add3A_944 = arith.constant 2 : i32
    %add3A_945 = vector.broadcast %add3A_944 : i32 to vector<16xi32>
    %add3A_946 = arith.addi %mul3A_943, %add3A_945 : vector<16xi32>
    %swap3A_947 = arith.constant 1 : i32
    %swap3A_948 = arith.constant 2 : i32
    %swap3A_949 = arith.index_cast %swap3A_947 : i32 to index
    %swap3A_950 = arith.index_cast %swap3A_948 : i32 to index
    %swap3A_951 = arith.constant 112 : index
    %swap3A_952 = tpu.vector_load %arg9[%swap3A_949, %swap3A_950, %swap3A_951] {strides = array<i32>} : memref<5x4x128xi32, #tpu.memory_space<vmem>>, vector<1x1x16xi32>,
    %swap3A_953 = vector.shape_cast %swap3A_952 : vector<1x1x16xi32> to vector<16xi32>
    %swap3A_954 = vector.shape_cast %add3A_946 : vector<16xi32> to vector<1x1x16xi32>
    tpu.vector_store %arg9[%swap3A_949, %swap3A_950, %swap3A_951], %swap3A_954 {strides = array<i32>} : memref<5x4x128xi32, #tpu.memory_space<vmem>>, vector<1x1x16xi32>,
    %get3A_955 = arith.constant 128 : index
    %get3A_956 = tpu.vector_load %arg8[%get3A_955] {strides = array<i32>} : memref<640xi32, #tpu.memory_space<vmem>>, vector<16xi32>,
    %get3A_957 = vector.shape_cast %get3A_956 : vector<16xi32> to vector<16xi32>
    %mul3A_958 = arith.constant 4 : i32
    %mul3A_959 = vector.broadcast %mul3A_958 : i32 to vector<16xi32>
    %mul3A_960 = arith.muli %get3A_957, %mul3A_959 : vector<16xi32>
    %add3A_961 = arith.constant 3 : i32
    %add3A_962 = vector.broadcast %add3A_961 : i32 to vector<16xi32>
    %add3A_963 = arith.addi %mul3A_960, %add3A_962 : vector<16xi32>
    %swap3A_964 = arith.constant 1 : i32
    %swap3A_965 = arith.constant 3 : i32
    %swap3A_966 = arith.index_cast %swap3A_964 : i32 to index
    %swap3A_967 = arith.index_cast %swap3A_965 : i32 to index
    %swap3A_968 = arith.constant 0 : index
    %swap3A_969 = tpu.vector_load %arg9[%swap3A_966, %swap3A_967, %swap3A_968] {strides = array<i32>} : memref<5x4x128xi32, #tpu.memory_space<vmem>>, vector<1x1x16xi32>,
    %swap3A_970 = vector.shape_cast %swap3A_969 : vector<1x1x16xi32> to vector<16xi32>
    %swap3A_971 = vector.shape_cast %add3A_963 : vector<16xi32> to vector<1x1x16xi32>
    tpu.vector_store %arg9[%swap3A_966, %swap3A_967, %swap3A_968], %swap3A_971 {strides = array<i32>} : memref<5x4x128xi32, #tpu.memory_space<vmem>>, vector<1x1x16xi32>,
    %get3A_972 = arith.constant 144 : index
    %get3A_973 = tpu.vector_load %arg8[%get3A_972] {strides = array<i32>} : memref<640xi32, #tpu.memory_space<vmem>>, vector<16xi32>,
    %get3A_974 = vector.shape_cast %get3A_973 : vector<16xi32> to vector<16xi32>
    %mul3A_975 = arith.constant 4 : i32
    %mul3A_976 = vector.broadcast %mul3A_975 : i32 to vector<16xi32>
    %mul3A_977 = arith.muli %get3A_974, %mul3A_976 : vector<16xi32>
    %add3A_978 = arith.constant 3 : i32
    %add3A_979 = vector.broadcast %add3A_978 : i32 to vector<16xi32>
    %add3A_980 = arith.addi %mul3A_977, %add3A_979 : vector<16xi32>
    %swap3A_981 = arith.constant 1 : i32
    %swap3A_982 = arith.constant 3 : i32
    %swap3A_983 = arith.index_cast %swap3A_981 : i32 to index
    %swap3A_984 = arith.index_cast %swap3A_982 : i32 to index
    %swap3A_985 = arith.constant 16 : index
    %swap3A_986 = tpu.vector_load %arg9[%swap3A_983, %swap3A_984, %swap3A_985] {strides = array<i32>} : memref<5x4x128xi32, #tpu.memory_space<vmem>>, vector<1x1x16xi32>,
    %swap3A_987 = vector.shape_cast %swap3A_986 : vector<1x1x16xi32> to vector<16xi32>
    %swap3A_988 = vector.shape_cast %add3A_980 : vector<16xi32> to vector<1x1x16xi32>
    tpu.vector_store %arg9[%swap3A_983, %swap3A_984, %swap3A_985], %swap3A_988 {strides = array<i32>} : memref<5x4x128xi32, #tpu.memory_space<vmem>>, vector<1x1x16xi32>,
    %get3A_989 = arith.constant 160 : index
    %get3A_990 = tpu.vector_load %arg8[%get3A_989] {strides = array<i32>} : memref<640xi32, #tpu.memory_space<vmem>>, vector<16xi32>,
    %get3A_991 = vector.shape_cast %get3A_990 : vector<16xi32> to vector<16xi32>
    %mul3A_992 = arith.constant 4 : i32
    %mul3A_993 = vector.broadcast %mul3A_992 : i32 to vector<16xi32>
    %mul3A_994 = arith.muli %get3A_991, %mul3A_993 : vector<16xi32>
    %add3A_995 = arith.constant 3 : i32
    %add3A_996 = vector.broadcast %add3A_995 : i32 to vector<16xi32>
    %add3A_997 = arith.addi %mul3A_994, %add3A_996 : vector<16xi32>
    %swap3A_998 = arith.constant 1 : i32
    %swap3A_999 = arith.constant 3 : i32
    %swap3A_1000 = arith.index_cast %swap3A_998 : i32 to index
    %swap3A_1001 = arith.index_cast %swap3A_999 : i32 to index
    %swap3A_1002 = arith.constant 32 : index
    %swap3A_1003 = tpu.vector_load %arg9[%swap3A_1000, %swap3A_1001, %swap3A_1002] {strides = array<i32>} : memref<5x4x128xi32, #tpu.memory_space<vmem>>, vector<1x1x16xi32>,
    %swap3A_1004 = vector.shape_cast %swap3A_1003 : vector<1x1x16xi32> to vector<16xi32>
    %swap3A_1005 = vector.shape_cast %add3A_997 : vector<16xi32> to vector<1x1x16xi32>
    tpu.vector_store %arg9[%swap3A_1000, %swap3A_1001, %swap3A_1002], %swap3A_1005 {strides = array<i32>} : memref<5x4x128xi32, #tpu.memory_space<vmem>>, vector<1x1x16xi32>,
    %get3A_1006 = arith.constant 176 : index
    %get3A_1007 = tpu.vector_load %arg8[%get3A_1006] {strides = array<i32>} : memref<640xi32, #tpu.memory_space<vmem>>, vector<16xi32>,
    %get3A_1008 = vector.shape_cast %get3A_1007 : vector<16xi32> to vector<16xi32>
    %mul3A_1009 = arith.constant 4 : i32
    %mul3A_1010 = vector.broadcast %mul3A_1009 : i32 to vector<16xi32>
    %mul3A_1011 = arith.muli %get3A_1008, %mul3A_1010 : vector<16xi32>
    %add3A_1012 = arith.constant 3 : i32
    %add3A_1013 = vector.broadcast %add3A_1012 : i32 to vector<16xi32>
    %add3A_1014 = arith.addi %mul3A_1011, %add3A_1013 : vector<16xi32>
    %swap3A_1015 = arith.constant 1 : i32
    %swap3A_1016 = arith.constant 3 : i32
    %swap3A_1017 = arith.index_cast %swap3A_1015 : i32 to index
    %swap3A_1018 = arith.index_cast %swap3A_1016 : i32 to index
    %swap3A_1019 = arith.constant 48 : index
    %swap3A_1020 = tpu.vector_load %arg9[%swap3A_1017, %swap3A_1018, %swap3A_1019] {strides = array<i32>} : memref<5x4x128xi32, #tpu.memory_space<vmem>>, vector<1x1x16xi32>,
    %swap3A_1021 = vector.shape_cast %swap3A_1020 : vector<1x1x16xi32> to vector<16xi32>
    %swap3A_1022 = vector.shape_cast %add3A_1014 : vector<16xi32> to vector<1x1x16xi32>
    tpu.vector_store %arg9[%swap3A_1017, %swap3A_1018, %swap3A_1019], %swap3A_1022 {strides = array<i32>} : memref<5x4x128xi32, #tpu.memory_space<vmem>>, vector<1x1x16xi32>,
    %get3A_1023 = arith.constant 192 : index
    %get3A_1024 = tpu.vector_load %arg8[%get3A_1023] {strides = array<i32>} : memref<640xi32, #tpu.memory_space<vmem>>, vector<16xi32>,
    %get3A_1025 = vector.shape_cast %get3A_1024 : vector<16xi32> to vector<16xi32>
    %mul3A_1026 = arith.constant 4 : i32
    %mul3A_1027 = vector.broadcast %mul3A_1026 : i32 to vector<16xi32>
    %mul3A_1028 = arith.muli %get3A_1025, %mul3A_1027 : vector<16xi32>
    %add3A_1029 = arith.constant 3 : i32
    %add3A_1030 = vector.broadcast %add3A_1029 : i32 to vector<16xi32>
    %add3A_1031 = arith.addi %mul3A_1028, %add3A_1030 : vector<16xi32>
    %swap3A_1032 = arith.constant 1 : i32
    %swap3A_1033 = arith.constant 3 : i32
    %swap3A_1034 = arith.index_cast %swap3A_1032 : i32 to index
    %swap3A_1035 = arith.index_cast %swap3A_1033 : i32 to index
    %swap3A_1036 = arith.constant 64 : index
    %swap3A_1037 = tpu.vector_load %arg9[%swap3A_1034, %swap3A_1035, %swap3A_1036] {strides = array<i32>} : memref<5x4x128xi32, #tpu.memory_space<vmem>>, vector<1x1x16xi32>,
    %swap3A_1038 = vector.shape_cast %swap3A_1037 : vector<1x1x16xi32> to vector<16xi32>
    %swap3A_1039 = vector.shape_cast %add3A_1031 : vector<16xi32> to vector<1x1x16xi32>
    tpu.vector_store %arg9[%swap3A_1034, %swap3A_1035, %swap3A_1036], %swap3A_1039 {strides = array<i32>} : memref<5x4x128xi32, #tpu.memory_space<vmem>>, vector<1x1x16xi32>,
    %get3A_1040 = arith.constant 208 : index
    %get3A_1041 = tpu.vector_load %arg8[%get3A_1040] {strides = array<i32>} : memref<640xi32, #tpu.memory_space<vmem>>, vector<16xi32>,
    %get3A_1042 = vector.shape_cast %get3A_1041 : vector<16xi32> to vector<16xi32>
    %mul3A_1043 = arith.constant 4 : i32
    %mul3A_1044 = vector.broadcast %mul3A_1043 : i32 to vector<16xi32>
    %mul3A_1045 = arith.muli %get3A_1042, %mul3A_1044 : vector<16xi32>
    %add3A_1046 = arith.constant 3 : i32
    %add3A_1047 = vector.broadcast %add3A_1046 : i32 to vector<16xi32>
    %add3A_1048 = arith.addi %mul3A_1045, %add3A_1047 : vector<16xi32>
    %swap3A_1049 = arith.constant 1 : i32
    %swap3A_1050 = arith.constant 3 : i32
    %swap3A_1051 = arith.index_cast %swap3A_1049 : i32 to index
    %swap3A_1052 = arith.index_cast %swap3A_1050 : i32 to index
    %swap3A_1053 = arith.constant 80 : index
    %swap3A_1054 = tpu.vector_load %arg9[%swap3A_1051, %swap3A_1052, %swap3A_1053] {strides = array<i32>} : memref<5x4x128xi32, #tpu.memory_space<vmem>>, vector<1x1x16xi32>,
    %swap3A_1055 = vector.shape_cast %swap3A_1054 : vector<1x1x16xi32> to vector<16xi32>
    %swap3A_1056 = vector.shape_cast %add3A_1048 : vector<16xi32> to vector<1x1x16xi32>
    tpu.vector_store %arg9[%swap3A_1051, %swap3A_1052, %swap3A_1053], %swap3A_1056 {strides = array<i32>} : memref<5x4x128xi32, #tpu.memory_space<vmem>>, vector<1x1x16xi32>,
    %get3A_1057 = arith.constant 224 : index
    %get3A_1058 = tpu.vector_load %arg8[%get3A_1057] {strides = array<i32>} : memref<640xi32, #tpu.memory_space<vmem>>, vector<16xi32>,
    %get3A_1059 = vector.shape_cast %get3A_1058 : vector<16xi32> to vector<16xi32>
    %mul3A_1060 = arith.constant 4 : i32
    %mul3A_1061 = vector.broadcast %mul3A_1060 : i32 to vector<16xi32>
    %mul3A_1062 = arith.muli %get3A_1059, %mul3A_1061 : vector<16xi32>
    %add3A_1063 = arith.constant 3 : i32
    %add3A_1064 = vector.broadcast %add3A_1063 : i32 to vector<16xi32>
    %add3A_1065 = arith.addi %mul3A_1062, %add3A_1064 : vector<16xi32>
    %swap3A_1066 = arith.constant 1 : i32
    %swap3A_1067 = arith.constant 3 : i32
    %swap3A_1068 = arith.index_cast %swap3A_1066 : i32 to index
    %swap3A_1069 = arith.index_cast %swap3A_1067 : i32 to index
    %swap3A_1070 = arith.constant 96 : index
    %swap3A_1071 = tpu.vector_load %arg9[%swap3A_1068, %swap3A_1069, %swap3A_1070] {strides = array<i32>} : memref<5x4x128xi32, #tpu.memory_space<vmem>>, vector<1x1x16xi32>,
    %swap3A_1072 = vector.shape_cast %swap3A_1071 : vector<1x1x16xi32> to vector<16xi32>
    %swap3A_1073 = vector.shape_cast %add3A_1065 : vector<16xi32> to vector<1x1x16xi32>
    tpu.vector_store %arg9[%swap3A_1068, %swap3A_1069, %swap3A_1070], %swap3A_1073 {strides = array<i32>} : memref<5x4x128xi32, #tpu.memory_space<vmem>>, vector<1x1x16xi32>,
    %get3A_1074 = arith.constant 240 : index
    %get3A_1075 = tpu.vector_load %arg8[%get3A_1074] {strides = array<i32>} : memref<640xi32, #tpu.memory_space<vmem>>, vector<16xi32>,
    %get3A_1076 = vector.shape_cast %get3A_1075 : vector<16xi32> to vector<16xi32>
    %mul3A_1077 = arith.constant 4 : i32
    %mul3A_1078 = vector.broadcast %mul3A_1077 : i32 to vector<16xi32>
    %mul3A_1079 = arith.muli %get3A_1076, %mul3A_1078 : vector<16xi32>
    %add3A_1080 = arith.constant 3 : i32
    %add3A_1081 = vector.broadcast %add3A_1080 : i32 to vector<16xi32>
    %add3A_1082 = arith.addi %mul3A_1079, %add3A_1081 : vector<16xi32>
    %swap3A_1083 = arith.constant 1 : i32
    %swap3A_1084 = arith.constant 3 : i32
    %swap3A_1085 = arith.index_cast %swap3A_1083 : i32 to index
    %swap3A_1086 = arith.index_cast %swap3A_1084 : i32 to index
    %swap3A_1087 = arith.constant 112 : index
    %swap3A_1088 = tpu.vector_load %arg9[%swap3A_1085, %swap3A_1086, %swap3A_1087] {strides = array<i32>} : memref<5x4x128xi32, #tpu.memory_space<vmem>>, vector<1x1x16xi32>,
    %swap3A_1089 = vector.shape_cast %swap3A_1088 : vector<1x1x16xi32> to vector<16xi32>
    %swap3A_1090 = vector.shape_cast %add3A_1082 : vector<16xi32> to vector<1x1x16xi32>
    tpu.vector_store %arg9[%swap3A_1085, %swap3A_1086, %swap3A_1087], %swap3A_1090 {strides = array<i32>} : memref<5x4x128xi32, #tpu.memory_space<vmem>>, vector<1x1x16xi32>,
    %get3A_1091 = arith.constant 256 : index
    %get3A_1092 = tpu.vector_load %arg8[%get3A_1091] {strides = array<i32>} : memref<640xi32, #tpu.memory_space<vmem>>, vector<16xi32>,
    %get3A_1093 = vector.shape_cast %get3A_1092 : vector<16xi32> to vector<16xi32>
    %mul3A_1094 = arith.constant 4 : i32
    %mul3A_1095 = vector.broadcast %mul3A_1094 : i32 to vector<16xi32>
    %mul3A_1096 = arith.muli %get3A_1093, %mul3A_1095 : vector<16xi32>
    %add3A_1097 = arith.constant 0 : i32
    %add3A_1098 = vector.broadcast %add3A_1097 : i32 to vector<16xi32>
    %add3A_1099 = arith.addi %mul3A_1096, %add3A_1098 : vector<16xi32>
    %swap3A_1100 = arith.constant 2 : i32
    %swap3A_1101 = arith.constant 0 : i32
    %swap3A_1102 = arith.index_cast %swap3A_1100 : i32 to index
    %swap3A_1103 = arith.index_cast %swap3A_1101 : i32 to index
    %swap3A_1104 = arith.constant 0 : index
    %swap3A_1105 = tpu.vector_load %arg9[%swap3A_1102, %swap3A_1103, %swap3A_1104] {strides = array<i32>} : memref<5x4x128xi32, #tpu.memory_space<vmem>>, vector<1x1x16xi32>,
    %swap3A_1106 = vector.shape_cast %swap3A_1105 : vector<1x1x16xi32> to vector<16xi32>
    %swap3A_1107 = vector.shape_cast %add3A_1099 : vector<16xi32> to vector<1x1x16xi32>
    tpu.vector_store %arg9[%swap3A_1102, %swap3A_1103, %swap3A_1104], %swap3A_1107 {strides = array<i32>} : memref<5x4x128xi32, #tpu.memory_space<vmem>>, vector<1x1x16xi32>,
    %get3A_1108 = arith.constant 272 : index
    %get3A_1109 = tpu.vector_load %arg8[%get3A_1108] {strides = array<i32>} : memref<640xi32, #tpu.memory_space<vmem>>, vector<16xi32>,
    %get3A_1110 = vector.shape_cast %get3A_1109 : vector<16xi32> to vector<16xi32>
    %mul3A_1111 = arith.constant 4 : i32
    %mul3A_1112 = vector.broadcast %mul3A_1111 : i32 to vector<16xi32>
    %mul3A_1113 = arith.muli %get3A_1110, %mul3A_1112 : vector<16xi32>
    %add3A_1114 = arith.constant 0 : i32
    %add3A_1115 = vector.broadcast %add3A_1114 : i32 to vector<16xi32>
    %add3A_1116 = arith.addi %mul3A_1113, %add3A_1115 : vector<16xi32>
    %swap3A_1117 = arith.constant 2 : i32
    %swap3A_1118 = arith.constant 0 : i32
    %swap3A_1119 = arith.index_cast %swap3A_1117 : i32 to index
    %swap3A_1120 = arith.index_cast %swap3A_1118 : i32 to index
    %swap3A_1121 = arith.constant 16 : index
    %swap3A_1122 = tpu.vector_load %arg9[%swap3A_1119, %swap3A_1120, %swap3A_1121] {strides = array<i32>} : memref<5x4x128xi32, #tpu.memory_space<vmem>>, vector<1x1x16xi32>,
    %swap3A_1123 = vector.shape_cast %swap3A_1122 : vector<1x1x16xi32> to vector<16xi32>
    %swap3A_1124 = vector.shape_cast %add3A_1116 : vector<16xi32> to vector<1x1x16xi32>
    tpu.vector_store %arg9[%swap3A_1119, %swap3A_1120, %swap3A_1121], %swap3A_1124 {strides = array<i32>} : memref<5x4x128xi32, #tpu.memory_space<vmem>>, vector<1x1x16xi32>,
    %get3A_1125 = arith.constant 288 : index
    %get3A_1126 = tpu.vector_load %arg8[%get3A_1125] {strides = array<i32>} : memref<640xi32, #tpu.memory_space<vmem>>, vector<16xi32>,
    %get3A_1127 = vector.shape_cast %get3A_1126 : vector<16xi32> to vector<16xi32>
    %mul3A_1128 = arith.constant 4 : i32
    %mul3A_1129 = vector.broadcast %mul3A_1128 : i32 to vector<16xi32>
    %mul3A_1130 = arith.muli %get3A_1127, %mul3A_1129 : vector<16xi32>
    %add3A_1131 = arith.constant 0 : i32
    %add3A_1132 = vector.broadcast %add3A_1131 : i32 to vector<16xi32>
    %add3A_1133 = arith.addi %mul3A_1130, %add3A_1132 : vector<16xi32>
    %swap3A_1134 = arith.constant 2 : i32
    %swap3A_1135 = arith.constant 0 : i32
    %swap3A_1136 = arith.index_cast %swap3A_1134 : i32 to index
    %swap3A_1137 = arith.index_cast %swap3A_1135 : i32 to index
    %swap3A_1138 = arith.constant 32 : index
    %swap3A_1139 = tpu.vector_load %arg9[%swap3A_1136, %swap3A_1137, %swap3A_1138] {strides = array<i32>} : memref<5x4x128xi32, #tpu.memory_space<vmem>>, vector<1x1x16xi32>,
    %swap3A_1140 = vector.shape_cast %swap3A_1139 : vector<1x1x16xi32> to vector<16xi32>
    %swap3A_1141 = vector.shape_cast %add3A_1133 : vector<16xi32> to vector<1x1x16xi32>
    tpu.vector_store %arg9[%swap3A_1136, %swap3A_1137, %swap3A_1138], %swap3A_1141 {strides = array<i32>} : memref<5x4x128xi32, #tpu.memory_space<vmem>>, vector<1x1x16xi32>,
    %get3A_1142 = arith.constant 304 : index
    %get3A_1143 = tpu.vector_load %arg8[%get3A_1142] {strides = array<i32>} : memref<640xi32, #tpu.memory_space<vmem>>, vector<16xi32>,
    %get3A_1144 = vector.shape_cast %get3A_1143 : vector<16xi32> to vector<16xi32>
    %mul3A_1145 = arith.constant 4 : i32
    %mul3A_1146 = vector.broadcast %mul3A_1145 : i32 to vector<16xi32>
    %mul3A_1147 = arith.muli %get3A_1144, %mul3A_1146 : vector<16xi32>
    %add3A_1148 = arith.constant 0 : i32
    %add3A_1149 = vector.broadcast %add3A_1148 : i32 to vector<16xi32>
    %add3A_1150 = arith.addi %mul3A_1147, %add3A_1149 : vector<16xi32>
    %swap3A_1151 = arith.constant 2 : i32
    %swap3A_1152 = arith.constant 0 : i32
    %swap3A_1153 = arith.index_cast %swap3A_1151 : i32 to index
    %swap3A_1154 = arith.index_cast %swap3A_1152 : i32 to index
    %swap3A_1155 = arith.constant 48 : index
    %swap3A_1156 = tpu.vector_load %arg9[%swap3A_1153, %swap3A_1154, %swap3A_1155] {strides = array<i32>} : memref<5x4x128xi32, #tpu.memory_space<vmem>>, vector<1x1x16xi32>,
    %swap3A_1157 = vector.shape_cast %swap3A_1156 : vector<1x1x16xi32> to vector<16xi32>
    %swap3A_1158 = vector.shape_cast %add3A_1150 : vector<16xi32> to vector<1x1x16xi32>
    tpu.vector_store %arg9[%swap3A_1153, %swap3A_1154, %swap3A_1155], %swap3A_1158 {strides = array<i32>} : memref<5x4x128xi32, #tpu.memory_space<vmem>>, vector<1x1x16xi32>,
    %get3A_1159 = arith.constant 320 : index
    %get3A_1160 = tpu.vector_load %arg8[%get3A_1159] {strides = array<i32>} : memref<640xi32, #tpu.memory_space<vmem>>, vector<16xi32>,
    %get3A_1161 = vector.shape_cast %get3A_1160 : vector<16xi32> to vector<16xi32>
    %mul3A_1162 = arith.constant 4 : i32
    %mul3A_1163 = vector.broadcast %mul3A_1162 : i32 to vector<16xi32>
    %mul3A_1164 = arith.muli %get3A_1161, %mul3A_1163 : vector<16xi32>
    %add3A_1165 = arith.constant 0 : i32
    %add3A_1166 = vector.broadcast %add3A_1165 : i32 to vector<16xi32>
    %add3A_1167 = arith.addi %mul3A_1164, %add3A_1166 : vector<16xi32>
    %swap3A_1168 = arith.constant 2 : i32
    %swap3A_1169 = arith.constant 0 : i32
    %swap3A_1170 = arith.index_cast %swap3A_1168 : i32 to index
    %swap3A_1171 = arith.index_cast %swap3A_1169 : i32 to index
    %swap3A_1172 = arith.constant 64 : index
    %swap3A_1173 = tpu.vector_load %arg9[%swap3A_1170, %swap3A_1171, %swap3A_1172] {strides = array<i32>} : memref<5x4x128xi32, #tpu.memory_space<vmem>>, vector<1x1x16xi32>,
    %swap3A_1174 = vector.shape_cast %swap3A_1173 : vector<1x1x16xi32> to vector<16xi32>
    %swap3A_1175 = vector.shape_cast %add3A_1167 : vector<16xi32> to vector<1x1x16xi32>
    tpu.vector_store %arg9[%swap3A_1170, %swap3A_1171, %swap3A_1172], %swap3A_1175 {strides = array<i32>} : memref<5x4x128xi32, #tpu.memory_space<vmem>>, vector<1x1x16xi32>,
    %get3A_1176 = arith.constant 336 : index
    %get3A_1177 = tpu.vector_load %arg8[%get3A_1176] {strides = array<i32>} : memref<640xi32, #tpu.memory_space<vmem>>, vector<16xi32>,
    %get3A_1178 = vector.shape_cast %get3A_1177 : vector<16xi32> to vector<16xi32>
    %mul3A_1179 = arith.constant 4 : i32
    %mul3A_1180 = vector.broadcast %mul3A_1179 : i32 to vector<16xi32>
    %mul3A_1181 = arith.muli %get3A_1178, %mul3A_1180 : vector<16xi32>
    %add3A_1182 = arith.constant 0 : i32
    %add3A_1183 = vector.broadcast %add3A_1182 : i32 to vector<16xi32>
    %add3A_1184 = arith.addi %mul3A_1181, %add3A_1183 : vector<16xi32>
    %swap3A_1185 = arith.constant 2 : i32
    %swap3A_1186 = arith.constant 0 : i32
    %swap3A_1187 = arith.index_cast %swap3A_1185 : i32 to index
    %swap3A_1188 = arith.index_cast %swap3A_1186 : i32 to index
    %swap3A_1189 = arith.constant 80 : index
    %swap3A_1190 = tpu.vector_load %arg9[%swap3A_1187, %swap3A_1188, %swap3A_1189] {strides = array<i32>} : memref<5x4x128xi32, #tpu.memory_space<vmem>>, vector<1x1x16xi32>,
    %swap3A_1191 = vector.shape_cast %swap3A_1190 : vector<1x1x16xi32> to vector<16xi32>
    %swap3A_1192 = vector.shape_cast %add3A_1184 : vector<16xi32> to vector<1x1x16xi32>
    tpu.vector_store %arg9[%swap3A_1187, %swap3A_1188, %swap3A_1189], %swap3A_1192 {strides = array<i32>} : memref<5x4x128xi32, #tpu.memory_space<vmem>>, vector<1x1x16xi32>,
    %get3A_1193 = arith.constant 352 : index
    %get3A_1194 = tpu.vector_load %arg8[%get3A_1193] {strides = array<i32>} : memref<640xi32, #tpu.memory_space<vmem>>, vector<16xi32>,
    %get3A_1195 = vector.shape_cast %get3A_1194 : vector<16xi32> to vector<16xi32>
    %mul3A_1196 = arith.constant 4 : i32
    %mul3A_1197 = vector.broadcast %mul3A_1196 : i32 to vector<16xi32>
    %mul3A_1198 = arith.muli %get3A_1195, %mul3A_1197 : vector<16xi32>
    %add3A_1199 = arith.constant 0 : i32
    %add3A_1200 = vector.broadcast %add3A_1199 : i32 to vector<16xi32>
    %add3A_1201 = arith.addi %mul3A_1198, %add3A_1200 : vector<16xi32>
    %swap3A_1202 = arith.constant 2 : i32
    %swap3A_1203 = arith.constant 0 : i32
    %swap3A_1204 = arith.index_cast %swap3A_1202 : i32 to index
    %swap3A_1205 = arith.index_cast %swap3A_1203 : i32 to index
    %swap3A_1206 = arith.constant 96 : index
    %swap3A_1207 = tpu.vector_load %arg9[%swap3A_1204, %swap3A_1205, %swap3A_1206] {strides = array<i32>} : memref<5x4x128xi32, #tpu.memory_space<vmem>>, vector<1x1x16xi32>,
    %swap3A_1208 = vector.shape_cast %swap3A_1207 : vector<1x1x16xi32> to vector<16xi32>
    %swap3A_1209 = vector.shape_cast %add3A_1201 : vector<16xi32> to vector<1x1x16xi32>
    tpu.vector_store %arg9[%swap3A_1204, %swap3A_1205, %swap3A_1206], %swap3A_1209 {strides = array<i32>} : memref<5x4x128xi32, #tpu.memory_space<vmem>>, vector<1x1x16xi32>,
    %get3A_1210 = arith.constant 368 : index
    %get3A_1211 = tpu.vector_load %arg8[%get3A_1210] {strides = array<i32>} : memref<640xi32, #tpu.memory_space<vmem>>, vector<16xi32>,
    %get3A_1212 = vector.shape_cast %get3A_1211 : vector<16xi32> to vector<16xi32>
    %mul3A_1213 = arith.constant 4 : i32
    %mul3A_1214 = vector.broadcast %mul3A_1213 : i32 to vector<16xi32>
    %mul3A_1215 = arith.muli %get3A_1212, %mul3A_1214 : vector<16xi32>
    %add3A_1216 = arith.constant 0 : i32
    %add3A_1217 = vector.broadcast %add3A_1216 : i32 to vector<16xi32>
    %add3A_1218 = arith.addi %mul3A_1215, %add3A_1217 : vector<16xi32>
    %swap3A_1219 = arith.constant 2 : i32
    %swap3A_1220 = arith.constant 0 : i32
    %swap3A_1221 = arith.index_cast %swap3A_1219 : i32 to index
    %swap3A_1222 = arith.index_cast %swap3A_1220 : i32 to index
    %swap3A_1223 = arith.constant 112 : index
    %swap3A_1224 = tpu.vector_load %arg9[%swap3A_1221, %swap3A_1222, %swap3A_1223] {strides = array<i32>} : memref<5x4x128xi32, #tpu.memory_space<vmem>>, vector<1x1x16xi32>,
    %swap3A_1225 = vector.shape_cast %swap3A_1224 : vector<1x1x16xi32> to vector<16xi32>
    %swap3A_1226 = vector.shape_cast %add3A_1218 : vector<16xi32> to vector<1x1x16xi32>
    tpu.vector_store %arg9[%swap3A_1221, %swap3A_1222, %swap3A_1223], %swap3A_1226 {strides = array<i32>} : memref<5x4x128xi32, #tpu.memory_space<vmem>>, vector<1x1x16xi32>,
    %get3A_1227 = arith.constant 256 : index
    %get3A_1228 = tpu.vector_load %arg8[%get3A_1227] {strides = array<i32>} : memref<640xi32, #tpu.memory_space<vmem>>, vector<16xi32>,
    %get3A_1229 = vector.shape_cast %get3A_1228 : vector<16xi32> to vector<16xi32>
    %mul3A_1230 = arith.constant 4 : i32
    %mul3A_1231 = vector.broadcast %mul3A_1230 : i32 to vector<16xi32>
    %mul3A_1232 = arith.muli %get3A_1229, %mul3A_1231 : vector<16xi32>
    %add3A_1233 = arith.constant 1 : i32
    %add3A_1234 = vector.broadcast %add3A_1233 : i32 to vector<16xi32>
    %add3A_1235 = arith.addi %mul3A_1232, %add3A_1234 : vector<16xi32>
    %swap3A_1236 = arith.constant 2 : i32
    %swap3A_1237 = arith.constant 1 : i32
    %swap3A_1238 = arith.index_cast %swap3A_1236 : i32 to index
    %swap3A_1239 = arith.index_cast %swap3A_1237 : i32 to index
    %swap3A_1240 = arith.constant 0 : index
    %swap3A_1241 = tpu.vector_load %arg9[%swap3A_1238, %swap3A_1239, %swap3A_1240] {strides = array<i32>} : memref<5x4x128xi32, #tpu.memory_space<vmem>>, vector<1x1x16xi32>,
    %swap3A_1242 = vector.shape_cast %swap3A_1241 : vector<1x1x16xi32> to vector<16xi32>
    %swap3A_1243 = vector.shape_cast %add3A_1235 : vector<16xi32> to vector<1x1x16xi32>
    tpu.vector_store %arg9[%swap3A_1238, %swap3A_1239, %swap3A_1240], %swap3A_1243 {strides = array<i32>} : memref<5x4x128xi32, #tpu.memory_space<vmem>>, vector<1x1x16xi32>,
    %get3A_1244 = arith.constant 272 : index
    %get3A_1245 = tpu.vector_load %arg8[%get3A_1244] {strides = array<i32>} : memref<640xi32, #tpu.memory_space<vmem>>, vector<16xi32>,
    %get3A_1246 = vector.shape_cast %get3A_1245 : vector<16xi32> to vector<16xi32>
    %mul3A_1247 = arith.constant 4 : i32
    %mul3A_1248 = vector.broadcast %mul3A_1247 : i32 to vector<16xi32>
    %mul3A_1249 = arith.muli %get3A_1246, %mul3A_1248 : vector<16xi32>
    %add3A_1250 = arith.constant 1 : i32
    %add3A_1251 = vector.broadcast %add3A_1250 : i32 to vector<16xi32>
    %add3A_1252 = arith.addi %mul3A_1249, %add3A_1251 : vector<16xi32>
    %swap3A_1253 = arith.constant 2 : i32
    %swap3A_1254 = arith.constant 1 : i32
    %swap3A_1255 = arith.index_cast %swap3A_1253 : i32 to index
    %swap3A_1256 = arith.index_cast %swap3A_1254 : i32 to index
    %swap3A_1257 = arith.constant 16 : index
    %swap3A_1258 = tpu.vector_load %arg9[%swap3A_1255, %swap3A_1256, %swap3A_1257] {strides = array<i32>} : memref<5x4x128xi32, #tpu.memory_space<vmem>>, vector<1x1x16xi32>,
    %swap3A_1259 = vector.shape_cast %swap3A_1258 : vector<1x1x16xi32> to vector<16xi32>
    %swap3A_1260 = vector.shape_cast %add3A_1252 : vector<16xi32> to vector<1x1x16xi32>
    tpu.vector_store %arg9[%swap3A_1255, %swap3A_1256, %swap3A_1257], %swap3A_1260 {strides = array<i32>} : memref<5x4x128xi32, #tpu.memory_space<vmem>>, vector<1x1x16xi32>,
    %get3A_1261 = arith.constant 288 : index
    %get3A_1262 = tpu.vector_load %arg8[%get3A_1261] {strides = array<i32>} : memref<640xi32, #tpu.memory_space<vmem>>, vector<16xi32>,
    %get3A_1263 = vector.shape_cast %get3A_1262 : vector<16xi32> to vector<16xi32>
    %mul3A_1264 = arith.constant 4 : i32
    %mul3A_1265 = vector.broadcast %mul3A_1264 : i32 to vector<16xi32>
    %mul3A_1266 = arith.muli %get3A_1263, %mul3A_1265 : vector<16xi32>
    %add3A_1267 = arith.constant 1 : i32
    %add3A_1268 = vector.broadcast %add3A_1267 : i32 to vector<16xi32>
    %add3A_1269 = arith.addi %mul3A_1266, %add3A_1268 : vector<16xi32>
    %swap3A_1270 = arith.constant 2 : i32
    %swap3A_1271 = arith.constant 1 : i32
    %swap3A_1272 = arith.index_cast %swap3A_1270 : i32 to index
    %swap3A_1273 = arith.index_cast %swap3A_1271 : i32 to index
    %swap3A_1274 = arith.constant 32 : index
    %swap3A_1275 = tpu.vector_load %arg9[%swap3A_1272, %swap3A_1273, %swap3A_1274] {strides = array<i32>} : memref<5x4x128xi32, #tpu.memory_space<vmem>>, vector<1x1x16xi32>,
    %swap3A_1276 = vector.shape_cast %swap3A_1275 : vector<1x1x16xi32> to vector<16xi32>
    %swap3A_1277 = vector.shape_cast %add3A_1269 : vector<16xi32> to vector<1x1x16xi32>
    tpu.vector_store %arg9[%swap3A_1272, %swap3A_1273, %swap3A_1274], %swap3A_1277 {strides = array<i32>} : memref<5x4x128xi32, #tpu.memory_space<vmem>>, vector<1x1x16xi32>,
    %get3A_1278 = arith.constant 304 : index
    %get3A_1279 = tpu.vector_load %arg8[%get3A_1278] {strides = array<i32>} : memref<640xi32, #tpu.memory_space<vmem>>, vector<16xi32>,
    %get3A_1280 = vector.shape_cast %get3A_1279 : vector<16xi32> to vector<16xi32>
    %mul3A_1281 = arith.constant 4 : i32
    %mul3A_1282 = vector.broadcast %mul3A_1281 : i32 to vector<16xi32>
    %mul3A_1283 = arith.muli %get3A_1280, %mul3A_1282 : vector<16xi32>
    %add3A_1284 = arith.constant 1 : i32
    %add3A_1285 = vector.broadcast %add3A_1284 : i32 to vector<16xi32>
    %add3A_1286 = arith.addi %mul3A_1283, %add3A_1285 : vector<16xi32>
    %swap3A_1287 = arith.constant 2 : i32
    %swap3A_1288 = arith.constant 1 : i32
    %swap3A_1289 = arith.index_cast %swap3A_1287 : i32 to index
    %swap3A_1290 = arith.index_cast %swap3A_1288 : i32 to index
    %swap3A_1291 = arith.constant 48 : index
    %swap3A_1292 = tpu.vector_load %arg9[%swap3A_1289, %swap3A_1290, %swap3A_1291] {strides = array<i32>} : memref<5x4x128xi32, #tpu.memory_space<vmem>>, vector<1x1x16xi32>,
    %swap3A_1293 = vector.shape_cast %swap3A_1292 : vector<1x1x16xi32> to vector<16xi32>
    %swap3A_1294 = vector.shape_cast %add3A_1286 : vector<16xi32> to vector<1x1x16xi32>
    tpu.vector_store %arg9[%swap3A_1289, %swap3A_1290, %swap3A_1291], %swap3A_1294 {strides = array<i32>} : memref<5x4x128xi32, #tpu.memory_space<vmem>>, vector<1x1x16xi32>,
    %get3A_1295 = arith.constant 320 : index
    %get3A_1296 = tpu.vector_load %arg8[%get3A_1295] {strides = array<i32>} : memref<640xi32, #tpu.memory_space<vmem>>, vector<16xi32>,
    %get3A_1297 = vector.shape_cast %get3A_1296 : vector<16xi32> to vector<16xi32>
    %mul3A_1298 = arith.constant 4 : i32
    %mul3A_1299 = vector.broadcast %mul3A_1298 : i32 to vector<16xi32>
    %mul3A_1300 = arith.muli %get3A_1297, %mul3A_1299 : vector<16xi32>
    %add3A_1301 = arith.constant 1 : i32
    %add3A_1302 = vector.broadcast %add3A_1301 : i32 to vector<16xi32>
    %add3A_1303 = arith.addi %mul3A_1300, %add3A_1302 : vector<16xi32>
    %swap3A_1304 = arith.constant 2 : i32
    %swap3A_1305 = arith.constant 1 : i32
    %swap3A_1306 = arith.index_cast %swap3A_1304 : i32 to index
    %swap3A_1307 = arith.index_cast %swap3A_1305 : i32 to index
    %swap3A_1308 = arith.constant 64 : index
    %swap3A_1309 = tpu.vector_load %arg9[%swap3A_1306, %swap3A_1307, %swap3A_1308] {strides = array<i32>} : memref<5x4x128xi32, #tpu.memory_space<vmem>>, vector<1x1x16xi32>,
    %swap3A_1310 = vector.shape_cast %swap3A_1309 : vector<1x1x16xi32> to vector<16xi32>
    %swap3A_1311 = vector.shape_cast %add3A_1303 : vector<16xi32> to vector<1x1x16xi32>
    tpu.vector_store %arg9[%swap3A_1306, %swap3A_1307, %swap3A_1308], %swap3A_1311 {strides = array<i32>} : memref<5x4x128xi32, #tpu.memory_space<vmem>>, vector<1x1x16xi32>,
    %get3A_1312 = arith.constant 336 : index
    %get3A_1313 = tpu.vector_load %arg8[%get3A_1312] {strides = array<i32>} : memref<640xi32, #tpu.memory_space<vmem>>, vector<16xi32>,
    %get3A_1314 = vector.shape_cast %get3A_1313 : vector<16xi32> to vector<16xi32>
    %mul3A_1315 = arith.constant 4 : i32
    %mul3A_1316 = vector.broadcast %mul3A_1315 : i32 to vector<16xi32>
    %mul3A_1317 = arith.muli %get3A_1314, %mul3A_1316 : vector<16xi32>
    %add3A_1318 = arith.constant 1 : i32
    %add3A_1319 = vector.broadcast %add3A_1318 : i32 to vector<16xi32>
    %add3A_1320 = arith.addi %mul3A_1317, %add3A_1319 : vector<16xi32>
    %swap3A_1321 = arith.constant 2 : i32
    %swap3A_1322 = arith.constant 1 : i32
    %swap3A_1323 = arith.index_cast %swap3A_1321 : i32 to index
    %swap3A_1324 = arith.index_cast %swap3A_1322 : i32 to index
    %swap3A_1325 = arith.constant 80 : index
    %swap3A_1326 = tpu.vector_load %arg9[%swap3A_1323, %swap3A_1324, %swap3A_1325] {strides = array<i32>} : memref<5x4x128xi32, #tpu.memory_space<vmem>>, vector<1x1x16xi32>,
    %swap3A_1327 = vector.shape_cast %swap3A_1326 : vector<1x1x16xi32> to vector<16xi32>
    %swap3A_1328 = vector.shape_cast %add3A_1320 : vector<16xi32> to vector<1x1x16xi32>
    tpu.vector_store %arg9[%swap3A_1323, %swap3A_1324, %swap3A_1325], %swap3A_1328 {strides = array<i32>} : memref<5x4x128xi32, #tpu.memory_space<vmem>>, vector<1x1x16xi32>,
    %get3A_1329 = arith.constant 352 : index
    %get3A_1330 = tpu.vector_load %arg8[%get3A_1329] {strides = array<i32>} : memref<640xi32, #tpu.memory_space<vmem>>, vector<16xi32>,
    %get3A_1331 = vector.shape_cast %get3A_1330 : vector<16xi32> to vector<16xi32>
    %mul3A_1332 = arith.constant 4 : i32
    %mul3A_1333 = vector.broadcast %mul3A_1332 : i32 to vector<16xi32>
    %mul3A_1334 = arith.muli %get3A_1331, %mul3A_1333 : vector<16xi32>
    %add3A_1335 = arith.constant 1 : i32
    %add3A_1336 = vector.broadcast %add3A_1335 : i32 to vector<16xi32>
    %add3A_1337 = arith.addi %mul3A_1334, %add3A_1336 : vector<16xi32>
    %swap3A_1338 = arith.constant 2 : i32
    %swap3A_1339 = arith.constant 1 : i32
    %swap3A_1340 = arith.index_cast %swap3A_1338 : i32 to index
    %swap3A_1341 = arith.index_cast %swap3A_1339 : i32 to index
    %swap3A_1342 = arith.constant 96 : index
    %swap3A_1343 = tpu.vector_load %arg9[%swap3A_1340, %swap3A_1341, %swap3A_1342] {strides = array<i32>} : memref<5x4x128xi32, #tpu.memory_space<vmem>>, vector<1x1x16xi32>,
    %swap3A_1344 = vector.shape_cast %swap3A_1343 : vector<1x1x16xi32> to vector<16xi32>
    %swap3A_1345 = vector.shape_cast %add3A_1337 : vector<16xi32> to vector<1x1x16xi32>
    tpu.vector_store %arg9[%swap3A_1340, %swap3A_1341, %swap3A_1342], %swap3A_1345 {strides = array<i32>} : memref<5x4x128xi32, #tpu.memory_space<vmem>>, vector<1x1x16xi32>,
    %get3A_1346 = arith.constant 368 : index
    %get3A_1347 = tpu.vector_load %arg8[%get3A_1346] {strides = array<i32>} : memref<640xi32, #tpu.memory_space<vmem>>, vector<16xi32>,
    %get3A_1348 = vector.shape_cast %get3A_1347 : vector<16xi32> to vector<16xi32>
    %mul3A_1349 = arith.constant 4 : i32
    %mul3A_1350 = vector.broadcast %mul3A_1349 : i32 to vector<16xi32>
    %mul3A_1351 = arith.muli %get3A_1348, %mul3A_1350 : vector<16xi32>
    %add3A_1352 = arith.constant 1 : i32
    %add3A_1353 = vector.broadcast %add3A_1352 : i32 to vector<16xi32>
    %add3A_1354 = arith.addi %mul3A_1351, %add3A_1353 : vector<16xi32>
    %swap3A_1355 = arith.constant 2 : i32
    %swap3A_1356 = arith.constant 1 : i32
    %swap3A_1357 = arith.index_cast %swap3A_1355 : i32 to index
    %swap3A_1358 = arith.index_cast %swap3A_1356 : i32 to index
    %swap3A_1359 = arith.constant 112 : index
    %swap3A_1360 = tpu.vector_load %arg9[%swap3A_1357, %swap3A_1358, %swap3A_1359] {strides = array<i32>} : memref<5x4x128xi32, #tpu.memory_space<vmem>>, vector<1x1x16xi32>,
    %swap3A_1361 = vector.shape_cast %swap3A_1360 : vector<1x1x16xi32> to vector<16xi32>
    %swap3A_1362 = vector.shape_cast %add3A_1354 : vector<16xi32> to vector<1x1x16xi32>
    tpu.vector_store %arg9[%swap3A_1357, %swap3A_1358, %swap3A_1359], %swap3A_1362 {strides = array<i32>} : memref<5x4x128xi32, #tpu.memory_space<vmem>>, vector<1x1x16xi32>,
    %get3A_1363 = arith.constant 256 : index
    %get3A_1364 = tpu.vector_load %arg8[%get3A_1363] {strides = array<i32>} : memref<640xi32, #tpu.memory_space<vmem>>, vector<16xi32>,
    %get3A_1365 = vector.shape_cast %get3A_1364 : vector<16xi32> to vector<16xi32>
    %mul3A_1366 = arith.constant 4 : i32
    %mul3A_1367 = vector.broadcast %mul3A_1366 : i32 to vector<16xi32>
    %mul3A_1368 = arith.muli %get3A_1365, %mul3A_1367 : vector<16xi32>
    %add3A_1369 = arith.constant 2 : i32
    %add3A_1370 = vector.broadcast %add3A_1369 : i32 to vector<16xi32>
    %add3A_1371 = arith.addi %mul3A_1368, %add3A_1370 : vector<16xi32>
    %swap3A_1372 = arith.constant 2 : i32
    %swap3A_1373 = arith.constant 2 : i32
    %swap3A_1374 = arith.index_cast %swap3A_1372 : i32 to index
    %swap3A_1375 = arith.index_cast %swap3A_1373 : i32 to index
    %swap3A_1376 = arith.constant 0 : index
    %swap3A_1377 = tpu.vector_load %arg9[%swap3A_1374, %swap3A_1375, %swap3A_1376] {strides = array<i32>} : memref<5x4x128xi32, #tpu.memory_space<vmem>>, vector<1x1x16xi32>,
    %swap3A_1378 = vector.shape_cast %swap3A_1377 : vector<1x1x16xi32> to vector<16xi32>
    %swap3A_1379 = vector.shape_cast %add3A_1371 : vector<16xi32> to vector<1x1x16xi32>
    tpu.vector_store %arg9[%swap3A_1374, %swap3A_1375, %swap3A_1376], %swap3A_1379 {strides = array<i32>} : memref<5x4x128xi32, #tpu.memory_space<vmem>>, vector<1x1x16xi32>,
    %get3A_1380 = arith.constant 272 : index
    %get3A_1381 = tpu.vector_load %arg8[%get3A_1380] {strides = array<i32>} : memref<640xi32, #tpu.memory_space<vmem>>, vector<16xi32>,
    %get3A_1382 = vector.shape_cast %get3A_1381 : vector<16xi32> to vector<16xi32>
    %mul3A_1383 = arith.constant 4 : i32
    %mul3A_1384 = vector.broadcast %mul3A_1383 : i32 to vector<16xi32>
    %mul3A_1385 = arith.muli %get3A_1382, %mul3A_1384 : vector<16xi32>
    %add3A_1386 = arith.constant 2 : i32
    %add3A_1387 = vector.broadcast %add3A_1386 : i32 to vector<16xi32>
    %add3A_1388 = arith.addi %mul3A_1385, %add3A_1387 : vector<16xi32>
    %swap3A_1389 = arith.constant 2 : i32
    %swap3A_1390 = arith.constant 2 : i32
    %swap3A_1391 = arith.index_cast %swap3A_1389 : i32 to index
    %swap3A_1392 = arith.index_cast %swap3A_1390 : i32 to index
    %swap3A_1393 = arith.constant 16 : index
    %swap3A_1394 = tpu.vector_load %arg9[%swap3A_1391, %swap3A_1392, %swap3A_1393] {strides = array<i32>} : memref<5x4x128xi32, #tpu.memory_space<vmem>>, vector<1x1x16xi32>,
    %swap3A_1395 = vector.shape_cast %swap3A_1394 : vector<1x1x16xi32> to vector<16xi32>
    %swap3A_1396 = vector.shape_cast %add3A_1388 : vector<16xi32> to vector<1x1x16xi32>
    tpu.vector_store %arg9[%swap3A_1391, %swap3A_1392, %swap3A_1393], %swap3A_1396 {strides = array<i32>} : memref<5x4x128xi32, #tpu.memory_space<vmem>>, vector<1x1x16xi32>,
    %get3A_1397 = arith.constant 288 : index
    %get3A_1398 = tpu.vector_load %arg8[%get3A_1397] {strides = array<i32>} : memref<640xi32, #tpu.memory_space<vmem>>, vector<16xi32>,
    %get3A_1399 = vector.shape_cast %get3A_1398 : vector<16xi32> to vector<16xi32>
    %mul3A_1400 = arith.constant 4 : i32
    %mul3A_1401 = vector.broadcast %mul3A_1400 : i32 to vector<16xi32>
    %mul3A_1402 = arith.muli %get3A_1399, %mul3A_1401 : vector<16xi32>
    %add3A_1403 = arith.constant 2 : i32
    %add3A_1404 = vector.broadcast %add3A_1403 : i32 to vector<16xi32>
    %add3A_1405 = arith.addi %mul3A_1402, %add3A_1404 : vector<16xi32>
    %swap3A_1406 = arith.constant 2 : i32
    %swap3A_1407 = arith.constant 2 : i32
    %swap3A_1408 = arith.index_cast %swap3A_1406 : i32 to index
    %swap3A_1409 = arith.index_cast %swap3A_1407 : i32 to index
    %swap3A_1410 = arith.constant 32 : index
    %swap3A_1411 = tpu.vector_load %arg9[%swap3A_1408, %swap3A_1409, %swap3A_1410] {strides = array<i32>} : memref<5x4x128xi32, #tpu.memory_space<vmem>>, vector<1x1x16xi32>,
    %swap3A_1412 = vector.shape_cast %swap3A_1411 : vector<1x1x16xi32> to vector<16xi32>
    %swap3A_1413 = vector.shape_cast %add3A_1405 : vector<16xi32> to vector<1x1x16xi32>
    tpu.vector_store %arg9[%swap3A_1408, %swap3A_1409, %swap3A_1410], %swap3A_1413 {strides = array<i32>} : memref<5x4x128xi32, #tpu.memory_space<vmem>>, vector<1x1x16xi32>,
    %get3A_1414 = arith.constant 304 : index
    %get3A_1415 = tpu.vector_load %arg8[%get3A_1414] {strides = array<i32>} : memref<640xi32, #tpu.memory_space<vmem>>, vector<16xi32>,
    %get3A_1416 = vector.shape_cast %get3A_1415 : vector<16xi32> to vector<16xi32>
    %mul3A_1417 = arith.constant 4 : i32
    %mul3A_1418 = vector.broadcast %mul3A_1417 : i32 to vector<16xi32>
    %mul3A_1419 = arith.muli %get3A_1416, %mul3A_1418 : vector<16xi32>
    %add3A_1420 = arith.constant 2 : i32
    %add3A_1421 = vector.broadcast %add3A_1420 : i32 to vector<16xi32>
    %add3A_1422 = arith.addi %mul3A_1419, %add3A_1421 : vector<16xi32>
    %swap3A_1423 = arith.constant 2 : i32
    %swap3A_1424 = arith.constant 2 : i32
    %swap3A_1425 = arith.index_cast %swap3A_1423 : i32 to index
    %swap3A_1426 = arith.index_cast %swap3A_1424 : i32 to index
    %swap3A_1427 = arith.constant 48 : index
    %swap3A_1428 = tpu.vector_load %arg9[%swap3A_1425, %swap3A_1426, %swap3A_1427] {strides = array<i32>} : memref<5x4x128xi32, #tpu.memory_space<vmem>>, vector<1x1x16xi32>,
    %swap3A_1429 = vector.shape_cast %swap3A_1428 : vector<1x1x16xi32> to vector<16xi32>
    %swap3A_1430 = vector.shape_cast %add3A_1422 : vector<16xi32> to vector<1x1x16xi32>
    tpu.vector_store %arg9[%swap3A_1425, %swap3A_1426, %swap3A_1427], %swap3A_1430 {strides = array<i32>} : memref<5x4x128xi32, #tpu.memory_space<vmem>>, vector<1x1x16xi32>,
    %get3A_1431 = arith.constant 320 : index
    %get3A_1432 = tpu.vector_load %arg8[%get3A_1431] {strides = array<i32>} : memref<640xi32, #tpu.memory_space<vmem>>, vector<16xi32>,
    %get3A_1433 = vector.shape_cast %get3A_1432 : vector<16xi32> to vector<16xi32>
    %mul3A_1434 = arith.constant 4 : i32
    %mul3A_1435 = vector.broadcast %mul3A_1434 : i32 to vector<16xi32>
    %mul3A_1436 = arith.muli %get3A_1433, %mul3A_1435 : vector<16xi32>
    %add3A_1437 = arith.constant 2 : i32
    %add3A_1438 = vector.broadcast %add3A_1437 : i32 to vector<16xi32>
    %add3A_1439 = arith.addi %mul3A_1436, %add3A_1438 : vector<16xi32>
    %swap3A_1440 = arith.constant 2 : i32
    %swap3A_1441 = arith.constant 2 : i32
    %swap3A_1442 = arith.index_cast %swap3A_1440 : i32 to index
    %swap3A_1443 = arith.index_cast %swap3A_1441 : i32 to index
    %swap3A_1444 = arith.constant 64 : index
    %swap3A_1445 = tpu.vector_load %arg9[%swap3A_1442, %swap3A_1443, %swap3A_1444] {strides = array<i32>} : memref<5x4x128xi32, #tpu.memory_space<vmem>>, vector<1x1x16xi32>,
    %swap3A_1446 = vector.shape_cast %swap3A_1445 : vector<1x1x16xi32> to vector<16xi32>
    %swap3A_1447 = vector.shape_cast %add3A_1439 : vector<16xi32> to vector<1x1x16xi32>
    tpu.vector_store %arg9[%swap3A_1442, %swap3A_1443, %swap3A_1444], %swap3A_1447 {strides = array<i32>} : memref<5x4x128xi32, #tpu.memory_space<vmem>>, vector<1x1x16xi32>,
    %get3A_1448 = arith.constant 336 : index
    %get3A_1449 = tpu.vector_load %arg8[%get3A_1448] {strides = array<i32>} : memref<640xi32, #tpu.memory_space<vmem>>, vector<16xi32>,
    %get3A_1450 = vector.shape_cast %get3A_1449 : vector<16xi32> to vector<16xi32>
    %mul3A_1451 = arith.constant 4 : i32
    %mul3A_1452 = vector.broadcast %mul3A_1451 : i32 to vector<16xi32>
    %mul3A_1453 = arith.muli %get3A_1450, %mul3A_1452 : vector<16xi32>
    %add3A_1454 = arith.constant 2 : i32
    %add3A_1455 = vector.broadcast %add3A_1454 : i32 to vector<16xi32>
    %add3A_1456 = arith.addi %mul3A_1453, %add3A_1455 : vector<16xi32>
    %swap3A_1457 = arith.constant 2 : i32
    %swap3A_1458 = arith.constant 2 : i32
    %swap3A_1459 = arith.index_cast %swap3A_1457 : i32 to index
    %swap3A_1460 = arith.index_cast %swap3A_1458 : i32 to index
    %swap3A_1461 = arith.constant 80 : index
    %swap3A_1462 = tpu.vector_load %arg9[%swap3A_1459, %swap3A_1460, %swap3A_1461] {strides = array<i32>} : memref<5x4x128xi32, #tpu.memory_space<vmem>>, vector<1x1x16xi32>,
    %swap3A_1463 = vector.shape_cast %swap3A_1462 : vector<1x1x16xi32> to vector<16xi32>
    %swap3A_1464 = vector.shape_cast %add3A_1456 : vector<16xi32> to vector<1x1x16xi32>
    tpu.vector_store %arg9[%swap3A_1459, %swap3A_1460, %swap3A_1461], %swap3A_1464 {strides = array<i32>} : memref<5x4x128xi32, #tpu.memory_space<vmem>>, vector<1x1x16xi32>,
    %get3A_1465 = arith.constant 352 : index
    %get3A_1466 = tpu.vector_load %arg8[%get3A_1465] {strides = array<i32>} : memref<640xi32, #tpu.memory_space<vmem>>, vector<16xi32>,
    %get3A_1467 = vector.shape_cast %get3A_1466 : vector<16xi32> to vector<16xi32>
    %mul3A_1468 = arith.constant 4 : i32
    %mul3A_1469 = vector.broadcast %mul3A_1468 : i32 to vector<16xi32>
    %mul3A_1470 = arith.muli %get3A_1467, %mul3A_1469 : vector<16xi32>
    %add3A_1471 = arith.constant 2 : i32
    %add3A_1472 = vector.broadcast %add3A_1471 : i32 to vector<16xi32>
    %add3A_1473 = arith.addi %mul3A_1470, %add3A_1472 : vector<16xi32>
    %swap3A_1474 = arith.constant 2 : i32
    %swap3A_1475 = arith.constant 2 : i32
    %swap3A_1476 = arith.index_cast %swap3A_1474 : i32 to index
    %swap3A_1477 = arith.index_cast %swap3A_1475 : i32 to index
    %swap3A_1478 = arith.constant 96 : index
    %swap3A_1479 = tpu.vector_load %arg9[%swap3A_1476, %swap3A_1477, %swap3A_1478] {strides = array<i32>} : memref<5x4x128xi32, #tpu.memory_space<vmem>>, vector<1x1x16xi32>,
    %swap3A_1480 = vector.shape_cast %swap3A_1479 : vector<1x1x16xi32> to vector<16xi32>
    %swap3A_1481 = vector.shape_cast %add3A_1473 : vector<16xi32> to vector<1x1x16xi32>
    tpu.vector_store %arg9[%swap3A_1476, %swap3A_1477, %swap3A_1478], %swap3A_1481 {strides = array<i32>} : memref<5x4x128xi32, #tpu.memory_space<vmem>>, vector<1x1x16xi32>,
    %get3A_1482 = arith.constant 368 : index
    %get3A_1483 = tpu.vector_load %arg8[%get3A_1482] {strides = array<i32>} : memref<640xi32, #tpu.memory_space<vmem>>, vector<16xi32>,
    %get3A_1484 = vector.shape_cast %get3A_1483 : vector<16xi32> to vector<16xi32>
    %mul3A_1485 = arith.constant 4 : i32
    %mul3A_1486 = vector.broadcast %mul3A_1485 : i32 to vector<16xi32>
    %mul3A_1487 = arith.muli %get3A_1484, %mul3A_1486 : vector<16xi32>
    %add3A_1488 = arith.constant 2 : i32
    %add3A_1489 = vector.broadcast %add3A_1488 : i32 to vector<16xi32>
    %add3A_1490 = arith.addi %mul3A_1487, %add3A_1489 : vector<16xi32>
    %swap3A_1491 = arith.constant 2 : i32
    %swap3A_1492 = arith.constant 2 : i32
    %swap3A_1493 = arith.index_cast %swap3A_1491 : i32 to index
    %swap3A_1494 = arith.index_cast %swap3A_1492 : i32 to index
    %swap3A_1495 = arith.constant 112 : index
    %swap3A_1496 = tpu.vector_load %arg9[%swap3A_1493, %swap3A_1494, %swap3A_1495] {strides = array<i32>} : memref<5x4x128xi32, #tpu.memory_space<vmem>>, vector<1x1x16xi32>,
    %swap3A_1497 = vector.shape_cast %swap3A_1496 : vector<1x1x16xi32> to vector<16xi32>
    %swap3A_1498 = vector.shape_cast %add3A_1490 : vector<16xi32> to vector<1x1x16xi32>
    tpu.vector_store %arg9[%swap3A_1493, %swap3A_1494, %swap3A_1495], %swap3A_1498 {strides = array<i32>} : memref<5x4x128xi32, #tpu.memory_space<vmem>>, vector<1x1x16xi32>,
    %get3A_1499 = arith.constant 256 : index
    %get3A_1500 = tpu.vector_load %arg8[%get3A_1499] {strides = array<i32>} : memref<640xi32, #tpu.memory_space<vmem>>, vector<16xi32>,
    %get3A_1501 = vector.shape_cast %get3A_1500 : vector<16xi32> to vector<16xi32>
    %mul3A_1502 = arith.constant 4 : i32
    %mul3A_1503 = vector.broadcast %mul3A_1502 : i32 to vector<16xi32>
    %mul3A_1504 = arith.muli %get3A_1501, %mul3A_1503 : vector<16xi32>
    %add3A_1505 = arith.constant 3 : i32
    %add3A_1506 = vector.broadcast %add3A_1505 : i32 to vector<16xi32>
    %add3A_1507 = arith.addi %mul3A_1504, %add3A_1506 : vector<16xi32>
    %swap3A_1508 = arith.constant 2 : i32
    %swap3A_1509 = arith.constant 3 : i32
    %swap3A_1510 = arith.index_cast %swap3A_1508 : i32 to index
    %swap3A_1511 = arith.index_cast %swap3A_1509 : i32 to index
    %swap3A_1512 = arith.constant 0 : index
    %swap3A_1513 = tpu.vector_load %arg9[%swap3A_1510, %swap3A_1511, %swap3A_1512] {strides = array<i32>} : memref<5x4x128xi32, #tpu.memory_space<vmem>>, vector<1x1x16xi32>,
    %swap3A_1514 = vector.shape_cast %swap3A_1513 : vector<1x1x16xi32> to vector<16xi32>
    %swap3A_1515 = vector.shape_cast %add3A_1507 : vector<16xi32> to vector<1x1x16xi32>
    tpu.vector_store %arg9[%swap3A_1510, %swap3A_1511, %swap3A_1512], %swap3A_1515 {strides = array<i32>} : memref<5x4x128xi32, #tpu.memory_space<vmem>>, vector<1x1x16xi32>,
    %get3A_1516 = arith.constant 272 : index
    %get3A_1517 = tpu.vector_load %arg8[%get3A_1516] {strides = array<i32>} : memref<640xi32, #tpu.memory_space<vmem>>, vector<16xi32>,
    %get3A_1518 = vector.shape_cast %get3A_1517 : vector<16xi32> to vector<16xi32>
    %mul3A_1519 = arith.constant 4 : i32
    %mul3A_1520 = vector.broadcast %mul3A_1519 : i32 to vector<16xi32>
    %mul3A_1521 = arith.muli %get3A_1518, %mul3A_1520 : vector<16xi32>
    %add3A_1522 = arith.constant 3 : i32
    %add3A_1523 = vector.broadcast %add3A_1522 : i32 to vector<16xi32>
    %add3A_1524 = arith.addi %mul3A_1521, %add3A_1523 : vector<16xi32>
    %swap3A_1525 = arith.constant 2 : i32
    %swap3A_1526 = arith.constant 3 : i32
    %swap3A_1527 = arith.index_cast %swap3A_1525 : i32 to index
    %swap3A_1528 = arith.index_cast %swap3A_1526 : i32 to index
    %swap3A_1529 = arith.constant 16 : index
    %swap3A_1530 = tpu.vector_load %arg9[%swap3A_1527, %swap3A_1528, %swap3A_1529] {strides = array<i32>} : memref<5x4x128xi32, #tpu.memory_space<vmem>>, vector<1x1x16xi32>,
    %swap3A_1531 = vector.shape_cast %swap3A_1530 : vector<1x1x16xi32> to vector<16xi32>
    %swap3A_1532 = vector.shape_cast %add3A_1524 : vector<16xi32> to vector<1x1x16xi32>
    tpu.vector_store %arg9[%swap3A_1527, %swap3A_1528, %swap3A_1529], %swap3A_1532 {strides = array<i32>} : memref<5x4x128xi32, #tpu.memory_space<vmem>>, vector<1x1x16xi32>,
    %get3A_1533 = arith.constant 288 : index
    %get3A_1534 = tpu.vector_load %arg8[%get3A_1533] {strides = array<i32>} : memref<640xi32, #tpu.memory_space<vmem>>, vector<16xi32>,
    %get3A_1535 = vector.shape_cast %get3A_1534 : vector<16xi32> to vector<16xi32>
    %mul3A_1536 = arith.constant 4 : i32
    %mul3A_1537 = vector.broadcast %mul3A_1536 : i32 to vector<16xi32>
    %mul3A_1538 = arith.muli %get3A_1535, %mul3A_1537 : vector<16xi32>
    %add3A_1539 = arith.constant 3 : i32
    %add3A_1540 = vector.broadcast %add3A_1539 : i32 to vector<16xi32>
    %add3A_1541 = arith.addi %mul3A_1538, %add3A_1540 : vector<16xi32>
    %swap3A_1542 = arith.constant 2 : i32
    %swap3A_1543 = arith.constant 3 : i32
    %swap3A_1544 = arith.index_cast %swap3A_1542 : i32 to index
    %swap3A_1545 = arith.index_cast %swap3A_1543 : i32 to index
    %swap3A_1546 = arith.constant 32 : index
    %swap3A_1547 = tpu.vector_load %arg9[%swap3A_1544, %swap3A_1545, %swap3A_1546] {strides = array<i32>} : memref<5x4x128xi32, #tpu.memory_space<vmem>>, vector<1x1x16xi32>,
    %swap3A_1548 = vector.shape_cast %swap3A_1547 : vector<1x1x16xi32> to vector<16xi32>
    %swap3A_1549 = vector.shape_cast %add3A_1541 : vector<16xi32> to vector<1x1x16xi32>
    tpu.vector_store %arg9[%swap3A_1544, %swap3A_1545, %swap3A_1546], %swap3A_1549 {strides = array<i32>} : memref<5x4x128xi32, #tpu.memory_space<vmem>>, vector<1x1x16xi32>,
    %get3A_1550 = arith.constant 304 : index
    %get3A_1551 = tpu.vector_load %arg8[%get3A_1550] {strides = array<i32>} : memref<640xi32, #tpu.memory_space<vmem>>, vector<16xi32>,
    %get3A_1552 = vector.shape_cast %get3A_1551 : vector<16xi32> to vector<16xi32>
    %mul3A_1553 = arith.constant 4 : i32
    %mul3A_1554 = vector.broadcast %mul3A_1553 : i32 to vector<16xi32>
    %mul3A_1555 = arith.muli %get3A_1552, %mul3A_1554 : vector<16xi32>
    %add3A_1556 = arith.constant 3 : i32
    %add3A_1557 = vector.broadcast %add3A_1556 : i32 to vector<16xi32>
    %add3A_1558 = arith.addi %mul3A_1555, %add3A_1557 : vector<16xi32>
    %swap3A_1559 = arith.constant 2 : i32
    %swap3A_1560 = arith.constant 3 : i32
    %swap3A_1561 = arith.index_cast %swap3A_1559 : i32 to index
    %swap3A_1562 = arith.index_cast %swap3A_1560 : i32 to index
    %swap3A_1563 = arith.constant 48 : index
    %swap3A_1564 = tpu.vector_load %arg9[%swap3A_1561, %swap3A_1562, %swap3A_1563] {strides = array<i32>} : memref<5x4x128xi32, #tpu.memory_space<vmem>>, vector<1x1x16xi32>,
    %swap3A_1565 = vector.shape_cast %swap3A_1564 : vector<1x1x16xi32> to vector<16xi32>
    %swap3A_1566 = vector.shape_cast %add3A_1558 : vector<16xi32> to vector<1x1x16xi32>
    tpu.vector_store %arg9[%swap3A_1561, %swap3A_1562, %swap3A_1563], %swap3A_1566 {strides = array<i32>} : memref<5x4x128xi32, #tpu.memory_space<vmem>>, vector<1x1x16xi32>,
    %get3A_1567 = arith.constant 320 : index
    %get3A_1568 = tpu.vector_load %arg8[%get3A_1567] {strides = array<i32>} : memref<640xi32, #tpu.memory_space<vmem>>, vector<16xi32>,
    %get3A_1569 = vector.shape_cast %get3A_1568 : vector<16xi32> to vector<16xi32>
    %mul3A_1570 = arith.constant 4 : i32
    %mul3A_1571 = vector.broadcast %mul3A_1570 : i32 to vector<16xi32>
    %mul3A_1572 = arith.muli %get3A_1569, %mul3A_1571 : vector<16xi32>
    %add3A_1573 = arith.constant 3 : i32
    %add3A_1574 = vector.broadcast %add3A_1573 : i32 to vector<16xi32>
    %add3A_1575 = arith.addi %mul3A_1572, %add3A_1574 : vector<16xi32>
    %swap3A_1576 = arith.constant 2 : i32
    %swap3A_1577 = arith.constant 3 : i32
    %swap3A_1578 = arith.index_cast %swap3A_1576 : i32 to index
    %swap3A_1579 = arith.index_cast %swap3A_1577 : i32 to index
    %swap3A_1580 = arith.constant 64 : index
    %swap3A_1581 = tpu.vector_load %arg9[%swap3A_1578, %swap3A_1579, %swap3A_1580] {strides = array<i32>} : memref<5x4x128xi32, #tpu.memory_space<vmem>>, vector<1x1x16xi32>,
    %swap3A_1582 = vector.shape_cast %swap3A_1581 : vector<1x1x16xi32> to vector<16xi32>
    %swap3A_1583 = vector.shape_cast %add3A_1575 : vector<16xi32> to vector<1x1x16xi32>
    tpu.vector_store %arg9[%swap3A_1578, %swap3A_1579, %swap3A_1580], %swap3A_1583 {strides = array<i32>} : memref<5x4x128xi32, #tpu.memory_space<vmem>>, vector<1x1x16xi32>,
    %get3A_1584 = arith.constant 336 : index
    %get3A_1585 = tpu.vector_load %arg8[%get3A_1584] {strides = array<i32>} : memref<640xi32, #tpu.memory_space<vmem>>, vector<16xi32>,
    %get3A_1586 = vector.shape_cast %get3A_1585 : vector<16xi32> to vector<16xi32>
    %mul3A_1587 = arith.constant 4 : i32
    %mul3A_1588 = vector.broadcast %mul3A_1587 : i32 to vector<16xi32>
    %mul3A_1589 = arith.muli %get3A_1586, %mul3A_1588 : vector<16xi32>
    %add3A_1590 = arith.constant 3 : i32
    %add3A_1591 = vector.broadcast %add3A_1590 : i32 to vector<16xi32>
    %add3A_1592 = arith.addi %mul3A_1589, %add3A_1591 : vector<16xi32>
    %swap3A_1593 = arith.constant 2 : i32
    %swap3A_1594 = arith.constant 3 : i32
    %swap3A_1595 = arith.index_cast %swap3A_1593 : i32 to index
    %swap3A_1596 = arith.index_cast %swap3A_1594 : i32 to index
    %swap3A_1597 = arith.constant 80 : index
    %swap3A_1598 = tpu.vector_load %arg9[%swap3A_1595, %swap3A_1596, %swap3A_1597] {strides = array<i32>} : memref<5x4x128xi32, #tpu.memory_space<vmem>>, vector<1x1x16xi32>,
    %swap3A_1599 = vector.shape_cast %swap3A_1598 : vector<1x1x16xi32> to vector<16xi32>
    %swap3A_1600 = vector.shape_cast %add3A_1592 : vector<16xi32> to vector<1x1x16xi32>
    tpu.vector_store %arg9[%swap3A_1595, %swap3A_1596, %swap3A_1597], %swap3A_1600 {strides = array<i32>} : memref<5x4x128xi32, #tpu.memory_space<vmem>>, vector<1x1x16xi32>,
    %get3A_1601 = arith.constant 352 : index
    %get3A_1602 = tpu.vector_load %arg8[%get3A_1601] {strides = array<i32>} : memref<640xi32, #tpu.memory_space<vmem>>, vector<16xi32>,
    %get3A_1603 = vector.shape_cast %get3A_1602 : vector<16xi32> to vector<16xi32>
    %mul3A_1604 = arith.constant 4 : i32
    %mul3A_1605 = vector.broadcast %mul3A_1604 : i32 to vector<16xi32>
    %mul3A_1606 = arith.muli %get3A_1603, %mul3A_1605 : vector<16xi32>
    %add3A_1607 = arith.constant 3 : i32
    %add3A_1608 = vector.broadcast %add3A_1607 : i32 to vector<16xi32>
    %add3A_1609 = arith.addi %mul3A_1606, %add3A_1608 : vector<16xi32>
    %swap3A_1610 = arith.constant 2 : i32
    %swap3A_1611 = arith.constant 3 : i32
    %swap3A_1612 = arith.index_cast %swap3A_1610 : i32 to index
    %swap3A_1613 = arith.index_cast %swap3A_1611 : i32 to index
    %swap3A_1614 = arith.constant 96 : index
    %swap3A_1615 = tpu.vector_load %arg9[%swap3A_1612, %swap3A_1613, %swap3A_1614] {strides = array<i32>} : memref<5x4x128xi32, #tpu.memory_space<vmem>>, vector<1x1x16xi32>,
    %swap3A_1616 = vector.shape_cast %swap3A_1615 : vector<1x1x16xi32> to vector<16xi32>
    %swap3A_1617 = vector.shape_cast %add3A_1609 : vector<16xi32> to vector<1x1x16xi32>
    tpu.vector_store %arg9[%swap3A_1612, %swap3A_1613, %swap3A_1614], %swap3A_1617 {strides = array<i32>} : memref<5x4x128xi32, #tpu.memory_space<vmem>>, vector<1x1x16xi32>,
    %get3A_1618 = arith.constant 368 : index
    %get3A_1619 = tpu.vector_load %arg8[%get3A_1618] {strides = array<i32>} : memref<640xi32, #tpu.memory_space<vmem>>, vector<16xi32>,
    %get3A_1620 = vector.shape_cast %get3A_1619 : vector<16xi32> to vector<16xi32>
    %mul3A_1621 = arith.constant 4 : i32
    %mul3A_1622 = vector.broadcast %mul3A_1621 : i32 to vector<16xi32>
    %mul3A_1623 = arith.muli %get3A_1620, %mul3A_1622 : vector<16xi32>
    %add3A_1624 = arith.constant 3 : i32
    %add3A_1625 = vector.broadcast %add3A_1624 : i32 to vector<16xi32>
    %add3A_1626 = arith.addi %mul3A_1623, %add3A_1625 : vector<16xi32>
    %swap3A_1627 = arith.constant 2 : i32
    %swap3A_1628 = arith.constant 3 : i32
    %swap3A_1629 = arith.index_cast %swap3A_1627 : i32 to index
    %swap3A_1630 = arith.index_cast %swap3A_1628 : i32 to index
    %swap3A_1631 = arith.constant 112 : index
    %swap3A_1632 = tpu.vector_load %arg9[%swap3A_1629, %swap3A_1630, %swap3A_1631] {strides = array<i32>} : memref<5x4x128xi32, #tpu.memory_space<vmem>>, vector<1x1x16xi32>,
    %swap3A_1633 = vector.shape_cast %swap3A_1632 : vector<1x1x16xi32> to vector<16xi32>
    %swap3A_1634 = vector.shape_cast %add3A_1626 : vector<16xi32> to vector<1x1x16xi32>
    tpu.vector_store %arg9[%swap3A_1629, %swap3A_1630, %swap3A_1631], %swap3A_1634 {strides = array<i32>} : memref<5x4x128xi32, #tpu.memory_space<vmem>>, vector<1x1x16xi32>,
    %get3A_1635 = arith.constant 384 : index
    %get3A_1636 = tpu.vector_load %arg8[%get3A_1635] {strides = array<i32>} : memref<640xi32, #tpu.memory_space<vmem>>, vector<16xi32>,
    %get3A_1637 = vector.shape_cast %get3A_1636 : vector<16xi32> to vector<16xi32>
    %mul3A_1638 = arith.constant 4 : i32
    %mul3A_1639 = vector.broadcast %mul3A_1638 : i32 to vector<16xi32>
    %mul3A_1640 = arith.muli %get3A_1637, %mul3A_1639 : vector<16xi32>
    %add3A_1641 = arith.constant 0 : i32
    %add3A_1642 = vector.broadcast %add3A_1641 : i32 to vector<16xi32>
    %add3A_1643 = arith.addi %mul3A_1640, %add3A_1642 : vector<16xi32>
    %swap3A_1644 = arith.constant 3 : i32
    %swap3A_1645 = arith.constant 0 : i32
    %swap3A_1646 = arith.index_cast %swap3A_1644 : i32 to index
    %swap3A_1647 = arith.index_cast %swap3A_1645 : i32 to index
    %swap3A_1648 = arith.constant 0 : index
    %swap3A_1649 = tpu.vector_load %arg9[%swap3A_1646, %swap3A_1647, %swap3A_1648] {strides = array<i32>} : memref<5x4x128xi32, #tpu.memory_space<vmem>>, vector<1x1x16xi32>,
    %swap3A_1650 = vector.shape_cast %swap3A_1649 : vector<1x1x16xi32> to vector<16xi32>
    %swap3A_1651 = vector.shape_cast %add3A_1643 : vector<16xi32> to vector<1x1x16xi32>
    tpu.vector_store %arg9[%swap3A_1646, %swap3A_1647, %swap3A_1648], %swap3A_1651 {strides = array<i32>} : memref<5x4x128xi32, #tpu.memory_space<vmem>>, vector<1x1x16xi32>,
    %get3A_1652 = arith.constant 400 : index
    %get3A_1653 = tpu.vector_load %arg8[%get3A_1652] {strides = array<i32>} : memref<640xi32, #tpu.memory_space<vmem>>, vector<16xi32>,
    %get3A_1654 = vector.shape_cast %get3A_1653 : vector<16xi32> to vector<16xi32>
    %mul3A_1655 = arith.constant 4 : i32
    %mul3A_1656 = vector.broadcast %mul3A_1655 : i32 to vector<16xi32>
    %mul3A_1657 = arith.muli %get3A_1654, %mul3A_1656 : vector<16xi32>
    %add3A_1658 = arith.constant 0 : i32
    %add3A_1659 = vector.broadcast %add3A_1658 : i32 to vector<16xi32>
    %add3A_1660 = arith.addi %mul3A_1657, %add3A_1659 : vector<16xi32>
    %swap3A_1661 = arith.constant 3 : i32
    %swap3A_1662 = arith.constant 0 : i32
    %swap3A_1663 = arith.index_cast %swap3A_1661 : i32 to index
    %swap3A_1664 = arith.index_cast %swap3A_1662 : i32 to index
    %swap3A_1665 = arith.constant 16 : index
    %swap3A_1666 = tpu.vector_load %arg9[%swap3A_1663, %swap3A_1664, %swap3A_1665] {strides = array<i32>} : memref<5x4x128xi32, #tpu.memory_space<vmem>>, vector<1x1x16xi32>,
    %swap3A_1667 = vector.shape_cast %swap3A_1666 : vector<1x1x16xi32> to vector<16xi32>
    %swap3A_1668 = vector.shape_cast %add3A_1660 : vector<16xi32> to vector<1x1x16xi32>
    tpu.vector_store %arg9[%swap3A_1663, %swap3A_1664, %swap3A_1665], %swap3A_1668 {strides = array<i32>} : memref<5x4x128xi32, #tpu.memory_space<vmem>>, vector<1x1x16xi32>,
    %get3A_1669 = arith.constant 416 : index
    %get3A_1670 = tpu.vector_load %arg8[%get3A_1669] {strides = array<i32>} : memref<640xi32, #tpu.memory_space<vmem>>, vector<16xi32>,
    %get3A_1671 = vector.shape_cast %get3A_1670 : vector<16xi32> to vector<16xi32>
    %mul3A_1672 = arith.constant 4 : i32
    %mul3A_1673 = vector.broadcast %mul3A_1672 : i32 to vector<16xi32>
    %mul3A_1674 = arith.muli %get3A_1671, %mul3A_1673 : vector<16xi32>
    %add3A_1675 = arith.constant 0 : i32
    %add3A_1676 = vector.broadcast %add3A_1675 : i32 to vector<16xi32>
    %add3A_1677 = arith.addi %mul3A_1674, %add3A_1676 : vector<16xi32>
    %swap3A_1678 = arith.constant 3 : i32
    %swap3A_1679 = arith.constant 0 : i32
    %swap3A_1680 = arith.index_cast %swap3A_1678 : i32 to index
    %swap3A_1681 = arith.index_cast %swap3A_1679 : i32 to index
    %swap3A_1682 = arith.constant 32 : index
    %swap3A_1683 = tpu.vector_load %arg9[%swap3A_1680, %swap3A_1681, %swap3A_1682] {strides = array<i32>} : memref<5x4x128xi32, #tpu.memory_space<vmem>>, vector<1x1x16xi32>,
    %swap3A_1684 = vector.shape_cast %swap3A_1683 : vector<1x1x16xi32> to vector<16xi32>
    %swap3A_1685 = vector.shape_cast %add3A_1677 : vector<16xi32> to vector<1x1x16xi32>
    tpu.vector_store %arg9[%swap3A_1680, %swap3A_1681, %swap3A_1682], %swap3A_1685 {strides = array<i32>} : memref<5x4x128xi32, #tpu.memory_space<vmem>>, vector<1x1x16xi32>,
    %get3A_1686 = arith.constant 432 : index
    %get3A_1687 = tpu.vector_load %arg8[%get3A_1686] {strides = array<i32>} : memref<640xi32, #tpu.memory_space<vmem>>, vector<16xi32>,
    %get3A_1688 = vector.shape_cast %get3A_1687 : vector<16xi32> to vector<16xi32>
    %mul3A_1689 = arith.constant 4 : i32
    %mul3A_1690 = vector.broadcast %mul3A_1689 : i32 to vector<16xi32>
    %mul3A_1691 = arith.muli %get3A_1688, %mul3A_1690 : vector<16xi32>
    %add3A_1692 = arith.constant 0 : i32
    %add3A_1693 = vector.broadcast %add3A_1692 : i32 to vector<16xi32>
    %add3A_1694 = arith.addi %mul3A_1691, %add3A_1693 : vector<16xi32>
    %swap3A_1695 = arith.constant 3 : i32
    %swap3A_1696 = arith.constant 0 : i32
    %swap3A_1697 = arith.index_cast %swap3A_1695 : i32 to index
    %swap3A_1698 = arith.index_cast %swap3A_1696 : i32 to index
    %swap3A_1699 = arith.constant 48 : index
    %swap3A_1700 = tpu.vector_load %arg9[%swap3A_1697, %swap3A_1698, %swap3A_1699] {strides = array<i32>} : memref<5x4x128xi32, #tpu.memory_space<vmem>>, vector<1x1x16xi32>,
    %swap3A_1701 = vector.shape_cast %swap3A_1700 : vector<1x1x16xi32> to vector<16xi32>
    %swap3A_1702 = vector.shape_cast %add3A_1694 : vector<16xi32> to vector<1x1x16xi32>
    tpu.vector_store %arg9[%swap3A_1697, %swap3A_1698, %swap3A_1699], %swap3A_1702 {strides = array<i32>} : memref<5x4x128xi32, #tpu.memory_space<vmem>>, vector<1x1x16xi32>,
    %get3A_1703 = arith.constant 448 : index
    %get3A_1704 = tpu.vector_load %arg8[%get3A_1703] {strides = array<i32>} : memref<640xi32, #tpu.memory_space<vmem>>, vector<16xi32>,
    %get3A_1705 = vector.shape_cast %get3A_1704 : vector<16xi32> to vector<16xi32>
    %mul3A_1706 = arith.constant 4 : i32
    %mul3A_1707 = vector.broadcast %mul3A_1706 : i32 to vector<16xi32>
    %mul3A_1708 = arith.muli %get3A_1705, %mul3A_1707 : vector<16xi32>
    %add3A_1709 = arith.constant 0 : i32
    %add3A_1710 = vector.broadcast %add3A_1709 : i32 to vector<16xi32>
    %add3A_1711 = arith.addi %mul3A_1708, %add3A_1710 : vector<16xi32>
    %swap3A_1712 = arith.constant 3 : i32
    %swap3A_1713 = arith.constant 0 : i32
    %swap3A_1714 = arith.index_cast %swap3A_1712 : i32 to index
    %swap3A_1715 = arith.index_cast %swap3A_1713 : i32 to index
    %swap3A_1716 = arith.constant 64 : index
    %swap3A_1717 = tpu.vector_load %arg9[%swap3A_1714, %swap3A_1715, %swap3A_1716] {strides = array<i32>} : memref<5x4x128xi32, #tpu.memory_space<vmem>>, vector<1x1x16xi32>,
    %swap3A_1718 = vector.shape_cast %swap3A_1717 : vector<1x1x16xi32> to vector<16xi32>
    %swap3A_1719 = vector.shape_cast %add3A_1711 : vector<16xi32> to vector<1x1x16xi32>
    tpu.vector_store %arg9[%swap3A_1714, %swap3A_1715, %swap3A_1716], %swap3A_1719 {strides = array<i32>} : memref<5x4x128xi32, #tpu.memory_space<vmem>>, vector<1x1x16xi32>,
    %get3A_1720 = arith.constant 464 : index
    %get3A_1721 = tpu.vector_load %arg8[%get3A_1720] {strides = array<i32>} : memref<640xi32, #tpu.memory_space<vmem>>, vector<16xi32>,
    %get3A_1722 = vector.shape_cast %get3A_1721 : vector<16xi32> to vector<16xi32>
    %mul3A_1723 = arith.constant 4 : i32
    %mul3A_1724 = vector.broadcast %mul3A_1723 : i32 to vector<16xi32>
    %mul3A_1725 = arith.muli %get3A_1722, %mul3A_1724 : vector<16xi32>
    %add3A_1726 = arith.constant 0 : i32
    %add3A_1727 = vector.broadcast %add3A_1726 : i32 to vector<16xi32>
    %add3A_1728 = arith.addi %mul3A_1725, %add3A_1727 : vector<16xi32>
    %swap3A_1729 = arith.constant 3 : i32
    %swap3A_1730 = arith.constant 0 : i32
    %swap3A_1731 = arith.index_cast %swap3A_1729 : i32 to index
    %swap3A_1732 = arith.index_cast %swap3A_1730 : i32 to index
    %swap3A_1733 = arith.constant 80 : index
    %swap3A_1734 = tpu.vector_load %arg9[%swap3A_1731, %swap3A_1732, %swap3A_1733] {strides = array<i32>} : memref<5x4x128xi32, #tpu.memory_space<vmem>>, vector<1x1x16xi32>,
    %swap3A_1735 = vector.shape_cast %swap3A_1734 : vector<1x1x16xi32> to vector<16xi32>
    %swap3A_1736 = vector.shape_cast %add3A_1728 : vector<16xi32> to vector<1x1x16xi32>
    tpu.vector_store %arg9[%swap3A_1731, %swap3A_1732, %swap3A_1733], %swap3A_1736 {strides = array<i32>} : memref<5x4x128xi32, #tpu.memory_space<vmem>>, vector<1x1x16xi32>,
    %get3A_1737 = arith.constant 480 : index
    %get3A_1738 = tpu.vector_load %arg8[%get3A_1737] {strides = array<i32>} : memref<640xi32, #tpu.memory_space<vmem>>, vector<16xi32>,
    %get3A_1739 = vector.shape_cast %get3A_1738 : vector<16xi32> to vector<16xi32>
    %mul3A_1740 = arith.constant 4 : i32
    %mul3A_1741 = vector.broadcast %mul3A_1740 : i32 to vector<16xi32>
    %mul3A_1742 = arith.muli %get3A_1739, %mul3A_1741 : vector<16xi32>
    %add3A_1743 = arith.constant 0 : i32
    %add3A_1744 = vector.broadcast %add3A_1743 : i32 to vector<16xi32>
    %add3A_1745 = arith.addi %mul3A_1742, %add3A_1744 : vector<16xi32>
    %swap3A_1746 = arith.constant 3 : i32
    %swap3A_1747 = arith.constant 0 : i32
    %swap3A_1748 = arith.index_cast %swap3A_1746 : i32 to index
    %swap3A_1749 = arith.index_cast %swap3A_1747 : i32 to index
    %swap3A_1750 = arith.constant 96 : index
    %swap3A_1751 = tpu.vector_load %arg9[%swap3A_1748, %swap3A_1749, %swap3A_1750] {strides = array<i32>} : memref<5x4x128xi32, #tpu.memory_space<vmem>>, vector<1x1x16xi32>,
    %swap3A_1752 = vector.shape_cast %swap3A_1751 : vector<1x1x16xi32> to vector<16xi32>
    %swap3A_1753 = vector.shape_cast %add3A_1745 : vector<16xi32> to vector<1x1x16xi32>
    tpu.vector_store %arg9[%swap3A_1748, %swap3A_1749, %swap3A_1750], %swap3A_1753 {strides = array<i32>} : memref<5x4x128xi32, #tpu.memory_space<vmem>>, vector<1x1x16xi32>,
    %get3A_1754 = arith.constant 496 : index
    %get3A_1755 = tpu.vector_load %arg8[%get3A_1754] {strides = array<i32>} : memref<640xi32, #tpu.memory_space<vmem>>, vector<16xi32>,
    %get3A_1756 = vector.shape_cast %get3A_1755 : vector<16xi32> to vector<16xi32>
    %mul3A_1757 = arith.constant 4 : i32
    %mul3A_1758 = vector.broadcast %mul3A_1757 : i32 to vector<16xi32>
    %mul3A_1759 = arith.muli %get3A_1756, %mul3A_1758 : vector<16xi32>
    %add3A_1760 = arith.constant 0 : i32
    %add3A_1761 = vector.broadcast %add3A_1760 : i32 to vector<16xi32>
    %add3A_1762 = arith.addi %mul3A_1759, %add3A_1761 : vector<16xi32>
    %swap3A_1763 = arith.constant 3 : i32
    %swap3A_1764 = arith.constant 0 : i32
    %swap3A_1765 = arith.index_cast %swap3A_1763 : i32 to index
    %swap3A_1766 = arith.index_cast %swap3A_1764 : i32 to index
    %swap3A_1767 = arith.constant 112 : index
    %swap3A_1768 = tpu.vector_load %arg9[%swap3A_1765, %swap3A_1766, %swap3A_1767] {strides = array<i32>} : memref<5x4x128xi32, #tpu.memory_space<vmem>>, vector<1x1x16xi32>,
    %swap3A_1769 = vector.shape_cast %swap3A_1768 : vector<1x1x16xi32> to vector<16xi32>
    %swap3A_1770 = vector.shape_cast %add3A_1762 : vector<16xi32> to vector<1x1x16xi32>
    tpu.vector_store %arg9[%swap3A_1765, %swap3A_1766, %swap3A_1767], %swap3A_1770 {strides = array<i32>} : memref<5x4x128xi32, #tpu.memory_space<vmem>>, vector<1x1x16xi32>,
    %get3A_1771 = arith.constant 384 : index
    %get3A_1772 = tpu.vector_load %arg8[%get3A_1771] {strides = array<i32>} : memref<640xi32, #tpu.memory_space<vmem>>, vector<16xi32>,
    %get3A_1773 = vector.shape_cast %get3A_1772 : vector<16xi32> to vector<16xi32>
    %mul3A_1774 = arith.constant 4 : i32
    %mul3A_1775 = vector.broadcast %mul3A_1774 : i32 to vector<16xi32>
    %mul3A_1776 = arith.muli %get3A_1773, %mul3A_1775 : vector<16xi32>
    %add3A_1777 = arith.constant 1 : i32
    %add3A_1778 = vector.broadcast %add3A_1777 : i32 to vector<16xi32>
    %add3A_1779 = arith.addi %mul3A_1776, %add3A_1778 : vector<16xi32>
    %swap3A_1780 = arith.constant 3 : i32
    %swap3A_1781 = arith.constant 1 : i32
    %swap3A_1782 = arith.index_cast %swap3A_1780 : i32 to index
    %swap3A_1783 = arith.index_cast %swap3A_1781 : i32 to index
    %swap3A_1784 = arith.constant 0 : index
    %swap3A_1785 = tpu.vector_load %arg9[%swap3A_1782, %swap3A_1783, %swap3A_1784] {strides = array<i32>} : memref<5x4x128xi32, #tpu.memory_space<vmem>>, vector<1x1x16xi32>,
    %swap3A_1786 = vector.shape_cast %swap3A_1785 : vector<1x1x16xi32> to vector<16xi32>
    %swap3A_1787 = vector.shape_cast %add3A_1779 : vector<16xi32> to vector<1x1x16xi32>
    tpu.vector_store %arg9[%swap3A_1782, %swap3A_1783, %swap3A_1784], %swap3A_1787 {strides = array<i32>} : memref<5x4x128xi32, #tpu.memory_space<vmem>>, vector<1x1x16xi32>,
    %get3A_1788 = arith.constant 400 : index
    %get3A_1789 = tpu.vector_load %arg8[%get3A_1788] {strides = array<i32>} : memref<640xi32, #tpu.memory_space<vmem>>, vector<16xi32>,
    %get3A_1790 = vector.shape_cast %get3A_1789 : vector<16xi32> to vector<16xi32>
    %mul3A_1791 = arith.constant 4 : i32
    %mul3A_1792 = vector.broadcast %mul3A_1791 : i32 to vector<16xi32>
    %mul3A_1793 = arith.muli %get3A_1790, %mul3A_1792 : vector<16xi32>
    %add3A_1794 = arith.constant 1 : i32
    %add3A_1795 = vector.broadcast %add3A_1794 : i32 to vector<16xi32>
    %add3A_1796 = arith.addi %mul3A_1793, %add3A_1795 : vector<16xi32>
    %swap3A_1797 = arith.constant 3 : i32
    %swap3A_1798 = arith.constant 1 : i32
    %swap3A_1799 = arith.index_cast %swap3A_1797 : i32 to index
    %swap3A_1800 = arith.index_cast %swap3A_1798 : i32 to index
    %swap3A_1801 = arith.constant 16 : index
    %swap3A_1802 = tpu.vector_load %arg9[%swap3A_1799, %swap3A_1800, %swap3A_1801] {strides = array<i32>} : memref<5x4x128xi32, #tpu.memory_space<vmem>>, vector<1x1x16xi32>,
    %swap3A_1803 = vector.shape_cast %swap3A_1802 : vector<1x1x16xi32> to vector<16xi32>
    %swap3A_1804 = vector.shape_cast %add3A_1796 : vector<16xi32> to vector<1x1x16xi32>
    tpu.vector_store %arg9[%swap3A_1799, %swap3A_1800, %swap3A_1801], %swap3A_1804 {strides = array<i32>} : memref<5x4x128xi32, #tpu.memory_space<vmem>>, vector<1x1x16xi32>,
    %get3A_1805 = arith.constant 416 : index
    %get3A_1806 = tpu.vector_load %arg8[%get3A_1805] {strides = array<i32>} : memref<640xi32, #tpu.memory_space<vmem>>, vector<16xi32>,
    %get3A_1807 = vector.shape_cast %get3A_1806 : vector<16xi32> to vector<16xi32>
    %mul3A_1808 = arith.constant 4 : i32
    %mul3A_1809 = vector.broadcast %mul3A_1808 : i32 to vector<16xi32>
    %mul3A_1810 = arith.muli %get3A_1807, %mul3A_1809 : vector<16xi32>
    %add3A_1811 = arith.constant 1 : i32
    %add3A_1812 = vector.broadcast %add3A_1811 : i32 to vector<16xi32>
    %add3A_1813 = arith.addi %mul3A_1810, %add3A_1812 : vector<16xi32>
    %swap3A_1814 = arith.constant 3 : i32
    %swap3A_1815 = arith.constant 1 : i32
    %swap3A_1816 = arith.index_cast %swap3A_1814 : i32 to index
    %swap3A_1817 = arith.index_cast %swap3A_1815 : i32 to index
    %swap3A_1818 = arith.constant 32 : index
    %swap3A_1819 = tpu.vector_load %arg9[%swap3A_1816, %swap3A_1817, %swap3A_1818] {strides = array<i32>} : memref<5x4x128xi32, #tpu.memory_space<vmem>>, vector<1x1x16xi32>,
    %swap3A_1820 = vector.shape_cast %swap3A_1819 : vector<1x1x16xi32> to vector<16xi32>
    %swap3A_1821 = vector.shape_cast %add3A_1813 : vector<16xi32> to vector<1x1x16xi32>
    tpu.vector_store %arg9[%swap3A_1816, %swap3A_1817, %swap3A_1818], %swap3A_1821 {strides = array<i32>} : memref<5x4x128xi32, #tpu.memory_space<vmem>>, vector<1x1x16xi32>,
    %get3A_1822 = arith.constant 432 : index
    %get3A_1823 = tpu.vector_load %arg8[%get3A_1822] {strides = array<i32>} : memref<640xi32, #tpu.memory_space<vmem>>, vector<16xi32>,
    %get3A_1824 = vector.shape_cast %get3A_1823 : vector<16xi32> to vector<16xi32>
    %mul3A_1825 = arith.constant 4 : i32
    %mul3A_1826 = vector.broadcast %mul3A_1825 : i32 to vector<16xi32>
    %mul3A_1827 = arith.muli %get3A_1824, %mul3A_1826 : vector<16xi32>
    %add3A_1828 = arith.constant 1 : i32
    %add3A_1829 = vector.broadcast %add3A_1828 : i32 to vector<16xi32>
    %add3A_1830 = arith.addi %mul3A_1827, %add3A_1829 : vector<16xi32>
    %swap3A_1831 = arith.constant 3 : i32
    %swap3A_1832 = arith.constant 1 : i32
    %swap3A_1833 = arith.index_cast %swap3A_1831 : i32 to index
    %swap3A_1834 = arith.index_cast %swap3A_1832 : i32 to index
    %swap3A_1835 = arith.constant 48 : index
    %swap3A_1836 = tpu.vector_load %arg9[%swap3A_1833, %swap3A_1834, %swap3A_1835] {strides = array<i32>} : memref<5x4x128xi32, #tpu.memory_space<vmem>>, vector<1x1x16xi32>,
    %swap3A_1837 = vector.shape_cast %swap3A_1836 : vector<1x1x16xi32> to vector<16xi32>
    %swap3A_1838 = vector.shape_cast %add3A_1830 : vector<16xi32> to vector<1x1x16xi32>
    tpu.vector_store %arg9[%swap3A_1833, %swap3A_1834, %swap3A_1835], %swap3A_1838 {strides = array<i32>} : memref<5x4x128xi32, #tpu.memory_space<vmem>>, vector<1x1x16xi32>,
    %get3A_1839 = arith.constant 448 : index
    %get3A_1840 = tpu.vector_load %arg8[%get3A_1839] {strides = array<i32>} : memref<640xi32, #tpu.memory_space<vmem>>, vector<16xi32>,
    %get3A_1841 = vector.shape_cast %get3A_1840 : vector<16xi32> to vector<16xi32>
    %mul3A_1842 = arith.constant 4 : i32
    %mul3A_1843 = vector.broadcast %mul3A_1842 : i32 to vector<16xi32>
    %mul3A_1844 = arith.muli %get3A_1841, %mul3A_1843 : vector<16xi32>
    %add3A_1845 = arith.constant 1 : i32
    %add3A_1846 = vector.broadcast %add3A_1845 : i32 to vector<16xi32>
    %add3A_1847 = arith.addi %mul3A_1844, %add3A_1846 : vector<16xi32>
    %swap3A_1848 = arith.constant 3 : i32
    %swap3A_1849 = arith.constant 1 : i32
    %swap3A_1850 = arith.index_cast %swap3A_1848 : i32 to index
    %swap3A_1851 = arith.index_cast %swap3A_1849 : i32 to index
    %swap3A_1852 = arith.constant 64 : index
    %swap3A_1853 = tpu.vector_load %arg9[%swap3A_1850, %swap3A_1851, %swap3A_1852] {strides = array<i32>} : memref<5x4x128xi32, #tpu.memory_space<vmem>>, vector<1x1x16xi32>,
    %swap3A_1854 = vector.shape_cast %swap3A_1853 : vector<1x1x16xi32> to vector<16xi32>
    %swap3A_1855 = vector.shape_cast %add3A_1847 : vector<16xi32> to vector<1x1x16xi32>
    tpu.vector_store %arg9[%swap3A_1850, %swap3A_1851, %swap3A_1852], %swap3A_1855 {strides = array<i32>} : memref<5x4x128xi32, #tpu.memory_space<vmem>>, vector<1x1x16xi32>,
    %get3A_1856 = arith.constant 464 : index
    %get3A_1857 = tpu.vector_load %arg8[%get3A_1856] {strides = array<i32>} : memref<640xi32, #tpu.memory_space<vmem>>, vector<16xi32>,
    %get3A_1858 = vector.shape_cast %get3A_1857 : vector<16xi32> to vector<16xi32>
    %mul3A_1859 = arith.constant 4 : i32
    %mul3A_1860 = vector.broadcast %mul3A_1859 : i32 to vector<16xi32>
    %mul3A_1861 = arith.muli %get3A_1858, %mul3A_1860 : vector<16xi32>
    %add3A_1862 = arith.constant 1 : i32
    %add3A_1863 = vector.broadcast %add3A_1862 : i32 to vector<16xi32>
    %add3A_1864 = arith.addi %mul3A_1861, %add3A_1863 : vector<16xi32>
    %swap3A_1865 = arith.constant 3 : i32
    %swap3A_1866 = arith.constant 1 : i32
    %swap3A_1867 = arith.index_cast %swap3A_1865 : i32 to index
    %swap3A_1868 = arith.index_cast %swap3A_1866 : i32 to index
    %swap3A_1869 = arith.constant 80 : index
    %swap3A_1870 = tpu.vector_load %arg9[%swap3A_1867, %swap3A_1868, %swap3A_1869] {strides = array<i32>} : memref<5x4x128xi32, #tpu.memory_space<vmem>>, vector<1x1x16xi32>,
    %swap3A_1871 = vector.shape_cast %swap3A_1870 : vector<1x1x16xi32> to vector<16xi32>
    %swap3A_1872 = vector.shape_cast %add3A_1864 : vector<16xi32> to vector<1x1x16xi32>
    tpu.vector_store %arg9[%swap3A_1867, %swap3A_1868, %swap3A_1869], %swap3A_1872 {strides = array<i32>} : memref<5x4x128xi32, #tpu.memory_space<vmem>>, vector<1x1x16xi32>,
    %get3A_1873 = arith.constant 480 : index
    %get3A_1874 = tpu.vector_load %arg8[%get3A_1873] {strides = array<i32>} : memref<640xi32, #tpu.memory_space<vmem>>, vector<16xi32>,
    %get3A_1875 = vector.shape_cast %get3A_1874 : vector<16xi32> to vector<16xi32>
    %mul3A_1876 = arith.constant 4 : i32
    %mul3A_1877 = vector.broadcast %mul3A_1876 : i32 to vector<16xi32>
    %mul3A_1878 = arith.muli %get3A_1875, %mul3A_1877 : vector<16xi32>
    %add3A_1879 = arith.constant 1 : i32
    %add3A_1880 = vector.broadcast %add3A_1879 : i32 to vector<16xi32>
    %add3A_1881 = arith.addi %mul3A_1878, %add3A_1880 : vector<16xi32>
    %swap3A_1882 = arith.constant 3 : i32
    %swap3A_1883 = arith.constant 1 : i32
    %swap3A_1884 = arith.index_cast %swap3A_1882 : i32 to index
    %swap3A_1885 = arith.index_cast %swap3A_1883 : i32 to index
    %swap3A_1886 = arith.constant 96 : index
    %swap3A_1887 = tpu.vector_load %arg9[%swap3A_1884, %swap3A_1885, %swap3A_1886] {strides = array<i32>} : memref<5x4x128xi32, #tpu.memory_space<vmem>>, vector<1x1x16xi32>,
    %swap3A_1888 = vector.shape_cast %swap3A_1887 : vector<1x1x16xi32> to vector<16xi32>
    %swap3A_1889 = vector.shape_cast %add3A_1881 : vector<16xi32> to vector<1x1x16xi32>
    tpu.vector_store %arg9[%swap3A_1884, %swap3A_1885, %swap3A_1886], %swap3A_1889 {strides = array<i32>} : memref<5x4x128xi32, #tpu.memory_space<vmem>>, vector<1x1x16xi32>,
    %get3A_1890 = arith.constant 496 : index
    %get3A_1891 = tpu.vector_load %arg8[%get3A_1890] {strides = array<i32>} : memref<640xi32, #tpu.memory_space<vmem>>, vector<16xi32>,
    %get3A_1892 = vector.shape_cast %get3A_1891 : vector<16xi32> to vector<16xi32>
    %mul3A_1893 = arith.constant 4 : i32
    %mul3A_1894 = vector.broadcast %mul3A_1893 : i32 to vector<16xi32>
    %mul3A_1895 = arith.muli %get3A_1892, %mul3A_1894 : vector<16xi32>
    %add3A_1896 = arith.constant 1 : i32
    %add3A_1897 = vector.broadcast %add3A_1896 : i32 to vector<16xi32>
    %add3A_1898 = arith.addi %mul3A_1895, %add3A_1897 : vector<16xi32>
    %swap3A_1899 = arith.constant 3 : i32
    %swap3A_1900 = arith.constant 1 : i32
    %swap3A_1901 = arith.index_cast %swap3A_1899 : i32 to index
    %swap3A_1902 = arith.index_cast %swap3A_1900 : i32 to index
    %swap3A_1903 = arith.constant 112 : index
    %swap3A_1904 = tpu.vector_load %arg9[%swap3A_1901, %swap3A_1902, %swap3A_1903] {strides = array<i32>} : memref<5x4x128xi32, #tpu.memory_space<vmem>>, vector<1x1x16xi32>,
    %swap3A_1905 = vector.shape_cast %swap3A_1904 : vector<1x1x16xi32> to vector<16xi32>
    %swap3A_1906 = vector.shape_cast %add3A_1898 : vector<16xi32> to vector<1x1x16xi32>
    tpu.vector_store %arg9[%swap3A_1901, %swap3A_1902, %swap3A_1903], %swap3A_1906 {strides = array<i32>} : memref<5x4x128xi32, #tpu.memory_space<vmem>>, vector<1x1x16xi32>,
    %get3A_1907 = arith.constant 384 : index
    %get3A_1908 = tpu.vector_load %arg8[%get3A_1907] {strides = array<i32>} : memref<640xi32, #tpu.memory_space<vmem>>, vector<16xi32>,
    %get3A_1909 = vector.shape_cast %get3A_1908 : vector<16xi32> to vector<16xi32>
    %mul3A_1910 = arith.constant 4 : i32
    %mul3A_1911 = vector.broadcast %mul3A_1910 : i32 to vector<16xi32>
    %mul3A_1912 = arith.muli %get3A_1909, %mul3A_1911 : vector<16xi32>
    %add3A_1913 = arith.constant 2 : i32
    %add3A_1914 = vector.broadcast %add3A_1913 : i32 to vector<16xi32>
    %add3A_1915 = arith.addi %mul3A_1912, %add3A_1914 : vector<16xi32>
    %swap3A_1916 = arith.constant 3 : i32
    %swap3A_1917 = arith.constant 2 : i32
    %swap3A_1918 = arith.index_cast %swap3A_1916 : i32 to index
    %swap3A_1919 = arith.index_cast %swap3A_1917 : i32 to index
    %swap3A_1920 = arith.constant 0 : index
    %swap3A_1921 = tpu.vector_load %arg9[%swap3A_1918, %swap3A_1919, %swap3A_1920] {strides = array<i32>} : memref<5x4x128xi32, #tpu.memory_space<vmem>>, vector<1x1x16xi32>,
    %swap3A_1922 = vector.shape_cast %swap3A_1921 : vector<1x1x16xi32> to vector<16xi32>
    %swap3A_1923 = vector.shape_cast %add3A_1915 : vector<16xi32> to vector<1x1x16xi32>
    tpu.vector_store %arg9[%swap3A_1918, %swap3A_1919, %swap3A_1920], %swap3A_1923 {strides = array<i32>} : memref<5x4x128xi32, #tpu.memory_space<vmem>>, vector<1x1x16xi32>,
    %get3A_1924 = arith.constant 400 : index
    %get3A_1925 = tpu.vector_load %arg8[%get3A_1924] {strides = array<i32>} : memref<640xi32, #tpu.memory_space<vmem>>, vector<16xi32>,
    %get3A_1926 = vector.shape_cast %get3A_1925 : vector<16xi32> to vector<16xi32>
    %mul3A_1927 = arith.constant 4 : i32
    %mul3A_1928 = vector.broadcast %mul3A_1927 : i32 to vector<16xi32>
    %mul3A_1929 = arith.muli %get3A_1926, %mul3A_1928 : vector<16xi32>
    %add3A_1930 = arith.constant 2 : i32
    %add3A_1931 = vector.broadcast %add3A_1930 : i32 to vector<16xi32>
    %add3A_1932 = arith.addi %mul3A_1929, %add3A_1931 : vector<16xi32>
    %swap3A_1933 = arith.constant 3 : i32
    %swap3A_1934 = arith.constant 2 : i32
    %swap3A_1935 = arith.index_cast %swap3A_1933 : i32 to index
    %swap3A_1936 = arith.index_cast %swap3A_1934 : i32 to index
    %swap3A_1937 = arith.constant 16 : index
    %swap3A_1938 = tpu.vector_load %arg9[%swap3A_1935, %swap3A_1936, %swap3A_1937] {strides = array<i32>} : memref<5x4x128xi32, #tpu.memory_space<vmem>>, vector<1x1x16xi32>,
    %swap3A_1939 = vector.shape_cast %swap3A_1938 : vector<1x1x16xi32> to vector<16xi32>
    %swap3A_1940 = vector.shape_cast %add3A_1932 : vector<16xi32> to vector<1x1x16xi32>
    tpu.vector_store %arg9[%swap3A_1935, %swap3A_1936, %swap3A_1937], %swap3A_1940 {strides = array<i32>} : memref<5x4x128xi32, #tpu.memory_space<vmem>>, vector<1x1x16xi32>,
    %get3A_1941 = arith.constant 416 : index
    %get3A_1942 = tpu.vector_load %arg8[%get3A_1941] {strides = array<i32>} : memref<640xi32, #tpu.memory_space<vmem>>, vector<16xi32>,
    %get3A_1943 = vector.shape_cast %get3A_1942 : vector<16xi32> to vector<16xi32>
    %mul3A_1944 = arith.constant 4 : i32
    %mul3A_1945 = vector.broadcast %mul3A_1944 : i32 to vector<16xi32>
    %mul3A_1946 = arith.muli %get3A_1943, %mul3A_1945 : vector<16xi32>
    %add3A_1947 = arith.constant 2 : i32
    %add3A_1948 = vector.broadcast %add3A_1947 : i32 to vector<16xi32>
    %add3A_1949 = arith.addi %mul3A_1946, %add3A_1948 : vector<16xi32>
    %swap3A_1950 = arith.constant 3 : i32
    %swap3A_1951 = arith.constant 2 : i32
    %swap3A_1952 = arith.index_cast %swap3A_1950 : i32 to index
    %swap3A_1953 = arith.index_cast %swap3A_1951 : i32 to index
    %swap3A_1954 = arith.constant 32 : index
    %swap3A_1955 = tpu.vector_load %arg9[%swap3A_1952, %swap3A_1953, %swap3A_1954] {strides = array<i32>} : memref<5x4x128xi32, #tpu.memory_space<vmem>>, vector<1x1x16xi32>,
    %swap3A_1956 = vector.shape_cast %swap3A_1955 : vector<1x1x16xi32> to vector<16xi32>
    %swap3A_1957 = vector.shape_cast %add3A_1949 : vector<16xi32> to vector<1x1x16xi32>
    tpu.vector_store %arg9[%swap3A_1952, %swap3A_1953, %swap3A_1954], %swap3A_1957 {strides = array<i32>} : memref<5x4x128xi32, #tpu.memory_space<vmem>>, vector<1x1x16xi32>,
    %get3A_1958 = arith.constant 432 : index
    %get3A_1959 = tpu.vector_load %arg8[%get3A_1958] {strides = array<i32>} : memref<640xi32, #tpu.memory_space<vmem>>, vector<16xi32>,
    %get3A_1960 = vector.shape_cast %get3A_1959 : vector<16xi32> to vector<16xi32>
    %mul3A_1961 = arith.constant 4 : i32
    %mul3A_1962 = vector.broadcast %mul3A_1961 : i32 to vector<16xi32>
    %mul3A_1963 = arith.muli %get3A_1960, %mul3A_1962 : vector<16xi32>
    %add3A_1964 = arith.constant 2 : i32
    %add3A_1965 = vector.broadcast %add3A_1964 : i32 to vector<16xi32>
    %add3A_1966 = arith.addi %mul3A_1963, %add3A_1965 : vector<16xi32>
    %swap3A_1967 = arith.constant 3 : i32
    %swap3A_1968 = arith.constant 2 : i32
    %swap3A_1969 = arith.index_cast %swap3A_1967 : i32 to index
    %swap3A_1970 = arith.index_cast %swap3A_1968 : i32 to index
    %swap3A_1971 = arith.constant 48 : index
    %swap3A_1972 = tpu.vector_load %arg9[%swap3A_1969, %swap3A_1970, %swap3A_1971] {strides = array<i32>} : memref<5x4x128xi32, #tpu.memory_space<vmem>>, vector<1x1x16xi32>,
    %swap3A_1973 = vector.shape_cast %swap3A_1972 : vector<1x1x16xi32> to vector<16xi32>
    %swap3A_1974 = vector.shape_cast %add3A_1966 : vector<16xi32> to vector<1x1x16xi32>
    tpu.vector_store %arg9[%swap3A_1969, %swap3A_1970, %swap3A_1971], %swap3A_1974 {strides = array<i32>} : memref<5x4x128xi32, #tpu.memory_space<vmem>>, vector<1x1x16xi32>,
    %get3A_1975 = arith.constant 448 : index
    %get3A_1976 = tpu.vector_load %arg8[%get3A_1975] {strides = array<i32>} : memref<640xi32, #tpu.memory_space<vmem>>, vector<16xi32>,
    %get3A_1977 = vector.shape_cast %get3A_1976 : vector<16xi32> to vector<16xi32>
    %mul3A_1978 = arith.constant 4 : i32
    %mul3A_1979 = vector.broadcast %mul3A_1978 : i32 to vector<16xi32>
    %mul3A_1980 = arith.muli %get3A_1977, %mul3A_1979 : vector<16xi32>
    %add3A_1981 = arith.constant 2 : i32
    %add3A_1982 = vector.broadcast %add3A_1981 : i32 to vector<16xi32>
    %add3A_1983 = arith.addi %mul3A_1980, %add3A_1982 : vector<16xi32>
    %swap3A_1984 = arith.constant 3 : i32
    %swap3A_1985 = arith.constant 2 : i32
    %swap3A_1986 = arith.index_cast %swap3A_1984 : i32 to index
    %swap3A_1987 = arith.index_cast %swap3A_1985 : i32 to index
    %swap3A_1988 = arith.constant 64 : index
    %swap3A_1989 = tpu.vector_load %arg9[%swap3A_1986, %swap3A_1987, %swap3A_1988] {strides = array<i32>} : memref<5x4x128xi32, #tpu.memory_space<vmem>>, vector<1x1x16xi32>,
    %swap3A_1990 = vector.shape_cast %swap3A_1989 : vector<1x1x16xi32> to vector<16xi32>
    %swap3A_1991 = vector.shape_cast %add3A_1983 : vector<16xi32> to vector<1x1x16xi32>
    tpu.vector_store %arg9[%swap3A_1986, %swap3A_1987, %swap3A_1988], %swap3A_1991 {strides = array<i32>} : memref<5x4x128xi32, #tpu.memory_space<vmem>>, vector<1x1x16xi32>,
    %get3A_1992 = arith.constant 464 : index
    %get3A_1993 = tpu.vector_load %arg8[%get3A_1992] {strides = array<i32>} : memref<640xi32, #tpu.memory_space<vmem>>, vector<16xi32>,
    %get3A_1994 = vector.shape_cast %get3A_1993 : vector<16xi32> to vector<16xi32>
    %mul3A_1995 = arith.constant 4 : i32
    %mul3A_1996 = vector.broadcast %mul3A_1995 : i32 to vector<16xi32>
    %mul3A_1997 = arith.muli %get3A_1994, %mul3A_1996 : vector<16xi32>
    %add3A_1998 = arith.constant 2 : i32
    %add3A_1999 = vector.broadcast %add3A_1998 : i32 to vector<16xi32>
    %add3A_2000 = arith.addi %mul3A_1997, %add3A_1999 : vector<16xi32>
    %swap3A_2001 = arith.constant 3 : i32
    %swap3A_2002 = arith.constant 2 : i32
    %swap3A_2003 = arith.index_cast %swap3A_2001 : i32 to index
    %swap3A_2004 = arith.index_cast %swap3A_2002 : i32 to index
    %swap3A_2005 = arith.constant 80 : index
    %swap3A_2006 = tpu.vector_load %arg9[%swap3A_2003, %swap3A_2004, %swap3A_2005] {strides = array<i32>} : memref<5x4x128xi32, #tpu.memory_space<vmem>>, vector<1x1x16xi32>,
    %swap3A_2007 = vector.shape_cast %swap3A_2006 : vector<1x1x16xi32> to vector<16xi32>
    %swap3A_2008 = vector.shape_cast %add3A_2000 : vector<16xi32> to vector<1x1x16xi32>
    tpu.vector_store %arg9[%swap3A_2003, %swap3A_2004, %swap3A_2005], %swap3A_2008 {strides = array<i32>} : memref<5x4x128xi32, #tpu.memory_space<vmem>>, vector<1x1x16xi32>,
    %get3A_2009 = arith.constant 480 : index
    %get3A_2010 = tpu.vector_load %arg8[%get3A_2009] {strides = array<i32>} : memref<640xi32, #tpu.memory_space<vmem>>, vector<16xi32>,
    %get3A_2011 = vector.shape_cast %get3A_2010 : vector<16xi32> to vector<16xi32>
    %mul3A_2012 = arith.constant 4 : i32
    %mul3A_2013 = vector.broadcast %mul3A_2012 : i32 to vector<16xi32>
    %mul3A_2014 = arith.muli %get3A_2011, %mul3A_2013 : vector<16xi32>
    %add3A_2015 = arith.constant 2 : i32
    %add3A_2016 = vector.broadcast %add3A_2015 : i32 to vector<16xi32>
    %add3A_2017 = arith.addi %mul3A_2014, %add3A_2016 : vector<16xi32>
    %swap3A_2018 = arith.constant 3 : i32
    %swap3A_2019 = arith.constant 2 : i32
    %swap3A_2020 = arith.index_cast %swap3A_2018 : i32 to index
    %swap3A_2021 = arith.index_cast %swap3A_2019 : i32 to index
    %swap3A_2022 = arith.constant 96 : index
    %swap3A_2023 = tpu.vector_load %arg9[%swap3A_2020, %swap3A_2021, %swap3A_2022] {strides = array<i32>} : memref<5x4x128xi32, #tpu.memory_space<vmem>>, vector<1x1x16xi32>,
    %swap3A_2024 = vector.shape_cast %swap3A_2023 : vector<1x1x16xi32> to vector<16xi32>
    %swap3A_2025 = vector.shape_cast %add3A_2017 : vector<16xi32> to vector<1x1x16xi32>
    tpu.vector_store %arg9[%swap3A_2020, %swap3A_2021, %swap3A_2022], %swap3A_2025 {strides = array<i32>} : memref<5x4x128xi32, #tpu.memory_space<vmem>>, vector<1x1x16xi32>,
    %get3A_2026 = arith.constant 496 : index
    %get3A_2027 = tpu.vector_load %arg8[%get3A_2026] {strides = array<i32>} : memref<640xi32, #tpu.memory_space<vmem>>, vector<16xi32>,
    %get3A_2028 = vector.shape_cast %get3A_2027 : vector<16xi32> to vector<16xi32>
    %mul3A_2029 = arith.constant 4 : i32
    %mul3A_2030 = vector.broadcast %mul3A_2029 : i32 to vector<16xi32>
    %mul3A_2031 = arith.muli %get3A_2028, %mul3A_2030 : vector<16xi32>
    %add3A_2032 = arith.constant 2 : i32
    %add3A_2033 = vector.broadcast %add3A_2032 : i32 to vector<16xi32>
    %add3A_2034 = arith.addi %mul3A_2031, %add3A_2033 : vector<16xi32>
    %swap3A_2035 = arith.constant 3 : i32
    %swap3A_2036 = arith.constant 2 : i32
    %swap3A_2037 = arith.index_cast %swap3A_2035 : i32 to index
    %swap3A_2038 = arith.index_cast %swap3A_2036 : i32 to index
    %swap3A_2039 = arith.constant 112 : index
    %swap3A_2040 = tpu.vector_load %arg9[%swap3A_2037, %swap3A_2038, %swap3A_2039] {strides = array<i32>} : memref<5x4x128xi32, #tpu.memory_space<vmem>>, vector<1x1x16xi32>,
    %swap3A_2041 = vector.shape_cast %swap3A_2040 : vector<1x1x16xi32> to vector<16xi32>
    %swap3A_2042 = vector.shape_cast %add3A_2034 : vector<16xi32> to vector<1x1x16xi32>
    tpu.vector_store %arg9[%swap3A_2037, %swap3A_2038, %swap3A_2039], %swap3A_2042 {strides = array<i32>} : memref<5x4x128xi32, #tpu.memory_space<vmem>>, vector<1x1x16xi32>,
    %get3A_2043 = arith.constant 384 : index
    %get3A_2044 = tpu.vector_load %arg8[%get3A_2043] {strides = array<i32>} : memref<640xi32, #tpu.memory_space<vmem>>, vector<16xi32>,
    %get3A_2045 = vector.shape_cast %get3A_2044 : vector<16xi32> to vector<16xi32>
    %mul3A_2046 = arith.constant 4 : i32
    %mul3A_2047 = vector.broadcast %mul3A_2046 : i32 to vector<16xi32>
    %mul3A_2048 = arith.muli %get3A_2045, %mul3A_2047 : vector<16xi32>
    %add3A_2049 = arith.constant 3 : i32
    %add3A_2050 = vector.broadcast %add3A_2049 : i32 to vector<16xi32>
    %add3A_2051 = arith.addi %mul3A_2048, %add3A_2050 : vector<16xi32>
    %swap3A_2052 = arith.constant 3 : i32
    %swap3A_2053 = arith.constant 3 : i32
    %swap3A_2054 = arith.index_cast %swap3A_2052 : i32 to index
    %swap3A_2055 = arith.index_cast %swap3A_2053 : i32 to index
    %swap3A_2056 = arith.constant 0 : index
    %swap3A_2057 = tpu.vector_load %arg9[%swap3A_2054, %swap3A_2055, %swap3A_2056] {strides = array<i32>} : memref<5x4x128xi32, #tpu.memory_space<vmem>>, vector<1x1x16xi32>,
    %swap3A_2058 = vector.shape_cast %swap3A_2057 : vector<1x1x16xi32> to vector<16xi32>
    %swap3A_2059 = vector.shape_cast %add3A_2051 : vector<16xi32> to vector<1x1x16xi32>
    tpu.vector_store %arg9[%swap3A_2054, %swap3A_2055, %swap3A_2056], %swap3A_2059 {strides = array<i32>} : memref<5x4x128xi32, #tpu.memory_space<vmem>>, vector<1x1x16xi32>,
    %get3A_2060 = arith.constant 400 : index
    %get3A_2061 = tpu.vector_load %arg8[%get3A_2060] {strides = array<i32>} : memref<640xi32, #tpu.memory_space<vmem>>, vector<16xi32>,
    %get3A_2062 = vector.shape_cast %get3A_2061 : vector<16xi32> to vector<16xi32>
    %mul3A_2063 = arith.constant 4 : i32
    %mul3A_2064 = vector.broadcast %mul3A_2063 : i32 to vector<16xi32>
    %mul3A_2065 = arith.muli %get3A_2062, %mul3A_2064 : vector<16xi32>
    %add3A_2066 = arith.constant 3 : i32
    %add3A_2067 = vector.broadcast %add3A_2066 : i32 to vector<16xi32>
    %add3A_2068 = arith.addi %mul3A_2065, %add3A_2067 : vector<16xi32>
    %swap3A_2069 = arith.constant 3 : i32
    %swap3A_2070 = arith.constant 3 : i32
    %swap3A_2071 = arith.index_cast %swap3A_2069 : i32 to index
    %swap3A_2072 = arith.index_cast %swap3A_2070 : i32 to index
    %swap3A_2073 = arith.constant 16 : index
    %swap3A_2074 = tpu.vector_load %arg9[%swap3A_2071, %swap3A_2072, %swap3A_2073] {strides = array<i32>} : memref<5x4x128xi32, #tpu.memory_space<vmem>>, vector<1x1x16xi32>,
    %swap3A_2075 = vector.shape_cast %swap3A_2074 : vector<1x1x16xi32> to vector<16xi32>
    %swap3A_2076 = vector.shape_cast %add3A_2068 : vector<16xi32> to vector<1x1x16xi32>
    tpu.vector_store %arg9[%swap3A_2071, %swap3A_2072, %swap3A_2073], %swap3A_2076 {strides = array<i32>} : memref<5x4x128xi32, #tpu.memory_space<vmem>>, vector<1x1x16xi32>,
    %get3A_2077 = arith.constant 416 : index
    %get3A_2078 = tpu.vector_load %arg8[%get3A_2077] {strides = array<i32>} : memref<640xi32, #tpu.memory_space<vmem>>, vector<16xi32>,
    %get3A_2079 = vector.shape_cast %get3A_2078 : vector<16xi32> to vector<16xi32>
    %mul3A_2080 = arith.constant 4 : i32
    %mul3A_2081 = vector.broadcast %mul3A_2080 : i32 to vector<16xi32>
    %mul3A_2082 = arith.muli %get3A_2079, %mul3A_2081 : vector<16xi32>
    %add3A_2083 = arith.constant 3 : i32
    %add3A_2084 = vector.broadcast %add3A_2083 : i32 to vector<16xi32>
    %add3A_2085 = arith.addi %mul3A_2082, %add3A_2084 : vector<16xi32>
    %swap3A_2086 = arith.constant 3 : i32
    %swap3A_2087 = arith.constant 3 : i32
    %swap3A_2088 = arith.index_cast %swap3A_2086 : i32 to index
    %swap3A_2089 = arith.index_cast %swap3A_2087 : i32 to index
    %swap3A_2090 = arith.constant 32 : index
    %swap3A_2091 = tpu.vector_load %arg9[%swap3A_2088, %swap3A_2089, %swap3A_2090] {strides = array<i32>} : memref<5x4x128xi32, #tpu.memory_space<vmem>>, vector<1x1x16xi32>,
    %swap3A_2092 = vector.shape_cast %swap3A_2091 : vector<1x1x16xi32> to vector<16xi32>
    %swap3A_2093 = vector.shape_cast %add3A_2085 : vector<16xi32> to vector<1x1x16xi32>
    tpu.vector_store %arg9[%swap3A_2088, %swap3A_2089, %swap3A_2090], %swap3A_2093 {strides = array<i32>} : memref<5x4x128xi32, #tpu.memory_space<vmem>>, vector<1x1x16xi32>,
    %get3A_2094 = arith.constant 432 : index
    %get3A_2095 = tpu.vector_load %arg8[%get3A_2094] {strides = array<i32>} : memref<640xi32, #tpu.memory_space<vmem>>, vector<16xi32>,
    %get3A_2096 = vector.shape_cast %get3A_2095 : vector<16xi32> to vector<16xi32>
    %mul3A_2097 = arith.constant 4 : i32
    %mul3A_2098 = vector.broadcast %mul3A_2097 : i32 to vector<16xi32>
    %mul3A_2099 = arith.muli %get3A_2096, %mul3A_2098 : vector<16xi32>
    %add3A_2100 = arith.constant 3 : i32
    %add3A_2101 = vector.broadcast %add3A_2100 : i32 to vector<16xi32>
    %add3A_2102 = arith.addi %mul3A_2099, %add3A_2101 : vector<16xi32>
    %swap3A_2103 = arith.constant 3 : i32
    %swap3A_2104 = arith.constant 3 : i32
    %swap3A_2105 = arith.index_cast %swap3A_2103 : i32 to index
    %swap3A_2106 = arith.index_cast %swap3A_2104 : i32 to index
    %swap3A_2107 = arith.constant 48 : index
    %swap3A_2108 = tpu.vector_load %arg9[%swap3A_2105, %swap3A_2106, %swap3A_2107] {strides = array<i32>} : memref<5x4x128xi32, #tpu.memory_space<vmem>>, vector<1x1x16xi32>,
    %swap3A_2109 = vector.shape_cast %swap3A_2108 : vector<1x1x16xi32> to vector<16xi32>
    %swap3A_2110 = vector.shape_cast %add3A_2102 : vector<16xi32> to vector<1x1x16xi32>
    tpu.vector_store %arg9[%swap3A_2105, %swap3A_2106, %swap3A_2107], %swap3A_2110 {strides = array<i32>} : memref<5x4x128xi32, #tpu.memory_space<vmem>>, vector<1x1x16xi32>,
    %get3A_2111 = arith.constant 448 : index
    %get3A_2112 = tpu.vector_load %arg8[%get3A_2111] {strides = array<i32>} : memref<640xi32, #tpu.memory_space<vmem>>, vector<16xi32>,
    %get3A_2113 = vector.shape_cast %get3A_2112 : vector<16xi32> to vector<16xi32>
    %mul3A_2114 = arith.constant 4 : i32
    %mul3A_2115 = vector.broadcast %mul3A_2114 : i32 to vector<16xi32>
    %mul3A_2116 = arith.muli %get3A_2113, %mul3A_2115 : vector<16xi32>
    %add3A_2117 = arith.constant 3 : i32
    %add3A_2118 = vector.broadcast %add3A_2117 : i32 to vector<16xi32>
    %add3A_2119 = arith.addi %mul3A_2116, %add3A_2118 : vector<16xi32>
    %swap3A_2120 = arith.constant 3 : i32
    %swap3A_2121 = arith.constant 3 : i32
    %swap3A_2122 = arith.index_cast %swap3A_2120 : i32 to index
    %swap3A_2123 = arith.index_cast %swap3A_2121 : i32 to index
    %swap3A_2124 = arith.constant 64 : index
    %swap3A_2125 = tpu.vector_load %arg9[%swap3A_2122, %swap3A_2123, %swap3A_2124] {strides = array<i32>} : memref<5x4x128xi32, #tpu.memory_space<vmem>>, vector<1x1x16xi32>,
    %swap3A_2126 = vector.shape_cast %swap3A_2125 : vector<1x1x16xi32> to vector<16xi32>
    %swap3A_2127 = vector.shape_cast %add3A_2119 : vector<16xi32> to vector<1x1x16xi32>
    tpu.vector_store %arg9[%swap3A_2122, %swap3A_2123, %swap3A_2124], %swap3A_2127 {strides = array<i32>} : memref<5x4x128xi32, #tpu.memory_space<vmem>>, vector<1x1x16xi32>,
    %get3A_2128 = arith.constant 464 : index
    %get3A_2129 = tpu.vector_load %arg8[%get3A_2128] {strides = array<i32>} : memref<640xi32, #tpu.memory_space<vmem>>, vector<16xi32>,
    %get3A_2130 = vector.shape_cast %get3A_2129 : vector<16xi32> to vector<16xi32>
    %mul3A_2131 = arith.constant 4 : i32
    %mul3A_2132 = vector.broadcast %mul3A_2131 : i32 to vector<16xi32>
    %mul3A_2133 = arith.muli %get3A_2130, %mul3A_2132 : vector<16xi32>
    %add3A_2134 = arith.constant 3 : i32
    %add3A_2135 = vector.broadcast %add3A_2134 : i32 to vector<16xi32>
    %add3A_2136 = arith.addi %mul3A_2133, %add3A_2135 : vector<16xi32>
    %swap3A_2137 = arith.constant 3 : i32
    %swap3A_2138 = arith.constant 3 : i32
    %swap3A_2139 = arith.index_cast %swap3A_2137 : i32 to index
    %swap3A_2140 = arith.index_cast %swap3A_2138 : i32 to index
    %swap3A_2141 = arith.constant 80 : index
    %swap3A_2142 = tpu.vector_load %arg9[%swap3A_2139, %swap3A_2140, %swap3A_2141] {strides = array<i32>} : memref<5x4x128xi32, #tpu.memory_space<vmem>>, vector<1x1x16xi32>,
    %swap3A_2143 = vector.shape_cast %swap3A_2142 : vector<1x1x16xi32> to vector<16xi32>
    %swap3A_2144 = vector.shape_cast %add3A_2136 : vector<16xi32> to vector<1x1x16xi32>
    tpu.vector_store %arg9[%swap3A_2139, %swap3A_2140, %swap3A_2141], %swap3A_2144 {strides = array<i32>} : memref<5x4x128xi32, #tpu.memory_space<vmem>>, vector<1x1x16xi32>,
    %get3A_2145 = arith.constant 480 : index
    %get3A_2146 = tpu.vector_load %arg8[%get3A_2145] {strides = array<i32>} : memref<640xi32, #tpu.memory_space<vmem>>, vector<16xi32>,
    %get3A_2147 = vector.shape_cast %get3A_2146 : vector<16xi32> to vector<16xi32>
    %mul3A_2148 = arith.constant 4 : i32
    %mul3A_2149 = vector.broadcast %mul3A_2148 : i32 to vector<16xi32>
    %mul3A_2150 = arith.muli %get3A_2147, %mul3A_2149 : vector<16xi32>
    %add3A_2151 = arith.constant 3 : i32
    %add3A_2152 = vector.broadcast %add3A_2151 : i32 to vector<16xi32>
    %add3A_2153 = arith.addi %mul3A_2150, %add3A_2152 : vector<16xi32>
    %swap3A_2154 = arith.constant 3 : i32
    %swap3A_2155 = arith.constant 3 : i32
    %swap3A_2156 = arith.index_cast %swap3A_2154 : i32 to index
    %swap3A_2157 = arith.index_cast %swap3A_2155 : i32 to index
    %swap3A_2158 = arith.constant 96 : index
    %swap3A_2159 = tpu.vector_load %arg9[%swap3A_2156, %swap3A_2157, %swap3A_2158] {strides = array<i32>} : memref<5x4x128xi32, #tpu.memory_space<vmem>>, vector<1x1x16xi32>,
    %swap3A_2160 = vector.shape_cast %swap3A_2159 : vector<1x1x16xi32> to vector<16xi32>
    %swap3A_2161 = vector.shape_cast %add3A_2153 : vector<16xi32> to vector<1x1x16xi32>
    tpu.vector_store %arg9[%swap3A_2156, %swap3A_2157, %swap3A_2158], %swap3A_2161 {strides = array<i32>} : memref<5x4x128xi32, #tpu.memory_space<vmem>>, vector<1x1x16xi32>,
    %get3A_2162 = arith.constant 496 : index
    %get3A_2163 = tpu.vector_load %arg8[%get3A_2162] {strides = array<i32>} : memref<640xi32, #tpu.memory_space<vmem>>, vector<16xi32>,
    %get3A_2164 = vector.shape_cast %get3A_2163 : vector<16xi32> to vector<16xi32>
    %mul3A_2165 = arith.constant 4 : i32
    %mul3A_2166 = vector.broadcast %mul3A_2165 : i32 to vector<16xi32>
    %mul3A_2167 = arith.muli %get3A_2164, %mul3A_2166 : vector<16xi32>
    %add3A_2168 = arith.constant 3 : i32
    %add3A_2169 = vector.broadcast %add3A_2168 : i32 to vector<16xi32>
    %add3A_2170 = arith.addi %mul3A_2167, %add3A_2169 : vector<16xi32>
    %swap3A_2171 = arith.constant 3 : i32
    %swap3A_2172 = arith.constant 3 : i32
    %swap3A_2173 = arith.index_cast %swap3A_2171 : i32 to index
    %swap3A_2174 = arith.index_cast %swap3A_2172 : i32 to index
    %swap3A_2175 = arith.constant 112 : index
    %swap3A_2176 = tpu.vector_load %arg9[%swap3A_2173, %swap3A_2174, %swap3A_2175] {strides = array<i32>} : memref<5x4x128xi32, #tpu.memory_space<vmem>>, vector<1x1x16xi32>,
    %swap3A_2177 = vector.shape_cast %swap3A_2176 : vector<1x1x16xi32> to vector<16xi32>
    %swap3A_2178 = vector.shape_cast %add3A_2170 : vector<16xi32> to vector<1x1x16xi32>
    tpu.vector_store %arg9[%swap3A_2173, %swap3A_2174, %swap3A_2175], %swap3A_2178 {strides = array<i32>} : memref<5x4x128xi32, #tpu.memory_space<vmem>>, vector<1x1x16xi32>,
    %get3A_2179 = arith.constant 512 : index
    %get3A_2180 = tpu.vector_load %arg8[%get3A_2179] {strides = array<i32>} : memref<640xi32, #tpu.memory_space<vmem>>, vector<16xi32>,
    %get3A_2181 = vector.shape_cast %get3A_2180 : vector<16xi32> to vector<16xi32>
    %mul3A_2182 = arith.constant 4 : i32
    %mul3A_2183 = vector.broadcast %mul3A_2182 : i32 to vector<16xi32>
    %mul3A_2184 = arith.muli %get3A_2181, %mul3A_2183 : vector<16xi32>
    %add3A_2185 = arith.constant 0 : i32
    %add3A_2186 = vector.broadcast %add3A_2185 : i32 to vector<16xi32>
    %add3A_2187 = arith.addi %mul3A_2184, %add3A_2186 : vector<16xi32>
    %swap3A_2188 = arith.constant 4 : i32
    %swap3A_2189 = arith.constant 0 : i32
    %swap3A_2190 = arith.index_cast %swap3A_2188 : i32 to index
    %swap3A_2191 = arith.index_cast %swap3A_2189 : i32 to index
    %swap3A_2192 = arith.constant 0 : index
    %swap3A_2193 = tpu.vector_load %arg9[%swap3A_2190, %swap3A_2191, %swap3A_2192] {strides = array<i32>} : memref<5x4x128xi32, #tpu.memory_space<vmem>>, vector<1x1x16xi32>,
    %swap3A_2194 = vector.shape_cast %swap3A_2193 : vector<1x1x16xi32> to vector<16xi32>
    %swap3A_2195 = vector.shape_cast %add3A_2187 : vector<16xi32> to vector<1x1x16xi32>
    tpu.vector_store %arg9[%swap3A_2190, %swap3A_2191, %swap3A_2192], %swap3A_2195 {strides = array<i32>} : memref<5x4x128xi32, #tpu.memory_space<vmem>>, vector<1x1x16xi32>,
    %get3A_2196 = arith.constant 528 : index
    %get3A_2197 = tpu.vector_load %arg8[%get3A_2196] {strides = array<i32>} : memref<640xi32, #tpu.memory_space<vmem>>, vector<16xi32>,
    %get3A_2198 = vector.shape_cast %get3A_2197 : vector<16xi32> to vector<16xi32>
    %mul3A_2199 = arith.constant 4 : i32
    %mul3A_2200 = vector.broadcast %mul3A_2199 : i32 to vector<16xi32>
    %mul3A_2201 = arith.muli %get3A_2198, %mul3A_2200 : vector<16xi32>
    %add3A_2202 = arith.constant 0 : i32
    %add3A_2203 = vector.broadcast %add3A_2202 : i32 to vector<16xi32>
    %add3A_2204 = arith.addi %mul3A_2201, %add3A_2203 : vector<16xi32>
    %swap3A_2205 = arith.constant 4 : i32
    %swap3A_2206 = arith.constant 0 : i32
    %swap3A_2207 = arith.index_cast %swap3A_2205 : i32 to index
    %swap3A_2208 = arith.index_cast %swap3A_2206 : i32 to index
    %swap3A_2209 = arith.constant 16 : index
    %swap3A_2210 = tpu.vector_load %arg9[%swap3A_2207, %swap3A_2208, %swap3A_2209] {strides = array<i32>} : memref<5x4x128xi32, #tpu.memory_space<vmem>>, vector<1x1x16xi32>,
    %swap3A_2211 = vector.shape_cast %swap3A_2210 : vector<1x1x16xi32> to vector<16xi32>
    %swap3A_2212 = vector.shape_cast %add3A_2204 : vector<16xi32> to vector<1x1x16xi32>
    tpu.vector_store %arg9[%swap3A_2207, %swap3A_2208, %swap3A_2209], %swap3A_2212 {strides = array<i32>} : memref<5x4x128xi32, #tpu.memory_space<vmem>>, vector<1x1x16xi32>,
    %get3A_2213 = arith.constant 544 : index
    %get3A_2214 = tpu.vector_load %arg8[%get3A_2213] {strides = array<i32>} : memref<640xi32, #tpu.memory_space<vmem>>, vector<16xi32>,
    %get3A_2215 = vector.shape_cast %get3A_2214 : vector<16xi32> to vector<16xi32>
    %mul3A_2216 = arith.constant 4 : i32
    %mul3A_2217 = vector.broadcast %mul3A_2216 : i32 to vector<16xi32>
    %mul3A_2218 = arith.muli %get3A_2215, %mul3A_2217 : vector<16xi32>
    %add3A_2219 = arith.constant 0 : i32
    %add3A_2220 = vector.broadcast %add3A_2219 : i32 to vector<16xi32>
    %add3A_2221 = arith.addi %mul3A_2218, %add3A_2220 : vector<16xi32>
    %swap3A_2222 = arith.constant 4 : i32
    %swap3A_2223 = arith.constant 0 : i32
    %swap3A_2224 = arith.index_cast %swap3A_2222 : i32 to index
    %swap3A_2225 = arith.index_cast %swap3A_2223 : i32 to index
    %swap3A_2226 = arith.constant 32 : index
    %swap3A_2227 = tpu.vector_load %arg9[%swap3A_2224, %swap3A_2225, %swap3A_2226] {strides = array<i32>} : memref<5x4x128xi32, #tpu.memory_space<vmem>>, vector<1x1x16xi32>,
    %swap3A_2228 = vector.shape_cast %swap3A_2227 : vector<1x1x16xi32> to vector<16xi32>
    %swap3A_2229 = vector.shape_cast %add3A_2221 : vector<16xi32> to vector<1x1x16xi32>
    tpu.vector_store %arg9[%swap3A_2224, %swap3A_2225, %swap3A_2226], %swap3A_2229 {strides = array<i32>} : memref<5x4x128xi32, #tpu.memory_space<vmem>>, vector<1x1x16xi32>,
    %get3A_2230 = arith.constant 560 : index
    %get3A_2231 = tpu.vector_load %arg8[%get3A_2230] {strides = array<i32>} : memref<640xi32, #tpu.memory_space<vmem>>, vector<16xi32>,
    %get3A_2232 = vector.shape_cast %get3A_2231 : vector<16xi32> to vector<16xi32>
    %mul3A_2233 = arith.constant 4 : i32
    %mul3A_2234 = vector.broadcast %mul3A_2233 : i32 to vector<16xi32>
    %mul3A_2235 = arith.muli %get3A_2232, %mul3A_2234 : vector<16xi32>
    %add3A_2236 = arith.constant 0 : i32
    %add3A_2237 = vector.broadcast %add3A_2236 : i32 to vector<16xi32>
    %add3A_2238 = arith.addi %mul3A_2235, %add3A_2237 : vector<16xi32>
    %swap3A_2239 = arith.constant 4 : i32
    %swap3A_2240 = arith.constant 0 : i32
    %swap3A_2241 = arith.index_cast %swap3A_2239 : i32 to index
    %swap3A_2242 = arith.index_cast %swap3A_2240 : i32 to index
    %swap3A_2243 = arith.constant 48 : index
    %swap3A_2244 = tpu.vector_load %arg9[%swap3A_2241, %swap3A_2242, %swap3A_2243] {strides = array<i32>} : memref<5x4x128xi32, #tpu.memory_space<vmem>>, vector<1x1x16xi32>,
    %swap3A_2245 = vector.shape_cast %swap3A_2244 : vector<1x1x16xi32> to vector<16xi32>
    %swap3A_2246 = vector.shape_cast %add3A_2238 : vector<16xi32> to vector<1x1x16xi32>
    tpu.vector_store %arg9[%swap3A_2241, %swap3A_2242, %swap3A_2243], %swap3A_2246 {strides = array<i32>} : memref<5x4x128xi32, #tpu.memory_space<vmem>>, vector<1x1x16xi32>,
    %get3A_2247 = arith.constant 576 : index
    %get3A_2248 = tpu.vector_load %arg8[%get3A_2247] {strides = array<i32>} : memref<640xi32, #tpu.memory_space<vmem>>, vector<16xi32>,
    %get3A_2249 = vector.shape_cast %get3A_2248 : vector<16xi32> to vector<16xi32>
    %mul3A_2250 = arith.constant 4 : i32
    %mul3A_2251 = vector.broadcast %mul3A_2250 : i32 to vector<16xi32>
    %mul3A_2252 = arith.muli %get3A_2249, %mul3A_2251 : vector<16xi32>
    %add3A_2253 = arith.constant 0 : i32
    %add3A_2254 = vector.broadcast %add3A_2253 : i32 to vector<16xi32>
    %add3A_2255 = arith.addi %mul3A_2252, %add3A_2254 : vector<16xi32>
    %swap3A_2256 = arith.constant 4 : i32
    %swap3A_2257 = arith.constant 0 : i32
    %swap3A_2258 = arith.index_cast %swap3A_2256 : i32 to index
    %swap3A_2259 = arith.index_cast %swap3A_2257 : i32 to index
    %swap3A_2260 = arith.constant 64 : index
    %swap3A_2261 = tpu.vector_load %arg9[%swap3A_2258, %swap3A_2259, %swap3A_2260] {strides = array<i32>} : memref<5x4x128xi32, #tpu.memory_space<vmem>>, vector<1x1x16xi32>,
    %swap3A_2262 = vector.shape_cast %swap3A_2261 : vector<1x1x16xi32> to vector<16xi32>
    %swap3A_2263 = vector.shape_cast %add3A_2255 : vector<16xi32> to vector<1x1x16xi32>
    tpu.vector_store %arg9[%swap3A_2258, %swap3A_2259, %swap3A_2260], %swap3A_2263 {strides = array<i32>} : memref<5x4x128xi32, #tpu.memory_space<vmem>>, vector<1x1x16xi32>,
    %get3A_2264 = arith.constant 592 : index
    %get3A_2265 = tpu.vector_load %arg8[%get3A_2264] {strides = array<i32>} : memref<640xi32, #tpu.memory_space<vmem>>, vector<16xi32>,
    %get3A_2266 = vector.shape_cast %get3A_2265 : vector<16xi32> to vector<16xi32>
    %mul3A_2267 = arith.constant 4 : i32
    %mul3A_2268 = vector.broadcast %mul3A_2267 : i32 to vector<16xi32>
    %mul3A_2269 = arith.muli %get3A_2266, %mul3A_2268 : vector<16xi32>
    %add3A_2270 = arith.constant 0 : i32
    %add3A_2271 = vector.broadcast %add3A_2270 : i32 to vector<16xi32>
    %add3A_2272 = arith.addi %mul3A_2269, %add3A_2271 : vector<16xi32>
    %swap3A_2273 = arith.constant 4 : i32
    %swap3A_2274 = arith.constant 0 : i32
    %swap3A_2275 = arith.index_cast %swap3A_2273 : i32 to index
    %swap3A_2276 = arith.index_cast %swap3A_2274 : i32 to index
    %swap3A_2277 = arith.constant 80 : index
    %swap3A_2278 = tpu.vector_load %arg9[%swap3A_2275, %swap3A_2276, %swap3A_2277] {strides = array<i32>} : memref<5x4x128xi32, #tpu.memory_space<vmem>>, vector<1x1x16xi32>,
    %swap3A_2279 = vector.shape_cast %swap3A_2278 : vector<1x1x16xi32> to vector<16xi32>
    %swap3A_2280 = vector.shape_cast %add3A_2272 : vector<16xi32> to vector<1x1x16xi32>
    tpu.vector_store %arg9[%swap3A_2275, %swap3A_2276, %swap3A_2277], %swap3A_2280 {strides = array<i32>} : memref<5x4x128xi32, #tpu.memory_space<vmem>>, vector<1x1x16xi32>,
    %get3A_2281 = arith.constant 608 : index
    %get3A_2282 = tpu.vector_load %arg8[%get3A_2281] {strides = array<i32>} : memref<640xi32, #tpu.memory_space<vmem>>, vector<16xi32>,
    %get3A_2283 = vector.shape_cast %get3A_2282 : vector<16xi32> to vector<16xi32>
    %mul3A_2284 = arith.constant 4 : i32
    %mul3A_2285 = vector.broadcast %mul3A_2284 : i32 to vector<16xi32>
    %mul3A_2286 = arith.muli %get3A_2283, %mul3A_2285 : vector<16xi32>
    %add3A_2287 = arith.constant 0 : i32
    %add3A_2288 = vector.broadcast %add3A_2287 : i32 to vector<16xi32>
    %add3A_2289 = arith.addi %mul3A_2286, %add3A_2288 : vector<16xi32>
    %swap3A_2290 = arith.constant 4 : i32
    %swap3A_2291 = arith.constant 0 : i32
    %swap3A_2292 = arith.index_cast %swap3A_2290 : i32 to index
    %swap3A_2293 = arith.index_cast %swap3A_2291 : i32 to index
    %swap3A_2294 = arith.constant 96 : index
    %swap3A_2295 = tpu.vector_load %arg9[%swap3A_2292, %swap3A_2293, %swap3A_2294] {strides = array<i32>} : memref<5x4x128xi32, #tpu.memory_space<vmem>>, vector<1x1x16xi32>,
    %swap3A_2296 = vector.shape_cast %swap3A_2295 : vector<1x1x16xi32> to vector<16xi32>
    %swap3A_2297 = vector.shape_cast %add3A_2289 : vector<16xi32> to vector<1x1x16xi32>
    tpu.vector_store %arg9[%swap3A_2292, %swap3A_2293, %swap3A_2294], %swap3A_2297 {strides = array<i32>} : memref<5x4x128xi32, #tpu.memory_space<vmem>>, vector<1x1x16xi32>,
    %get3A_2298 = arith.constant 624 : index
    %get3A_2299 = tpu.vector_load %arg8[%get3A_2298] {strides = array<i32>} : memref<640xi32, #tpu.memory_space<vmem>>, vector<16xi32>,
    %get3A_2300 = vector.shape_cast %get3A_2299 : vector<16xi32> to vector<16xi32>
    %mul3A_2301 = arith.constant 4 : i32
    %mul3A_2302 = vector.broadcast %mul3A_2301 : i32 to vector<16xi32>
    %mul3A_2303 = arith.muli %get3A_2300, %mul3A_2302 : vector<16xi32>
    %add3A_2304 = arith.constant 0 : i32
    %add3A_2305 = vector.broadcast %add3A_2304 : i32 to vector<16xi32>
    %add3A_2306 = arith.addi %mul3A_2303, %add3A_2305 : vector<16xi32>
    %swap3A_2307 = arith.constant 4 : i32
    %swap3A_2308 = arith.constant 0 : i32
    %swap3A_2309 = arith.index_cast %swap3A_2307 : i32 to index
    %swap3A_2310 = arith.index_cast %swap3A_2308 : i32 to index
    %swap3A_2311 = arith.constant 112 : index
    %swap3A_2312 = tpu.vector_load %arg9[%swap3A_2309, %swap3A_2310, %swap3A_2311] {strides = array<i32>} : memref<5x4x128xi32, #tpu.memory_space<vmem>>, vector<1x1x16xi32>,
    %swap3A_2313 = vector.shape_cast %swap3A_2312 : vector<1x1x16xi32> to vector<16xi32>
    %swap3A_2314 = vector.shape_cast %add3A_2306 : vector<16xi32> to vector<1x1x16xi32>
    tpu.vector_store %arg9[%swap3A_2309, %swap3A_2310, %swap3A_2311], %swap3A_2314 {strides = array<i32>} : memref<5x4x128xi32, #tpu.memory_space<vmem>>, vector<1x1x16xi32>,
    %get3A_2315 = arith.constant 512 : index
    %get3A_2316 = tpu.vector_load %arg8[%get3A_2315] {strides = array<i32>} : memref<640xi32, #tpu.memory_space<vmem>>, vector<16xi32>,
    %get3A_2317 = vector.shape_cast %get3A_2316 : vector<16xi32> to vector<16xi32>
    %mul3A_2318 = arith.constant 4 : i32
    %mul3A_2319 = vector.broadcast %mul3A_2318 : i32 to vector<16xi32>
    %mul3A_2320 = arith.muli %get3A_2317, %mul3A_2319 : vector<16xi32>
    %add3A_2321 = arith.constant 1 : i32
    %add3A_2322 = vector.broadcast %add3A_2321 : i32 to vector<16xi32>
    %add3A_2323 = arith.addi %mul3A_2320, %add3A_2322 : vector<16xi32>
    %swap3A_2324 = arith.constant 4 : i32
    %swap3A_2325 = arith.constant 1 : i32
    %swap3A_2326 = arith.index_cast %swap3A_2324 : i32 to index
    %swap3A_2327 = arith.index_cast %swap3A_2325 : i32 to index
    %swap3A_2328 = arith.constant 0 : index
    %swap3A_2329 = tpu.vector_load %arg9[%swap3A_2326, %swap3A_2327, %swap3A_2328] {strides = array<i32>} : memref<5x4x128xi32, #tpu.memory_space<vmem>>, vector<1x1x16xi32>,
    %swap3A_2330 = vector.shape_cast %swap3A_2329 : vector<1x1x16xi32> to vector<16xi32>
    %swap3A_2331 = vector.shape_cast %add3A_2323 : vector<16xi32> to vector<1x1x16xi32>
    tpu.vector_store %arg9[%swap3A_2326, %swap3A_2327, %swap3A_2328], %swap3A_2331 {strides = array<i32>} : memref<5x4x128xi32, #tpu.memory_space<vmem>>, vector<1x1x16xi32>,
    %get3A_2332 = arith.constant 528 : index
    %get3A_2333 = tpu.vector_load %arg8[%get3A_2332] {strides = array<i32>} : memref<640xi32, #tpu.memory_space<vmem>>, vector<16xi32>,
    %get3A_2334 = vector.shape_cast %get3A_2333 : vector<16xi32> to vector<16xi32>
    %mul3A_2335 = arith.constant 4 : i32
    %mul3A_2336 = vector.broadcast %mul3A_2335 : i32 to vector<16xi32>
    %mul3A_2337 = arith.muli %get3A_2334, %mul3A_2336 : vector<16xi32>
    %add3A_2338 = arith.constant 1 : i32
    %add3A_2339 = vector.broadcast %add3A_2338 : i32 to vector<16xi32>
    %add3A_2340 = arith.addi %mul3A_2337, %add3A_2339 : vector<16xi32>
    %swap3A_2341 = arith.constant 4 : i32
    %swap3A_2342 = arith.constant 1 : i32
    %swap3A_2343 = arith.index_cast %swap3A_2341 : i32 to index
    %swap3A_2344 = arith.index_cast %swap3A_2342 : i32 to index
    %swap3A_2345 = arith.constant 16 : index
    %swap3A_2346 = tpu.vector_load %arg9[%swap3A_2343, %swap3A_2344, %swap3A_2345] {strides = array<i32>} : memref<5x4x128xi32, #tpu.memory_space<vmem>>, vector<1x1x16xi32>,
    %swap3A_2347 = vector.shape_cast %swap3A_2346 : vector<1x1x16xi32> to vector<16xi32>
    %swap3A_2348 = vector.shape_cast %add3A_2340 : vector<16xi32> to vector<1x1x16xi32>
    tpu.vector_store %arg9[%swap3A_2343, %swap3A_2344, %swap3A_2345], %swap3A_2348 {strides = array<i32>} : memref<5x4x128xi32, #tpu.memory_space<vmem>>, vector<1x1x16xi32>,
    %get3A_2349 = arith.constant 544 : index
    %get3A_2350 = tpu.vector_load %arg8[%get3A_2349] {strides = array<i32>} : memref<640xi32, #tpu.memory_space<vmem>>, vector<16xi32>,
    %get3A_2351 = vector.shape_cast %get3A_2350 : vector<16xi32> to vector<16xi32>
    %mul3A_2352 = arith.constant 4 : i32
    %mul3A_2353 = vector.broadcast %mul3A_2352 : i32 to vector<16xi32>
    %mul3A_2354 = arith.muli %get3A_2351, %mul3A_2353 : vector<16xi32>
    %add3A_2355 = arith.constant 1 : i32
    %add3A_2356 = vector.broadcast %add3A_2355 : i32 to vector<16xi32>
    %add3A_2357 = arith.addi %mul3A_2354, %add3A_2356 : vector<16xi32>
    %swap3A_2358 = arith.constant 4 : i32
    %swap3A_2359 = arith.constant 1 : i32
    %swap3A_2360 = arith.index_cast %swap3A_2358 : i32 to index
    %swap3A_2361 = arith.index_cast %swap3A_2359 : i32 to index
    %swap3A_2362 = arith.constant 32 : index
    %swap3A_2363 = tpu.vector_load %arg9[%swap3A_2360, %swap3A_2361, %swap3A_2362] {strides = array<i32>} : memref<5x4x128xi32, #tpu.memory_space<vmem>>, vector<1x1x16xi32>,
    %swap3A_2364 = vector.shape_cast %swap3A_2363 : vector<1x1x16xi32> to vector<16xi32>
    %swap3A_2365 = vector.shape_cast %add3A_2357 : vector<16xi32> to vector<1x1x16xi32>
    tpu.vector_store %arg9[%swap3A_2360, %swap3A_2361, %swap3A_2362], %swap3A_2365 {strides = array<i32>} : memref<5x4x128xi32, #tpu.memory_space<vmem>>, vector<1x1x16xi32>,
    %get3A_2366 = arith.constant 560 : index
    %get3A_2367 = tpu.vector_load %arg8[%get3A_2366] {strides = array<i32>} : memref<640xi32, #tpu.memory_space<vmem>>, vector<16xi32>,
    %get3A_2368 = vector.shape_cast %get3A_2367 : vector<16xi32> to vector<16xi32>
    %mul3A_2369 = arith.constant 4 : i32
    %mul3A_2370 = vector.broadcast %mul3A_2369 : i32 to vector<16xi32>
    %mul3A_2371 = arith.muli %get3A_2368, %mul3A_2370 : vector<16xi32>
    %add3A_2372 = arith.constant 1 : i32
    %add3A_2373 = vector.broadcast %add3A_2372 : i32 to vector<16xi32>
    %add3A_2374 = arith.addi %mul3A_2371, %add3A_2373 : vector<16xi32>
    %swap3A_2375 = arith.constant 4 : i32
    %swap3A_2376 = arith.constant 1 : i32
    %swap3A_2377 = arith.index_cast %swap3A_2375 : i32 to index
    %swap3A_2378 = arith.index_cast %swap3A_2376 : i32 to index
    %swap3A_2379 = arith.constant 48 : index
    %swap3A_2380 = tpu.vector_load %arg9[%swap3A_2377, %swap3A_2378, %swap3A_2379] {strides = array<i32>} : memref<5x4x128xi32, #tpu.memory_space<vmem>>, vector<1x1x16xi32>,
    %swap3A_2381 = vector.shape_cast %swap3A_2380 : vector<1x1x16xi32> to vector<16xi32>
    %swap3A_2382 = vector.shape_cast %add3A_2374 : vector<16xi32> to vector<1x1x16xi32>
    tpu.vector_store %arg9[%swap3A_2377, %swap3A_2378, %swap3A_2379], %swap3A_2382 {strides = array<i32>} : memref<5x4x128xi32, #tpu.memory_space<vmem>>, vector<1x1x16xi32>,
    %get3A_2383 = arith.constant 576 : index
    %get3A_2384 = tpu.vector_load %arg8[%get3A_2383] {strides = array<i32>} : memref<640xi32, #tpu.memory_space<vmem>>, vector<16xi32>,
    %get3A_2385 = vector.shape_cast %get3A_2384 : vector<16xi32> to vector<16xi32>
    %mul3A_2386 = arith.constant 4 : i32
    %mul3A_2387 = vector.broadcast %mul3A_2386 : i32 to vector<16xi32>
    %mul3A_2388 = arith.muli %get3A_2385, %mul3A_2387 : vector<16xi32>
    %add3A_2389 = arith.constant 1 : i32
    %add3A_2390 = vector.broadcast %add3A_2389 : i32 to vector<16xi32>
    %add3A_2391 = arith.addi %mul3A_2388, %add3A_2390 : vector<16xi32>
    %swap3A_2392 = arith.constant 4 : i32
    %swap3A_2393 = arith.constant 1 : i32
    %swap3A_2394 = arith.index_cast %swap3A_2392 : i32 to index
    %swap3A_2395 = arith.index_cast %swap3A_2393 : i32 to index
    %swap3A_2396 = arith.constant 64 : index
    %swap3A_2397 = tpu.vector_load %arg9[%swap3A_2394, %swap3A_2395, %swap3A_2396] {strides = array<i32>} : memref<5x4x128xi32, #tpu.memory_space<vmem>>, vector<1x1x16xi32>,
    %swap3A_2398 = vector.shape_cast %swap3A_2397 : vector<1x1x16xi32> to vector<16xi32>
    %swap3A_2399 = vector.shape_cast %add3A_2391 : vector<16xi32> to vector<1x1x16xi32>
    tpu.vector_store %arg9[%swap3A_2394, %swap3A_2395, %swap3A_2396], %swap3A_2399 {strides = array<i32>} : memref<5x4x128xi32, #tpu.memory_space<vmem>>, vector<1x1x16xi32>,
    %get3A_2400 = arith.constant 592 : index
    %get3A_2401 = tpu.vector_load %arg8[%get3A_2400] {strides = array<i32>} : memref<640xi32, #tpu.memory_space<vmem>>, vector<16xi32>,
    %get3A_2402 = vector.shape_cast %get3A_2401 : vector<16xi32> to vector<16xi32>
    %mul3A_2403 = arith.constant 4 : i32
    %mul3A_2404 = vector.broadcast %mul3A_2403 : i32 to vector<16xi32>
    %mul3A_2405 = arith.muli %get3A_2402, %mul3A_2404 : vector<16xi32>
    %add3A_2406 = arith.constant 1 : i32
    %add3A_2407 = vector.broadcast %add3A_2406 : i32 to vector<16xi32>
    %add3A_2408 = arith.addi %mul3A_2405, %add3A_2407 : vector<16xi32>
    %swap3A_2409 = arith.constant 4 : i32
    %swap3A_2410 = arith.constant 1 : i32
    %swap3A_2411 = arith.index_cast %swap3A_2409 : i32 to index
    %swap3A_2412 = arith.index_cast %swap3A_2410 : i32 to index
    %swap3A_2413 = arith.constant 80 : index
    %swap3A_2414 = tpu.vector_load %arg9[%swap3A_2411, %swap3A_2412, %swap3A_2413] {strides = array<i32>} : memref<5x4x128xi32, #tpu.memory_space<vmem>>, vector<1x1x16xi32>,
    %swap3A_2415 = vector.shape_cast %swap3A_2414 : vector<1x1x16xi32> to vector<16xi32>
    %swap3A_2416 = vector.shape_cast %add3A_2408 : vector<16xi32> to vector<1x1x16xi32>
    tpu.vector_store %arg9[%swap3A_2411, %swap3A_2412, %swap3A_2413], %swap3A_2416 {strides = array<i32>} : memref<5x4x128xi32, #tpu.memory_space<vmem>>, vector<1x1x16xi32>,
    %get3A_2417 = arith.constant 608 : index
    %get3A_2418 = tpu.vector_load %arg8[%get3A_2417] {strides = array<i32>} : memref<640xi32, #tpu.memory_space<vmem>>, vector<16xi32>,
    %get3A_2419 = vector.shape_cast %get3A_2418 : vector<16xi32> to vector<16xi32>
    %mul3A_2420 = arith.constant 4 : i32
    %mul3A_2421 = vector.broadcast %mul3A_2420 : i32 to vector<16xi32>
    %mul3A_2422 = arith.muli %get3A_2419, %mul3A_2421 : vector<16xi32>
    %add3A_2423 = arith.constant 1 : i32
    %add3A_2424 = vector.broadcast %add3A_2423 : i32 to vector<16xi32>
    %add3A_2425 = arith.addi %mul3A_2422, %add3A_2424 : vector<16xi32>
    %swap3A_2426 = arith.constant 4 : i32
    %swap3A_2427 = arith.constant 1 : i32
    %swap3A_2428 = arith.index_cast %swap3A_2426 : i32 to index
    %swap3A_2429 = arith.index_cast %swap3A_2427 : i32 to index
    %swap3A_2430 = arith.constant 96 : index
    %swap3A_2431 = tpu.vector_load %arg9[%swap3A_2428, %swap3A_2429, %swap3A_2430] {strides = array<i32>} : memref<5x4x128xi32, #tpu.memory_space<vmem>>, vector<1x1x16xi32>,
    %swap3A_2432 = vector.shape_cast %swap3A_2431 : vector<1x1x16xi32> to vector<16xi32>
    %swap3A_2433 = vector.shape_cast %add3A_2425 : vector<16xi32> to vector<1x1x16xi32>
    tpu.vector_store %arg9[%swap3A_2428, %swap3A_2429, %swap3A_2430], %swap3A_2433 {strides = array<i32>} : memref<5x4x128xi32, #tpu.memory_space<vmem>>, vector<1x1x16xi32>,
    %get3A_2434 = arith.constant 624 : index
    %get3A_2435 = tpu.vector_load %arg8[%get3A_2434] {strides = array<i32>} : memref<640xi32, #tpu.memory_space<vmem>>, vector<16xi32>,
    %get3A_2436 = vector.shape_cast %get3A_2435 : vector<16xi32> to vector<16xi32>
    %mul3A_2437 = arith.constant 4 : i32
    %mul3A_2438 = vector.broadcast %mul3A_2437 : i32 to vector<16xi32>
    %mul3A_2439 = arith.muli %get3A_2436, %mul3A_2438 : vector<16xi32>
    %add3A_2440 = arith.constant 1 : i32
    %add3A_2441 = vector.broadcast %add3A_2440 : i32 to vector<16xi32>
    %add3A_2442 = arith.addi %mul3A_2439, %add3A_2441 : vector<16xi32>
    %swap3A_2443 = arith.constant 4 : i32
    %swap3A_2444 = arith.constant 1 : i32
    %swap3A_2445 = arith.index_cast %swap3A_2443 : i32 to index
    %swap3A_2446 = arith.index_cast %swap3A_2444 : i32 to index
    %swap3A_2447 = arith.constant 112 : index
    %swap3A_2448 = tpu.vector_load %arg9[%swap3A_2445, %swap3A_2446, %swap3A_2447] {strides = array<i32>} : memref<5x4x128xi32, #tpu.memory_space<vmem>>, vector<1x1x16xi32>,
    %swap3A_2449 = vector.shape_cast %swap3A_2448 : vector<1x1x16xi32> to vector<16xi32>
    %swap3A_2450 = vector.shape_cast %add3A_2442 : vector<16xi32> to vector<1x1x16xi32>
    tpu.vector_store %arg9[%swap3A_2445, %swap3A_2446, %swap3A_2447], %swap3A_2450 {strides = array<i32>} : memref<5x4x128xi32, #tpu.memory_space<vmem>>, vector<1x1x16xi32>,
    %get3A_2451 = arith.constant 512 : index
    %get3A_2452 = tpu.vector_load %arg8[%get3A_2451] {strides = array<i32>} : memref<640xi32, #tpu.memory_space<vmem>>, vector<16xi32>,
    %get3A_2453 = vector.shape_cast %get3A_2452 : vector<16xi32> to vector<16xi32>
    %mul3A_2454 = arith.constant 4 : i32
    %mul3A_2455 = vector.broadcast %mul3A_2454 : i32 to vector<16xi32>
    %mul3A_2456 = arith.muli %get3A_2453, %mul3A_2455 : vector<16xi32>
    %add3A_2457 = arith.constant 2 : i32
    %add3A_2458 = vector.broadcast %add3A_2457 : i32 to vector<16xi32>
    %add3A_2459 = arith.addi %mul3A_2456, %add3A_2458 : vector<16xi32>
    %swap3A_2460 = arith.constant 4 : i32
    %swap3A_2461 = arith.constant 2 : i32
    %swap3A_2462 = arith.index_cast %swap3A_2460 : i32 to index
    %swap3A_2463 = arith.index_cast %swap3A_2461 : i32 to index
    %swap3A_2464 = arith.constant 0 : index
    %swap3A_2465 = tpu.vector_load %arg9[%swap3A_2462, %swap3A_2463, %swap3A_2464] {strides = array<i32>} : memref<5x4x128xi32, #tpu.memory_space<vmem>>, vector<1x1x16xi32>,
    %swap3A_2466 = vector.shape_cast %swap3A_2465 : vector<1x1x16xi32> to vector<16xi32>
    %swap3A_2467 = vector.shape_cast %add3A_2459 : vector<16xi32> to vector<1x1x16xi32>
    tpu.vector_store %arg9[%swap3A_2462, %swap3A_2463, %swap3A_2464], %swap3A_2467 {strides = array<i32>} : memref<5x4x128xi32, #tpu.memory_space<vmem>>, vector<1x1x16xi32>,
    %get3A_2468 = arith.constant 528 : index
    %get3A_2469 = tpu.vector_load %arg8[%get3A_2468] {strides = array<i32>} : memref<640xi32, #tpu.memory_space<vmem>>, vector<16xi32>,
    %get3A_2470 = vector.shape_cast %get3A_2469 : vector<16xi32> to vector<16xi32>
    %mul3A_2471 = arith.constant 4 : i32
    %mul3A_2472 = vector.broadcast %mul3A_2471 : i32 to vector<16xi32>
    %mul3A_2473 = arith.muli %get3A_2470, %mul3A_2472 : vector<16xi32>
    %add3A_2474 = arith.constant 2 : i32
    %add3A_2475 = vector.broadcast %add3A_2474 : i32 to vector<16xi32>
    %add3A_2476 = arith.addi %mul3A_2473, %add3A_2475 : vector<16xi32>
    %swap3A_2477 = arith.constant 4 : i32
    %swap3A_2478 = arith.constant 2 : i32
    %swap3A_2479 = arith.index_cast %swap3A_2477 : i32 to index
    %swap3A_2480 = arith.index_cast %swap3A_2478 : i32 to index
    %swap3A_2481 = arith.constant 16 : index
    %swap3A_2482 = tpu.vector_load %arg9[%swap3A_2479, %swap3A_2480, %swap3A_2481] {strides = array<i32>} : memref<5x4x128xi32, #tpu.memory_space<vmem>>, vector<1x1x16xi32>,
    %swap3A_2483 = vector.shape_cast %swap3A_2482 : vector<1x1x16xi32> to vector<16xi32>
    %swap3A_2484 = vector.shape_cast %add3A_2476 : vector<16xi32> to vector<1x1x16xi32>
    tpu.vector_store %arg9[%swap3A_2479, %swap3A_2480, %swap3A_2481], %swap3A_2484 {strides = array<i32>} : memref<5x4x128xi32, #tpu.memory_space<vmem>>, vector<1x1x16xi32>,
    %get3A_2485 = arith.constant 544 : index
    %get3A_2486 = tpu.vector_load %arg8[%get3A_2485] {strides = array<i32>} : memref<640xi32, #tpu.memory_space<vmem>>, vector<16xi32>,
    %get3A_2487 = vector.shape_cast %get3A_2486 : vector<16xi32> to vector<16xi32>
    %mul3A_2488 = arith.constant 4 : i32
    %mul3A_2489 = vector.broadcast %mul3A_2488 : i32 to vector<16xi32>
    %mul3A_2490 = arith.muli %get3A_2487, %mul3A_2489 : vector<16xi32>
    %add3A_2491 = arith.constant 2 : i32
    %add3A_2492 = vector.broadcast %add3A_2491 : i32 to vector<16xi32>
    %add3A_2493 = arith.addi %mul3A_2490, %add3A_2492 : vector<16xi32>
    %swap3A_2494 = arith.constant 4 : i32
    %swap3A_2495 = arith.constant 2 : i32
    %swap3A_2496 = arith.index_cast %swap3A_2494 : i32 to index
    %swap3A_2497 = arith.index_cast %swap3A_2495 : i32 to index
    %swap3A_2498 = arith.constant 32 : index
    %swap3A_2499 = tpu.vector_load %arg9[%swap3A_2496, %swap3A_2497, %swap3A_2498] {strides = array<i32>} : memref<5x4x128xi32, #tpu.memory_space<vmem>>, vector<1x1x16xi32>,
    %swap3A_2500 = vector.shape_cast %swap3A_2499 : vector<1x1x16xi32> to vector<16xi32>
    %swap3A_2501 = vector.shape_cast %add3A_2493 : vector<16xi32> to vector<1x1x16xi32>
    tpu.vector_store %arg9[%swap3A_2496, %swap3A_2497, %swap3A_2498], %swap3A_2501 {strides = array<i32>} : memref<5x4x128xi32, #tpu.memory_space<vmem>>, vector<1x1x16xi32>,
    %get3A_2502 = arith.constant 560 : index
    %get3A_2503 = tpu.vector_load %arg8[%get3A_2502] {strides = array<i32>} : memref<640xi32, #tpu.memory_space<vmem>>, vector<16xi32>,
    %get3A_2504 = vector.shape_cast %get3A_2503 : vector<16xi32> to vector<16xi32>
    %mul3A_2505 = arith.constant 4 : i32
    %mul3A_2506 = vector.broadcast %mul3A_2505 : i32 to vector<16xi32>
    %mul3A_2507 = arith.muli %get3A_2504, %mul3A_2506 : vector<16xi32>
    %add3A_2508 = arith.constant 2 : i32
    %add3A_2509 = vector.broadcast %add3A_2508 : i32 to vector<16xi32>
    %add3A_2510 = arith.addi %mul3A_2507, %add3A_2509 : vector<16xi32>
    %swap3A_2511 = arith.constant 4 : i32
    %swap3A_2512 = arith.constant 2 : i32
    %swap3A_2513 = arith.index_cast %swap3A_2511 : i32 to index
    %swap3A_2514 = arith.index_cast %swap3A_2512 : i32 to index
    %swap3A_2515 = arith.constant 48 : index
    %swap3A_2516 = tpu.vector_load %arg9[%swap3A_2513, %swap3A_2514, %swap3A_2515] {strides = array<i32>} : memref<5x4x128xi32, #tpu.memory_space<vmem>>, vector<1x1x16xi32>,
    %swap3A_2517 = vector.shape_cast %swap3A_2516 : vector<1x1x16xi32> to vector<16xi32>
    %swap3A_2518 = vector.shape_cast %add3A_2510 : vector<16xi32> to vector<1x1x16xi32>
    tpu.vector_store %arg9[%swap3A_2513, %swap3A_2514, %swap3A_2515], %swap3A_2518 {strides = array<i32>} : memref<5x4x128xi32, #tpu.memory_space<vmem>>, vector<1x1x16xi32>,
    %get3A_2519 = arith.constant 576 : index
    %get3A_2520 = tpu.vector_load %arg8[%get3A_2519] {strides = array<i32>} : memref<640xi32, #tpu.memory_space<vmem>>, vector<16xi32>,
    %get3A_2521 = vector.shape_cast %get3A_2520 : vector<16xi32> to vector<16xi32>
    %mul3A_2522 = arith.constant 4 : i32
    %mul3A_2523 = vector.broadcast %mul3A_2522 : i32 to vector<16xi32>
    %mul3A_2524 = arith.muli %get3A_2521, %mul3A_2523 : vector<16xi32>
    %add3A_2525 = arith.constant 2 : i32
    %add3A_2526 = vector.broadcast %add3A_2525 : i32 to vector<16xi32>
    %add3A_2527 = arith.addi %mul3A_2524, %add3A_2526 : vector<16xi32>
    %swap3A_2528 = arith.constant 4 : i32
    %swap3A_2529 = arith.constant 2 : i32
    %swap3A_2530 = arith.index_cast %swap3A_2528 : i32 to index
    %swap3A_2531 = arith.index_cast %swap3A_2529 : i32 to index
    %swap3A_2532 = arith.constant 64 : index
    %swap3A_2533 = tpu.vector_load %arg9[%swap3A_2530, %swap3A_2531, %swap3A_2532] {strides = array<i32>} : memref<5x4x128xi32, #tpu.memory_space<vmem>>, vector<1x1x16xi32>,
    %swap3A_2534 = vector.shape_cast %swap3A_2533 : vector<1x1x16xi32> to vector<16xi32>
    %swap3A_2535 = vector.shape_cast %add3A_2527 : vector<16xi32> to vector<1x1x16xi32>
    tpu.vector_store %arg9[%swap3A_2530, %swap3A_2531, %swap3A_2532], %swap3A_2535 {strides = array<i32>} : memref<5x4x128xi32, #tpu.memory_space<vmem>>, vector<1x1x16xi32>,
    %get3A_2536 = arith.constant 592 : index
    %get3A_2537 = tpu.vector_load %arg8[%get3A_2536] {strides = array<i32>} : memref<640xi32, #tpu.memory_space<vmem>>, vector<16xi32>,
    %get3A_2538 = vector.shape_cast %get3A_2537 : vector<16xi32> to vector<16xi32>
    %mul3A_2539 = arith.constant 4 : i32
    %mul3A_2540 = vector.broadcast %mul3A_2539 : i32 to vector<16xi32>
    %mul3A_2541 = arith.muli %get3A_2538, %mul3A_2540 : vector<16xi32>
    %add3A_2542 = arith.constant 2 : i32
    %add3A_2543 = vector.broadcast %add3A_2542 : i32 to vector<16xi32>
    %add3A_2544 = arith.addi %mul3A_2541, %add3A_2543 : vector<16xi32>
    %swap3A_2545 = arith.constant 4 : i32
    %swap3A_2546 = arith.constant 2 : i32
    %swap3A_2547 = arith.index_cast %swap3A_2545 : i32 to index
    %swap3A_2548 = arith.index_cast %swap3A_2546 : i32 to index
    %swap3A_2549 = arith.constant 80 : index
    %swap3A_2550 = tpu.vector_load %arg9[%swap3A_2547, %swap3A_2548, %swap3A_2549] {strides = array<i32>} : memref<5x4x128xi32, #tpu.memory_space<vmem>>, vector<1x1x16xi32>,
    %swap3A_2551 = vector.shape_cast %swap3A_2550 : vector<1x1x16xi32> to vector<16xi32>
    %swap3A_2552 = vector.shape_cast %add3A_2544 : vector<16xi32> to vector<1x1x16xi32>
    tpu.vector_store %arg9[%swap3A_2547, %swap3A_2548, %swap3A_2549], %swap3A_2552 {strides = array<i32>} : memref<5x4x128xi32, #tpu.memory_space<vmem>>, vector<1x1x16xi32>,
    %get3A_2553 = arith.constant 608 : index
    %get3A_2554 = tpu.vector_load %arg8[%get3A_2553] {strides = array<i32>} : memref<640xi32, #tpu.memory_space<vmem>>, vector<16xi32>,
    %get3A_2555 = vector.shape_cast %get3A_2554 : vector<16xi32> to vector<16xi32>
    %mul3A_2556 = arith.constant 4 : i32
    %mul3A_2557 = vector.broadcast %mul3A_2556 : i32 to vector<16xi32>
    %mul3A_2558 = arith.muli %get3A_2555, %mul3A_2557 : vector<16xi32>
    %add3A_2559 = arith.constant 2 : i32
    %add3A_2560 = vector.broadcast %add3A_2559 : i32 to vector<16xi32>
    %add3A_2561 = arith.addi %mul3A_2558, %add3A_2560 : vector<16xi32>
    %swap3A_2562 = arith.constant 4 : i32
    %swap3A_2563 = arith.constant 2 : i32
    %swap3A_2564 = arith.index_cast %swap3A_2562 : i32 to index
    %swap3A_2565 = arith.index_cast %swap3A_2563 : i32 to index
    %swap3A_2566 = arith.constant 96 : index
    %swap3A_2567 = tpu.vector_load %arg9[%swap3A_2564, %swap3A_2565, %swap3A_2566] {strides = array<i32>} : memref<5x4x128xi32, #tpu.memory_space<vmem>>, vector<1x1x16xi32>,
    %swap3A_2568 = vector.shape_cast %swap3A_2567 : vector<1x1x16xi32> to vector<16xi32>
    %swap3A_2569 = vector.shape_cast %add3A_2561 : vector<16xi32> to vector<1x1x16xi32>
    tpu.vector_store %arg9[%swap3A_2564, %swap3A_2565, %swap3A_2566], %swap3A_2569 {strides = array<i32>} : memref<5x4x128xi32, #tpu.memory_space<vmem>>, vector<1x1x16xi32>,
    %get3A_2570 = arith.constant 624 : index
    %get3A_2571 = tpu.vector_load %arg8[%get3A_2570] {strides = array<i32>} : memref<640xi32, #tpu.memory_space<vmem>>, vector<16xi32>,
    %get3A_2572 = vector.shape_cast %get3A_2571 : vector<16xi32> to vector<16xi32>
    %mul3A_2573 = arith.constant 4 : i32
    %mul3A_2574 = vector.broadcast %mul3A_2573 : i32 to vector<16xi32>
    %mul3A_2575 = arith.muli %get3A_2572, %mul3A_2574 : vector<16xi32>
    %add3A_2576 = arith.constant 2 : i32
    %add3A_2577 = vector.broadcast %add3A_2576 : i32 to vector<16xi32>
    %add3A_2578 = arith.addi %mul3A_2575, %add3A_2577 : vector<16xi32>
    %swap3A_2579 = arith.constant 4 : i32
    %swap3A_2580 = arith.constant 2 : i32
    %swap3A_2581 = arith.index_cast %swap3A_2579 : i32 to index
    %swap3A_2582 = arith.index_cast %swap3A_2580 : i32 to index
    %swap3A_2583 = arith.constant 112 : index
    %swap3A_2584 = tpu.vector_load %arg9[%swap3A_2581, %swap3A_2582, %swap3A_2583] {strides = array<i32>} : memref<5x4x128xi32, #tpu.memory_space<vmem>>, vector<1x1x16xi32>,
    %swap3A_2585 = vector.shape_cast %swap3A_2584 : vector<1x1x16xi32> to vector<16xi32>
    %swap3A_2586 = vector.shape_cast %add3A_2578 : vector<16xi32> to vector<1x1x16xi32>
    tpu.vector_store %arg9[%swap3A_2581, %swap3A_2582, %swap3A_2583], %swap3A_2586 {strides = array<i32>} : memref<5x4x128xi32, #tpu.memory_space<vmem>>, vector<1x1x16xi32>,
    %get3A_2587 = arith.constant 512 : index
    %get3A_2588 = tpu.vector_load %arg8[%get3A_2587] {strides = array<i32>} : memref<640xi32, #tpu.memory_space<vmem>>, vector<16xi32>,
    %get3A_2589 = vector.shape_cast %get3A_2588 : vector<16xi32> to vector<16xi32>
    %mul3A_2590 = arith.constant 4 : i32
    %mul3A_2591 = vector.broadcast %mul3A_2590 : i32 to vector<16xi32>
    %mul3A_2592 = arith.muli %get3A_2589, %mul3A_2591 : vector<16xi32>
    %add3A_2593 = arith.constant 3 : i32
    %add3A_2594 = vector.broadcast %add3A_2593 : i32 to vector<16xi32>
    %add3A_2595 = arith.addi %mul3A_2592, %add3A_2594 : vector<16xi32>
    %swap3A_2596 = arith.constant 4 : i32
    %swap3A_2597 = arith.constant 3 : i32
    %swap3A_2598 = arith.index_cast %swap3A_2596 : i32 to index
    %swap3A_2599 = arith.index_cast %swap3A_2597 : i32 to index
    %swap3A_2600 = arith.constant 0 : index
    %swap3A_2601 = tpu.vector_load %arg9[%swap3A_2598, %swap3A_2599, %swap3A_2600] {strides = array<i32>} : memref<5x4x128xi32, #tpu.memory_space<vmem>>, vector<1x1x16xi32>,
    %swap3A_2602 = vector.shape_cast %swap3A_2601 : vector<1x1x16xi32> to vector<16xi32>
    %swap3A_2603 = vector.shape_cast %add3A_2595 : vector<16xi32> to vector<1x1x16xi32>
    tpu.vector_store %arg9[%swap3A_2598, %swap3A_2599, %swap3A_2600], %swap3A_2603 {strides = array<i32>} : memref<5x4x128xi32, #tpu.memory_space<vmem>>, vector<1x1x16xi32>,
    %get3A_2604 = arith.constant 528 : index
    %get3A_2605 = tpu.vector_load %arg8[%get3A_2604] {strides = array<i32>} : memref<640xi32, #tpu.memory_space<vmem>>, vector<16xi32>,
    %get3A_2606 = vector.shape_cast %get3A_2605 : vector<16xi32> to vector<16xi32>
    %mul3A_2607 = arith.constant 4 : i32
    %mul3A_2608 = vector.broadcast %mul3A_2607 : i32 to vector<16xi32>
    %mul3A_2609 = arith.muli %get3A_2606, %mul3A_2608 : vector<16xi32>
    %add3A_2610 = arith.constant 3 : i32
    %add3A_2611 = vector.broadcast %add3A_2610 : i32 to vector<16xi32>
    %add3A_2612 = arith.addi %mul3A_2609, %add3A_2611 : vector<16xi32>
    %swap3A_2613 = arith.constant 4 : i32
    %swap3A_2614 = arith.constant 3 : i32
    %swap3A_2615 = arith.index_cast %swap3A_2613 : i32 to index
    %swap3A_2616 = arith.index_cast %swap3A_2614 : i32 to index
    %swap3A_2617 = arith.constant 16 : index
    %swap3A_2618 = tpu.vector_load %arg9[%swap3A_2615, %swap3A_2616, %swap3A_2617] {strides = array<i32>} : memref<5x4x128xi32, #tpu.memory_space<vmem>>, vector<1x1x16xi32>,
    %swap3A_2619 = vector.shape_cast %swap3A_2618 : vector<1x1x16xi32> to vector<16xi32>
    %swap3A_2620 = vector.shape_cast %add3A_2612 : vector<16xi32> to vector<1x1x16xi32>
    tpu.vector_store %arg9[%swap3A_2615, %swap3A_2616, %swap3A_2617], %swap3A_2620 {strides = array<i32>} : memref<5x4x128xi32, #tpu.memory_space<vmem>>, vector<1x1x16xi32>,
    %get3A_2621 = arith.constant 544 : index
    %get3A_2622 = tpu.vector_load %arg8[%get3A_2621] {strides = array<i32>} : memref<640xi32, #tpu.memory_space<vmem>>, vector<16xi32>,
    %get3A_2623 = vector.shape_cast %get3A_2622 : vector<16xi32> to vector<16xi32>
    %mul3A_2624 = arith.constant 4 : i32
    %mul3A_2625 = vector.broadcast %mul3A_2624 : i32 to vector<16xi32>
    %mul3A_2626 = arith.muli %get3A_2623, %mul3A_2625 : vector<16xi32>
    %add3A_2627 = arith.constant 3 : i32
    %add3A_2628 = vector.broadcast %add3A_2627 : i32 to vector<16xi32>
    %add3A_2629 = arith.addi %mul3A_2626, %add3A_2628 : vector<16xi32>
    %swap3A_2630 = arith.constant 4 : i32
    %swap3A_2631 = arith.constant 3 : i32
    %swap3A_2632 = arith.index_cast %swap3A_2630 : i32 to index
    %swap3A_2633 = arith.index_cast %swap3A_2631 : i32 to index
    %swap3A_2634 = arith.constant 32 : index
    %swap3A_2635 = tpu.vector_load %arg9[%swap3A_2632, %swap3A_2633, %swap3A_2634] {strides = array<i32>} : memref<5x4x128xi32, #tpu.memory_space<vmem>>, vector<1x1x16xi32>,
    %swap3A_2636 = vector.shape_cast %swap3A_2635 : vector<1x1x16xi32> to vector<16xi32>
    %swap3A_2637 = vector.shape_cast %add3A_2629 : vector<16xi32> to vector<1x1x16xi32>
    tpu.vector_store %arg9[%swap3A_2632, %swap3A_2633, %swap3A_2634], %swap3A_2637 {strides = array<i32>} : memref<5x4x128xi32, #tpu.memory_space<vmem>>, vector<1x1x16xi32>,
    %get3A_2638 = arith.constant 560 : index
    %get3A_2639 = tpu.vector_load %arg8[%get3A_2638] {strides = array<i32>} : memref<640xi32, #tpu.memory_space<vmem>>, vector<16xi32>,
    %get3A_2640 = vector.shape_cast %get3A_2639 : vector<16xi32> to vector<16xi32>
    %mul3A_2641 = arith.constant 4 : i32
    %mul3A_2642 = vector.broadcast %mul3A_2641 : i32 to vector<16xi32>
    %mul3A_2643 = arith.muli %get3A_2640, %mul3A_2642 : vector<16xi32>
    %add3A_2644 = arith.constant 3 : i32
    %add3A_2645 = vector.broadcast %add3A_2644 : i32 to vector<16xi32>
    %add3A_2646 = arith.addi %mul3A_2643, %add3A_2645 : vector<16xi32>
    %swap3A_2647 = arith.constant 4 : i32
    %swap3A_2648 = arith.constant 3 : i32
    %swap3A_2649 = arith.index_cast %swap3A_2647 : i32 to index
    %swap3A_2650 = arith.index_cast %swap3A_2648 : i32 to index
    %swap3A_2651 = arith.constant 48 : index
    %swap3A_2652 = tpu.vector_load %arg9[%swap3A_2649, %swap3A_2650, %swap3A_2651] {strides = array<i32>} : memref<5x4x128xi32, #tpu.memory_space<vmem>>, vector<1x1x16xi32>,
    %swap3A_2653 = vector.shape_cast %swap3A_2652 : vector<1x1x16xi32> to vector<16xi32>
    %swap3A_2654 = vector.shape_cast %add3A_2646 : vector<16xi32> to vector<1x1x16xi32>
    tpu.vector_store %arg9[%swap3A_2649, %swap3A_2650, %swap3A_2651], %swap3A_2654 {strides = array<i32>} : memref<5x4x128xi32, #tpu.memory_space<vmem>>, vector<1x1x16xi32>,
    %get3A_2655 = arith.constant 576 : index
    %get3A_2656 = tpu.vector_load %arg8[%get3A_2655] {strides = array<i32>} : memref<640xi32, #tpu.memory_space<vmem>>, vector<16xi32>,
    %get3A_2657 = vector.shape_cast %get3A_2656 : vector<16xi32> to vector<16xi32>
    %mul3A_2658 = arith.constant 4 : i32
    %mul3A_2659 = vector.broadcast %mul3A_2658 : i32 to vector<16xi32>
    %mul3A_2660 = arith.muli %get3A_2657, %mul3A_2659 : vector<16xi32>
    %add3A_2661 = arith.constant 3 : i32
    %add3A_2662 = vector.broadcast %add3A_2661 : i32 to vector<16xi32>
    %add3A_2663 = arith.addi %mul3A_2660, %add3A_2662 : vector<16xi32>
    %swap3A_2664 = arith.constant 4 : i32
    %swap3A_2665 = arith.constant 3 : i32
    %swap3A_2666 = arith.index_cast %swap3A_2664 : i32 to index
    %swap3A_2667 = arith.index_cast %swap3A_2665 : i32 to index
    %swap3A_2668 = arith.constant 64 : index
    %swap3A_2669 = tpu.vector_load %arg9[%swap3A_2666, %swap3A_2667, %swap3A_2668] {strides = array<i32>} : memref<5x4x128xi32, #tpu.memory_space<vmem>>, vector<1x1x16xi32>,
    %swap3A_2670 = vector.shape_cast %swap3A_2669 : vector<1x1x16xi32> to vector<16xi32>
    %swap3A_2671 = vector.shape_cast %add3A_2663 : vector<16xi32> to vector<1x1x16xi32>
    tpu.vector_store %arg9[%swap3A_2666, %swap3A_2667, %swap3A_2668], %swap3A_2671 {strides = array<i32>} : memref<5x4x128xi32, #tpu.memory_space<vmem>>, vector<1x1x16xi32>,
    %get3A_2672 = arith.constant 592 : index
    %get3A_2673 = tpu.vector_load %arg8[%get3A_2672] {strides = array<i32>} : memref<640xi32, #tpu.memory_space<vmem>>, vector<16xi32>,
    %get3A_2674 = vector.shape_cast %get3A_2673 : vector<16xi32> to vector<16xi32>
    %mul3A_2675 = arith.constant 4 : i32
    %mul3A_2676 = vector.broadcast %mul3A_2675 : i32 to vector<16xi32>
    %mul3A_2677 = arith.muli %get3A_2674, %mul3A_2676 : vector<16xi32>
    %add3A_2678 = arith.constant 3 : i32
    %add3A_2679 = vector.broadcast %add3A_2678 : i32 to vector<16xi32>
    %add3A_2680 = arith.addi %mul3A_2677, %add3A_2679 : vector<16xi32>
    %swap3A_2681 = arith.constant 4 : i32
    %swap3A_2682 = arith.constant 3 : i32
    %swap3A_2683 = arith.index_cast %swap3A_2681 : i32 to index
    %swap3A_2684 = arith.index_cast %swap3A_2682 : i32 to index
    %swap3A_2685 = arith.constant 80 : index
    %swap3A_2686 = tpu.vector_load %arg9[%swap3A_2683, %swap3A_2684, %swap3A_2685] {strides = array<i32>} : memref<5x4x128xi32, #tpu.memory_space<vmem>>, vector<1x1x16xi32>,
    %swap3A_2687 = vector.shape_cast %swap3A_2686 : vector<1x1x16xi32> to vector<16xi32>
    %swap3A_2688 = vector.shape_cast %add3A_2680 : vector<16xi32> to vector<1x1x16xi32>
    tpu.vector_store %arg9[%swap3A_2683, %swap3A_2684, %swap3A_2685], %swap3A_2688 {strides = array<i32>} : memref<5x4x128xi32, #tpu.memory_space<vmem>>, vector<1x1x16xi32>,
    %get3A_2689 = arith.constant 608 : index
    %get3A_2690 = tpu.vector_load %arg8[%get3A_2689] {strides = array<i32>} : memref<640xi32, #tpu.memory_space<vmem>>, vector<16xi32>,
    %get3A_2691 = vector.shape_cast %get3A_2690 : vector<16xi32> to vector<16xi32>
    %mul3A_2692 = arith.constant 4 : i32
    %mul3A_2693 = vector.broadcast %mul3A_2692 : i32 to vector<16xi32>
    %mul3A_2694 = arith.muli %get3A_2691, %mul3A_2693 : vector<16xi32>
    %add3A_2695 = arith.constant 3 : i32
    %add3A_2696 = vector.broadcast %add3A_2695 : i32 to vector<16xi32>
    %add3A_2697 = arith.addi %mul3A_2694, %add3A_2696 : vector<16xi32>
    %swap3A_2698 = arith.constant 4 : i32
    %swap3A_2699 = arith.constant 3 : i32
    %swap3A_2700 = arith.index_cast %swap3A_2698 : i32 to index
    %swap3A_2701 = arith.index_cast %swap3A_2699 : i32 to index
    %swap3A_2702 = arith.constant 96 : index
    %swap3A_2703 = tpu.vector_load %arg9[%swap3A_2700, %swap3A_2701, %swap3A_2702] {strides = array<i32>} : memref<5x4x128xi32, #tpu.memory_space<vmem>>, vector<1x1x16xi32>,
    %swap3A_2704 = vector.shape_cast %swap3A_2703 : vector<1x1x16xi32> to vector<16xi32>
    %swap3A_2705 = vector.shape_cast %add3A_2697 : vector<16xi32> to vector<1x1x16xi32>
    tpu.vector_store %arg9[%swap3A_2700, %swap3A_2701, %swap3A_2702], %swap3A_2705 {strides = array<i32>} : memref<5x4x128xi32, #tpu.memory_space<vmem>>, vector<1x1x16xi32>,
    %get3A_2706 = arith.constant 624 : index
    %get3A_2707 = tpu.vector_load %arg8[%get3A_2706] {strides = array<i32>} : memref<640xi32, #tpu.memory_space<vmem>>, vector<16xi32>,
    %get3A_2708 = vector.shape_cast %get3A_2707 : vector<16xi32> to vector<16xi32>
    %mul3A_2709 = arith.constant 4 : i32
    %mul3A_2710 = vector.broadcast %mul3A_2709 : i32 to vector<16xi32>
    %mul3A_2711 = arith.muli %get3A_2708, %mul3A_2710 : vector<16xi32>
    %add3A_2712 = arith.constant 3 : i32
    %add3A_2713 = vector.broadcast %add3A_2712 : i32 to vector<16xi32>
    %add3A_2714 = arith.addi %mul3A_2711, %add3A_2713 : vector<16xi32>
    %swap3A_2715 = arith.constant 4 : i32
    %swap3A_2716 = arith.constant 3 : i32
    %swap3A_2717 = arith.index_cast %swap3A_2715 : i32 to index
    %swap3A_2718 = arith.index_cast %swap3A_2716 : i32 to index
    %swap3A_2719 = arith.constant 112 : index
    %swap3A_2720 = tpu.vector_load %arg9[%swap3A_2717, %swap3A_2718, %swap3A_2719] {strides = array<i32>} : memref<5x4x128xi32, #tpu.memory_space<vmem>>, vector<1x1x16xi32>,
    %swap3A_2721 = vector.shape_cast %swap3A_2720 : vector<1x1x16xi32> to vector<16xi32>
    %swap3A_2722 = vector.shape_cast %add3A_2714 : vector<16xi32> to vector<1x1x16xi32>
    tpu.vector_store %arg9[%swap3A_2717, %swap3A_2718, %swap3A_2719], %swap3A_2722 {strides = array<i32>} : memref<5x4x128xi32, #tpu.memory_space<vmem>>, vector<1x1x16xi32>,
    %dma_start3A = arith.constant 0 : i32
    %dma_start3A_2723 = arith.constant 0 : i32
    %dma_start3A_2724 = arith.constant 0 : i32
    %dma_start3A_2725 = arith.constant 0 : i32
    %dma_start3A_2726 = arith.constant 0 : i32
    %dma_start3A_2727 = tpu.memref_slice %arg10[%dma_start3A_2724, %dma_start3A_2725, %dma_start3A_2726] : memref<5x4x128xf32, #tpu.memory_space<vmem>> -> memref<1x1x128xf32, #tpu.memory_space<vmem>>
    %dma_start3A_2728 = tpu.memref_squeeze %dma_start3A_2727 : memref<1x1x128xf32, #tpu.memory_space<vmem>> -> memref<128xf32, #tpu.memory_space<vmem>>
    %dma_start3A_2729 = arith.constant 0 : i32
    %dma_start3A_2730 = tpu.memref_slice %arg9[%dma_start3A, %dma_start3A_2723, %dma_start3A_2729] : memref<5x4x128xi32, #tpu.memory_space<vmem>> -> memref<1x1x128xi32, #tpu.memory_space<vmem>>
    %dma_start3A_2731 = tpu.memref_squeeze %dma_start3A_2730 : memref<1x1x128xi32, #tpu.memory_space<vmem>> -> memref<128xi32, #tpu.memory_space<vmem>>
    %dma_start3A_2732 = arith.constant 0 : i32
    %dma_start3A_2733 = tpu.memref_slice %arg2[%dma_start3A_2732] : memref<80000xf32, #tpu.memory_space<hbm>> -> memref<80000xf32, #tpu.memory_space<hbm>>
    tpu.enqueue_indirect_dma source(%dma_start3A_2733 : memref<80000xf32, #tpu.memory_space<hbm>>) target(%dma_start3A_2728 : memref<128xf32, #tpu.memory_space<vmem>>) offsets(%dma_start3A_2731 : memref<128xi32, #tpu.memory_space<vmem>>) semaphore(%arg14 : memref<!tpu.dma_semaphore, #tpu.memory_space<semaphore_mem>>)
    %dma_start3A_2734 = arith.constant 0 : i32
    %dma_start3A_2735 = arith.constant 1 : i32
    %dma_start3A_2736 = arith.constant 0 : i32
    %dma_start3A_2737 = arith.constant 1 : i32
    %dma_start3A_2738 = arith.constant 0 : i32
    %dma_start3A_2739 = tpu.memref_slice %arg10[%dma_start3A_2736, %dma_start3A_2737, %dma_start3A_2738] : memref<5x4x128xf32, #tpu.memory_space<vmem>> -> memref<1x1x128xf32, #tpu.memory_space<vmem>>
    %dma_start3A_2740 = tpu.memref_squeeze %dma_start3A_2739 : memref<1x1x128xf32, #tpu.memory_space<vmem>> -> memref<128xf32, #tpu.memory_space<vmem>>
    %dma_start3A_2741 = arith.constant 0 : i32
    %dma_start3A_2742 = tpu.memref_slice %arg9[%dma_start3A_2734, %dma_start3A_2735, %dma_start3A_2741] : memref<5x4x128xi32, #tpu.memory_space<vmem>> -> memref<1x1x128xi32, #tpu.memory_space<vmem>>
    %dma_start3A_2743 = tpu.memref_squeeze %dma_start3A_2742 : memref<1x1x128xi32, #tpu.memory_space<vmem>> -> memref<128xi32, #tpu.memory_space<vmem>>
    %dma_start3A_2744 = arith.constant 0 : i32
    %dma_start3A_2745 = tpu.memref_slice %arg2[%dma_start3A_2744] : memref<80000xf32, #tpu.memory_space<hbm>> -> memref<80000xf32, #tpu.memory_space<hbm>>
    tpu.enqueue_indirect_dma source(%dma_start3A_2745 : memref<80000xf32, #tpu.memory_space<hbm>>) target(%dma_start3A_2740 : memref<128xf32, #tpu.memory_space<vmem>>) offsets(%dma_start3A_2743 : memref<128xi32, #tpu.memory_space<vmem>>) semaphore(%arg14 : memref<!tpu.dma_semaphore, #tpu.memory_space<semaphore_mem>>)
    %dma_start3A_2746 = arith.constant 0 : i32
    %dma_start3A_2747 = arith.constant 2 : i32
    %dma_start3A_2748 = arith.constant 0 : i32
    %dma_start3A_2749 = arith.constant 2 : i32
    %dma_start3A_2750 = arith.constant 0 : i32
    %dma_start3A_2751 = tpu.memref_slice %arg10[%dma_start3A_2748, %dma_start3A_2749, %dma_start3A_2750] : memref<5x4x128xf32, #tpu.memory_space<vmem>> -> memref<1x1x128xf32, #tpu.memory_space<vmem>>
    %dma_start3A_2752 = tpu.memref_squeeze %dma_start3A_2751 : memref<1x1x128xf32, #tpu.memory_space<vmem>> -> memref<128xf32, #tpu.memory_space<vmem>>
    %dma_start3A_2753 = arith.constant 0 : i32
    %dma_start3A_2754 = tpu.memref_slice %arg9[%dma_start3A_2746, %dma_start3A_2747, %dma_start3A_2753] : memref<5x4x128xi32, #tpu.memory_space<vmem>> -> memref<1x1x128xi32, #tpu.memory_space<vmem>>
    %dma_start3A_2755 = tpu.memref_squeeze %dma_start3A_2754 : memref<1x1x128xi32, #tpu.memory_space<vmem>> -> memref<128xi32, #tpu.memory_space<vmem>>
    %dma_start3A_2756 = arith.constant 0 : i32
    %dma_start3A_2757 = tpu.memref_slice %arg2[%dma_start3A_2756] : memref<80000xf32, #tpu.memory_space<hbm>> -> memref<80000xf32, #tpu.memory_space<hbm>>
    tpu.enqueue_indirect_dma source(%dma_start3A_2757 : memref<80000xf32, #tpu.memory_space<hbm>>) target(%dma_start3A_2752 : memref<128xf32, #tpu.memory_space<vmem>>) offsets(%dma_start3A_2755 : memref<128xi32, #tpu.memory_space<vmem>>) semaphore(%arg14 : memref<!tpu.dma_semaphore, #tpu.memory_space<semaphore_mem>>)
    %dma_start3A_2758 = arith.constant 0 : i32
    %dma_start3A_2759 = arith.constant 3 : i32
    %dma_start3A_2760 = arith.constant 0 : i32
    %dma_start3A_2761 = arith.constant 3 : i32
    %dma_start3A_2762 = arith.constant 0 : i32
    %dma_start3A_2763 = tpu.memref_slice %arg10[%dma_start3A_2760, %dma_start3A_2761, %dma_start3A_2762] : memref<5x4x128xf32, #tpu.memory_space<vmem>> -> memref<1x1x128xf32, #tpu.memory_space<vmem>>
    %dma_start3A_2764 = tpu.memref_squeeze %dma_start3A_2763 : memref<1x1x128xf32, #tpu.memory_space<vmem>> -> memref<128xf32, #tpu.memory_space<vmem>>
    %dma_start3A_2765 = arith.constant 0 : i32
    %dma_start3A_2766 = tpu.memref_slice %arg9[%dma_start3A_2758, %dma_start3A_2759, %dma_start3A_2765] : memref<5x4x128xi32, #tpu.memory_space<vmem>> -> memref<1x1x128xi32, #tpu.memory_space<vmem>>
    %dma_start3A_2767 = tpu.memref_squeeze %dma_start3A_2766 : memref<1x1x128xi32, #tpu.memory_space<vmem>> -> memref<128xi32, #tpu.memory_space<vmem>>
    %dma_start3A_2768 = arith.constant 0 : i32
    %dma_start3A_2769 = tpu.memref_slice %arg2[%dma_start3A_2768] : memref<80000xf32, #tpu.memory_space<hbm>> -> memref<80000xf32, #tpu.memory_space<hbm>>
    tpu.enqueue_indirect_dma source(%dma_start3A_2769 : memref<80000xf32, #tpu.memory_space<hbm>>) target(%dma_start3A_2764 : memref<128xf32, #tpu.memory_space<vmem>>) offsets(%dma_start3A_2767 : memref<128xi32, #tpu.memory_space<vmem>>) semaphore(%arg14 : memref<!tpu.dma_semaphore, #tpu.memory_space<semaphore_mem>>)
    %dma_start3A_2770 = arith.constant 1 : i32
    %dma_start3A_2771 = arith.constant 0 : i32
    %dma_start3A_2772 = arith.constant 1 : i32
    %dma_start3A_2773 = arith.constant 0 : i32
    %dma_start3A_2774 = arith.constant 0 : i32
    %dma_start3A_2775 = tpu.memref_slice %arg10[%dma_start3A_2772, %dma_start3A_2773, %dma_start3A_2774] : memref<5x4x128xf32, #tpu.memory_space<vmem>> -> memref<1x1x128xf32, #tpu.memory_space<vmem>>
    %dma_start3A_2776 = tpu.memref_squeeze %dma_start3A_2775 : memref<1x1x128xf32, #tpu.memory_space<vmem>> -> memref<128xf32, #tpu.memory_space<vmem>>
    %dma_start3A_2777 = arith.constant 0 : i32
    %dma_start3A_2778 = tpu.memref_slice %arg9[%dma_start3A_2770, %dma_start3A_2771, %dma_start3A_2777] : memref<5x4x128xi32, #tpu.memory_space<vmem>> -> memref<1x1x128xi32, #tpu.memory_space<vmem>>
    %dma_start3A_2779 = tpu.memref_squeeze %dma_start3A_2778 : memref<1x1x128xi32, #tpu.memory_space<vmem>> -> memref<128xi32, #tpu.memory_space<vmem>>
    %dma_start3A_2780 = arith.constant 0 : i32
    %dma_start3A_2781 = tpu.memref_slice %arg2[%dma_start3A_2780] : memref<80000xf32, #tpu.memory_space<hbm>> -> memref<80000xf32, #tpu.memory_space<hbm>>
    tpu.enqueue_indirect_dma source(%dma_start3A_2781 : memref<80000xf32, #tpu.memory_space<hbm>>) target(%dma_start3A_2776 : memref<128xf32, #tpu.memory_space<vmem>>) offsets(%dma_start3A_2779 : memref<128xi32, #tpu.memory_space<vmem>>) semaphore(%arg14 : memref<!tpu.dma_semaphore, #tpu.memory_space<semaphore_mem>>)
    %dma_start3A_2782 = arith.constant 1 : i32
    %dma_start3A_2783 = arith.constant 1 : i32
    %dma_start3A_2784 = arith.constant 1 : i32
    %dma_start3A_2785 = arith.constant 1 : i32
    %dma_start3A_2786 = arith.constant 0 : i32
    %dma_start3A_2787 = tpu.memref_slice %arg10[%dma_start3A_2784, %dma_start3A_2785, %dma_start3A_2786] : memref<5x4x128xf32, #tpu.memory_space<vmem>> -> memref<1x1x128xf32, #tpu.memory_space<vmem>>
    %dma_start3A_2788 = tpu.memref_squeeze %dma_start3A_2787 : memref<1x1x128xf32, #tpu.memory_space<vmem>> -> memref<128xf32, #tpu.memory_space<vmem>>
    %dma_start3A_2789 = arith.constant 0 : i32
    %dma_start3A_2790 = tpu.memref_slice %arg9[%dma_start3A_2782, %dma_start3A_2783, %dma_start3A_2789] : memref<5x4x128xi32, #tpu.memory_space<vmem>> -> memref<1x1x128xi32, #tpu.memory_space<vmem>>
    %dma_start3A_2791 = tpu.memref_squeeze %dma_start3A_2790 : memref<1x1x128xi32, #tpu.memory_space<vmem>> -> memref<128xi32, #tpu.memory_space<vmem>>
    %dma_start3A_2792 = arith.constant 0 : i32
    %dma_start3A_2793 = tpu.memref_slice %arg2[%dma_start3A_2792] : memref<80000xf32, #tpu.memory_space<hbm>> -> memref<80000xf32, #tpu.memory_space<hbm>>
    tpu.enqueue_indirect_dma source(%dma_start3A_2793 : memref<80000xf32, #tpu.memory_space<hbm>>) target(%dma_start3A_2788 : memref<128xf32, #tpu.memory_space<vmem>>) offsets(%dma_start3A_2791 : memref<128xi32, #tpu.memory_space<vmem>>) semaphore(%arg14 : memref<!tpu.dma_semaphore, #tpu.memory_space<semaphore_mem>>)
    %dma_start3A_2794 = arith.constant 1 : i32
    %dma_start3A_2795 = arith.constant 2 : i32
    %dma_start3A_2796 = arith.constant 1 : i32
    %dma_start3A_2797 = arith.constant 2 : i32
    %dma_start3A_2798 = arith.constant 0 : i32
    %dma_start3A_2799 = tpu.memref_slice %arg10[%dma_start3A_2796, %dma_start3A_2797, %dma_start3A_2798] : memref<5x4x128xf32, #tpu.memory_space<vmem>> -> memref<1x1x128xf32, #tpu.memory_space<vmem>>
    %dma_start3A_2800 = tpu.memref_squeeze %dma_start3A_2799 : memref<1x1x128xf32, #tpu.memory_space<vmem>> -> memref<128xf32, #tpu.memory_space<vmem>>
    %dma_start3A_2801 = arith.constant 0 : i32
    %dma_start3A_2802 = tpu.memref_slice %arg9[%dma_start3A_2794, %dma_start3A_2795, %dma_start3A_2801] : memref<5x4x128xi32, #tpu.memory_space<vmem>> -> memref<1x1x128xi32, #tpu.memory_space<vmem>>
    %dma_start3A_2803 = tpu.memref_squeeze %dma_start3A_2802 : memref<1x1x128xi32, #tpu.memory_space<vmem>> -> memref<128xi32, #tpu.memory_space<vmem>>
    %dma_start3A_2804 = arith.constant 0 : i32
    %dma_start3A_2805 = tpu.memref_slice %arg2[%dma_start3A_2804] : memref<80000xf32, #tpu.memory_space<hbm>> -> memref<80000xf32, #tpu.memory_space<hbm>>
    tpu.enqueue_indirect_dma source(%dma_start3A_2805 : memref<80000xf32, #tpu.memory_space<hbm>>) target(%dma_start3A_2800 : memref<128xf32, #tpu.memory_space<vmem>>) offsets(%dma_start3A_2803 : memref<128xi32, #tpu.memory_space<vmem>>) semaphore(%arg14 : memref<!tpu.dma_semaphore, #tpu.memory_space<semaphore_mem>>)
    %dma_start3A_2806 = arith.constant 1 : i32
    %dma_start3A_2807 = arith.constant 3 : i32
    %dma_start3A_2808 = arith.constant 1 : i32
    %dma_start3A_2809 = arith.constant 3 : i32
    %dma_start3A_2810 = arith.constant 0 : i32
    %dma_start3A_2811 = tpu.memref_slice %arg10[%dma_start3A_2808, %dma_start3A_2809, %dma_start3A_2810] : memref<5x4x128xf32, #tpu.memory_space<vmem>> -> memref<1x1x128xf32, #tpu.memory_space<vmem>>
    %dma_start3A_2812 = tpu.memref_squeeze %dma_start3A_2811 : memref<1x1x128xf32, #tpu.memory_space<vmem>> -> memref<128xf32, #tpu.memory_space<vmem>>
    %dma_start3A_2813 = arith.constant 0 : i32
    %dma_start3A_2814 = tpu.memref_slice %arg9[%dma_start3A_2806, %dma_start3A_2807, %dma_start3A_2813] : memref<5x4x128xi32, #tpu.memory_space<vmem>> -> memref<1x1x128xi32, #tpu.memory_space<vmem>>
    %dma_start3A_2815 = tpu.memref_squeeze %dma_start3A_2814 : memref<1x1x128xi32, #tpu.memory_space<vmem>> -> memref<128xi32, #tpu.memory_space<vmem>>
    %dma_start3A_2816 = arith.constant 0 : i32
    %dma_start3A_2817 = tpu.memref_slice %arg2[%dma_start3A_2816] : memref<80000xf32, #tpu.memory_space<hbm>> -> memref<80000xf32, #tpu.memory_space<hbm>>
    tpu.enqueue_indirect_dma source(%dma_start3A_2817 : memref<80000xf32, #tpu.memory_space<hbm>>) target(%dma_start3A_2812 : memref<128xf32, #tpu.memory_space<vmem>>) offsets(%dma_start3A_2815 : memref<128xi32, #tpu.memory_space<vmem>>) semaphore(%arg14 : memref<!tpu.dma_semaphore, #tpu.memory_space<semaphore_mem>>)
    %dma_start3A_2818 = arith.constant 2 : i32
    %dma_start3A_2819 = arith.constant 0 : i32
    %dma_start3A_2820 = arith.constant 2 : i32
    %dma_start3A_2821 = arith.constant 0 : i32
    %dma_start3A_2822 = arith.constant 0 : i32
    %dma_start3A_2823 = tpu.memref_slice %arg10[%dma_start3A_2820, %dma_start3A_2821, %dma_start3A_2822] : memref<5x4x128xf32, #tpu.memory_space<vmem>> -> memref<1x1x128xf32, #tpu.memory_space<vmem>>
    %dma_start3A_2824 = tpu.memref_squeeze %dma_start3A_2823 : memref<1x1x128xf32, #tpu.memory_space<vmem>> -> memref<128xf32, #tpu.memory_space<vmem>>
    %dma_start3A_2825 = arith.constant 0 : i32
    %dma_start3A_2826 = tpu.memref_slice %arg9[%dma_start3A_2818, %dma_start3A_2819, %dma_start3A_2825] : memref<5x4x128xi32, #tpu.memory_space<vmem>> -> memref<1x1x128xi32, #tpu.memory_space<vmem>>
    %dma_start3A_2827 = tpu.memref_squeeze %dma_start3A_2826 : memref<1x1x128xi32, #tpu.memory_space<vmem>> -> memref<128xi32, #tpu.memory_space<vmem>>
    %dma_start3A_2828 = arith.constant 0 : i32
    %dma_start3A_2829 = tpu.memref_slice %arg2[%dma_start3A_2828] : memref<80000xf32, #tpu.memory_space<hbm>> -> memref<80000xf32, #tpu.memory_space<hbm>>
    tpu.enqueue_indirect_dma source(%dma_start3A_2829 : memref<80000xf32, #tpu.memory_space<hbm>>) target(%dma_start3A_2824 : memref<128xf32, #tpu.memory_space<vmem>>) offsets(%dma_start3A_2827 : memref<128xi32, #tpu.memory_space<vmem>>) semaphore(%arg14 : memref<!tpu.dma_semaphore, #tpu.memory_space<semaphore_mem>>)
    %dma_start3A_2830 = arith.constant 2 : i32
    %dma_start3A_2831 = arith.constant 1 : i32
    %dma_start3A_2832 = arith.constant 2 : i32
    %dma_start3A_2833 = arith.constant 1 : i32
    %dma_start3A_2834 = arith.constant 0 : i32
    %dma_start3A_2835 = tpu.memref_slice %arg10[%dma_start3A_2832, %dma_start3A_2833, %dma_start3A_2834] : memref<5x4x128xf32, #tpu.memory_space<vmem>> -> memref<1x1x128xf32, #tpu.memory_space<vmem>>
    %dma_start3A_2836 = tpu.memref_squeeze %dma_start3A_2835 : memref<1x1x128xf32, #tpu.memory_space<vmem>> -> memref<128xf32, #tpu.memory_space<vmem>>
    %dma_start3A_2837 = arith.constant 0 : i32
    %dma_start3A_2838 = tpu.memref_slice %arg9[%dma_start3A_2830, %dma_start3A_2831, %dma_start3A_2837] : memref<5x4x128xi32, #tpu.memory_space<vmem>> -> memref<1x1x128xi32, #tpu.memory_space<vmem>>
    %dma_start3A_2839 = tpu.memref_squeeze %dma_start3A_2838 : memref<1x1x128xi32, #tpu.memory_space<vmem>> -> memref<128xi32, #tpu.memory_space<vmem>>
    %dma_start3A_2840 = arith.constant 0 : i32
    %dma_start3A_2841 = tpu.memref_slice %arg2[%dma_start3A_2840] : memref<80000xf32, #tpu.memory_space<hbm>> -> memref<80000xf32, #tpu.memory_space<hbm>>
    tpu.enqueue_indirect_dma source(%dma_start3A_2841 : memref<80000xf32, #tpu.memory_space<hbm>>) target(%dma_start3A_2836 : memref<128xf32, #tpu.memory_space<vmem>>) offsets(%dma_start3A_2839 : memref<128xi32, #tpu.memory_space<vmem>>) semaphore(%arg14 : memref<!tpu.dma_semaphore, #tpu.memory_space<semaphore_mem>>)
    %dma_start3A_2842 = arith.constant 2 : i32
    %dma_start3A_2843 = arith.constant 2 : i32
    %dma_start3A_2844 = arith.constant 2 : i32
    %dma_start3A_2845 = arith.constant 2 : i32
    %dma_start3A_2846 = arith.constant 0 : i32
    %dma_start3A_2847 = tpu.memref_slice %arg10[%dma_start3A_2844, %dma_start3A_2845, %dma_start3A_2846] : memref<5x4x128xf32, #tpu.memory_space<vmem>> -> memref<1x1x128xf32, #tpu.memory_space<vmem>>
    %dma_start3A_2848 = tpu.memref_squeeze %dma_start3A_2847 : memref<1x1x128xf32, #tpu.memory_space<vmem>> -> memref<128xf32, #tpu.memory_space<vmem>>
    %dma_start3A_2849 = arith.constant 0 : i32
    %dma_start3A_2850 = tpu.memref_slice %arg9[%dma_start3A_2842, %dma_start3A_2843, %dma_start3A_2849] : memref<5x4x128xi32, #tpu.memory_space<vmem>> -> memref<1x1x128xi32, #tpu.memory_space<vmem>>
    %dma_start3A_2851 = tpu.memref_squeeze %dma_start3A_2850 : memref<1x1x128xi32, #tpu.memory_space<vmem>> -> memref<128xi32, #tpu.memory_space<vmem>>
    %dma_start3A_2852 = arith.constant 0 : i32
    %dma_start3A_2853 = tpu.memref_slice %arg2[%dma_start3A_2852] : memref<80000xf32, #tpu.memory_space<hbm>> -> memref<80000xf32, #tpu.memory_space<hbm>>
    tpu.enqueue_indirect_dma source(%dma_start3A_2853 : memref<80000xf32, #tpu.memory_space<hbm>>) target(%dma_start3A_2848 : memref<128xf32, #tpu.memory_space<vmem>>) offsets(%dma_start3A_2851 : memref<128xi32, #tpu.memory_space<vmem>>) semaphore(%arg14 : memref<!tpu.dma_semaphore, #tpu.memory_space<semaphore_mem>>)
    %dma_start3A_2854 = arith.constant 2 : i32
    %dma_start3A_2855 = arith.constant 3 : i32
    %dma_start3A_2856 = arith.constant 2 : i32
    %dma_start3A_2857 = arith.constant 3 : i32
    %dma_start3A_2858 = arith.constant 0 : i32
    %dma_start3A_2859 = tpu.memref_slice %arg10[%dma_start3A_2856, %dma_start3A_2857, %dma_start3A_2858] : memref<5x4x128xf32, #tpu.memory_space<vmem>> -> memref<1x1x128xf32, #tpu.memory_space<vmem>>
    %dma_start3A_2860 = tpu.memref_squeeze %dma_start3A_2859 : memref<1x1x128xf32, #tpu.memory_space<vmem>> -> memref<128xf32, #tpu.memory_space<vmem>>
    %dma_start3A_2861 = arith.constant 0 : i32
    %dma_start3A_2862 = tpu.memref_slice %arg9[%dma_start3A_2854, %dma_start3A_2855, %dma_start3A_2861] : memref<5x4x128xi32, #tpu.memory_space<vmem>> -> memref<1x1x128xi32, #tpu.memory_space<vmem>>
    %dma_start3A_2863 = tpu.memref_squeeze %dma_start3A_2862 : memref<1x1x128xi32, #tpu.memory_space<vmem>> -> memref<128xi32, #tpu.memory_space<vmem>>
    %dma_start3A_2864 = arith.constant 0 : i32
    %dma_start3A_2865 = tpu.memref_slice %arg2[%dma_start3A_2864] : memref<80000xf32, #tpu.memory_space<hbm>> -> memref<80000xf32, #tpu.memory_space<hbm>>
    tpu.enqueue_indirect_dma source(%dma_start3A_2865 : memref<80000xf32, #tpu.memory_space<hbm>>) target(%dma_start3A_2860 : memref<128xf32, #tpu.memory_space<vmem>>) offsets(%dma_start3A_2863 : memref<128xi32, #tpu.memory_space<vmem>>) semaphore(%arg14 : memref<!tpu.dma_semaphore, #tpu.memory_space<semaphore_mem>>)
    %dma_start3A_2866 = arith.constant 3 : i32
    %dma_start3A_2867 = arith.constant 0 : i32
    %dma_start3A_2868 = arith.constant 3 : i32
    %dma_start3A_2869 = arith.constant 0 : i32
    %dma_start3A_2870 = arith.constant 0 : i32
    %dma_start3A_2871 = tpu.memref_slice %arg10[%dma_start3A_2868, %dma_start3A_2869, %dma_start3A_2870] : memref<5x4x128xf32, #tpu.memory_space<vmem>> -> memref<1x1x128xf32, #tpu.memory_space<vmem>>
    %dma_start3A_2872 = tpu.memref_squeeze %dma_start3A_2871 : memref<1x1x128xf32, #tpu.memory_space<vmem>> -> memref<128xf32, #tpu.memory_space<vmem>>
    %dma_start3A_2873 = arith.constant 0 : i32
    %dma_start3A_2874 = tpu.memref_slice %arg9[%dma_start3A_2866, %dma_start3A_2867, %dma_start3A_2873] : memref<5x4x128xi32, #tpu.memory_space<vmem>> -> memref<1x1x128xi32, #tpu.memory_space<vmem>>
    %dma_start3A_2875 = tpu.memref_squeeze %dma_start3A_2874 : memref<1x1x128xi32, #tpu.memory_space<vmem>> -> memref<128xi32, #tpu.memory_space<vmem>>
    %dma_start3A_2876 = arith.constant 0 : i32
    %dma_start3A_2877 = tpu.memref_slice %arg2[%dma_start3A_2876] : memref<80000xf32, #tpu.memory_space<hbm>> -> memref<80000xf32, #tpu.memory_space<hbm>>
    tpu.enqueue_indirect_dma source(%dma_start3A_2877 : memref<80000xf32, #tpu.memory_space<hbm>>) target(%dma_start3A_2872 : memref<128xf32, #tpu.memory_space<vmem>>) offsets(%dma_start3A_2875 : memref<128xi32, #tpu.memory_space<vmem>>) semaphore(%arg14 : memref<!tpu.dma_semaphore, #tpu.memory_space<semaphore_mem>>)
    %dma_start3A_2878 = arith.constant 3 : i32
    %dma_start3A_2879 = arith.constant 1 : i32
    %dma_start3A_2880 = arith.constant 3 : i32
    %dma_start3A_2881 = arith.constant 1 : i32
    %dma_start3A_2882 = arith.constant 0 : i32
    %dma_start3A_2883 = tpu.memref_slice %arg10[%dma_start3A_2880, %dma_start3A_2881, %dma_start3A_2882] : memref<5x4x128xf32, #tpu.memory_space<vmem>> -> memref<1x1x128xf32, #tpu.memory_space<vmem>>
    %dma_start3A_2884 = tpu.memref_squeeze %dma_start3A_2883 : memref<1x1x128xf32, #tpu.memory_space<vmem>> -> memref<128xf32, #tpu.memory_space<vmem>>
    %dma_start3A_2885 = arith.constant 0 : i32
    %dma_start3A_2886 = tpu.memref_slice %arg9[%dma_start3A_2878, %dma_start3A_2879, %dma_start3A_2885] : memref<5x4x128xi32, #tpu.memory_space<vmem>> -> memref<1x1x128xi32, #tpu.memory_space<vmem>>
    %dma_start3A_2887 = tpu.memref_squeeze %dma_start3A_2886 : memref<1x1x128xi32, #tpu.memory_space<vmem>> -> memref<128xi32, #tpu.memory_space<vmem>>
    %dma_start3A_2888 = arith.constant 0 : i32
    %dma_start3A_2889 = tpu.memref_slice %arg2[%dma_start3A_2888] : memref<80000xf32, #tpu.memory_space<hbm>> -> memref<80000xf32, #tpu.memory_space<hbm>>
    tpu.enqueue_indirect_dma source(%dma_start3A_2889 : memref<80000xf32, #tpu.memory_space<hbm>>) target(%dma_start3A_2884 : memref<128xf32, #tpu.memory_space<vmem>>) offsets(%dma_start3A_2887 : memref<128xi32, #tpu.memory_space<vmem>>) semaphore(%arg14 : memref<!tpu.dma_semaphore, #tpu.memory_space<semaphore_mem>>)
    %dma_start3A_2890 = arith.constant 3 : i32
    %dma_start3A_2891 = arith.constant 2 : i32
    %dma_start3A_2892 = arith.constant 3 : i32
    %dma_start3A_2893 = arith.constant 2 : i32
    %dma_start3A_2894 = arith.constant 0 : i32
    %dma_start3A_2895 = tpu.memref_slice %arg10[%dma_start3A_2892, %dma_start3A_2893, %dma_start3A_2894] : memref<5x4x128xf32, #tpu.memory_space<vmem>> -> memref<1x1x128xf32, #tpu.memory_space<vmem>>
    %dma_start3A_2896 = tpu.memref_squeeze %dma_start3A_2895 : memref<1x1x128xf32, #tpu.memory_space<vmem>> -> memref<128xf32, #tpu.memory_space<vmem>>
    %dma_start3A_2897 = arith.constant 0 : i32
    %dma_start3A_2898 = tpu.memref_slice %arg9[%dma_start3A_2890, %dma_start3A_2891, %dma_start3A_2897] : memref<5x4x128xi32, #tpu.memory_space<vmem>> -> memref<1x1x128xi32, #tpu.memory_space<vmem>>
    %dma_start3A_2899 = tpu.memref_squeeze %dma_start3A_2898 : memref<1x1x128xi32, #tpu.memory_space<vmem>> -> memref<128xi32, #tpu.memory_space<vmem>>
    %dma_start3A_2900 = arith.constant 0 : i32
    %dma_start3A_2901 = tpu.memref_slice %arg2[%dma_start3A_2900] : memref<80000xf32, #tpu.memory_space<hbm>> -> memref<80000xf32, #tpu.memory_space<hbm>>
    tpu.enqueue_indirect_dma source(%dma_start3A_2901 : memref<80000xf32, #tpu.memory_space<hbm>>) target(%dma_start3A_2896 : memref<128xf32, #tpu.memory_space<vmem>>) offsets(%dma_start3A_2899 : memref<128xi32, #tpu.memory_space<vmem>>) semaphore(%arg14 : memref<!tpu.dma_semaphore, #tpu.memory_space<semaphore_mem>>)
    %dma_start3A_2902 = arith.constant 3 : i32
    %dma_start3A_2903 = arith.constant 3 : i32
    %dma_start3A_2904 = arith.constant 3 : i32
    %dma_start3A_2905 = arith.constant 3 : i32
    %dma_start3A_2906 = arith.constant 0 : i32
    %dma_start3A_2907 = tpu.memref_slice %arg10[%dma_start3A_2904, %dma_start3A_2905, %dma_start3A_2906] : memref<5x4x128xf32, #tpu.memory_space<vmem>> -> memref<1x1x128xf32, #tpu.memory_space<vmem>>
    %dma_start3A_2908 = tpu.memref_squeeze %dma_start3A_2907 : memref<1x1x128xf32, #tpu.memory_space<vmem>> -> memref<128xf32, #tpu.memory_space<vmem>>
    %dma_start3A_2909 = arith.constant 0 : i32
    %dma_start3A_2910 = tpu.memref_slice %arg9[%dma_start3A_2902, %dma_start3A_2903, %dma_start3A_2909] : memref<5x4x128xi32, #tpu.memory_space<vmem>> -> memref<1x1x128xi32, #tpu.memory_space<vmem>>
    %dma_start3A_2911 = tpu.memref_squeeze %dma_start3A_2910 : memref<1x1x128xi32, #tpu.memory_space<vmem>> -> memref<128xi32, #tpu.memory_space<vmem>>
    %dma_start3A_2912 = arith.constant 0 : i32
    %dma_start3A_2913 = tpu.memref_slice %arg2[%dma_start3A_2912] : memref<80000xf32, #tpu.memory_space<hbm>> -> memref<80000xf32, #tpu.memory_space<hbm>>
    tpu.enqueue_indirect_dma source(%dma_start3A_2913 : memref<80000xf32, #tpu.memory_space<hbm>>) target(%dma_start3A_2908 : memref<128xf32, #tpu.memory_space<vmem>>) offsets(%dma_start3A_2911 : memref<128xi32, #tpu.memory_space<vmem>>) semaphore(%arg14 : memref<!tpu.dma_semaphore, #tpu.memory_space<semaphore_mem>>)
    %dma_start3A_2914 = arith.constant 4 : i32
    %dma_start3A_2915 = arith.constant 0 : i32
    %dma_start3A_2916 = arith.constant 4 : i32
    %dma_start3A_2917 = arith.constant 0 : i32
    %dma_start3A_2918 = arith.constant 0 : i32
    %dma_start3A_2919 = tpu.memref_slice %arg10[%dma_start3A_2916, %dma_start3A_2917, %dma_start3A_2918] : memref<5x4x128xf32, #tpu.memory_space<vmem>> -> memref<1x1x128xf32, #tpu.memory_space<vmem>>
    %dma_start3A_2920 = tpu.memref_squeeze %dma_start3A_2919 : memref<1x1x128xf32, #tpu.memory_space<vmem>> -> memref<128xf32, #tpu.memory_space<vmem>>
    %dma_start3A_2921 = arith.constant 0 : i32
    %dma_start3A_2922 = tpu.memref_slice %arg9[%dma_start3A_2914, %dma_start3A_2915, %dma_start3A_2921] : memref<5x4x128xi32, #tpu.memory_space<vmem>> -> memref<1x1x128xi32, #tpu.memory_space<vmem>>
    %dma_start3A_2923 = tpu.memref_squeeze %dma_start3A_2922 : memref<1x1x128xi32, #tpu.memory_space<vmem>> -> memref<128xi32, #tpu.memory_space<vmem>>
    %dma_start3A_2924 = arith.constant 0 : i32
    %dma_start3A_2925 = tpu.memref_slice %arg2[%dma_start3A_2924] : memref<80000xf32, #tpu.memory_space<hbm>> -> memref<80000xf32, #tpu.memory_space<hbm>>
    tpu.enqueue_indirect_dma source(%dma_start3A_2925 : memref<80000xf32, #tpu.memory_space<hbm>>) target(%dma_start3A_2920 : memref<128xf32, #tpu.memory_space<vmem>>) offsets(%dma_start3A_2923 : memref<128xi32, #tpu.memory_space<vmem>>) semaphore(%arg14 : memref<!tpu.dma_semaphore, #tpu.memory_space<semaphore_mem>>)
    %dma_start3A_2926 = arith.constant 4 : i32
    %dma_start3A_2927 = arith.constant 1 : i32
    %dma_start3A_2928 = arith.constant 4 : i32
    %dma_start3A_2929 = arith.constant 1 : i32
    %dma_start3A_2930 = arith.constant 0 : i32
    %dma_start3A_2931 = tpu.memref_slice %arg10[%dma_start3A_2928, %dma_start3A_2929, %dma_start3A_2930] : memref<5x4x128xf32, #tpu.memory_space<vmem>> -> memref<1x1x128xf32, #tpu.memory_space<vmem>>
    %dma_start3A_2932 = tpu.memref_squeeze %dma_start3A_2931 : memref<1x1x128xf32, #tpu.memory_space<vmem>> -> memref<128xf32, #tpu.memory_space<vmem>>
    %dma_start3A_2933 = arith.constant 0 : i32
    %dma_start3A_2934 = tpu.memref_slice %arg9[%dma_start3A_2926, %dma_start3A_2927, %dma_start3A_2933] : memref<5x4x128xi32, #tpu.memory_space<vmem>> -> memref<1x1x128xi32, #tpu.memory_space<vmem>>
    %dma_start3A_2935 = tpu.memref_squeeze %dma_start3A_2934 : memref<1x1x128xi32, #tpu.memory_space<vmem>> -> memref<128xi32, #tpu.memory_space<vmem>>
    %dma_start3A_2936 = arith.constant 0 : i32
    %dma_start3A_2937 = tpu.memref_slice %arg2[%dma_start3A_2936] : memref<80000xf32, #tpu.memory_space<hbm>> -> memref<80000xf32, #tpu.memory_space<hbm>>
    tpu.enqueue_indirect_dma source(%dma_start3A_2937 : memref<80000xf32, #tpu.memory_space<hbm>>) target(%dma_start3A_2932 : memref<128xf32, #tpu.memory_space<vmem>>) offsets(%dma_start3A_2935 : memref<128xi32, #tpu.memory_space<vmem>>) semaphore(%arg14 : memref<!tpu.dma_semaphore, #tpu.memory_space<semaphore_mem>>)
    %dma_start3A_2938 = arith.constant 4 : i32
    %dma_start3A_2939 = arith.constant 2 : i32
    %dma_start3A_2940 = arith.constant 4 : i32
    %dma_start3A_2941 = arith.constant 2 : i32
    %dma_start3A_2942 = arith.constant 0 : i32
    %dma_start3A_2943 = tpu.memref_slice %arg10[%dma_start3A_2940, %dma_start3A_2941, %dma_start3A_2942] : memref<5x4x128xf32, #tpu.memory_space<vmem>> -> memref<1x1x128xf32, #tpu.memory_space<vmem>>
    %dma_start3A_2944 = tpu.memref_squeeze %dma_start3A_2943 : memref<1x1x128xf32, #tpu.memory_space<vmem>> -> memref<128xf32, #tpu.memory_space<vmem>>
    %dma_start3A_2945 = arith.constant 0 : i32
    %dma_start3A_2946 = tpu.memref_slice %arg9[%dma_start3A_2938, %dma_start3A_2939, %dma_start3A_2945] : memref<5x4x128xi32, #tpu.memory_space<vmem>> -> memref<1x1x128xi32, #tpu.memory_space<vmem>>
    %dma_start3A_2947 = tpu.memref_squeeze %dma_start3A_2946 : memref<1x1x128xi32, #tpu.memory_space<vmem>> -> memref<128xi32, #tpu.memory_space<vmem>>
    %dma_start3A_2948 = arith.constant 0 : i32
    %dma_start3A_2949 = tpu.memref_slice %arg2[%dma_start3A_2948] : memref<80000xf32, #tpu.memory_space<hbm>> -> memref<80000xf32, #tpu.memory_space<hbm>>
    tpu.enqueue_indirect_dma source(%dma_start3A_2949 : memref<80000xf32, #tpu.memory_space<hbm>>) target(%dma_start3A_2944 : memref<128xf32, #tpu.memory_space<vmem>>) offsets(%dma_start3A_2947 : memref<128xi32, #tpu.memory_space<vmem>>) semaphore(%arg14 : memref<!tpu.dma_semaphore, #tpu.memory_space<semaphore_mem>>)
    %dma_start3A_2950 = arith.constant 4 : i32
    %dma_start3A_2951 = arith.constant 3 : i32
    %dma_start3A_2952 = arith.constant 4 : i32
    %dma_start3A_2953 = arith.constant 3 : i32
    %dma_start3A_2954 = arith.constant 0 : i32
    %dma_start3A_2955 = tpu.memref_slice %arg10[%dma_start3A_2952, %dma_start3A_2953, %dma_start3A_2954] : memref<5x4x128xf32, #tpu.memory_space<vmem>> -> memref<1x1x128xf32, #tpu.memory_space<vmem>>
    %dma_start3A_2956 = tpu.memref_squeeze %dma_start3A_2955 : memref<1x1x128xf32, #tpu.memory_space<vmem>> -> memref<128xf32, #tpu.memory_space<vmem>>
    %dma_start3A_2957 = arith.constant 0 : i32
    %dma_start3A_2958 = tpu.memref_slice %arg9[%dma_start3A_2950, %dma_start3A_2951, %dma_start3A_2957] : memref<5x4x128xi32, #tpu.memory_space<vmem>> -> memref<1x1x128xi32, #tpu.memory_space<vmem>>
    %dma_start3A_2959 = tpu.memref_squeeze %dma_start3A_2958 : memref<1x1x128xi32, #tpu.memory_space<vmem>> -> memref<128xi32, #tpu.memory_space<vmem>>
    %dma_start3A_2960 = arith.constant 0 : i32
    %dma_start3A_2961 = tpu.memref_slice %arg2[%dma_start3A_2960] : memref<80000xf32, #tpu.memory_space<hbm>> -> memref<80000xf32, #tpu.memory_space<hbm>>
    tpu.enqueue_indirect_dma source(%dma_start3A_2961 : memref<80000xf32, #tpu.memory_space<hbm>>) target(%dma_start3A_2956 : memref<128xf32, #tpu.memory_space<vmem>>) offsets(%dma_start3A_2959 : memref<128xi32, #tpu.memory_space<vmem>>) semaphore(%arg14 : memref<!tpu.dma_semaphore, #tpu.memory_space<semaphore_mem>>)
    %get3A_2962 = arith.constant 0 : index
    %get3A_2963 = tpu.vector_load %arg8[%get3A_2962] {strides = array<i32>} : memref<640xi32, #tpu.memory_space<vmem>>, vector<16xi32>,
    %get3A_2964 = vector.shape_cast %get3A_2963 : vector<16xi32> to vector<16xi32>
    %convert_element_type3A = arith.sitofp %get3A_2964 : vector<16xi32> to vector<16xf32>
    %swap3A_2965 = arith.constant 0 : i32
    %swap3A_2966 = arith.constant 0 : i32
    %swap3A_2967 = arith.index_cast %swap3A_2965 : i32 to index
    %swap3A_2968 = arith.index_cast %swap3A_2966 : i32 to index
    %swap3A_2969 = arith.constant 0 : index
    %swap3A_2970 = tpu.vector_load %arg12[%swap3A_2967, %swap3A_2968, %swap3A_2969] {strides = array<i32>} : memref<5x1x128xf32, #tpu.memory_space<vmem>>, vector<1x1x16xf32>,
    %swap3A_2971 = vector.shape_cast %swap3A_2970 : vector<1x1x16xf32> to vector<16xf32>
    %swap3A_2972 = vector.shape_cast %convert_element_type3A : vector<16xf32> to vector<1x1x16xf32>
    tpu.vector_store %arg12[%swap3A_2967, %swap3A_2968, %swap3A_2969], %swap3A_2972 {strides = array<i32>} : memref<5x1x128xf32, #tpu.memory_space<vmem>>, vector<1x1x16xf32>,
    %get3A_2973 = arith.constant 0 : index
    %get3A_2974 = tpu.vector_load %arg11[%get3A_2973] {strides = array<i32>} : memref<640xf32, #tpu.memory_space<vmem>>, vector<16xf32>,
    %get3A_2975 = vector.shape_cast %get3A_2974 : vector<16xf32> to vector<16xf32>
    %neg3A = arith.constant 0.000000e+00 : f32
    %neg3A_2976 = vector.broadcast %neg3A : f32 to vector<16xf32>
    %neg3A_2977 = arith.subf %neg3A_2976, %get3A_2975 : vector<16xf32>
    %swap3A_2978 = arith.constant 0 : i32
    %swap3A_2979 = arith.constant 0 : i32
    %swap3A_2980 = arith.index_cast %swap3A_2978 : i32 to index
    %swap3A_2981 = arith.index_cast %swap3A_2979 : i32 to index
    %swap3A_2982 = arith.constant 0 : index
    %swap3A_2983 = tpu.vector_load %arg13[%swap3A_2980, %swap3A_2981, %swap3A_2982] {strides = array<i32>} : memref<5x1x128xf32, #tpu.memory_space<vmem>>, vector<1x1x16xf32>,
    %swap3A_2984 = vector.shape_cast %swap3A_2983 : vector<1x1x16xf32> to vector<16xf32>
    %swap3A_2985 = vector.shape_cast %neg3A_2977 : vector<16xf32> to vector<1x1x16xf32>
    tpu.vector_store %arg13[%swap3A_2980, %swap3A_2981, %swap3A_2982], %swap3A_2985 {strides = array<i32>} : memref<5x1x128xf32, #tpu.memory_space<vmem>>, vector<1x1x16xf32>,
    %get3A_2986 = arith.constant 16 : index
    %get3A_2987 = tpu.vector_load %arg8[%get3A_2986] {strides = array<i32>} : memref<640xi32, #tpu.memory_space<vmem>>, vector<16xi32>,
    %get3A_2988 = vector.shape_cast %get3A_2987 : vector<16xi32> to vector<16xi32>
    %convert_element_type3A_2989 = arith.sitofp %get3A_2988 : vector<16xi32> to vector<16xf32>
    %swap3A_2990 = arith.constant 0 : i32
    %swap3A_2991 = arith.constant 0 : i32
    %swap3A_2992 = arith.index_cast %swap3A_2990 : i32 to index
    %swap3A_2993 = arith.index_cast %swap3A_2991 : i32 to index
    %swap3A_2994 = arith.constant 16 : index
    %swap3A_2995 = tpu.vector_load %arg12[%swap3A_2992, %swap3A_2993, %swap3A_2994] {strides = array<i32>} : memref<5x1x128xf32, #tpu.memory_space<vmem>>, vector<1x1x16xf32>,
    %swap3A_2996 = vector.shape_cast %swap3A_2995 : vector<1x1x16xf32> to vector<16xf32>
    %swap3A_2997 = vector.shape_cast %convert_element_type3A_2989 : vector<16xf32> to vector<1x1x16xf32>
    tpu.vector_store %arg12[%swap3A_2992, %swap3A_2993, %swap3A_2994], %swap3A_2997 {strides = array<i32>} : memref<5x1x128xf32, #tpu.memory_space<vmem>>, vector<1x1x16xf32>,
    %get3A_2998 = arith.constant 16 : index
    %get3A_2999 = tpu.vector_load %arg11[%get3A_2998] {strides = array<i32>} : memref<640xf32, #tpu.memory_space<vmem>>, vector<16xf32>,
    %get3A_3000 = vector.shape_cast %get3A_2999 : vector<16xf32> to vector<16xf32>
    %neg3A_3001 = arith.constant 0.000000e+00 : f32
    %neg3A_3002 = vector.broadcast %neg3A_3001 : f32 to vector<16xf32>
    %neg3A_3003 = arith.subf %neg3A_3002, %get3A_3000 : vector<16xf32>
    %swap3A_3004 = arith.constant 0 : i32
    %swap3A_3005 = arith.constant 0 : i32
    %swap3A_3006 = arith.index_cast %swap3A_3004 : i32 to index
    %swap3A_3007 = arith.index_cast %swap3A_3005 : i32 to index
    %swap3A_3008 = arith.constant 16 : index
    %swap3A_3009 = tpu.vector_load %arg13[%swap3A_3006, %swap3A_3007, %swap3A_3008] {strides = array<i32>} : memref<5x1x128xf32, #tpu.memory_space<vmem>>, vector<1x1x16xf32>,
    %swap3A_3010 = vector.shape_cast %swap3A_3009 : vector<1x1x16xf32> to vector<16xf32>
    %swap3A_3011 = vector.shape_cast %neg3A_3003 : vector<16xf32> to vector<1x1x16xf32>
    tpu.vector_store %arg13[%swap3A_3006, %swap3A_3007, %swap3A_3008], %swap3A_3011 {strides = array<i32>} : memref<5x1x128xf32, #tpu.memory_space<vmem>>, vector<1x1x16xf32>,
    %get3A_3012 = arith.constant 32 : index
    %get3A_3013 = tpu.vector_load %arg8[%get3A_3012] {strides = array<i32>} : memref<640xi32, #tpu.memory_space<vmem>>, vector<16xi32>,
    %get3A_3014 = vector.shape_cast %get3A_3013 : vector<16xi32> to vector<16xi32>
    %convert_element_type3A_3015 = arith.sitofp %get3A_3014 : vector<16xi32> to vector<16xf32>
    %swap3A_3016 = arith.constant 0 : i32
    %swap3A_3017 = arith.constant 0 : i32
    %swap3A_3018 = arith.index_cast %swap3A_3016 : i32 to index
    %swap3A_3019 = arith.index_cast %swap3A_3017 : i32 to index
    %swap3A_3020 = arith.constant 32 : index
    %swap3A_3021 = tpu.vector_load %arg12[%swap3A_3018, %swap3A_3019, %swap3A_3020] {strides = array<i32>} : memref<5x1x128xf32, #tpu.memory_space<vmem>>, vector<1x1x16xf32>,
    %swap3A_3022 = vector.shape_cast %swap3A_3021 : vector<1x1x16xf32> to vector<16xf32>
    %swap3A_3023 = vector.shape_cast %convert_element_type3A_3015 : vector<16xf32> to vector<1x1x16xf32>
    tpu.vector_store %arg12[%swap3A_3018, %swap3A_3019, %swap3A_3020], %swap3A_3023 {strides = array<i32>} : memref<5x1x128xf32, #tpu.memory_space<vmem>>, vector<1x1x16xf32>,
    %get3A_3024 = arith.constant 32 : index
    %get3A_3025 = tpu.vector_load %arg11[%get3A_3024] {strides = array<i32>} : memref<640xf32, #tpu.memory_space<vmem>>, vector<16xf32>,
    %get3A_3026 = vector.shape_cast %get3A_3025 : vector<16xf32> to vector<16xf32>
    %neg3A_3027 = arith.constant 0.000000e+00 : f32
    %neg3A_3028 = vector.broadcast %neg3A_3027 : f32 to vector<16xf32>
    %neg3A_3029 = arith.subf %neg3A_3028, %get3A_3026 : vector<16xf32>
    %swap3A_3030 = arith.constant 0 : i32
    %swap3A_3031 = arith.constant 0 : i32
    %swap3A_3032 = arith.index_cast %swap3A_3030 : i32 to index
    %swap3A_3033 = arith.index_cast %swap3A_3031 : i32 to index
    %swap3A_3034 = arith.constant 32 : index
    %swap3A_3035 = tpu.vector_load %arg13[%swap3A_3032, %swap3A_3033, %swap3A_3034] {strides = array<i32>} : memref<5x1x128xf32, #tpu.memory_space<vmem>>, vector<1x1x16xf32>,
    %swap3A_3036 = vector.shape_cast %swap3A_3035 : vector<1x1x16xf32> to vector<16xf32>
    %swap3A_3037 = vector.shape_cast %neg3A_3029 : vector<16xf32> to vector<1x1x16xf32>
    tpu.vector_store %arg13[%swap3A_3032, %swap3A_3033, %swap3A_3034], %swap3A_3037 {strides = array<i32>} : memref<5x1x128xf32, #tpu.memory_space<vmem>>, vector<1x1x16xf32>,
    %get3A_3038 = arith.constant 48 : index
    %get3A_3039 = tpu.vector_load %arg8[%get3A_3038] {strides = array<i32>} : memref<640xi32, #tpu.memory_space<vmem>>, vector<16xi32>,
    %get3A_3040 = vector.shape_cast %get3A_3039 : vector<16xi32> to vector<16xi32>
    %convert_element_type3A_3041 = arith.sitofp %get3A_3040 : vector<16xi32> to vector<16xf32>
    %swap3A_3042 = arith.constant 0 : i32
    %swap3A_3043 = arith.constant 0 : i32
    %swap3A_3044 = arith.index_cast %swap3A_3042 : i32 to index
    %swap3A_3045 = arith.index_cast %swap3A_3043 : i32 to index
    %swap3A_3046 = arith.constant 48 : index
    %swap3A_3047 = tpu.vector_load %arg12[%swap3A_3044, %swap3A_3045, %swap3A_3046] {strides = array<i32>} : memref<5x1x128xf32, #tpu.memory_space<vmem>>, vector<1x1x16xf32>,
    %swap3A_3048 = vector.shape_cast %swap3A_3047 : vector<1x1x16xf32> to vector<16xf32>
    %swap3A_3049 = vector.shape_cast %convert_element_type3A_3041 : vector<16xf32> to vector<1x1x16xf32>
    tpu.vector_store %arg12[%swap3A_3044, %swap3A_3045, %swap3A_3046], %swap3A_3049 {strides = array<i32>} : memref<5x1x128xf32, #tpu.memory_space<vmem>>, vector<1x1x16xf32>,
    %get3A_3050 = arith.constant 48 : index
    %get3A_3051 = tpu.vector_load %arg11[%get3A_3050] {strides = array<i32>} : memref<640xf32, #tpu.memory_space<vmem>>, vector<16xf32>,
    %get3A_3052 = vector.shape_cast %get3A_3051 : vector<16xf32> to vector<16xf32>
    %neg3A_3053 = arith.constant 0.000000e+00 : f32
    %neg3A_3054 = vector.broadcast %neg3A_3053 : f32 to vector<16xf32>
    %neg3A_3055 = arith.subf %neg3A_3054, %get3A_3052 : vector<16xf32>
    %swap3A_3056 = arith.constant 0 : i32
    %swap3A_3057 = arith.constant 0 : i32
    %swap3A_3058 = arith.index_cast %swap3A_3056 : i32 to index
    %swap3A_3059 = arith.index_cast %swap3A_3057 : i32 to index
    %swap3A_3060 = arith.constant 48 : index
    %swap3A_3061 = tpu.vector_load %arg13[%swap3A_3058, %swap3A_3059, %swap3A_3060] {strides = array<i32>} : memref<5x1x128xf32, #tpu.memory_space<vmem>>, vector<1x1x16xf32>,
    %swap3A_3062 = vector.shape_cast %swap3A_3061 : vector<1x1x16xf32> to vector<16xf32>
    %swap3A_3063 = vector.shape_cast %neg3A_3055 : vector<16xf32> to vector<1x1x16xf32>
    tpu.vector_store %arg13[%swap3A_3058, %swap3A_3059, %swap3A_3060], %swap3A_3063 {strides = array<i32>} : memref<5x1x128xf32, #tpu.memory_space<vmem>>, vector<1x1x16xf32>,
    %get3A_3064 = arith.constant 64 : index
    %get3A_3065 = tpu.vector_load %arg8[%get3A_3064] {strides = array<i32>} : memref<640xi32, #tpu.memory_space<vmem>>, vector<16xi32>,
    %get3A_3066 = vector.shape_cast %get3A_3065 : vector<16xi32> to vector<16xi32>
    %convert_element_type3A_3067 = arith.sitofp %get3A_3066 : vector<16xi32> to vector<16xf32>
    %swap3A_3068 = arith.constant 0 : i32
    %swap3A_3069 = arith.constant 0 : i32
    %swap3A_3070 = arith.index_cast %swap3A_3068 : i32 to index
    %swap3A_3071 = arith.index_cast %swap3A_3069 : i32 to index
    %swap3A_3072 = arith.constant 64 : index
    %swap3A_3073 = tpu.vector_load %arg12[%swap3A_3070, %swap3A_3071, %swap3A_3072] {strides = array<i32>} : memref<5x1x128xf32, #tpu.memory_space<vmem>>, vector<1x1x16xf32>,
    %swap3A_3074 = vector.shape_cast %swap3A_3073 : vector<1x1x16xf32> to vector<16xf32>
    %swap3A_3075 = vector.shape_cast %convert_element_type3A_3067 : vector<16xf32> to vector<1x1x16xf32>
    tpu.vector_store %arg12[%swap3A_3070, %swap3A_3071, %swap3A_3072], %swap3A_3075 {strides = array<i32>} : memref<5x1x128xf32, #tpu.memory_space<vmem>>, vector<1x1x16xf32>,
    %get3A_3076 = arith.constant 64 : index
    %get3A_3077 = tpu.vector_load %arg11[%get3A_3076] {strides = array<i32>} : memref<640xf32, #tpu.memory_space<vmem>>, vector<16xf32>,
    %get3A_3078 = vector.shape_cast %get3A_3077 : vector<16xf32> to vector<16xf32>
    %neg3A_3079 = arith.constant 0.000000e+00 : f32
    %neg3A_3080 = vector.broadcast %neg3A_3079 : f32 to vector<16xf32>
    %neg3A_3081 = arith.subf %neg3A_3080, %get3A_3078 : vector<16xf32>
    %swap3A_3082 = arith.constant 0 : i32
    %swap3A_3083 = arith.constant 0 : i32
    %swap3A_3084 = arith.index_cast %swap3A_3082 : i32 to index
    %swap3A_3085 = arith.index_cast %swap3A_3083 : i32 to index
    %swap3A_3086 = arith.constant 64 : index
    %swap3A_3087 = tpu.vector_load %arg13[%swap3A_3084, %swap3A_3085, %swap3A_3086] {strides = array<i32>} : memref<5x1x128xf32, #tpu.memory_space<vmem>>, vector<1x1x16xf32>,
    %swap3A_3088 = vector.shape_cast %swap3A_3087 : vector<1x1x16xf32> to vector<16xf32>
    %swap3A_3089 = vector.shape_cast %neg3A_3081 : vector<16xf32> to vector<1x1x16xf32>
    tpu.vector_store %arg13[%swap3A_3084, %swap3A_3085, %swap3A_3086], %swap3A_3089 {strides = array<i32>} : memref<5x1x128xf32, #tpu.memory_space<vmem>>, vector<1x1x16xf32>,
    %get3A_3090 = arith.constant 80 : index
    %get3A_3091 = tpu.vector_load %arg8[%get3A_3090] {strides = array<i32>} : memref<640xi32, #tpu.memory_space<vmem>>, vector<16xi32>,
    %get3A_3092 = vector.shape_cast %get3A_3091 : vector<16xi32> to vector<16xi32>
    %convert_element_type3A_3093 = arith.sitofp %get3A_3092 : vector<16xi32> to vector<16xf32>
    %swap3A_3094 = arith.constant 0 : i32
    %swap3A_3095 = arith.constant 0 : i32
    %swap3A_3096 = arith.index_cast %swap3A_3094 : i32 to index
    %swap3A_3097 = arith.index_cast %swap3A_3095 : i32 to index
    %swap3A_3098 = arith.constant 80 : index
    %swap3A_3099 = tpu.vector_load %arg12[%swap3A_3096, %swap3A_3097, %swap3A_3098] {strides = array<i32>} : memref<5x1x128xf32, #tpu.memory_space<vmem>>, vector<1x1x16xf32>,
    %swap3A_3100 = vector.shape_cast %swap3A_3099 : vector<1x1x16xf32> to vector<16xf32>
    %swap3A_3101 = vector.shape_cast %convert_element_type3A_3093 : vector<16xf32> to vector<1x1x16xf32>
    tpu.vector_store %arg12[%swap3A_3096, %swap3A_3097, %swap3A_3098], %swap3A_3101 {strides = array<i32>} : memref<5x1x128xf32, #tpu.memory_space<vmem>>, vector<1x1x16xf32>,
    %get3A_3102 = arith.constant 80 : index
    %get3A_3103 = tpu.vector_load %arg11[%get3A_3102] {strides = array<i32>} : memref<640xf32, #tpu.memory_space<vmem>>, vector<16xf32>,
    %get3A_3104 = vector.shape_cast %get3A_3103 : vector<16xf32> to vector<16xf32>
    %neg3A_3105 = arith.constant 0.000000e+00 : f32
    %neg3A_3106 = vector.broadcast %neg3A_3105 : f32 to vector<16xf32>
    %neg3A_3107 = arith.subf %neg3A_3106, %get3A_3104 : vector<16xf32>
    %swap3A_3108 = arith.constant 0 : i32
    %swap3A_3109 = arith.constant 0 : i32
    %swap3A_3110 = arith.index_cast %swap3A_3108 : i32 to index
    %swap3A_3111 = arith.index_cast %swap3A_3109 : i32 to index
    %swap3A_3112 = arith.constant 80 : index
    %swap3A_3113 = tpu.vector_load %arg13[%swap3A_3110, %swap3A_3111, %swap3A_3112] {strides = array<i32>} : memref<5x1x128xf32, #tpu.memory_space<vmem>>, vector<1x1x16xf32>,
    %swap3A_3114 = vector.shape_cast %swap3A_3113 : vector<1x1x16xf32> to vector<16xf32>
    %swap3A_3115 = vector.shape_cast %neg3A_3107 : vector<16xf32> to vector<1x1x16xf32>
    tpu.vector_store %arg13[%swap3A_3110, %swap3A_3111, %swap3A_3112], %swap3A_3115 {strides = array<i32>} : memref<5x1x128xf32, #tpu.memory_space<vmem>>, vector<1x1x16xf32>,
    %get3A_3116 = arith.constant 96 : index
    %get3A_3117 = tpu.vector_load %arg8[%get3A_3116] {strides = array<i32>} : memref<640xi32, #tpu.memory_space<vmem>>, vector<16xi32>,
    %get3A_3118 = vector.shape_cast %get3A_3117 : vector<16xi32> to vector<16xi32>
    %convert_element_type3A_3119 = arith.sitofp %get3A_3118 : vector<16xi32> to vector<16xf32>
    %swap3A_3120 = arith.constant 0 : i32
    %swap3A_3121 = arith.constant 0 : i32
    %swap3A_3122 = arith.index_cast %swap3A_3120 : i32 to index
    %swap3A_3123 = arith.index_cast %swap3A_3121 : i32 to index
    %swap3A_3124 = arith.constant 96 : index
    %swap3A_3125 = tpu.vector_load %arg12[%swap3A_3122, %swap3A_3123, %swap3A_3124] {strides = array<i32>} : memref<5x1x128xf32, #tpu.memory_space<vmem>>, vector<1x1x16xf32>,
    %swap3A_3126 = vector.shape_cast %swap3A_3125 : vector<1x1x16xf32> to vector<16xf32>
    %swap3A_3127 = vector.shape_cast %convert_element_type3A_3119 : vector<16xf32> to vector<1x1x16xf32>
    tpu.vector_store %arg12[%swap3A_3122, %swap3A_3123, %swap3A_3124], %swap3A_3127 {strides = array<i32>} : memref<5x1x128xf32, #tpu.memory_space<vmem>>, vector<1x1x16xf32>,
    %get3A_3128 = arith.constant 96 : index
    %get3A_3129 = tpu.vector_load %arg11[%get3A_3128] {strides = array<i32>} : memref<640xf32, #tpu.memory_space<vmem>>, vector<16xf32>,
    %get3A_3130 = vector.shape_cast %get3A_3129 : vector<16xf32> to vector<16xf32>
    %neg3A_3131 = arith.constant 0.000000e+00 : f32
    %neg3A_3132 = vector.broadcast %neg3A_3131 : f32 to vector<16xf32>
    %neg3A_3133 = arith.subf %neg3A_3132, %get3A_3130 : vector<16xf32>
    %swap3A_3134 = arith.constant 0 : i32
    %swap3A_3135 = arith.constant 0 : i32
    %swap3A_3136 = arith.index_cast %swap3A_3134 : i32 to index
    %swap3A_3137 = arith.index_cast %swap3A_3135 : i32 to index
    %swap3A_3138 = arith.constant 96 : index
    %swap3A_3139 = tpu.vector_load %arg13[%swap3A_3136, %swap3A_3137, %swap3A_3138] {strides = array<i32>} : memref<5x1x128xf32, #tpu.memory_space<vmem>>, vector<1x1x16xf32>,
    %swap3A_3140 = vector.shape_cast %swap3A_3139 : vector<1x1x16xf32> to vector<16xf32>
    %swap3A_3141 = vector.shape_cast %neg3A_3133 : vector<16xf32> to vector<1x1x16xf32>
    tpu.vector_store %arg13[%swap3A_3136, %swap3A_3137, %swap3A_3138], %swap3A_3141 {strides = array<i32>} : memref<5x1x128xf32, #tpu.memory_space<vmem>>, vector<1x1x16xf32>,
    %get3A_3142 = arith.constant 112 : index
    %get3A_3143 = tpu.vector_load %arg8[%get3A_3142] {strides = array<i32>} : memref<640xi32, #tpu.memory_space<vmem>>, vector<16xi32>,
    %get3A_3144 = vector.shape_cast %get3A_3143 : vector<16xi32> to vector<16xi32>
    %convert_element_type3A_3145 = arith.sitofp %get3A_3144 : vector<16xi32> to vector<16xf32>
    %swap3A_3146 = arith.constant 0 : i32
    %swap3A_3147 = arith.constant 0 : i32
    %swap3A_3148 = arith.index_cast %swap3A_3146 : i32 to index
    %swap3A_3149 = arith.index_cast %swap3A_3147 : i32 to index
    %swap3A_3150 = arith.constant 112 : index
    %swap3A_3151 = tpu.vector_load %arg12[%swap3A_3148, %swap3A_3149, %swap3A_3150] {strides = array<i32>} : memref<5x1x128xf32, #tpu.memory_space<vmem>>, vector<1x1x16xf32>,
    %swap3A_3152 = vector.shape_cast %swap3A_3151 : vector<1x1x16xf32> to vector<16xf32>
    %swap3A_3153 = vector.shape_cast %convert_element_type3A_3145 : vector<16xf32> to vector<1x1x16xf32>
    tpu.vector_store %arg12[%swap3A_3148, %swap3A_3149, %swap3A_3150], %swap3A_3153 {strides = array<i32>} : memref<5x1x128xf32, #tpu.memory_space<vmem>>, vector<1x1x16xf32>,
    %get3A_3154 = arith.constant 112 : index
    %get3A_3155 = tpu.vector_load %arg11[%get3A_3154] {strides = array<i32>} : memref<640xf32, #tpu.memory_space<vmem>>, vector<16xf32>,
    %get3A_3156 = vector.shape_cast %get3A_3155 : vector<16xf32> to vector<16xf32>
    %neg3A_3157 = arith.constant 0.000000e+00 : f32
    %neg3A_3158 = vector.broadcast %neg3A_3157 : f32 to vector<16xf32>
    %neg3A_3159 = arith.subf %neg3A_3158, %get3A_3156 : vector<16xf32>
    %swap3A_3160 = arith.constant 0 : i32
    %swap3A_3161 = arith.constant 0 : i32
    %swap3A_3162 = arith.index_cast %swap3A_3160 : i32 to index
    %swap3A_3163 = arith.index_cast %swap3A_3161 : i32 to index
    %swap3A_3164 = arith.constant 112 : index
    %swap3A_3165 = tpu.vector_load %arg13[%swap3A_3162, %swap3A_3163, %swap3A_3164] {strides = array<i32>} : memref<5x1x128xf32, #tpu.memory_space<vmem>>, vector<1x1x16xf32>,
    %swap3A_3166 = vector.shape_cast %swap3A_3165 : vector<1x1x16xf32> to vector<16xf32>
    %swap3A_3167 = vector.shape_cast %neg3A_3159 : vector<16xf32> to vector<1x1x16xf32>
    tpu.vector_store %arg13[%swap3A_3162, %swap3A_3163, %swap3A_3164], %swap3A_3167 {strides = array<i32>} : memref<5x1x128xf32, #tpu.memory_space<vmem>>, vector<1x1x16xf32>,
    %get3A_3168 = arith.constant 128 : index
    %get3A_3169 = tpu.vector_load %arg8[%get3A_3168] {strides = array<i32>} : memref<640xi32, #tpu.memory_space<vmem>>, vector<16xi32>,
    %get3A_3170 = vector.shape_cast %get3A_3169 : vector<16xi32> to vector<16xi32>
    %convert_element_type3A_3171 = arith.sitofp %get3A_3170 : vector<16xi32> to vector<16xf32>
    %swap3A_3172 = arith.constant 1 : i32
    %swap3A_3173 = arith.constant 0 : i32
    %swap3A_3174 = arith.index_cast %swap3A_3172 : i32 to index
    %swap3A_3175 = arith.index_cast %swap3A_3173 : i32 to index
    %swap3A_3176 = arith.constant 0 : index
    %swap3A_3177 = tpu.vector_load %arg12[%swap3A_3174, %swap3A_3175, %swap3A_3176] {strides = array<i32>} : memref<5x1x128xf32, #tpu.memory_space<vmem>>, vector<1x1x16xf32>,
    %swap3A_3178 = vector.shape_cast %swap3A_3177 : vector<1x1x16xf32> to vector<16xf32>
    %swap3A_3179 = vector.shape_cast %convert_element_type3A_3171 : vector<16xf32> to vector<1x1x16xf32>
    tpu.vector_store %arg12[%swap3A_3174, %swap3A_3175, %swap3A_3176], %swap3A_3179 {strides = array<i32>} : memref<5x1x128xf32, #tpu.memory_space<vmem>>, vector<1x1x16xf32>,
    %get3A_3180 = arith.constant 128 : index
    %get3A_3181 = tpu.vector_load %arg11[%get3A_3180] {strides = array<i32>} : memref<640xf32, #tpu.memory_space<vmem>>, vector<16xf32>,
    %get3A_3182 = vector.shape_cast %get3A_3181 : vector<16xf32> to vector<16xf32>
    %neg3A_3183 = arith.constant 0.000000e+00 : f32
    %neg3A_3184 = vector.broadcast %neg3A_3183 : f32 to vector<16xf32>
    %neg3A_3185 = arith.subf %neg3A_3184, %get3A_3182 : vector<16xf32>
    %swap3A_3186 = arith.constant 1 : i32
    %swap3A_3187 = arith.constant 0 : i32
    %swap3A_3188 = arith.index_cast %swap3A_3186 : i32 to index
    %swap3A_3189 = arith.index_cast %swap3A_3187 : i32 to index
    %swap3A_3190 = arith.constant 0 : index
    %swap3A_3191 = tpu.vector_load %arg13[%swap3A_3188, %swap3A_3189, %swap3A_3190] {strides = array<i32>} : memref<5x1x128xf32, #tpu.memory_space<vmem>>, vector<1x1x16xf32>,
    %swap3A_3192 = vector.shape_cast %swap3A_3191 : vector<1x1x16xf32> to vector<16xf32>
    %swap3A_3193 = vector.shape_cast %neg3A_3185 : vector<16xf32> to vector<1x1x16xf32>
    tpu.vector_store %arg13[%swap3A_3188, %swap3A_3189, %swap3A_3190], %swap3A_3193 {strides = array<i32>} : memref<5x1x128xf32, #tpu.memory_space<vmem>>, vector<1x1x16xf32>,
    %get3A_3194 = arith.constant 144 : index
    %get3A_3195 = tpu.vector_load %arg8[%get3A_3194] {strides = array<i32>} : memref<640xi32, #tpu.memory_space<vmem>>, vector<16xi32>,
    %get3A_3196 = vector.shape_cast %get3A_3195 : vector<16xi32> to vector<16xi32>
    %convert_element_type3A_3197 = arith.sitofp %get3A_3196 : vector<16xi32> to vector<16xf32>
    %swap3A_3198 = arith.constant 1 : i32
    %swap3A_3199 = arith.constant 0 : i32
    %swap3A_3200 = arith.index_cast %swap3A_3198 : i32 to index
    %swap3A_3201 = arith.index_cast %swap3A_3199 : i32 to index
    %swap3A_3202 = arith.constant 16 : index
    %swap3A_3203 = tpu.vector_load %arg12[%swap3A_3200, %swap3A_3201, %swap3A_3202] {strides = array<i32>} : memref<5x1x128xf32, #tpu.memory_space<vmem>>, vector<1x1x16xf32>,
    %swap3A_3204 = vector.shape_cast %swap3A_3203 : vector<1x1x16xf32> to vector<16xf32>
    %swap3A_3205 = vector.shape_cast %convert_element_type3A_3197 : vector<16xf32> to vector<1x1x16xf32>
    tpu.vector_store %arg12[%swap3A_3200, %swap3A_3201, %swap3A_3202], %swap3A_3205 {strides = array<i32>} : memref<5x1x128xf32, #tpu.memory_space<vmem>>, vector<1x1x16xf32>,
    %get3A_3206 = arith.constant 144 : index
    %get3A_3207 = tpu.vector_load %arg11[%get3A_3206] {strides = array<i32>} : memref<640xf32, #tpu.memory_space<vmem>>, vector<16xf32>,
    %get3A_3208 = vector.shape_cast %get3A_3207 : vector<16xf32> to vector<16xf32>
    %neg3A_3209 = arith.constant 0.000000e+00 : f32
    %neg3A_3210 = vector.broadcast %neg3A_3209 : f32 to vector<16xf32>
    %neg3A_3211 = arith.subf %neg3A_3210, %get3A_3208 : vector<16xf32>
    %swap3A_3212 = arith.constant 1 : i32
    %swap3A_3213 = arith.constant 0 : i32
    %swap3A_3214 = arith.index_cast %swap3A_3212 : i32 to index
    %swap3A_3215 = arith.index_cast %swap3A_3213 : i32 to index
    %swap3A_3216 = arith.constant 16 : index
    %swap3A_3217 = tpu.vector_load %arg13[%swap3A_3214, %swap3A_3215, %swap3A_3216] {strides = array<i32>} : memref<5x1x128xf32, #tpu.memory_space<vmem>>, vector<1x1x16xf32>,
    %swap3A_3218 = vector.shape_cast %swap3A_3217 : vector<1x1x16xf32> to vector<16xf32>
    %swap3A_3219 = vector.shape_cast %neg3A_3211 : vector<16xf32> to vector<1x1x16xf32>
    tpu.vector_store %arg13[%swap3A_3214, %swap3A_3215, %swap3A_3216], %swap3A_3219 {strides = array<i32>} : memref<5x1x128xf32, #tpu.memory_space<vmem>>, vector<1x1x16xf32>,
    %get3A_3220 = arith.constant 160 : index
    %get3A_3221 = tpu.vector_load %arg8[%get3A_3220] {strides = array<i32>} : memref<640xi32, #tpu.memory_space<vmem>>, vector<16xi32>,
    %get3A_3222 = vector.shape_cast %get3A_3221 : vector<16xi32> to vector<16xi32>
    %convert_element_type3A_3223 = arith.sitofp %get3A_3222 : vector<16xi32> to vector<16xf32>
    %swap3A_3224 = arith.constant 1 : i32
    %swap3A_3225 = arith.constant 0 : i32
    %swap3A_3226 = arith.index_cast %swap3A_3224 : i32 to index
    %swap3A_3227 = arith.index_cast %swap3A_3225 : i32 to index
    %swap3A_3228 = arith.constant 32 : index
    %swap3A_3229 = tpu.vector_load %arg12[%swap3A_3226, %swap3A_3227, %swap3A_3228] {strides = array<i32>} : memref<5x1x128xf32, #tpu.memory_space<vmem>>, vector<1x1x16xf32>,
    %swap3A_3230 = vector.shape_cast %swap3A_3229 : vector<1x1x16xf32> to vector<16xf32>
    %swap3A_3231 = vector.shape_cast %convert_element_type3A_3223 : vector<16xf32> to vector<1x1x16xf32>
    tpu.vector_store %arg12[%swap3A_3226, %swap3A_3227, %swap3A_3228], %swap3A_3231 {strides = array<i32>} : memref<5x1x128xf32, #tpu.memory_space<vmem>>, vector<1x1x16xf32>,
    %get3A_3232 = arith.constant 160 : index
    %get3A_3233 = tpu.vector_load %arg11[%get3A_3232] {strides = array<i32>} : memref<640xf32, #tpu.memory_space<vmem>>, vector<16xf32>,
    %get3A_3234 = vector.shape_cast %get3A_3233 : vector<16xf32> to vector<16xf32>
    %neg3A_3235 = arith.constant 0.000000e+00 : f32
    %neg3A_3236 = vector.broadcast %neg3A_3235 : f32 to vector<16xf32>
    %neg3A_3237 = arith.subf %neg3A_3236, %get3A_3234 : vector<16xf32>
    %swap3A_3238 = arith.constant 1 : i32
    %swap3A_3239 = arith.constant 0 : i32
    %swap3A_3240 = arith.index_cast %swap3A_3238 : i32 to index
    %swap3A_3241 = arith.index_cast %swap3A_3239 : i32 to index
    %swap3A_3242 = arith.constant 32 : index
    %swap3A_3243 = tpu.vector_load %arg13[%swap3A_3240, %swap3A_3241, %swap3A_3242] {strides = array<i32>} : memref<5x1x128xf32, #tpu.memory_space<vmem>>, vector<1x1x16xf32>,
    %swap3A_3244 = vector.shape_cast %swap3A_3243 : vector<1x1x16xf32> to vector<16xf32>
    %swap3A_3245 = vector.shape_cast %neg3A_3237 : vector<16xf32> to vector<1x1x16xf32>
    tpu.vector_store %arg13[%swap3A_3240, %swap3A_3241, %swap3A_3242], %swap3A_3245 {strides = array<i32>} : memref<5x1x128xf32, #tpu.memory_space<vmem>>, vector<1x1x16xf32>,
    %get3A_3246 = arith.constant 176 : index
    %get3A_3247 = tpu.vector_load %arg8[%get3A_3246] {strides = array<i32>} : memref<640xi32, #tpu.memory_space<vmem>>, vector<16xi32>,
    %get3A_3248 = vector.shape_cast %get3A_3247 : vector<16xi32> to vector<16xi32>
    %convert_element_type3A_3249 = arith.sitofp %get3A_3248 : vector<16xi32> to vector<16xf32>
    %swap3A_3250 = arith.constant 1 : i32
    %swap3A_3251 = arith.constant 0 : i32
    %swap3A_3252 = arith.index_cast %swap3A_3250 : i32 to index
    %swap3A_3253 = arith.index_cast %swap3A_3251 : i32 to index
    %swap3A_3254 = arith.constant 48 : index
    %swap3A_3255 = tpu.vector_load %arg12[%swap3A_3252, %swap3A_3253, %swap3A_3254] {strides = array<i32>} : memref<5x1x128xf32, #tpu.memory_space<vmem>>, vector<1x1x16xf32>,
    %swap3A_3256 = vector.shape_cast %swap3A_3255 : vector<1x1x16xf32> to vector<16xf32>
    %swap3A_3257 = vector.shape_cast %convert_element_type3A_3249 : vector<16xf32> to vector<1x1x16xf32>
    tpu.vector_store %arg12[%swap3A_3252, %swap3A_3253, %swap3A_3254], %swap3A_3257 {strides = array<i32>} : memref<5x1x128xf32, #tpu.memory_space<vmem>>, vector<1x1x16xf32>,
    %get3A_3258 = arith.constant 176 : index
    %get3A_3259 = tpu.vector_load %arg11[%get3A_3258] {strides = array<i32>} : memref<640xf32, #tpu.memory_space<vmem>>, vector<16xf32>,
    %get3A_3260 = vector.shape_cast %get3A_3259 : vector<16xf32> to vector<16xf32>
    %neg3A_3261 = arith.constant 0.000000e+00 : f32
    %neg3A_3262 = vector.broadcast %neg3A_3261 : f32 to vector<16xf32>
    %neg3A_3263 = arith.subf %neg3A_3262, %get3A_3260 : vector<16xf32>
    %swap3A_3264 = arith.constant 1 : i32
    %swap3A_3265 = arith.constant 0 : i32
    %swap3A_3266 = arith.index_cast %swap3A_3264 : i32 to index
    %swap3A_3267 = arith.index_cast %swap3A_3265 : i32 to index
    %swap3A_3268 = arith.constant 48 : index
    %swap3A_3269 = tpu.vector_load %arg13[%swap3A_3266, %swap3A_3267, %swap3A_3268] {strides = array<i32>} : memref<5x1x128xf32, #tpu.memory_space<vmem>>, vector<1x1x16xf32>,
    %swap3A_3270 = vector.shape_cast %swap3A_3269 : vector<1x1x16xf32> to vector<16xf32>
    %swap3A_3271 = vector.shape_cast %neg3A_3263 : vector<16xf32> to vector<1x1x16xf32>
    tpu.vector_store %arg13[%swap3A_3266, %swap3A_3267, %swap3A_3268], %swap3A_3271 {strides = array<i32>} : memref<5x1x128xf32, #tpu.memory_space<vmem>>, vector<1x1x16xf32>,
    %get3A_3272 = arith.constant 192 : index
    %get3A_3273 = tpu.vector_load %arg8[%get3A_3272] {strides = array<i32>} : memref<640xi32, #tpu.memory_space<vmem>>, vector<16xi32>,
    %get3A_3274 = vector.shape_cast %get3A_3273 : vector<16xi32> to vector<16xi32>
    %convert_element_type3A_3275 = arith.sitofp %get3A_3274 : vector<16xi32> to vector<16xf32>
    %swap3A_3276 = arith.constant 1 : i32
    %swap3A_3277 = arith.constant 0 : i32
    %swap3A_3278 = arith.index_cast %swap3A_3276 : i32 to index
    %swap3A_3279 = arith.index_cast %swap3A_3277 : i32 to index
    %swap3A_3280 = arith.constant 64 : index
    %swap3A_3281 = tpu.vector_load %arg12[%swap3A_3278, %swap3A_3279, %swap3A_3280] {strides = array<i32>} : memref<5x1x128xf32, #tpu.memory_space<vmem>>, vector<1x1x16xf32>,
    %swap3A_3282 = vector.shape_cast %swap3A_3281 : vector<1x1x16xf32> to vector<16xf32>
    %swap3A_3283 = vector.shape_cast %convert_element_type3A_3275 : vector<16xf32> to vector<1x1x16xf32>
    tpu.vector_store %arg12[%swap3A_3278, %swap3A_3279, %swap3A_3280], %swap3A_3283 {strides = array<i32>} : memref<5x1x128xf32, #tpu.memory_space<vmem>>, vector<1x1x16xf32>,
    %get3A_3284 = arith.constant 192 : index
    %get3A_3285 = tpu.vector_load %arg11[%get3A_3284] {strides = array<i32>} : memref<640xf32, #tpu.memory_space<vmem>>, vector<16xf32>,
    %get3A_3286 = vector.shape_cast %get3A_3285 : vector<16xf32> to vector<16xf32>
    %neg3A_3287 = arith.constant 0.000000e+00 : f32
    %neg3A_3288 = vector.broadcast %neg3A_3287 : f32 to vector<16xf32>
    %neg3A_3289 = arith.subf %neg3A_3288, %get3A_3286 : vector<16xf32>
    %swap3A_3290 = arith.constant 1 : i32
    %swap3A_3291 = arith.constant 0 : i32
    %swap3A_3292 = arith.index_cast %swap3A_3290 : i32 to index
    %swap3A_3293 = arith.index_cast %swap3A_3291 : i32 to index
    %swap3A_3294 = arith.constant 64 : index
    %swap3A_3295 = tpu.vector_load %arg13[%swap3A_3292, %swap3A_3293, %swap3A_3294] {strides = array<i32>} : memref<5x1x128xf32, #tpu.memory_space<vmem>>, vector<1x1x16xf32>,
    %swap3A_3296 = vector.shape_cast %swap3A_3295 : vector<1x1x16xf32> to vector<16xf32>
    %swap3A_3297 = vector.shape_cast %neg3A_3289 : vector<16xf32> to vector<1x1x16xf32>
    tpu.vector_store %arg13[%swap3A_3292, %swap3A_3293, %swap3A_3294], %swap3A_3297 {strides = array<i32>} : memref<5x1x128xf32, #tpu.memory_space<vmem>>, vector<1x1x16xf32>,
    %get3A_3298 = arith.constant 208 : index
    %get3A_3299 = tpu.vector_load %arg8[%get3A_3298] {strides = array<i32>} : memref<640xi32, #tpu.memory_space<vmem>>, vector<16xi32>,
    %get3A_3300 = vector.shape_cast %get3A_3299 : vector<16xi32> to vector<16xi32>
    %convert_element_type3A_3301 = arith.sitofp %get3A_3300 : vector<16xi32> to vector<16xf32>
    %swap3A_3302 = arith.constant 1 : i32
    %swap3A_3303 = arith.constant 0 : i32
    %swap3A_3304 = arith.index_cast %swap3A_3302 : i32 to index
    %swap3A_3305 = arith.index_cast %swap3A_3303 : i32 to index
    %swap3A_3306 = arith.constant 80 : index
    %swap3A_3307 = tpu.vector_load %arg12[%swap3A_3304, %swap3A_3305, %swap3A_3306] {strides = array<i32>} : memref<5x1x128xf32, #tpu.memory_space<vmem>>, vector<1x1x16xf32>,
    %swap3A_3308 = vector.shape_cast %swap3A_3307 : vector<1x1x16xf32> to vector<16xf32>
    %swap3A_3309 = vector.shape_cast %convert_element_type3A_3301 : vector<16xf32> to vector<1x1x16xf32>
    tpu.vector_store %arg12[%swap3A_3304, %swap3A_3305, %swap3A_3306], %swap3A_3309 {strides = array<i32>} : memref<5x1x128xf32, #tpu.memory_space<vmem>>, vector<1x1x16xf32>,
    %get3A_3310 = arith.constant 208 : index
    %get3A_3311 = tpu.vector_load %arg11[%get3A_3310] {strides = array<i32>} : memref<640xf32, #tpu.memory_space<vmem>>, vector<16xf32>,
    %get3A_3312 = vector.shape_cast %get3A_3311 : vector<16xf32> to vector<16xf32>
    %neg3A_3313 = arith.constant 0.000000e+00 : f32
    %neg3A_3314 = vector.broadcast %neg3A_3313 : f32 to vector<16xf32>
    %neg3A_3315 = arith.subf %neg3A_3314, %get3A_3312 : vector<16xf32>
    %swap3A_3316 = arith.constant 1 : i32
    %swap3A_3317 = arith.constant 0 : i32
    %swap3A_3318 = arith.index_cast %swap3A_3316 : i32 to index
    %swap3A_3319 = arith.index_cast %swap3A_3317 : i32 to index
    %swap3A_3320 = arith.constant 80 : index
    %swap3A_3321 = tpu.vector_load %arg13[%swap3A_3318, %swap3A_3319, %swap3A_3320] {strides = array<i32>} : memref<5x1x128xf32, #tpu.memory_space<vmem>>, vector<1x1x16xf32>,
    %swap3A_3322 = vector.shape_cast %swap3A_3321 : vector<1x1x16xf32> to vector<16xf32>
    %swap3A_3323 = vector.shape_cast %neg3A_3315 : vector<16xf32> to vector<1x1x16xf32>
    tpu.vector_store %arg13[%swap3A_3318, %swap3A_3319, %swap3A_3320], %swap3A_3323 {strides = array<i32>} : memref<5x1x128xf32, #tpu.memory_space<vmem>>, vector<1x1x16xf32>,
    %get3A_3324 = arith.constant 224 : index
    %get3A_3325 = tpu.vector_load %arg8[%get3A_3324] {strides = array<i32>} : memref<640xi32, #tpu.memory_space<vmem>>, vector<16xi32>,
    %get3A_3326 = vector.shape_cast %get3A_3325 : vector<16xi32> to vector<16xi32>
    %convert_element_type3A_3327 = arith.sitofp %get3A_3326 : vector<16xi32> to vector<16xf32>
    %swap3A_3328 = arith.constant 1 : i32
    %swap3A_3329 = arith.constant 0 : i32
    %swap3A_3330 = arith.index_cast %swap3A_3328 : i32 to index
    %swap3A_3331 = arith.index_cast %swap3A_3329 : i32 to index
    %swap3A_3332 = arith.constant 96 : index
    %swap3A_3333 = tpu.vector_load %arg12[%swap3A_3330, %swap3A_3331, %swap3A_3332] {strides = array<i32>} : memref<5x1x128xf32, #tpu.memory_space<vmem>>, vector<1x1x16xf32>,
    %swap3A_3334 = vector.shape_cast %swap3A_3333 : vector<1x1x16xf32> to vector<16xf32>
    %swap3A_3335 = vector.shape_cast %convert_element_type3A_3327 : vector<16xf32> to vector<1x1x16xf32>
    tpu.vector_store %arg12[%swap3A_3330, %swap3A_3331, %swap3A_3332], %swap3A_3335 {strides = array<i32>} : memref<5x1x128xf32, #tpu.memory_space<vmem>>, vector<1x1x16xf32>,
    %get3A_3336 = arith.constant 224 : index
    %get3A_3337 = tpu.vector_load %arg11[%get3A_3336] {strides = array<i32>} : memref<640xf32, #tpu.memory_space<vmem>>, vector<16xf32>,
    %get3A_3338 = vector.shape_cast %get3A_3337 : vector<16xf32> to vector<16xf32>
    %neg3A_3339 = arith.constant 0.000000e+00 : f32
    %neg3A_3340 = vector.broadcast %neg3A_3339 : f32 to vector<16xf32>
    %neg3A_3341 = arith.subf %neg3A_3340, %get3A_3338 : vector<16xf32>
    %swap3A_3342 = arith.constant 1 : i32
    %swap3A_3343 = arith.constant 0 : i32
    %swap3A_3344 = arith.index_cast %swap3A_3342 : i32 to index
    %swap3A_3345 = arith.index_cast %swap3A_3343 : i32 to index
    %swap3A_3346 = arith.constant 96 : index
    %swap3A_3347 = tpu.vector_load %arg13[%swap3A_3344, %swap3A_3345, %swap3A_3346] {strides = array<i32>} : memref<5x1x128xf32, #tpu.memory_space<vmem>>, vector<1x1x16xf32>,
    %swap3A_3348 = vector.shape_cast %swap3A_3347 : vector<1x1x16xf32> to vector<16xf32>
    %swap3A_3349 = vector.shape_cast %neg3A_3341 : vector<16xf32> to vector<1x1x16xf32>
    tpu.vector_store %arg13[%swap3A_3344, %swap3A_3345, %swap3A_3346], %swap3A_3349 {strides = array<i32>} : memref<5x1x128xf32, #tpu.memory_space<vmem>>, vector<1x1x16xf32>,
    %get3A_3350 = arith.constant 240 : index
    %get3A_3351 = tpu.vector_load %arg8[%get3A_3350] {strides = array<i32>} : memref<640xi32, #tpu.memory_space<vmem>>, vector<16xi32>,
    %get3A_3352 = vector.shape_cast %get3A_3351 : vector<16xi32> to vector<16xi32>
    %convert_element_type3A_3353 = arith.sitofp %get3A_3352 : vector<16xi32> to vector<16xf32>
    %swap3A_3354 = arith.constant 1 : i32
    %swap3A_3355 = arith.constant 0 : i32
    %swap3A_3356 = arith.index_cast %swap3A_3354 : i32 to index
    %swap3A_3357 = arith.index_cast %swap3A_3355 : i32 to index
    %swap3A_3358 = arith.constant 112 : index
    %swap3A_3359 = tpu.vector_load %arg12[%swap3A_3356, %swap3A_3357, %swap3A_3358] {strides = array<i32>} : memref<5x1x128xf32, #tpu.memory_space<vmem>>, vector<1x1x16xf32>,
    %swap3A_3360 = vector.shape_cast %swap3A_3359 : vector<1x1x16xf32> to vector<16xf32>
    %swap3A_3361 = vector.shape_cast %convert_element_type3A_3353 : vector<16xf32> to vector<1x1x16xf32>
    tpu.vector_store %arg12[%swap3A_3356, %swap3A_3357, %swap3A_3358], %swap3A_3361 {strides = array<i32>} : memref<5x1x128xf32, #tpu.memory_space<vmem>>, vector<1x1x16xf32>,
    %get3A_3362 = arith.constant 240 : index
    %get3A_3363 = tpu.vector_load %arg11[%get3A_3362] {strides = array<i32>} : memref<640xf32, #tpu.memory_space<vmem>>, vector<16xf32>,
    %get3A_3364 = vector.shape_cast %get3A_3363 : vector<16xf32> to vector<16xf32>
    %neg3A_3365 = arith.constant 0.000000e+00 : f32
    %neg3A_3366 = vector.broadcast %neg3A_3365 : f32 to vector<16xf32>
    %neg3A_3367 = arith.subf %neg3A_3366, %get3A_3364 : vector<16xf32>
    %swap3A_3368 = arith.constant 1 : i32
    %swap3A_3369 = arith.constant 0 : i32
    %swap3A_3370 = arith.index_cast %swap3A_3368 : i32 to index
    %swap3A_3371 = arith.index_cast %swap3A_3369 : i32 to index
    %swap3A_3372 = arith.constant 112 : index
    %swap3A_3373 = tpu.vector_load %arg13[%swap3A_3370, %swap3A_3371, %swap3A_3372] {strides = array<i32>} : memref<5x1x128xf32, #tpu.memory_space<vmem>>, vector<1x1x16xf32>,
    %swap3A_3374 = vector.shape_cast %swap3A_3373 : vector<1x1x16xf32> to vector<16xf32>
    %swap3A_3375 = vector.shape_cast %neg3A_3367 : vector<16xf32> to vector<1x1x16xf32>
    tpu.vector_store %arg13[%swap3A_3370, %swap3A_3371, %swap3A_3372], %swap3A_3375 {strides = array<i32>} : memref<5x1x128xf32, #tpu.memory_space<vmem>>, vector<1x1x16xf32>,
    %get3A_3376 = arith.constant 256 : index
    %get3A_3377 = tpu.vector_load %arg8[%get3A_3376] {strides = array<i32>} : memref<640xi32, #tpu.memory_space<vmem>>, vector<16xi32>,
    %get3A_3378 = vector.shape_cast %get3A_3377 : vector<16xi32> to vector<16xi32>
    %convert_element_type3A_3379 = arith.sitofp %get3A_3378 : vector<16xi32> to vector<16xf32>
    %swap3A_3380 = arith.constant 2 : i32
    %swap3A_3381 = arith.constant 0 : i32
    %swap3A_3382 = arith.index_cast %swap3A_3380 : i32 to index
    %swap3A_3383 = arith.index_cast %swap3A_3381 : i32 to index
    %swap3A_3384 = arith.constant 0 : index
    %swap3A_3385 = tpu.vector_load %arg12[%swap3A_3382, %swap3A_3383, %swap3A_3384] {strides = array<i32>} : memref<5x1x128xf32, #tpu.memory_space<vmem>>, vector<1x1x16xf32>,
    %swap3A_3386 = vector.shape_cast %swap3A_3385 : vector<1x1x16xf32> to vector<16xf32>
    %swap3A_3387 = vector.shape_cast %convert_element_type3A_3379 : vector<16xf32> to vector<1x1x16xf32>
    tpu.vector_store %arg12[%swap3A_3382, %swap3A_3383, %swap3A_3384], %swap3A_3387 {strides = array<i32>} : memref<5x1x128xf32, #tpu.memory_space<vmem>>, vector<1x1x16xf32>,
    %get3A_3388 = arith.constant 256 : index
    %get3A_3389 = tpu.vector_load %arg11[%get3A_3388] {strides = array<i32>} : memref<640xf32, #tpu.memory_space<vmem>>, vector<16xf32>,
    %get3A_3390 = vector.shape_cast %get3A_3389 : vector<16xf32> to vector<16xf32>
    %neg3A_3391 = arith.constant 0.000000e+00 : f32
    %neg3A_3392 = vector.broadcast %neg3A_3391 : f32 to vector<16xf32>
    %neg3A_3393 = arith.subf %neg3A_3392, %get3A_3390 : vector<16xf32>
    %swap3A_3394 = arith.constant 2 : i32
    %swap3A_3395 = arith.constant 0 : i32
    %swap3A_3396 = arith.index_cast %swap3A_3394 : i32 to index
    %swap3A_3397 = arith.index_cast %swap3A_3395 : i32 to index
    %swap3A_3398 = arith.constant 0 : index
    %swap3A_3399 = tpu.vector_load %arg13[%swap3A_3396, %swap3A_3397, %swap3A_3398] {strides = array<i32>} : memref<5x1x128xf32, #tpu.memory_space<vmem>>, vector<1x1x16xf32>,
    %swap3A_3400 = vector.shape_cast %swap3A_3399 : vector<1x1x16xf32> to vector<16xf32>
    %swap3A_3401 = vector.shape_cast %neg3A_3393 : vector<16xf32> to vector<1x1x16xf32>
    tpu.vector_store %arg13[%swap3A_3396, %swap3A_3397, %swap3A_3398], %swap3A_3401 {strides = array<i32>} : memref<5x1x128xf32, #tpu.memory_space<vmem>>, vector<1x1x16xf32>,
    %get3A_3402 = arith.constant 272 : index
    %get3A_3403 = tpu.vector_load %arg8[%get3A_3402] {strides = array<i32>} : memref<640xi32, #tpu.memory_space<vmem>>, vector<16xi32>,
    %get3A_3404 = vector.shape_cast %get3A_3403 : vector<16xi32> to vector<16xi32>
    %convert_element_type3A_3405 = arith.sitofp %get3A_3404 : vector<16xi32> to vector<16xf32>
    %swap3A_3406 = arith.constant 2 : i32
    %swap3A_3407 = arith.constant 0 : i32
    %swap3A_3408 = arith.index_cast %swap3A_3406 : i32 to index
    %swap3A_3409 = arith.index_cast %swap3A_3407 : i32 to index
    %swap3A_3410 = arith.constant 16 : index
    %swap3A_3411 = tpu.vector_load %arg12[%swap3A_3408, %swap3A_3409, %swap3A_3410] {strides = array<i32>} : memref<5x1x128xf32, #tpu.memory_space<vmem>>, vector<1x1x16xf32>,
    %swap3A_3412 = vector.shape_cast %swap3A_3411 : vector<1x1x16xf32> to vector<16xf32>
    %swap3A_3413 = vector.shape_cast %convert_element_type3A_3405 : vector<16xf32> to vector<1x1x16xf32>
    tpu.vector_store %arg12[%swap3A_3408, %swap3A_3409, %swap3A_3410], %swap3A_3413 {strides = array<i32>} : memref<5x1x128xf32, #tpu.memory_space<vmem>>, vector<1x1x16xf32>,
    %get3A_3414 = arith.constant 272 : index
    %get3A_3415 = tpu.vector_load %arg11[%get3A_3414] {strides = array<i32>} : memref<640xf32, #tpu.memory_space<vmem>>, vector<16xf32>,
    %get3A_3416 = vector.shape_cast %get3A_3415 : vector<16xf32> to vector<16xf32>
    %neg3A_3417 = arith.constant 0.000000e+00 : f32
    %neg3A_3418 = vector.broadcast %neg3A_3417 : f32 to vector<16xf32>
    %neg3A_3419 = arith.subf %neg3A_3418, %get3A_3416 : vector<16xf32>
    %swap3A_3420 = arith.constant 2 : i32
    %swap3A_3421 = arith.constant 0 : i32
    %swap3A_3422 = arith.index_cast %swap3A_3420 : i32 to index
    %swap3A_3423 = arith.index_cast %swap3A_3421 : i32 to index
    %swap3A_3424 = arith.constant 16 : index
    %swap3A_3425 = tpu.vector_load %arg13[%swap3A_3422, %swap3A_3423, %swap3A_3424] {strides = array<i32>} : memref<5x1x128xf32, #tpu.memory_space<vmem>>, vector<1x1x16xf32>,
    %swap3A_3426 = vector.shape_cast %swap3A_3425 : vector<1x1x16xf32> to vector<16xf32>
    %swap3A_3427 = vector.shape_cast %neg3A_3419 : vector<16xf32> to vector<1x1x16xf32>
    tpu.vector_store %arg13[%swap3A_3422, %swap3A_3423, %swap3A_3424], %swap3A_3427 {strides = array<i32>} : memref<5x1x128xf32, #tpu.memory_space<vmem>>, vector<1x1x16xf32>,
    %get3A_3428 = arith.constant 288 : index
    %get3A_3429 = tpu.vector_load %arg8[%get3A_3428] {strides = array<i32>} : memref<640xi32, #tpu.memory_space<vmem>>, vector<16xi32>,
    %get3A_3430 = vector.shape_cast %get3A_3429 : vector<16xi32> to vector<16xi32>
    %convert_element_type3A_3431 = arith.sitofp %get3A_3430 : vector<16xi32> to vector<16xf32>
    %swap3A_3432 = arith.constant 2 : i32
    %swap3A_3433 = arith.constant 0 : i32
    %swap3A_3434 = arith.index_cast %swap3A_3432 : i32 to index
    %swap3A_3435 = arith.index_cast %swap3A_3433 : i32 to index
    %swap3A_3436 = arith.constant 32 : index
    %swap3A_3437 = tpu.vector_load %arg12[%swap3A_3434, %swap3A_3435, %swap3A_3436] {strides = array<i32>} : memref<5x1x128xf32, #tpu.memory_space<vmem>>, vector<1x1x16xf32>,
    %swap3A_3438 = vector.shape_cast %swap3A_3437 : vector<1x1x16xf32> to vector<16xf32>
    %swap3A_3439 = vector.shape_cast %convert_element_type3A_3431 : vector<16xf32> to vector<1x1x16xf32>
    tpu.vector_store %arg12[%swap3A_3434, %swap3A_3435, %swap3A_3436], %swap3A_3439 {strides = array<i32>} : memref<5x1x128xf32, #tpu.memory_space<vmem>>, vector<1x1x16xf32>,
    %get3A_3440 = arith.constant 288 : index
    %get3A_3441 = tpu.vector_load %arg11[%get3A_3440] {strides = array<i32>} : memref<640xf32, #tpu.memory_space<vmem>>, vector<16xf32>,
    %get3A_3442 = vector.shape_cast %get3A_3441 : vector<16xf32> to vector<16xf32>
    %neg3A_3443 = arith.constant 0.000000e+00 : f32
    %neg3A_3444 = vector.broadcast %neg3A_3443 : f32 to vector<16xf32>
    %neg3A_3445 = arith.subf %neg3A_3444, %get3A_3442 : vector<16xf32>
    %swap3A_3446 = arith.constant 2 : i32
    %swap3A_3447 = arith.constant 0 : i32
    %swap3A_3448 = arith.index_cast %swap3A_3446 : i32 to index
    %swap3A_3449 = arith.index_cast %swap3A_3447 : i32 to index
    %swap3A_3450 = arith.constant 32 : index
    %swap3A_3451 = tpu.vector_load %arg13[%swap3A_3448, %swap3A_3449, %swap3A_3450] {strides = array<i32>} : memref<5x1x128xf32, #tpu.memory_space<vmem>>, vector<1x1x16xf32>,
    %swap3A_3452 = vector.shape_cast %swap3A_3451 : vector<1x1x16xf32> to vector<16xf32>
    %swap3A_3453 = vector.shape_cast %neg3A_3445 : vector<16xf32> to vector<1x1x16xf32>
    tpu.vector_store %arg13[%swap3A_3448, %swap3A_3449, %swap3A_3450], %swap3A_3453 {strides = array<i32>} : memref<5x1x128xf32, #tpu.memory_space<vmem>>, vector<1x1x16xf32>,
    %get3A_3454 = arith.constant 304 : index
    %get3A_3455 = tpu.vector_load %arg8[%get3A_3454] {strides = array<i32>} : memref<640xi32, #tpu.memory_space<vmem>>, vector<16xi32>,
    %get3A_3456 = vector.shape_cast %get3A_3455 : vector<16xi32> to vector<16xi32>
    %convert_element_type3A_3457 = arith.sitofp %get3A_3456 : vector<16xi32> to vector<16xf32>
    %swap3A_3458 = arith.constant 2 : i32
    %swap3A_3459 = arith.constant 0 : i32
    %swap3A_3460 = arith.index_cast %swap3A_3458 : i32 to index
    %swap3A_3461 = arith.index_cast %swap3A_3459 : i32 to index
    %swap3A_3462 = arith.constant 48 : index
    %swap3A_3463 = tpu.vector_load %arg12[%swap3A_3460, %swap3A_3461, %swap3A_3462] {strides = array<i32>} : memref<5x1x128xf32, #tpu.memory_space<vmem>>, vector<1x1x16xf32>,
    %swap3A_3464 = vector.shape_cast %swap3A_3463 : vector<1x1x16xf32> to vector<16xf32>
    %swap3A_3465 = vector.shape_cast %convert_element_type3A_3457 : vector<16xf32> to vector<1x1x16xf32>
    tpu.vector_store %arg12[%swap3A_3460, %swap3A_3461, %swap3A_3462], %swap3A_3465 {strides = array<i32>} : memref<5x1x128xf32, #tpu.memory_space<vmem>>, vector<1x1x16xf32>,
    %get3A_3466 = arith.constant 304 : index
    %get3A_3467 = tpu.vector_load %arg11[%get3A_3466] {strides = array<i32>} : memref<640xf32, #tpu.memory_space<vmem>>, vector<16xf32>,
    %get3A_3468 = vector.shape_cast %get3A_3467 : vector<16xf32> to vector<16xf32>
    %neg3A_3469 = arith.constant 0.000000e+00 : f32
    %neg3A_3470 = vector.broadcast %neg3A_3469 : f32 to vector<16xf32>
    %neg3A_3471 = arith.subf %neg3A_3470, %get3A_3468 : vector<16xf32>
    %swap3A_3472 = arith.constant 2 : i32
    %swap3A_3473 = arith.constant 0 : i32
    %swap3A_3474 = arith.index_cast %swap3A_3472 : i32 to index
    %swap3A_3475 = arith.index_cast %swap3A_3473 : i32 to index
    %swap3A_3476 = arith.constant 48 : index
    %swap3A_3477 = tpu.vector_load %arg13[%swap3A_3474, %swap3A_3475, %swap3A_3476] {strides = array<i32>} : memref<5x1x128xf32, #tpu.memory_space<vmem>>, vector<1x1x16xf32>,
    %swap3A_3478 = vector.shape_cast %swap3A_3477 : vector<1x1x16xf32> to vector<16xf32>
    %swap3A_3479 = vector.shape_cast %neg3A_3471 : vector<16xf32> to vector<1x1x16xf32>
    tpu.vector_store %arg13[%swap3A_3474, %swap3A_3475, %swap3A_3476], %swap3A_3479 {strides = array<i32>} : memref<5x1x128xf32, #tpu.memory_space<vmem>>, vector<1x1x16xf32>,
    %get3A_3480 = arith.constant 320 : index
    %get3A_3481 = tpu.vector_load %arg8[%get3A_3480] {strides = array<i32>} : memref<640xi32, #tpu.memory_space<vmem>>, vector<16xi32>,
    %get3A_3482 = vector.shape_cast %get3A_3481 : vector<16xi32> to vector<16xi32>
    %convert_element_type3A_3483 = arith.sitofp %get3A_3482 : vector<16xi32> to vector<16xf32>
    %swap3A_3484 = arith.constant 2 : i32
    %swap3A_3485 = arith.constant 0 : i32
    %swap3A_3486 = arith.index_cast %swap3A_3484 : i32 to index
    %swap3A_3487 = arith.index_cast %swap3A_3485 : i32 to index
    %swap3A_3488 = arith.constant 64 : index
    %swap3A_3489 = tpu.vector_load %arg12[%swap3A_3486, %swap3A_3487, %swap3A_3488] {strides = array<i32>} : memref<5x1x128xf32, #tpu.memory_space<vmem>>, vector<1x1x16xf32>,
    %swap3A_3490 = vector.shape_cast %swap3A_3489 : vector<1x1x16xf32> to vector<16xf32>
    %swap3A_3491 = vector.shape_cast %convert_element_type3A_3483 : vector<16xf32> to vector<1x1x16xf32>
    tpu.vector_store %arg12[%swap3A_3486, %swap3A_3487, %swap3A_3488], %swap3A_3491 {strides = array<i32>} : memref<5x1x128xf32, #tpu.memory_space<vmem>>, vector<1x1x16xf32>,
    %get3A_3492 = arith.constant 320 : index
    %get3A_3493 = tpu.vector_load %arg11[%get3A_3492] {strides = array<i32>} : memref<640xf32, #tpu.memory_space<vmem>>, vector<16xf32>,
    %get3A_3494 = vector.shape_cast %get3A_3493 : vector<16xf32> to vector<16xf32>
    %neg3A_3495 = arith.constant 0.000000e+00 : f32
    %neg3A_3496 = vector.broadcast %neg3A_3495 : f32 to vector<16xf32>
    %neg3A_3497 = arith.subf %neg3A_3496, %get3A_3494 : vector<16xf32>
    %swap3A_3498 = arith.constant 2 : i32
    %swap3A_3499 = arith.constant 0 : i32
    %swap3A_3500 = arith.index_cast %swap3A_3498 : i32 to index
    %swap3A_3501 = arith.index_cast %swap3A_3499 : i32 to index
    %swap3A_3502 = arith.constant 64 : index
    %swap3A_3503 = tpu.vector_load %arg13[%swap3A_3500, %swap3A_3501, %swap3A_3502] {strides = array<i32>} : memref<5x1x128xf32, #tpu.memory_space<vmem>>, vector<1x1x16xf32>,
    %swap3A_3504 = vector.shape_cast %swap3A_3503 : vector<1x1x16xf32> to vector<16xf32>
    %swap3A_3505 = vector.shape_cast %neg3A_3497 : vector<16xf32> to vector<1x1x16xf32>
    tpu.vector_store %arg13[%swap3A_3500, %swap3A_3501, %swap3A_3502], %swap3A_3505 {strides = array<i32>} : memref<5x1x128xf32, #tpu.memory_space<vmem>>, vector<1x1x16xf32>,
    %get3A_3506 = arith.constant 336 : index
    %get3A_3507 = tpu.vector_load %arg8[%get3A_3506] {strides = array<i32>} : memref<640xi32, #tpu.memory_space<vmem>>, vector<16xi32>,
    %get3A_3508 = vector.shape_cast %get3A_3507 : vector<16xi32> to vector<16xi32>
    %convert_element_type3A_3509 = arith.sitofp %get3A_3508 : vector<16xi32> to vector<16xf32>
    %swap3A_3510 = arith.constant 2 : i32
    %swap3A_3511 = arith.constant 0 : i32
    %swap3A_3512 = arith.index_cast %swap3A_3510 : i32 to index
    %swap3A_3513 = arith.index_cast %swap3A_3511 : i32 to index
    %swap3A_3514 = arith.constant 80 : index
    %swap3A_3515 = tpu.vector_load %arg12[%swap3A_3512, %swap3A_3513, %swap3A_3514] {strides = array<i32>} : memref<5x1x128xf32, #tpu.memory_space<vmem>>, vector<1x1x16xf32>,
    %swap3A_3516 = vector.shape_cast %swap3A_3515 : vector<1x1x16xf32> to vector<16xf32>
    %swap3A_3517 = vector.shape_cast %convert_element_type3A_3509 : vector<16xf32> to vector<1x1x16xf32>
    tpu.vector_store %arg12[%swap3A_3512, %swap3A_3513, %swap3A_3514], %swap3A_3517 {strides = array<i32>} : memref<5x1x128xf32, #tpu.memory_space<vmem>>, vector<1x1x16xf32>,
    %get3A_3518 = arith.constant 336 : index
    %get3A_3519 = tpu.vector_load %arg11[%get3A_3518] {strides = array<i32>} : memref<640xf32, #tpu.memory_space<vmem>>, vector<16xf32>,
    %get3A_3520 = vector.shape_cast %get3A_3519 : vector<16xf32> to vector<16xf32>
    %neg3A_3521 = arith.constant 0.000000e+00 : f32
    %neg3A_3522 = vector.broadcast %neg3A_3521 : f32 to vector<16xf32>
    %neg3A_3523 = arith.subf %neg3A_3522, %get3A_3520 : vector<16xf32>
    %swap3A_3524 = arith.constant 2 : i32
    %swap3A_3525 = arith.constant 0 : i32
    %swap3A_3526 = arith.index_cast %swap3A_3524 : i32 to index
    %swap3A_3527 = arith.index_cast %swap3A_3525 : i32 to index
    %swap3A_3528 = arith.constant 80 : index
    %swap3A_3529 = tpu.vector_load %arg13[%swap3A_3526, %swap3A_3527, %swap3A_3528] {strides = array<i32>} : memref<5x1x128xf32, #tpu.memory_space<vmem>>, vector<1x1x16xf32>,
    %swap3A_3530 = vector.shape_cast %swap3A_3529 : vector<1x1x16xf32> to vector<16xf32>
    %swap3A_3531 = vector.shape_cast %neg3A_3523 : vector<16xf32> to vector<1x1x16xf32>
    tpu.vector_store %arg13[%swap3A_3526, %swap3A_3527, %swap3A_3528], %swap3A_3531 {strides = array<i32>} : memref<5x1x128xf32, #tpu.memory_space<vmem>>, vector<1x1x16xf32>,
    %get3A_3532 = arith.constant 352 : index
    %get3A_3533 = tpu.vector_load %arg8[%get3A_3532] {strides = array<i32>} : memref<640xi32, #tpu.memory_space<vmem>>, vector<16xi32>,
    %get3A_3534 = vector.shape_cast %get3A_3533 : vector<16xi32> to vector<16xi32>
    %convert_element_type3A_3535 = arith.sitofp %get3A_3534 : vector<16xi32> to vector<16xf32>
    %swap3A_3536 = arith.constant 2 : i32
    %swap3A_3537 = arith.constant 0 : i32
    %swap3A_3538 = arith.index_cast %swap3A_3536 : i32 to index
    %swap3A_3539 = arith.index_cast %swap3A_3537 : i32 to index
    %swap3A_3540 = arith.constant 96 : index
    %swap3A_3541 = tpu.vector_load %arg12[%swap3A_3538, %swap3A_3539, %swap3A_3540] {strides = array<i32>} : memref<5x1x128xf32, #tpu.memory_space<vmem>>, vector<1x1x16xf32>,
    %swap3A_3542 = vector.shape_cast %swap3A_3541 : vector<1x1x16xf32> to vector<16xf32>
    %swap3A_3543 = vector.shape_cast %convert_element_type3A_3535 : vector<16xf32> to vector<1x1x16xf32>
    tpu.vector_store %arg12[%swap3A_3538, %swap3A_3539, %swap3A_3540], %swap3A_3543 {strides = array<i32>} : memref<5x1x128xf32, #tpu.memory_space<vmem>>, vector<1x1x16xf32>,
    %get3A_3544 = arith.constant 352 : index
    %get3A_3545 = tpu.vector_load %arg11[%get3A_3544] {strides = array<i32>} : memref<640xf32, #tpu.memory_space<vmem>>, vector<16xf32>,
    %get3A_3546 = vector.shape_cast %get3A_3545 : vector<16xf32> to vector<16xf32>
    %neg3A_3547 = arith.constant 0.000000e+00 : f32
    %neg3A_3548 = vector.broadcast %neg3A_3547 : f32 to vector<16xf32>
    %neg3A_3549 = arith.subf %neg3A_3548, %get3A_3546 : vector<16xf32>
    %swap3A_3550 = arith.constant 2 : i32
    %swap3A_3551 = arith.constant 0 : i32
    %swap3A_3552 = arith.index_cast %swap3A_3550 : i32 to index
    %swap3A_3553 = arith.index_cast %swap3A_3551 : i32 to index
    %swap3A_3554 = arith.constant 96 : index
    %swap3A_3555 = tpu.vector_load %arg13[%swap3A_3552, %swap3A_3553, %swap3A_3554] {strides = array<i32>} : memref<5x1x128xf32, #tpu.memory_space<vmem>>, vector<1x1x16xf32>,
    %swap3A_3556 = vector.shape_cast %swap3A_3555 : vector<1x1x16xf32> to vector<16xf32>
    %swap3A_3557 = vector.shape_cast %neg3A_3549 : vector<16xf32> to vector<1x1x16xf32>
    tpu.vector_store %arg13[%swap3A_3552, %swap3A_3553, %swap3A_3554], %swap3A_3557 {strides = array<i32>} : memref<5x1x128xf32, #tpu.memory_space<vmem>>, vector<1x1x16xf32>,
    %get3A_3558 = arith.constant 368 : index
    %get3A_3559 = tpu.vector_load %arg8[%get3A_3558] {strides = array<i32>} : memref<640xi32, #tpu.memory_space<vmem>>, vector<16xi32>,
    %get3A_3560 = vector.shape_cast %get3A_3559 : vector<16xi32> to vector<16xi32>
    %convert_element_type3A_3561 = arith.sitofp %get3A_3560 : vector<16xi32> to vector<16xf32>
    %swap3A_3562 = arith.constant 2 : i32
    %swap3A_3563 = arith.constant 0 : i32
    %swap3A_3564 = arith.index_cast %swap3A_3562 : i32 to index
    %swap3A_3565 = arith.index_cast %swap3A_3563 : i32 to index
    %swap3A_3566 = arith.constant 112 : index
    %swap3A_3567 = tpu.vector_load %arg12[%swap3A_3564, %swap3A_3565, %swap3A_3566] {strides = array<i32>} : memref<5x1x128xf32, #tpu.memory_space<vmem>>, vector<1x1x16xf32>,
    %swap3A_3568 = vector.shape_cast %swap3A_3567 : vector<1x1x16xf32> to vector<16xf32>
    %swap3A_3569 = vector.shape_cast %convert_element_type3A_3561 : vector<16xf32> to vector<1x1x16xf32>
    tpu.vector_store %arg12[%swap3A_3564, %swap3A_3565, %swap3A_3566], %swap3A_3569 {strides = array<i32>} : memref<5x1x128xf32, #tpu.memory_space<vmem>>, vector<1x1x16xf32>,
    %get3A_3570 = arith.constant 368 : index
    %get3A_3571 = tpu.vector_load %arg11[%get3A_3570] {strides = array<i32>} : memref<640xf32, #tpu.memory_space<vmem>>, vector<16xf32>,
    %get3A_3572 = vector.shape_cast %get3A_3571 : vector<16xf32> to vector<16xf32>
    %neg3A_3573 = arith.constant 0.000000e+00 : f32
    %neg3A_3574 = vector.broadcast %neg3A_3573 : f32 to vector<16xf32>
    %neg3A_3575 = arith.subf %neg3A_3574, %get3A_3572 : vector<16xf32>
    %swap3A_3576 = arith.constant 2 : i32
    %swap3A_3577 = arith.constant 0 : i32
    %swap3A_3578 = arith.index_cast %swap3A_3576 : i32 to index
    %swap3A_3579 = arith.index_cast %swap3A_3577 : i32 to index
    %swap3A_3580 = arith.constant 112 : index
    %swap3A_3581 = tpu.vector_load %arg13[%swap3A_3578, %swap3A_3579, %swap3A_3580] {strides = array<i32>} : memref<5x1x128xf32, #tpu.memory_space<vmem>>, vector<1x1x16xf32>,
    %swap3A_3582 = vector.shape_cast %swap3A_3581 : vector<1x1x16xf32> to vector<16xf32>
    %swap3A_3583 = vector.shape_cast %neg3A_3575 : vector<16xf32> to vector<1x1x16xf32>
    tpu.vector_store %arg13[%swap3A_3578, %swap3A_3579, %swap3A_3580], %swap3A_3583 {strides = array<i32>} : memref<5x1x128xf32, #tpu.memory_space<vmem>>, vector<1x1x16xf32>,
    %get3A_3584 = arith.constant 384 : index
    %get3A_3585 = tpu.vector_load %arg8[%get3A_3584] {strides = array<i32>} : memref<640xi32, #tpu.memory_space<vmem>>, vector<16xi32>,
    %get3A_3586 = vector.shape_cast %get3A_3585 : vector<16xi32> to vector<16xi32>
    %convert_element_type3A_3587 = arith.sitofp %get3A_3586 : vector<16xi32> to vector<16xf32>
    %swap3A_3588 = arith.constant 3 : i32
    %swap3A_3589 = arith.constant 0 : i32
    %swap3A_3590 = arith.index_cast %swap3A_3588 : i32 to index
    %swap3A_3591 = arith.index_cast %swap3A_3589 : i32 to index
    %swap3A_3592 = arith.constant 0 : index
    %swap3A_3593 = tpu.vector_load %arg12[%swap3A_3590, %swap3A_3591, %swap3A_3592] {strides = array<i32>} : memref<5x1x128xf32, #tpu.memory_space<vmem>>, vector<1x1x16xf32>,
    %swap3A_3594 = vector.shape_cast %swap3A_3593 : vector<1x1x16xf32> to vector<16xf32>
    %swap3A_3595 = vector.shape_cast %convert_element_type3A_3587 : vector<16xf32> to vector<1x1x16xf32>
    tpu.vector_store %arg12[%swap3A_3590, %swap3A_3591, %swap3A_3592], %swap3A_3595 {strides = array<i32>} : memref<5x1x128xf32, #tpu.memory_space<vmem>>, vector<1x1x16xf32>,
    %get3A_3596 = arith.constant 384 : index
    %get3A_3597 = tpu.vector_load %arg11[%get3A_3596] {strides = array<i32>} : memref<640xf32, #tpu.memory_space<vmem>>, vector<16xf32>,
    %get3A_3598 = vector.shape_cast %get3A_3597 : vector<16xf32> to vector<16xf32>
    %neg3A_3599 = arith.constant 0.000000e+00 : f32
    %neg3A_3600 = vector.broadcast %neg3A_3599 : f32 to vector<16xf32>
    %neg3A_3601 = arith.subf %neg3A_3600, %get3A_3598 : vector<16xf32>
    %swap3A_3602 = arith.constant 3 : i32
    %swap3A_3603 = arith.constant 0 : i32
    %swap3A_3604 = arith.index_cast %swap3A_3602 : i32 to index
    %swap3A_3605 = arith.index_cast %swap3A_3603 : i32 to index
    %swap3A_3606 = arith.constant 0 : index
    %swap3A_3607 = tpu.vector_load %arg13[%swap3A_3604, %swap3A_3605, %swap3A_3606] {strides = array<i32>} : memref<5x1x128xf32, #tpu.memory_space<vmem>>, vector<1x1x16xf32>,
    %swap3A_3608 = vector.shape_cast %swap3A_3607 : vector<1x1x16xf32> to vector<16xf32>
    %swap3A_3609 = vector.shape_cast %neg3A_3601 : vector<16xf32> to vector<1x1x16xf32>
    tpu.vector_store %arg13[%swap3A_3604, %swap3A_3605, %swap3A_3606], %swap3A_3609 {strides = array<i32>} : memref<5x1x128xf32, #tpu.memory_space<vmem>>, vector<1x1x16xf32>,
    %get3A_3610 = arith.constant 400 : index
    %get3A_3611 = tpu.vector_load %arg8[%get3A_3610] {strides = array<i32>} : memref<640xi32, #tpu.memory_space<vmem>>, vector<16xi32>,
    %get3A_3612 = vector.shape_cast %get3A_3611 : vector<16xi32> to vector<16xi32>
    %convert_element_type3A_3613 = arith.sitofp %get3A_3612 : vector<16xi32> to vector<16xf32>
    %swap3A_3614 = arith.constant 3 : i32
    %swap3A_3615 = arith.constant 0 : i32
    %swap3A_3616 = arith.index_cast %swap3A_3614 : i32 to index
    %swap3A_3617 = arith.index_cast %swap3A_3615 : i32 to index
    %swap3A_3618 = arith.constant 16 : index
    %swap3A_3619 = tpu.vector_load %arg12[%swap3A_3616, %swap3A_3617, %swap3A_3618] {strides = array<i32>} : memref<5x1x128xf32, #tpu.memory_space<vmem>>, vector<1x1x16xf32>,
    %swap3A_3620 = vector.shape_cast %swap3A_3619 : vector<1x1x16xf32> to vector<16xf32>
    %swap3A_3621 = vector.shape_cast %convert_element_type3A_3613 : vector<16xf32> to vector<1x1x16xf32>
    tpu.vector_store %arg12[%swap3A_3616, %swap3A_3617, %swap3A_3618], %swap3A_3621 {strides = array<i32>} : memref<5x1x128xf32, #tpu.memory_space<vmem>>, vector<1x1x16xf32>,
    %get3A_3622 = arith.constant 400 : index
    %get3A_3623 = tpu.vector_load %arg11[%get3A_3622] {strides = array<i32>} : memref<640xf32, #tpu.memory_space<vmem>>, vector<16xf32>,
    %get3A_3624 = vector.shape_cast %get3A_3623 : vector<16xf32> to vector<16xf32>
    %neg3A_3625 = arith.constant 0.000000e+00 : f32
    %neg3A_3626 = vector.broadcast %neg3A_3625 : f32 to vector<16xf32>
    %neg3A_3627 = arith.subf %neg3A_3626, %get3A_3624 : vector<16xf32>
    %swap3A_3628 = arith.constant 3 : i32
    %swap3A_3629 = arith.constant 0 : i32
    %swap3A_3630 = arith.index_cast %swap3A_3628 : i32 to index
    %swap3A_3631 = arith.index_cast %swap3A_3629 : i32 to index
    %swap3A_3632 = arith.constant 16 : index
    %swap3A_3633 = tpu.vector_load %arg13[%swap3A_3630, %swap3A_3631, %swap3A_3632] {strides = array<i32>} : memref<5x1x128xf32, #tpu.memory_space<vmem>>, vector<1x1x16xf32>,
    %swap3A_3634 = vector.shape_cast %swap3A_3633 : vector<1x1x16xf32> to vector<16xf32>
    %swap3A_3635 = vector.shape_cast %neg3A_3627 : vector<16xf32> to vector<1x1x16xf32>
    tpu.vector_store %arg13[%swap3A_3630, %swap3A_3631, %swap3A_3632], %swap3A_3635 {strides = array<i32>} : memref<5x1x128xf32, #tpu.memory_space<vmem>>, vector<1x1x16xf32>,
    %get3A_3636 = arith.constant 416 : index
    %get3A_3637 = tpu.vector_load %arg8[%get3A_3636] {strides = array<i32>} : memref<640xi32, #tpu.memory_space<vmem>>, vector<16xi32>,
    %get3A_3638 = vector.shape_cast %get3A_3637 : vector<16xi32> to vector<16xi32>
    %convert_element_type3A_3639 = arith.sitofp %get3A_3638 : vector<16xi32> to vector<16xf32>
    %swap3A_3640 = arith.constant 3 : i32
    %swap3A_3641 = arith.constant 0 : i32
    %swap3A_3642 = arith.index_cast %swap3A_3640 : i32 to index
    %swap3A_3643 = arith.index_cast %swap3A_3641 : i32 to index
    %swap3A_3644 = arith.constant 32 : index
    %swap3A_3645 = tpu.vector_load %arg12[%swap3A_3642, %swap3A_3643, %swap3A_3644] {strides = array<i32>} : memref<5x1x128xf32, #tpu.memory_space<vmem>>, vector<1x1x16xf32>,
    %swap3A_3646 = vector.shape_cast %swap3A_3645 : vector<1x1x16xf32> to vector<16xf32>
    %swap3A_3647 = vector.shape_cast %convert_element_type3A_3639 : vector<16xf32> to vector<1x1x16xf32>
    tpu.vector_store %arg12[%swap3A_3642, %swap3A_3643, %swap3A_3644], %swap3A_3647 {strides = array<i32>} : memref<5x1x128xf32, #tpu.memory_space<vmem>>, vector<1x1x16xf32>,
    %get3A_3648 = arith.constant 416 : index
    %get3A_3649 = tpu.vector_load %arg11[%get3A_3648] {strides = array<i32>} : memref<640xf32, #tpu.memory_space<vmem>>, vector<16xf32>,
    %get3A_3650 = vector.shape_cast %get3A_3649 : vector<16xf32> to vector<16xf32>
    %neg3A_3651 = arith.constant 0.000000e+00 : f32
    %neg3A_3652 = vector.broadcast %neg3A_3651 : f32 to vector<16xf32>
    %neg3A_3653 = arith.subf %neg3A_3652, %get3A_3650 : vector<16xf32>
    %swap3A_3654 = arith.constant 3 : i32
    %swap3A_3655 = arith.constant 0 : i32
    %swap3A_3656 = arith.index_cast %swap3A_3654 : i32 to index
    %swap3A_3657 = arith.index_cast %swap3A_3655 : i32 to index
    %swap3A_3658 = arith.constant 32 : index
    %swap3A_3659 = tpu.vector_load %arg13[%swap3A_3656, %swap3A_3657, %swap3A_3658] {strides = array<i32>} : memref<5x1x128xf32, #tpu.memory_space<vmem>>, vector<1x1x16xf32>,
    %swap3A_3660 = vector.shape_cast %swap3A_3659 : vector<1x1x16xf32> to vector<16xf32>
    %swap3A_3661 = vector.shape_cast %neg3A_3653 : vector<16xf32> to vector<1x1x16xf32>
    tpu.vector_store %arg13[%swap3A_3656, %swap3A_3657, %swap3A_3658], %swap3A_3661 {strides = array<i32>} : memref<5x1x128xf32, #tpu.memory_space<vmem>>, vector<1x1x16xf32>,
    %get3A_3662 = arith.constant 432 : index
    %get3A_3663 = tpu.vector_load %arg8[%get3A_3662] {strides = array<i32>} : memref<640xi32, #tpu.memory_space<vmem>>, vector<16xi32>,
    %get3A_3664 = vector.shape_cast %get3A_3663 : vector<16xi32> to vector<16xi32>
    %convert_element_type3A_3665 = arith.sitofp %get3A_3664 : vector<16xi32> to vector<16xf32>
    %swap3A_3666 = arith.constant 3 : i32
    %swap3A_3667 = arith.constant 0 : i32
    %swap3A_3668 = arith.index_cast %swap3A_3666 : i32 to index
    %swap3A_3669 = arith.index_cast %swap3A_3667 : i32 to index
    %swap3A_3670 = arith.constant 48 : index
    %swap3A_3671 = tpu.vector_load %arg12[%swap3A_3668, %swap3A_3669, %swap3A_3670] {strides = array<i32>} : memref<5x1x128xf32, #tpu.memory_space<vmem>>, vector<1x1x16xf32>,
    %swap3A_3672 = vector.shape_cast %swap3A_3671 : vector<1x1x16xf32> to vector<16xf32>
    %swap3A_3673 = vector.shape_cast %convert_element_type3A_3665 : vector<16xf32> to vector<1x1x16xf32>
    tpu.vector_store %arg12[%swap3A_3668, %swap3A_3669, %swap3A_3670], %swap3A_3673 {strides = array<i32>} : memref<5x1x128xf32, #tpu.memory_space<vmem>>, vector<1x1x16xf32>,
    %get3A_3674 = arith.constant 432 : index
    %get3A_3675 = tpu.vector_load %arg11[%get3A_3674] {strides = array<i32>} : memref<640xf32, #tpu.memory_space<vmem>>, vector<16xf32>,
    %get3A_3676 = vector.shape_cast %get3A_3675 : vector<16xf32> to vector<16xf32>
    %neg3A_3677 = arith.constant 0.000000e+00 : f32
    %neg3A_3678 = vector.broadcast %neg3A_3677 : f32 to vector<16xf32>
    %neg3A_3679 = arith.subf %neg3A_3678, %get3A_3676 : vector<16xf32>
    %swap3A_3680 = arith.constant 3 : i32
    %swap3A_3681 = arith.constant 0 : i32
    %swap3A_3682 = arith.index_cast %swap3A_3680 : i32 to index
    %swap3A_3683 = arith.index_cast %swap3A_3681 : i32 to index
    %swap3A_3684 = arith.constant 48 : index
    %swap3A_3685 = tpu.vector_load %arg13[%swap3A_3682, %swap3A_3683, %swap3A_3684] {strides = array<i32>} : memref<5x1x128xf32, #tpu.memory_space<vmem>>, vector<1x1x16xf32>,
    %swap3A_3686 = vector.shape_cast %swap3A_3685 : vector<1x1x16xf32> to vector<16xf32>
    %swap3A_3687 = vector.shape_cast %neg3A_3679 : vector<16xf32> to vector<1x1x16xf32>
    tpu.vector_store %arg13[%swap3A_3682, %swap3A_3683, %swap3A_3684], %swap3A_3687 {strides = array<i32>} : memref<5x1x128xf32, #tpu.memory_space<vmem>>, vector<1x1x16xf32>,
    %get3A_3688 = arith.constant 448 : index
    %get3A_3689 = tpu.vector_load %arg8[%get3A_3688] {strides = array<i32>} : memref<640xi32, #tpu.memory_space<vmem>>, vector<16xi32>,
    %get3A_3690 = vector.shape_cast %get3A_3689 : vector<16xi32> to vector<16xi32>
    %convert_element_type3A_3691 = arith.sitofp %get3A_3690 : vector<16xi32> to vector<16xf32>
    %swap3A_3692 = arith.constant 3 : i32
    %swap3A_3693 = arith.constant 0 : i32
    %swap3A_3694 = arith.index_cast %swap3A_3692 : i32 to index
    %swap3A_3695 = arith.index_cast %swap3A_3693 : i32 to index
    %swap3A_3696 = arith.constant 64 : index
    %swap3A_3697 = tpu.vector_load %arg12[%swap3A_3694, %swap3A_3695, %swap3A_3696] {strides = array<i32>} : memref<5x1x128xf32, #tpu.memory_space<vmem>>, vector<1x1x16xf32>,
    %swap3A_3698 = vector.shape_cast %swap3A_3697 : vector<1x1x16xf32> to vector<16xf32>
    %swap3A_3699 = vector.shape_cast %convert_element_type3A_3691 : vector<16xf32> to vector<1x1x16xf32>
    tpu.vector_store %arg12[%swap3A_3694, %swap3A_3695, %swap3A_3696], %swap3A_3699 {strides = array<i32>} : memref<5x1x128xf32, #tpu.memory_space<vmem>>, vector<1x1x16xf32>,
    %get3A_3700 = arith.constant 448 : index
    %get3A_3701 = tpu.vector_load %arg11[%get3A_3700] {strides = array<i32>} : memref<640xf32, #tpu.memory_space<vmem>>, vector<16xf32>,
    %get3A_3702 = vector.shape_cast %get3A_3701 : vector<16xf32> to vector<16xf32>
    %neg3A_3703 = arith.constant 0.000000e+00 : f32
    %neg3A_3704 = vector.broadcast %neg3A_3703 : f32 to vector<16xf32>
    %neg3A_3705 = arith.subf %neg3A_3704, %get3A_3702 : vector<16xf32>
    %swap3A_3706 = arith.constant 3 : i32
    %swap3A_3707 = arith.constant 0 : i32
    %swap3A_3708 = arith.index_cast %swap3A_3706 : i32 to index
    %swap3A_3709 = arith.index_cast %swap3A_3707 : i32 to index
    %swap3A_3710 = arith.constant 64 : index
    %swap3A_3711 = tpu.vector_load %arg13[%swap3A_3708, %swap3A_3709, %swap3A_3710] {strides = array<i32>} : memref<5x1x128xf32, #tpu.memory_space<vmem>>, vector<1x1x16xf32>,
    %swap3A_3712 = vector.shape_cast %swap3A_3711 : vector<1x1x16xf32> to vector<16xf32>
    %swap3A_3713 = vector.shape_cast %neg3A_3705 : vector<16xf32> to vector<1x1x16xf32>
    tpu.vector_store %arg13[%swap3A_3708, %swap3A_3709, %swap3A_3710], %swap3A_3713 {strides = array<i32>} : memref<5x1x128xf32, #tpu.memory_space<vmem>>, vector<1x1x16xf32>,
    %get3A_3714 = arith.constant 464 : index
    %get3A_3715 = tpu.vector_load %arg8[%get3A_3714] {strides = array<i32>} : memref<640xi32, #tpu.memory_space<vmem>>, vector<16xi32>,
    %get3A_3716 = vector.shape_cast %get3A_3715 : vector<16xi32> to vector<16xi32>
    %convert_element_type3A_3717 = arith.sitofp %get3A_3716 : vector<16xi32> to vector<16xf32>
    %swap3A_3718 = arith.constant 3 : i32
    %swap3A_3719 = arith.constant 0 : i32
    %swap3A_3720 = arith.index_cast %swap3A_3718 : i32 to index
    %swap3A_3721 = arith.index_cast %swap3A_3719 : i32 to index
    %swap3A_3722 = arith.constant 80 : index
    %swap3A_3723 = tpu.vector_load %arg12[%swap3A_3720, %swap3A_3721, %swap3A_3722] {strides = array<i32>} : memref<5x1x128xf32, #tpu.memory_space<vmem>>, vector<1x1x16xf32>,
    %swap3A_3724 = vector.shape_cast %swap3A_3723 : vector<1x1x16xf32> to vector<16xf32>
    %swap3A_3725 = vector.shape_cast %convert_element_type3A_3717 : vector<16xf32> to vector<1x1x16xf32>
    tpu.vector_store %arg12[%swap3A_3720, %swap3A_3721, %swap3A_3722], %swap3A_3725 {strides = array<i32>} : memref<5x1x128xf32, #tpu.memory_space<vmem>>, vector<1x1x16xf32>,
    %get3A_3726 = arith.constant 464 : index
    %get3A_3727 = tpu.vector_load %arg11[%get3A_3726] {strides = array<i32>} : memref<640xf32, #tpu.memory_space<vmem>>, vector<16xf32>,
    %get3A_3728 = vector.shape_cast %get3A_3727 : vector<16xf32> to vector<16xf32>
    %neg3A_3729 = arith.constant 0.000000e+00 : f32
    %neg3A_3730 = vector.broadcast %neg3A_3729 : f32 to vector<16xf32>
    %neg3A_3731 = arith.subf %neg3A_3730, %get3A_3728 : vector<16xf32>
    %swap3A_3732 = arith.constant 3 : i32
    %swap3A_3733 = arith.constant 0 : i32
    %swap3A_3734 = arith.index_cast %swap3A_3732 : i32 to index
    %swap3A_3735 = arith.index_cast %swap3A_3733 : i32 to index
    %swap3A_3736 = arith.constant 80 : index
    %swap3A_3737 = tpu.vector_load %arg13[%swap3A_3734, %swap3A_3735, %swap3A_3736] {strides = array<i32>} : memref<5x1x128xf32, #tpu.memory_space<vmem>>, vector<1x1x16xf32>,
    %swap3A_3738 = vector.shape_cast %swap3A_3737 : vector<1x1x16xf32> to vector<16xf32>
    %swap3A_3739 = vector.shape_cast %neg3A_3731 : vector<16xf32> to vector<1x1x16xf32>
    tpu.vector_store %arg13[%swap3A_3734, %swap3A_3735, %swap3A_3736], %swap3A_3739 {strides = array<i32>} : memref<5x1x128xf32, #tpu.memory_space<vmem>>, vector<1x1x16xf32>,
    %get3A_3740 = arith.constant 480 : index
    %get3A_3741 = tpu.vector_load %arg8[%get3A_3740] {strides = array<i32>} : memref<640xi32, #tpu.memory_space<vmem>>, vector<16xi32>,
    %get3A_3742 = vector.shape_cast %get3A_3741 : vector<16xi32> to vector<16xi32>
    %convert_element_type3A_3743 = arith.sitofp %get3A_3742 : vector<16xi32> to vector<16xf32>
    %swap3A_3744 = arith.constant 3 : i32
    %swap3A_3745 = arith.constant 0 : i32
    %swap3A_3746 = arith.index_cast %swap3A_3744 : i32 to index
    %swap3A_3747 = arith.index_cast %swap3A_3745 : i32 to index
    %swap3A_3748 = arith.constant 96 : index
    %swap3A_3749 = tpu.vector_load %arg12[%swap3A_3746, %swap3A_3747, %swap3A_3748] {strides = array<i32>} : memref<5x1x128xf32, #tpu.memory_space<vmem>>, vector<1x1x16xf32>,
    %swap3A_3750 = vector.shape_cast %swap3A_3749 : vector<1x1x16xf32> to vector<16xf32>
    %swap3A_3751 = vector.shape_cast %convert_element_type3A_3743 : vector<16xf32> to vector<1x1x16xf32>
    tpu.vector_store %arg12[%swap3A_3746, %swap3A_3747, %swap3A_3748], %swap3A_3751 {strides = array<i32>} : memref<5x1x128xf32, #tpu.memory_space<vmem>>, vector<1x1x16xf32>,
    %get3A_3752 = arith.constant 480 : index
    %get3A_3753 = tpu.vector_load %arg11[%get3A_3752] {strides = array<i32>} : memref<640xf32, #tpu.memory_space<vmem>>, vector<16xf32>,
    %get3A_3754 = vector.shape_cast %get3A_3753 : vector<16xf32> to vector<16xf32>
    %neg3A_3755 = arith.constant 0.000000e+00 : f32
    %neg3A_3756 = vector.broadcast %neg3A_3755 : f32 to vector<16xf32>
    %neg3A_3757 = arith.subf %neg3A_3756, %get3A_3754 : vector<16xf32>
    %swap3A_3758 = arith.constant 3 : i32
    %swap3A_3759 = arith.constant 0 : i32
    %swap3A_3760 = arith.index_cast %swap3A_3758 : i32 to index
    %swap3A_3761 = arith.index_cast %swap3A_3759 : i32 to index
    %swap3A_3762 = arith.constant 96 : index
    %swap3A_3763 = tpu.vector_load %arg13[%swap3A_3760, %swap3A_3761, %swap3A_3762] {strides = array<i32>} : memref<5x1x128xf32, #tpu.memory_space<vmem>>, vector<1x1x16xf32>,
    %swap3A_3764 = vector.shape_cast %swap3A_3763 : vector<1x1x16xf32> to vector<16xf32>
    %swap3A_3765 = vector.shape_cast %neg3A_3757 : vector<16xf32> to vector<1x1x16xf32>
    tpu.vector_store %arg13[%swap3A_3760, %swap3A_3761, %swap3A_3762], %swap3A_3765 {strides = array<i32>} : memref<5x1x128xf32, #tpu.memory_space<vmem>>, vector<1x1x16xf32>,
    %get3A_3766 = arith.constant 496 : index
    %get3A_3767 = tpu.vector_load %arg8[%get3A_3766] {strides = array<i32>} : memref<640xi32, #tpu.memory_space<vmem>>, vector<16xi32>,
    %get3A_3768 = vector.shape_cast %get3A_3767 : vector<16xi32> to vector<16xi32>
    %convert_element_type3A_3769 = arith.sitofp %get3A_3768 : vector<16xi32> to vector<16xf32>
    %swap3A_3770 = arith.constant 3 : i32
    %swap3A_3771 = arith.constant 0 : i32
    %swap3A_3772 = arith.index_cast %swap3A_3770 : i32 to index
    %swap3A_3773 = arith.index_cast %swap3A_3771 : i32 to index
    %swap3A_3774 = arith.constant 112 : index
    %swap3A_3775 = tpu.vector_load %arg12[%swap3A_3772, %swap3A_3773, %swap3A_3774] {strides = array<i32>} : memref<5x1x128xf32, #tpu.memory_space<vmem>>, vector<1x1x16xf32>,
    %swap3A_3776 = vector.shape_cast %swap3A_3775 : vector<1x1x16xf32> to vector<16xf32>
    %swap3A_3777 = vector.shape_cast %convert_element_type3A_3769 : vector<16xf32> to vector<1x1x16xf32>
    tpu.vector_store %arg12[%swap3A_3772, %swap3A_3773, %swap3A_3774], %swap3A_3777 {strides = array<i32>} : memref<5x1x128xf32, #tpu.memory_space<vmem>>, vector<1x1x16xf32>,
    %get3A_3778 = arith.constant 496 : index
    %get3A_3779 = tpu.vector_load %arg11[%get3A_3778] {strides = array<i32>} : memref<640xf32, #tpu.memory_space<vmem>>, vector<16xf32>,
    %get3A_3780 = vector.shape_cast %get3A_3779 : vector<16xf32> to vector<16xf32>
    %neg3A_3781 = arith.constant 0.000000e+00 : f32
    %neg3A_3782 = vector.broadcast %neg3A_3781 : f32 to vector<16xf32>
    %neg3A_3783 = arith.subf %neg3A_3782, %get3A_3780 : vector<16xf32>
    %swap3A_3784 = arith.constant 3 : i32
    %swap3A_3785 = arith.constant 0 : i32
    %swap3A_3786 = arith.index_cast %swap3A_3784 : i32 to index
    %swap3A_3787 = arith.index_cast %swap3A_3785 : i32 to index
    %swap3A_3788 = arith.constant 112 : index
    %swap3A_3789 = tpu.vector_load %arg13[%swap3A_3786, %swap3A_3787, %swap3A_3788] {strides = array<i32>} : memref<5x1x128xf32, #tpu.memory_space<vmem>>, vector<1x1x16xf32>,
    %swap3A_3790 = vector.shape_cast %swap3A_3789 : vector<1x1x16xf32> to vector<16xf32>
    %swap3A_3791 = vector.shape_cast %neg3A_3783 : vector<16xf32> to vector<1x1x16xf32>
    tpu.vector_store %arg13[%swap3A_3786, %swap3A_3787, %swap3A_3788], %swap3A_3791 {strides = array<i32>} : memref<5x1x128xf32, #tpu.memory_space<vmem>>, vector<1x1x16xf32>,
    %get3A_3792 = arith.constant 512 : index
    %get3A_3793 = tpu.vector_load %arg8[%get3A_3792] {strides = array<i32>} : memref<640xi32, #tpu.memory_space<vmem>>, vector<16xi32>,
    %get3A_3794 = vector.shape_cast %get3A_3793 : vector<16xi32> to vector<16xi32>
    %convert_element_type3A_3795 = arith.sitofp %get3A_3794 : vector<16xi32> to vector<16xf32>
    %swap3A_3796 = arith.constant 4 : i32
    %swap3A_3797 = arith.constant 0 : i32
    %swap3A_3798 = arith.index_cast %swap3A_3796 : i32 to index
    %swap3A_3799 = arith.index_cast %swap3A_3797 : i32 to index
    %swap3A_3800 = arith.constant 0 : index
    %swap3A_3801 = tpu.vector_load %arg12[%swap3A_3798, %swap3A_3799, %swap3A_3800] {strides = array<i32>} : memref<5x1x128xf32, #tpu.memory_space<vmem>>, vector<1x1x16xf32>,
    %swap3A_3802 = vector.shape_cast %swap3A_3801 : vector<1x1x16xf32> to vector<16xf32>
    %swap3A_3803 = vector.shape_cast %convert_element_type3A_3795 : vector<16xf32> to vector<1x1x16xf32>
    tpu.vector_store %arg12[%swap3A_3798, %swap3A_3799, %swap3A_3800], %swap3A_3803 {strides = array<i32>} : memref<5x1x128xf32, #tpu.memory_space<vmem>>, vector<1x1x16xf32>,
    %get3A_3804 = arith.constant 512 : index
    %get3A_3805 = tpu.vector_load %arg11[%get3A_3804] {strides = array<i32>} : memref<640xf32, #tpu.memory_space<vmem>>, vector<16xf32>,
    %get3A_3806 = vector.shape_cast %get3A_3805 : vector<16xf32> to vector<16xf32>
    %neg3A_3807 = arith.constant 0.000000e+00 : f32
    %neg3A_3808 = vector.broadcast %neg3A_3807 : f32 to vector<16xf32>
    %neg3A_3809 = arith.subf %neg3A_3808, %get3A_3806 : vector<16xf32>
    %swap3A_3810 = arith.constant 4 : i32
    %swap3A_3811 = arith.constant 0 : i32
    %swap3A_3812 = arith.index_cast %swap3A_3810 : i32 to index
    %swap3A_3813 = arith.index_cast %swap3A_3811 : i32 to index
    %swap3A_3814 = arith.constant 0 : index
    %swap3A_3815 = tpu.vector_load %arg13[%swap3A_3812, %swap3A_3813, %swap3A_3814] {strides = array<i32>} : memref<5x1x128xf32, #tpu.memory_space<vmem>>, vector<1x1x16xf32>,
    %swap3A_3816 = vector.shape_cast %swap3A_3815 : vector<1x1x16xf32> to vector<16xf32>
    %swap3A_3817 = vector.shape_cast %neg3A_3809 : vector<16xf32> to vector<1x1x16xf32>
    tpu.vector_store %arg13[%swap3A_3812, %swap3A_3813, %swap3A_3814], %swap3A_3817 {strides = array<i32>} : memref<5x1x128xf32, #tpu.memory_space<vmem>>, vector<1x1x16xf32>,
    %get3A_3818 = arith.constant 528 : index
    %get3A_3819 = tpu.vector_load %arg8[%get3A_3818] {strides = array<i32>} : memref<640xi32, #tpu.memory_space<vmem>>, vector<16xi32>,
    %get3A_3820 = vector.shape_cast %get3A_3819 : vector<16xi32> to vector<16xi32>
    %convert_element_type3A_3821 = arith.sitofp %get3A_3820 : vector<16xi32> to vector<16xf32>
    %swap3A_3822 = arith.constant 4 : i32
    %swap3A_3823 = arith.constant 0 : i32
    %swap3A_3824 = arith.index_cast %swap3A_3822 : i32 to index
    %swap3A_3825 = arith.index_cast %swap3A_3823 : i32 to index
    %swap3A_3826 = arith.constant 16 : index
    %swap3A_3827 = tpu.vector_load %arg12[%swap3A_3824, %swap3A_3825, %swap3A_3826] {strides = array<i32>} : memref<5x1x128xf32, #tpu.memory_space<vmem>>, vector<1x1x16xf32>,
    %swap3A_3828 = vector.shape_cast %swap3A_3827 : vector<1x1x16xf32> to vector<16xf32>
    %swap3A_3829 = vector.shape_cast %convert_element_type3A_3821 : vector<16xf32> to vector<1x1x16xf32>
    tpu.vector_store %arg12[%swap3A_3824, %swap3A_3825, %swap3A_3826], %swap3A_3829 {strides = array<i32>} : memref<5x1x128xf32, #tpu.memory_space<vmem>>, vector<1x1x16xf32>,
    %get3A_3830 = arith.constant 528 : index
    %get3A_3831 = tpu.vector_load %arg11[%get3A_3830] {strides = array<i32>} : memref<640xf32, #tpu.memory_space<vmem>>, vector<16xf32>,
    %get3A_3832 = vector.shape_cast %get3A_3831 : vector<16xf32> to vector<16xf32>
    %neg3A_3833 = arith.constant 0.000000e+00 : f32
    %neg3A_3834 = vector.broadcast %neg3A_3833 : f32 to vector<16xf32>
    %neg3A_3835 = arith.subf %neg3A_3834, %get3A_3832 : vector<16xf32>
    %swap3A_3836 = arith.constant 4 : i32
    %swap3A_3837 = arith.constant 0 : i32
    %swap3A_3838 = arith.index_cast %swap3A_3836 : i32 to index
    %swap3A_3839 = arith.index_cast %swap3A_3837 : i32 to index
    %swap3A_3840 = arith.constant 16 : index
    %swap3A_3841 = tpu.vector_load %arg13[%swap3A_3838, %swap3A_3839, %swap3A_3840] {strides = array<i32>} : memref<5x1x128xf32, #tpu.memory_space<vmem>>, vector<1x1x16xf32>,
    %swap3A_3842 = vector.shape_cast %swap3A_3841 : vector<1x1x16xf32> to vector<16xf32>
    %swap3A_3843 = vector.shape_cast %neg3A_3835 : vector<16xf32> to vector<1x1x16xf32>
    tpu.vector_store %arg13[%swap3A_3838, %swap3A_3839, %swap3A_3840], %swap3A_3843 {strides = array<i32>} : memref<5x1x128xf32, #tpu.memory_space<vmem>>, vector<1x1x16xf32>,
    %get3A_3844 = arith.constant 544 : index
    %get3A_3845 = tpu.vector_load %arg8[%get3A_3844] {strides = array<i32>} : memref<640xi32, #tpu.memory_space<vmem>>, vector<16xi32>,
    %get3A_3846 = vector.shape_cast %get3A_3845 : vector<16xi32> to vector<16xi32>
    %convert_element_type3A_3847 = arith.sitofp %get3A_3846 : vector<16xi32> to vector<16xf32>
    %swap3A_3848 = arith.constant 4 : i32
    %swap3A_3849 = arith.constant 0 : i32
    %swap3A_3850 = arith.index_cast %swap3A_3848 : i32 to index
    %swap3A_3851 = arith.index_cast %swap3A_3849 : i32 to index
    %swap3A_3852 = arith.constant 32 : index
    %swap3A_3853 = tpu.vector_load %arg12[%swap3A_3850, %swap3A_3851, %swap3A_3852] {strides = array<i32>} : memref<5x1x128xf32, #tpu.memory_space<vmem>>, vector<1x1x16xf32>,
    %swap3A_3854 = vector.shape_cast %swap3A_3853 : vector<1x1x16xf32> to vector<16xf32>
    %swap3A_3855 = vector.shape_cast %convert_element_type3A_3847 : vector<16xf32> to vector<1x1x16xf32>
    tpu.vector_store %arg12[%swap3A_3850, %swap3A_3851, %swap3A_3852], %swap3A_3855 {strides = array<i32>} : memref<5x1x128xf32, #tpu.memory_space<vmem>>, vector<1x1x16xf32>,
    %get3A_3856 = arith.constant 544 : index
    %get3A_3857 = tpu.vector_load %arg11[%get3A_3856] {strides = array<i32>} : memref<640xf32, #tpu.memory_space<vmem>>, vector<16xf32>,
    %get3A_3858 = vector.shape_cast %get3A_3857 : vector<16xf32> to vector<16xf32>
    %neg3A_3859 = arith.constant 0.000000e+00 : f32
    %neg3A_3860 = vector.broadcast %neg3A_3859 : f32 to vector<16xf32>
    %neg3A_3861 = arith.subf %neg3A_3860, %get3A_3858 : vector<16xf32>
    %swap3A_3862 = arith.constant 4 : i32
    %swap3A_3863 = arith.constant 0 : i32
    %swap3A_3864 = arith.index_cast %swap3A_3862 : i32 to index
    %swap3A_3865 = arith.index_cast %swap3A_3863 : i32 to index
    %swap3A_3866 = arith.constant 32 : index
    %swap3A_3867 = tpu.vector_load %arg13[%swap3A_3864, %swap3A_3865, %swap3A_3866] {strides = array<i32>} : memref<5x1x128xf32, #tpu.memory_space<vmem>>, vector<1x1x16xf32>,
    %swap3A_3868 = vector.shape_cast %swap3A_3867 : vector<1x1x16xf32> to vector<16xf32>
    %swap3A_3869 = vector.shape_cast %neg3A_3861 : vector<16xf32> to vector<1x1x16xf32>
    tpu.vector_store %arg13[%swap3A_3864, %swap3A_3865, %swap3A_3866], %swap3A_3869 {strides = array<i32>} : memref<5x1x128xf32, #tpu.memory_space<vmem>>, vector<1x1x16xf32>,
    %get3A_3870 = arith.constant 560 : index
    %get3A_3871 = tpu.vector_load %arg8[%get3A_3870] {strides = array<i32>} : memref<640xi32, #tpu.memory_space<vmem>>, vector<16xi32>,
    %get3A_3872 = vector.shape_cast %get3A_3871 : vector<16xi32> to vector<16xi32>
    %convert_element_type3A_3873 = arith.sitofp %get3A_3872 : vector<16xi32> to vector<16xf32>
    %swap3A_3874 = arith.constant 4 : i32
    %swap3A_3875 = arith.constant 0 : i32
    %swap3A_3876 = arith.index_cast %swap3A_3874 : i32 to index
    %swap3A_3877 = arith.index_cast %swap3A_3875 : i32 to index
    %swap3A_3878 = arith.constant 48 : index
    %swap3A_3879 = tpu.vector_load %arg12[%swap3A_3876, %swap3A_3877, %swap3A_3878] {strides = array<i32>} : memref<5x1x128xf32, #tpu.memory_space<vmem>>, vector<1x1x16xf32>,
    %swap3A_3880 = vector.shape_cast %swap3A_3879 : vector<1x1x16xf32> to vector<16xf32>
    %swap3A_3881 = vector.shape_cast %convert_element_type3A_3873 : vector<16xf32> to vector<1x1x16xf32>
    tpu.vector_store %arg12[%swap3A_3876, %swap3A_3877, %swap3A_3878], %swap3A_3881 {strides = array<i32>} : memref<5x1x128xf32, #tpu.memory_space<vmem>>, vector<1x1x16xf32>,
    %get3A_3882 = arith.constant 560 : index
    %get3A_3883 = tpu.vector_load %arg11[%get3A_3882] {strides = array<i32>} : memref<640xf32, #tpu.memory_space<vmem>>, vector<16xf32>,
    %get3A_3884 = vector.shape_cast %get3A_3883 : vector<16xf32> to vector<16xf32>
    %neg3A_3885 = arith.constant 0.000000e+00 : f32
    %neg3A_3886 = vector.broadcast %neg3A_3885 : f32 to vector<16xf32>
    %neg3A_3887 = arith.subf %neg3A_3886, %get3A_3884 : vector<16xf32>
    %swap3A_3888 = arith.constant 4 : i32
    %swap3A_3889 = arith.constant 0 : i32
    %swap3A_3890 = arith.index_cast %swap3A_3888 : i32 to index
    %swap3A_3891 = arith.index_cast %swap3A_3889 : i32 to index
    %swap3A_3892 = arith.constant 48 : index
    %swap3A_3893 = tpu.vector_load %arg13[%swap3A_3890, %swap3A_3891, %swap3A_3892] {strides = array<i32>} : memref<5x1x128xf32, #tpu.memory_space<vmem>>, vector<1x1x16xf32>,
    %swap3A_3894 = vector.shape_cast %swap3A_3893 : vector<1x1x16xf32> to vector<16xf32>
    %swap3A_3895 = vector.shape_cast %neg3A_3887 : vector<16xf32> to vector<1x1x16xf32>
    tpu.vector_store %arg13[%swap3A_3890, %swap3A_3891, %swap3A_3892], %swap3A_3895 {strides = array<i32>} : memref<5x1x128xf32, #tpu.memory_space<vmem>>, vector<1x1x16xf32>,
    %get3A_3896 = arith.constant 576 : index
    %get3A_3897 = tpu.vector_load %arg8[%get3A_3896] {strides = array<i32>} : memref<640xi32, #tpu.memory_space<vmem>>, vector<16xi32>,
    %get3A_3898 = vector.shape_cast %get3A_3897 : vector<16xi32> to vector<16xi32>
    %convert_element_type3A_3899 = arith.sitofp %get3A_3898 : vector<16xi32> to vector<16xf32>
    %swap3A_3900 = arith.constant 4 : i32
    %swap3A_3901 = arith.constant 0 : i32
    %swap3A_3902 = arith.index_cast %swap3A_3900 : i32 to index
    %swap3A_3903 = arith.index_cast %swap3A_3901 : i32 to index
    %swap3A_3904 = arith.constant 64 : index
    %swap3A_3905 = tpu.vector_load %arg12[%swap3A_3902, %swap3A_3903, %swap3A_3904] {strides = array<i32>} : memref<5x1x128xf32, #tpu.memory_space<vmem>>, vector<1x1x16xf32>,
    %swap3A_3906 = vector.shape_cast %swap3A_3905 : vector<1x1x16xf32> to vector<16xf32>
    %swap3A_3907 = vector.shape_cast %convert_element_type3A_3899 : vector<16xf32> to vector<1x1x16xf32>
    tpu.vector_store %arg12[%swap3A_3902, %swap3A_3903, %swap3A_3904], %swap3A_3907 {strides = array<i32>} : memref<5x1x128xf32, #tpu.memory_space<vmem>>, vector<1x1x16xf32>,
    %get3A_3908 = arith.constant 576 : index
    %get3A_3909 = tpu.vector_load %arg11[%get3A_3908] {strides = array<i32>} : memref<640xf32, #tpu.memory_space<vmem>>, vector<16xf32>,
    %get3A_3910 = vector.shape_cast %get3A_3909 : vector<16xf32> to vector<16xf32>
    %neg3A_3911 = arith.constant 0.000000e+00 : f32
    %neg3A_3912 = vector.broadcast %neg3A_3911 : f32 to vector<16xf32>
    %neg3A_3913 = arith.subf %neg3A_3912, %get3A_3910 : vector<16xf32>
    %swap3A_3914 = arith.constant 4 : i32
    %swap3A_3915 = arith.constant 0 : i32
    %swap3A_3916 = arith.index_cast %swap3A_3914 : i32 to index
    %swap3A_3917 = arith.index_cast %swap3A_3915 : i32 to index
    %swap3A_3918 = arith.constant 64 : index
    %swap3A_3919 = tpu.vector_load %arg13[%swap3A_3916, %swap3A_3917, %swap3A_3918] {strides = array<i32>} : memref<5x1x128xf32, #tpu.memory_space<vmem>>, vector<1x1x16xf32>,
    %swap3A_3920 = vector.shape_cast %swap3A_3919 : vector<1x1x16xf32> to vector<16xf32>
    %swap3A_3921 = vector.shape_cast %neg3A_3913 : vector<16xf32> to vector<1x1x16xf32>
    tpu.vector_store %arg13[%swap3A_3916, %swap3A_3917, %swap3A_3918], %swap3A_3921 {strides = array<i32>} : memref<5x1x128xf32, #tpu.memory_space<vmem>>, vector<1x1x16xf32>,
    %get3A_3922 = arith.constant 592 : index
    %get3A_3923 = tpu.vector_load %arg8[%get3A_3922] {strides = array<i32>} : memref<640xi32, #tpu.memory_space<vmem>>, vector<16xi32>,
    %get3A_3924 = vector.shape_cast %get3A_3923 : vector<16xi32> to vector<16xi32>
    %convert_element_type3A_3925 = arith.sitofp %get3A_3924 : vector<16xi32> to vector<16xf32>
    %swap3A_3926 = arith.constant 4 : i32
    %swap3A_3927 = arith.constant 0 : i32
    %swap3A_3928 = arith.index_cast %swap3A_3926 : i32 to index
    %swap3A_3929 = arith.index_cast %swap3A_3927 : i32 to index
    %swap3A_3930 = arith.constant 80 : index
    %swap3A_3931 = tpu.vector_load %arg12[%swap3A_3928, %swap3A_3929, %swap3A_3930] {strides = array<i32>} : memref<5x1x128xf32, #tpu.memory_space<vmem>>, vector<1x1x16xf32>,
    %swap3A_3932 = vector.shape_cast %swap3A_3931 : vector<1x1x16xf32> to vector<16xf32>
    %swap3A_3933 = vector.shape_cast %convert_element_type3A_3925 : vector<16xf32> to vector<1x1x16xf32>
    tpu.vector_store %arg12[%swap3A_3928, %swap3A_3929, %swap3A_3930], %swap3A_3933 {strides = array<i32>} : memref<5x1x128xf32, #tpu.memory_space<vmem>>, vector<1x1x16xf32>,
    %get3A_3934 = arith.constant 592 : index
    %get3A_3935 = tpu.vector_load %arg11[%get3A_3934] {strides = array<i32>} : memref<640xf32, #tpu.memory_space<vmem>>, vector<16xf32>,
    %get3A_3936 = vector.shape_cast %get3A_3935 : vector<16xf32> to vector<16xf32>
    %neg3A_3937 = arith.constant 0.000000e+00 : f32
    %neg3A_3938 = vector.broadcast %neg3A_3937 : f32 to vector<16xf32>
    %neg3A_3939 = arith.subf %neg3A_3938, %get3A_3936 : vector<16xf32>
    %swap3A_3940 = arith.constant 4 : i32
    %swap3A_3941 = arith.constant 0 : i32
    %swap3A_3942 = arith.index_cast %swap3A_3940 : i32 to index
    %swap3A_3943 = arith.index_cast %swap3A_3941 : i32 to index
    %swap3A_3944 = arith.constant 80 : index
    %swap3A_3945 = tpu.vector_load %arg13[%swap3A_3942, %swap3A_3943, %swap3A_3944] {strides = array<i32>} : memref<5x1x128xf32, #tpu.memory_space<vmem>>, vector<1x1x16xf32>,
    %swap3A_3946 = vector.shape_cast %swap3A_3945 : vector<1x1x16xf32> to vector<16xf32>
    %swap3A_3947 = vector.shape_cast %neg3A_3939 : vector<16xf32> to vector<1x1x16xf32>
    tpu.vector_store %arg13[%swap3A_3942, %swap3A_3943, %swap3A_3944], %swap3A_3947 {strides = array<i32>} : memref<5x1x128xf32, #tpu.memory_space<vmem>>, vector<1x1x16xf32>,
    %get3A_3948 = arith.constant 608 : index
    %get3A_3949 = tpu.vector_load %arg8[%get3A_3948] {strides = array<i32>} : memref<640xi32, #tpu.memory_space<vmem>>, vector<16xi32>,
    %get3A_3950 = vector.shape_cast %get3A_3949 : vector<16xi32> to vector<16xi32>
    %convert_element_type3A_3951 = arith.sitofp %get3A_3950 : vector<16xi32> to vector<16xf32>
    %swap3A_3952 = arith.constant 4 : i32
    %swap3A_3953 = arith.constant 0 : i32
    %swap3A_3954 = arith.index_cast %swap3A_3952 : i32 to index
    %swap3A_3955 = arith.index_cast %swap3A_3953 : i32 to index
    %swap3A_3956 = arith.constant 96 : index
    %swap3A_3957 = tpu.vector_load %arg12[%swap3A_3954, %swap3A_3955, %swap3A_3956] {strides = array<i32>} : memref<5x1x128xf32, #tpu.memory_space<vmem>>, vector<1x1x16xf32>,
    %swap3A_3958 = vector.shape_cast %swap3A_3957 : vector<1x1x16xf32> to vector<16xf32>
    %swap3A_3959 = vector.shape_cast %convert_element_type3A_3951 : vector<16xf32> to vector<1x1x16xf32>
    tpu.vector_store %arg12[%swap3A_3954, %swap3A_3955, %swap3A_3956], %swap3A_3959 {strides = array<i32>} : memref<5x1x128xf32, #tpu.memory_space<vmem>>, vector<1x1x16xf32>,
    %get3A_3960 = arith.constant 608 : index
    %get3A_3961 = tpu.vector_load %arg11[%get3A_3960] {strides = array<i32>} : memref<640xf32, #tpu.memory_space<vmem>>, vector<16xf32>,
    %get3A_3962 = vector.shape_cast %get3A_3961 : vector<16xf32> to vector<16xf32>
    %neg3A_3963 = arith.constant 0.000000e+00 : f32
    %neg3A_3964 = vector.broadcast %neg3A_3963 : f32 to vector<16xf32>
    %neg3A_3965 = arith.subf %neg3A_3964, %get3A_3962 : vector<16xf32>
    %swap3A_3966 = arith.constant 4 : i32
    %swap3A_3967 = arith.constant 0 : i32
    %swap3A_3968 = arith.index_cast %swap3A_3966 : i32 to index
    %swap3A_3969 = arith.index_cast %swap3A_3967 : i32 to index
    %swap3A_3970 = arith.constant 96 : index
    %swap3A_3971 = tpu.vector_load %arg13[%swap3A_3968, %swap3A_3969, %swap3A_3970] {strides = array<i32>} : memref<5x1x128xf32, #tpu.memory_space<vmem>>, vector<1x1x16xf32>,
    %swap3A_3972 = vector.shape_cast %swap3A_3971 : vector<1x1x16xf32> to vector<16xf32>
    %swap3A_3973 = vector.shape_cast %neg3A_3965 : vector<16xf32> to vector<1x1x16xf32>
    tpu.vector_store %arg13[%swap3A_3968, %swap3A_3969, %swap3A_3970], %swap3A_3973 {strides = array<i32>} : memref<5x1x128xf32, #tpu.memory_space<vmem>>, vector<1x1x16xf32>,
    %get3A_3974 = arith.constant 624 : index
    %get3A_3975 = tpu.vector_load %arg8[%get3A_3974] {strides = array<i32>} : memref<640xi32, #tpu.memory_space<vmem>>, vector<16xi32>,
    %get3A_3976 = vector.shape_cast %get3A_3975 : vector<16xi32> to vector<16xi32>
    %convert_element_type3A_3977 = arith.sitofp %get3A_3976 : vector<16xi32> to vector<16xf32>
    %swap3A_3978 = arith.constant 4 : i32
    %swap3A_3979 = arith.constant 0 : i32
    %swap3A_3980 = arith.index_cast %swap3A_3978 : i32 to index
    %swap3A_3981 = arith.index_cast %swap3A_3979 : i32 to index
    %swap3A_3982 = arith.constant 112 : index
    %swap3A_3983 = tpu.vector_load %arg12[%swap3A_3980, %swap3A_3981, %swap3A_3982] {strides = array<i32>} : memref<5x1x128xf32, #tpu.memory_space<vmem>>, vector<1x1x16xf32>,
    %swap3A_3984 = vector.shape_cast %swap3A_3983 : vector<1x1x16xf32> to vector<16xf32>
    %swap3A_3985 = vector.shape_cast %convert_element_type3A_3977 : vector<16xf32> to vector<1x1x16xf32>
    tpu.vector_store %arg12[%swap3A_3980, %swap3A_3981, %swap3A_3982], %swap3A_3985 {strides = array<i32>} : memref<5x1x128xf32, #tpu.memory_space<vmem>>, vector<1x1x16xf32>,
    %get3A_3986 = arith.constant 624 : index
    %get3A_3987 = tpu.vector_load %arg11[%get3A_3986] {strides = array<i32>} : memref<640xf32, #tpu.memory_space<vmem>>, vector<16xf32>,
    %get3A_3988 = vector.shape_cast %get3A_3987 : vector<16xf32> to vector<16xf32>
    %neg3A_3989 = arith.constant 0.000000e+00 : f32
    %neg3A_3990 = vector.broadcast %neg3A_3989 : f32 to vector<16xf32>
    %neg3A_3991 = arith.subf %neg3A_3990, %get3A_3988 : vector<16xf32>
    %swap3A_3992 = arith.constant 4 : i32
    %swap3A_3993 = arith.constant 0 : i32
    %swap3A_3994 = arith.index_cast %swap3A_3992 : i32 to index
    %swap3A_3995 = arith.index_cast %swap3A_3993 : i32 to index
    %swap3A_3996 = arith.constant 112 : index
    %swap3A_3997 = tpu.vector_load %arg13[%swap3A_3994, %swap3A_3995, %swap3A_3996] {strides = array<i32>} : memref<5x1x128xf32, #tpu.memory_space<vmem>>, vector<1x1x16xf32>,
    %swap3A_3998 = vector.shape_cast %swap3A_3997 : vector<1x1x16xf32> to vector<16xf32>
    %swap3A_3999 = vector.shape_cast %neg3A_3991 : vector<16xf32> to vector<1x1x16xf32>
    tpu.vector_store %arg13[%swap3A_3994, %swap3A_3995, %swap3A_3996], %swap3A_3999 {strides = array<i32>} : memref<5x1x128xf32, #tpu.memory_space<vmem>>, vector<1x1x16xf32>,
    %mul3A_4000 = arith.constant 5 : i32
    %mul3A_4001 = arith.muli %add3A, %mul3A_4000 : i32
    "tpu.region"() ({
      %run_scoped3A = tpu.sem_alloc : memref<!tpu.dma_semaphore, #tpu.memory_space<semaphore_mem>>
      %dma_start3A_4245 = arith.constant 0 : i32
      %dma_start3A_4246 = arith.constant 0 : i32
      %dma_start3A_4247 = tpu.memref_slice %arg6[%mul3A_4001, %dma_start3A_4245, %dma_start3A_4246] : memref<160x1x128xf32, #tpu.memory_space<hbm>> -> memref<5x1x128xf32, #tpu.memory_space<hbm>>
      %dma_start3A_4248 = arith.constant 0 : i32
      %dma_start3A_4249 = arith.constant 0 : i32
      %dma_start3A_4250 = tpu.memref_slice %arg6[%mul3A_4001, %dma_start3A_4248, %dma_start3A_4249] : memref<160x1x128xf32, #tpu.memory_space<hbm>> -> memref<5x1x128xf32, #tpu.memory_space<hbm>>
      tpu.enqueue_dma source(%arg12 : memref<5x1x128xf32, #tpu.memory_space<vmem>>) target(%dma_start3A_4250 : memref<5x1x128xf32, #tpu.memory_space<hbm>>) target_semaphore(%run_scoped3A : memref<!tpu.dma_semaphore, #tpu.memory_space<semaphore_mem>>)
      %dma_wait3A_4251 = arith.constant 0 : i32
      %dma_wait3A_4252 = arith.constant 0 : i32
      %dma_wait3A_4253 = tpu.memref_slice %arg6[%mul3A_4001, %dma_wait3A_4251, %dma_wait3A_4252] : memref<160x1x128xf32, #tpu.memory_space<hbm>> -> memref<5x1x128xf32, #tpu.memory_space<hbm>>
      %dma_wait3A_4254 = arith.constant 0 : i32
      %dma_wait3A_4255 = arith.constant 0 : i32
      %dma_wait3A_4256 = tpu.memref_slice %arg6[%mul3A_4001, %dma_wait3A_4254, %dma_wait3A_4255] : memref<160x1x128xf32, #tpu.memory_space<hbm>> -> memref<5x1x128xf32, #tpu.memory_space<hbm>>
      tpu.wait_dma2 semaphore(%run_scoped3A : memref<!tpu.dma_semaphore, #tpu.memory_space<semaphore_mem>>) src(%arg12 : memref<5x1x128xf32, #tpu.memory_space<vmem>>) dst(%dma_wait3A_4256 : memref<5x1x128xf32, #tpu.memory_space<hbm>>)
      tpu.yield
    }) : () -> ()
    %mul3A_4002 = arith.constant 5 : i32
    %mul3A_4003 = arith.muli %add3A, %mul3A_4002 : i32
    "tpu.region"() ({
      %run_scoped3A = tpu.sem_alloc : memref<!tpu.dma_semaphore, #tpu.memory_space<semaphore_mem>>
      %dma_start3A_4245 = arith.constant 0 : i32
      %dma_start3A_4246 = arith.constant 0 : i32
      %dma_start3A_4247 = tpu.memref_slice %arg7[%mul3A_4003, %dma_start3A_4245, %dma_start3A_4246] : memref<160x1x128xf32, #tpu.memory_space<hbm>> -> memref<5x1x128xf32, #tpu.memory_space<hbm>>
      %dma_start3A_4248 = arith.constant 0 : i32
      %dma_start3A_4249 = arith.constant 0 : i32
      %dma_start3A_4250 = tpu.memref_slice %arg7[%mul3A_4003, %dma_start3A_4248, %dma_start3A_4249] : memref<160x1x128xf32, #tpu.memory_space<hbm>> -> memref<5x1x128xf32, #tpu.memory_space<hbm>>
      tpu.enqueue_dma source(%arg13 : memref<5x1x128xf32, #tpu.memory_space<vmem>>) target(%dma_start3A_4250 : memref<5x1x128xf32, #tpu.memory_space<hbm>>) target_semaphore(%run_scoped3A : memref<!tpu.dma_semaphore, #tpu.memory_space<semaphore_mem>>)
      %dma_wait3A_4251 = arith.constant 0 : i32
      %dma_wait3A_4252 = arith.constant 0 : i32
      %dma_wait3A_4253 = tpu.memref_slice %arg7[%mul3A_4003, %dma_wait3A_4251, %dma_wait3A_4252] : memref<160x1x128xf32, #tpu.memory_space<hbm>> -> memref<5x1x128xf32, #tpu.memory_space<hbm>>
      %dma_wait3A_4254 = arith.constant 0 : i32
      %dma_wait3A_4255 = arith.constant 0 : i32
      %dma_wait3A_4256 = tpu.memref_slice %arg7[%mul3A_4003, %dma_wait3A_4254, %dma_wait3A_4255] : memref<160x1x128xf32, #tpu.memory_space<hbm>> -> memref<5x1x128xf32, #tpu.memory_space<hbm>>
      tpu.wait_dma2 semaphore(%run_scoped3A : memref<!tpu.dma_semaphore, #tpu.memory_space<semaphore_mem>>) src(%arg13 : memref<5x1x128xf32, #tpu.memory_space<vmem>>) dst(%dma_wait3A_4256 : memref<5x1x128xf32, #tpu.memory_space<hbm>>)
      tpu.yield
    }) : () -> ()
    %dma_wait3A = arith.constant 0 : i32
    %dma_wait3A_4004 = arith.constant 0 : i32
    %dma_wait3A_4005 = arith.constant 0 : i32
    %dma_wait3A_4006 = arith.constant 0 : i32
    %dma_wait3A_4007 = arith.constant 0 : i32
    %dma_wait3A_4008 = tpu.memref_slice %arg10[%dma_wait3A_4005, %dma_wait3A_4006, %dma_wait3A_4007] : memref<5x4x128xf32, #tpu.memory_space<vmem>> -> memref<1x1x128xf32, #tpu.memory_space<vmem>>
    %dma_wait3A_4009 = tpu.memref_squeeze %dma_wait3A_4008 : memref<1x1x128xf32, #tpu.memory_space<vmem>> -> memref<128xf32, #tpu.memory_space<vmem>>
    %dma_wait3A_4010 = arith.constant 0 : i32
    %dma_wait3A_4011 = tpu.memref_slice %arg9[%dma_wait3A, %dma_wait3A_4004, %dma_wait3A_4010] : memref<5x4x128xi32, #tpu.memory_space<vmem>> -> memref<1x1x128xi32, #tpu.memory_space<vmem>>
    %dma_wait3A_4012 = tpu.memref_squeeze %dma_wait3A_4011 : memref<1x1x128xi32, #tpu.memory_space<vmem>> -> memref<128xi32, #tpu.memory_space<vmem>>
    %dma_wait3A_4013 = arith.constant 0 : i32
    %dma_wait3A_4014 = tpu.memref_slice %arg2[%dma_wait3A_4013] : memref<80000xf32, #tpu.memory_space<hbm>> -> memref<80000xf32, #tpu.memory_space<hbm>>
    tpu.wait_indirect_dma semaphore(%arg14 : memref<!tpu.dma_semaphore, #tpu.memory_space<semaphore_mem>>) src(%dma_wait3A_4014 : memref<80000xf32, #tpu.memory_space<hbm>>) dst(%dma_wait3A_4009 : memref<128xf32, #tpu.memory_space<vmem>>)
    %dma_wait3A_4015 = arith.constant 0 : i32
    %dma_wait3A_4016 = arith.constant 1 : i32
    %dma_wait3A_4017 = arith.constant 0 : i32
    %dma_wait3A_4018 = arith.constant 1 : i32
    %dma_wait3A_4019 = arith.constant 0 : i32
    %dma_wait3A_4020 = tpu.memref_slice %arg10[%dma_wait3A_4017, %dma_wait3A_4018, %dma_wait3A_4019] : memref<5x4x128xf32, #tpu.memory_space<vmem>> -> memref<1x1x128xf32, #tpu.memory_space<vmem>>
    %dma_wait3A_4021 = tpu.memref_squeeze %dma_wait3A_4020 : memref<1x1x128xf32, #tpu.memory_space<vmem>> -> memref<128xf32, #tpu.memory_space<vmem>>
    %dma_wait3A_4022 = arith.constant 0 : i32
    %dma_wait3A_4023 = tpu.memref_slice %arg9[%dma_wait3A_4015, %dma_wait3A_4016, %dma_wait3A_4022] : memref<5x4x128xi32, #tpu.memory_space<vmem>> -> memref<1x1x128xi32, #tpu.memory_space<vmem>>
    %dma_wait3A_4024 = tpu.memref_squeeze %dma_wait3A_4023 : memref<1x1x128xi32, #tpu.memory_space<vmem>> -> memref<128xi32, #tpu.memory_space<vmem>>
    %dma_wait3A_4025 = arith.constant 0 : i32
    %dma_wait3A_4026 = tpu.memref_slice %arg2[%dma_wait3A_4025] : memref<80000xf32, #tpu.memory_space<hbm>> -> memref<80000xf32, #tpu.memory_space<hbm>>
    tpu.wait_indirect_dma semaphore(%arg14 : memref<!tpu.dma_semaphore, #tpu.memory_space<semaphore_mem>>) src(%dma_wait3A_4026 : memref<80000xf32, #tpu.memory_space<hbm>>) dst(%dma_wait3A_4021 : memref<128xf32, #tpu.memory_space<vmem>>)
    %dma_wait3A_4027 = arith.constant 0 : i32
    %dma_wait3A_4028 = arith.constant 2 : i32
    %dma_wait3A_4029 = arith.constant 0 : i32
    %dma_wait3A_4030 = arith.constant 2 : i32
    %dma_wait3A_4031 = arith.constant 0 : i32
    %dma_wait3A_4032 = tpu.memref_slice %arg10[%dma_wait3A_4029, %dma_wait3A_4030, %dma_wait3A_4031] : memref<5x4x128xf32, #tpu.memory_space<vmem>> -> memref<1x1x128xf32, #tpu.memory_space<vmem>>
    %dma_wait3A_4033 = tpu.memref_squeeze %dma_wait3A_4032 : memref<1x1x128xf32, #tpu.memory_space<vmem>> -> memref<128xf32, #tpu.memory_space<vmem>>
    %dma_wait3A_4034 = arith.constant 0 : i32
    %dma_wait3A_4035 = tpu.memref_slice %arg9[%dma_wait3A_4027, %dma_wait3A_4028, %dma_wait3A_4034] : memref<5x4x128xi32, #tpu.memory_space<vmem>> -> memref<1x1x128xi32, #tpu.memory_space<vmem>>
    %dma_wait3A_4036 = tpu.memref_squeeze %dma_wait3A_4035 : memref<1x1x128xi32, #tpu.memory_space<vmem>> -> memref<128xi32, #tpu.memory_space<vmem>>
    %dma_wait3A_4037 = arith.constant 0 : i32
    %dma_wait3A_4038 = tpu.memref_slice %arg2[%dma_wait3A_4037] : memref<80000xf32, #tpu.memory_space<hbm>> -> memref<80000xf32, #tpu.memory_space<hbm>>
    tpu.wait_indirect_dma semaphore(%arg14 : memref<!tpu.dma_semaphore, #tpu.memory_space<semaphore_mem>>) src(%dma_wait3A_4038 : memref<80000xf32, #tpu.memory_space<hbm>>) dst(%dma_wait3A_4033 : memref<128xf32, #tpu.memory_space<vmem>>)
    %dma_wait3A_4039 = arith.constant 0 : i32
    %dma_wait3A_4040 = arith.constant 3 : i32
    %dma_wait3A_4041 = arith.constant 0 : i32
    %dma_wait3A_4042 = arith.constant 3 : i32
    %dma_wait3A_4043 = arith.constant 0 : i32
    %dma_wait3A_4044 = tpu.memref_slice %arg10[%dma_wait3A_4041, %dma_wait3A_4042, %dma_wait3A_4043] : memref<5x4x128xf32, #tpu.memory_space<vmem>> -> memref<1x1x128xf32, #tpu.memory_space<vmem>>
    %dma_wait3A_4045 = tpu.memref_squeeze %dma_wait3A_4044 : memref<1x1x128xf32, #tpu.memory_space<vmem>> -> memref<128xf32, #tpu.memory_space<vmem>>
    %dma_wait3A_4046 = arith.constant 0 : i32
    %dma_wait3A_4047 = tpu.memref_slice %arg9[%dma_wait3A_4039, %dma_wait3A_4040, %dma_wait3A_4046] : memref<5x4x128xi32, #tpu.memory_space<vmem>> -> memref<1x1x128xi32, #tpu.memory_space<vmem>>
    %dma_wait3A_4048 = tpu.memref_squeeze %dma_wait3A_4047 : memref<1x1x128xi32, #tpu.memory_space<vmem>> -> memref<128xi32, #tpu.memory_space<vmem>>
    %dma_wait3A_4049 = arith.constant 0 : i32
    %dma_wait3A_4050 = tpu.memref_slice %arg2[%dma_wait3A_4049] : memref<80000xf32, #tpu.memory_space<hbm>> -> memref<80000xf32, #tpu.memory_space<hbm>>
    tpu.wait_indirect_dma semaphore(%arg14 : memref<!tpu.dma_semaphore, #tpu.memory_space<semaphore_mem>>) src(%dma_wait3A_4050 : memref<80000xf32, #tpu.memory_space<hbm>>) dst(%dma_wait3A_4045 : memref<128xf32, #tpu.memory_space<vmem>>)
    %dma_wait3A_4051 = arith.constant 1 : i32
    %dma_wait3A_4052 = arith.constant 0 : i32
    %dma_wait3A_4053 = arith.constant 1 : i32
    %dma_wait3A_4054 = arith.constant 0 : i32
    %dma_wait3A_4055 = arith.constant 0 : i32
    %dma_wait3A_4056 = tpu.memref_slice %arg10[%dma_wait3A_4053, %dma_wait3A_4054, %dma_wait3A_4055] : memref<5x4x128xf32, #tpu.memory_space<vmem>> -> memref<1x1x128xf32, #tpu.memory_space<vmem>>
    %dma_wait3A_4057 = tpu.memref_squeeze %dma_wait3A_4056 : memref<1x1x128xf32, #tpu.memory_space<vmem>> -> memref<128xf32, #tpu.memory_space<vmem>>
    %dma_wait3A_4058 = arith.constant 0 : i32
    %dma_wait3A_4059 = tpu.memref_slice %arg9[%dma_wait3A_4051, %dma_wait3A_4052, %dma_wait3A_4058] : memref<5x4x128xi32, #tpu.memory_space<vmem>> -> memref<1x1x128xi32, #tpu.memory_space<vmem>>
    %dma_wait3A_4060 = tpu.memref_squeeze %dma_wait3A_4059 : memref<1x1x128xi32, #tpu.memory_space<vmem>> -> memref<128xi32, #tpu.memory_space<vmem>>
    %dma_wait3A_4061 = arith.constant 0 : i32
    %dma_wait3A_4062 = tpu.memref_slice %arg2[%dma_wait3A_4061] : memref<80000xf32, #tpu.memory_space<hbm>> -> memref<80000xf32, #tpu.memory_space<hbm>>
    tpu.wait_indirect_dma semaphore(%arg14 : memref<!tpu.dma_semaphore, #tpu.memory_space<semaphore_mem>>) src(%dma_wait3A_4062 : memref<80000xf32, #tpu.memory_space<hbm>>) dst(%dma_wait3A_4057 : memref<128xf32, #tpu.memory_space<vmem>>)
    %dma_wait3A_4063 = arith.constant 1 : i32
    %dma_wait3A_4064 = arith.constant 1 : i32
    %dma_wait3A_4065 = arith.constant 1 : i32
    %dma_wait3A_4066 = arith.constant 1 : i32
    %dma_wait3A_4067 = arith.constant 0 : i32
    %dma_wait3A_4068 = tpu.memref_slice %arg10[%dma_wait3A_4065, %dma_wait3A_4066, %dma_wait3A_4067] : memref<5x4x128xf32, #tpu.memory_space<vmem>> -> memref<1x1x128xf32, #tpu.memory_space<vmem>>
    %dma_wait3A_4069 = tpu.memref_squeeze %dma_wait3A_4068 : memref<1x1x128xf32, #tpu.memory_space<vmem>> -> memref<128xf32, #tpu.memory_space<vmem>>
    %dma_wait3A_4070 = arith.constant 0 : i32
    %dma_wait3A_4071 = tpu.memref_slice %arg9[%dma_wait3A_4063, %dma_wait3A_4064, %dma_wait3A_4070] : memref<5x4x128xi32, #tpu.memory_space<vmem>> -> memref<1x1x128xi32, #tpu.memory_space<vmem>>
    %dma_wait3A_4072 = tpu.memref_squeeze %dma_wait3A_4071 : memref<1x1x128xi32, #tpu.memory_space<vmem>> -> memref<128xi32, #tpu.memory_space<vmem>>
    %dma_wait3A_4073 = arith.constant 0 : i32
    %dma_wait3A_4074 = tpu.memref_slice %arg2[%dma_wait3A_4073] : memref<80000xf32, #tpu.memory_space<hbm>> -> memref<80000xf32, #tpu.memory_space<hbm>>
    tpu.wait_indirect_dma semaphore(%arg14 : memref<!tpu.dma_semaphore, #tpu.memory_space<semaphore_mem>>) src(%dma_wait3A_4074 : memref<80000xf32, #tpu.memory_space<hbm>>) dst(%dma_wait3A_4069 : memref<128xf32, #tpu.memory_space<vmem>>)
    %dma_wait3A_4075 = arith.constant 1 : i32
    %dma_wait3A_4076 = arith.constant 2 : i32
    %dma_wait3A_4077 = arith.constant 1 : i32
    %dma_wait3A_4078 = arith.constant 2 : i32
    %dma_wait3A_4079 = arith.constant 0 : i32
    %dma_wait3A_4080 = tpu.memref_slice %arg10[%dma_wait3A_4077, %dma_wait3A_4078, %dma_wait3A_4079] : memref<5x4x128xf32, #tpu.memory_space<vmem>> -> memref<1x1x128xf32, #tpu.memory_space<vmem>>
    %dma_wait3A_4081 = tpu.memref_squeeze %dma_wait3A_4080 : memref<1x1x128xf32, #tpu.memory_space<vmem>> -> memref<128xf32, #tpu.memory_space<vmem>>
    %dma_wait3A_4082 = arith.constant 0 : i32
    %dma_wait3A_4083 = tpu.memref_slice %arg9[%dma_wait3A_4075, %dma_wait3A_4076, %dma_wait3A_4082] : memref<5x4x128xi32, #tpu.memory_space<vmem>> -> memref<1x1x128xi32, #tpu.memory_space<vmem>>
    %dma_wait3A_4084 = tpu.memref_squeeze %dma_wait3A_4083 : memref<1x1x128xi32, #tpu.memory_space<vmem>> -> memref<128xi32, #tpu.memory_space<vmem>>
    %dma_wait3A_4085 = arith.constant 0 : i32
    %dma_wait3A_4086 = tpu.memref_slice %arg2[%dma_wait3A_4085] : memref<80000xf32, #tpu.memory_space<hbm>> -> memref<80000xf32, #tpu.memory_space<hbm>>
    tpu.wait_indirect_dma semaphore(%arg14 : memref<!tpu.dma_semaphore, #tpu.memory_space<semaphore_mem>>) src(%dma_wait3A_4086 : memref<80000xf32, #tpu.memory_space<hbm>>) dst(%dma_wait3A_4081 : memref<128xf32, #tpu.memory_space<vmem>>)
    %dma_wait3A_4087 = arith.constant 1 : i32
    %dma_wait3A_4088 = arith.constant 3 : i32
    %dma_wait3A_4089 = arith.constant 1 : i32
    %dma_wait3A_4090 = arith.constant 3 : i32
    %dma_wait3A_4091 = arith.constant 0 : i32
    %dma_wait3A_4092 = tpu.memref_slice %arg10[%dma_wait3A_4089, %dma_wait3A_4090, %dma_wait3A_4091] : memref<5x4x128xf32, #tpu.memory_space<vmem>> -> memref<1x1x128xf32, #tpu.memory_space<vmem>>
    %dma_wait3A_4093 = tpu.memref_squeeze %dma_wait3A_4092 : memref<1x1x128xf32, #tpu.memory_space<vmem>> -> memref<128xf32, #tpu.memory_space<vmem>>
    %dma_wait3A_4094 = arith.constant 0 : i32
    %dma_wait3A_4095 = tpu.memref_slice %arg9[%dma_wait3A_4087, %dma_wait3A_4088, %dma_wait3A_4094] : memref<5x4x128xi32, #tpu.memory_space<vmem>> -> memref<1x1x128xi32, #tpu.memory_space<vmem>>
    %dma_wait3A_4096 = tpu.memref_squeeze %dma_wait3A_4095 : memref<1x1x128xi32, #tpu.memory_space<vmem>> -> memref<128xi32, #tpu.memory_space<vmem>>
    %dma_wait3A_4097 = arith.constant 0 : i32
    %dma_wait3A_4098 = tpu.memref_slice %arg2[%dma_wait3A_4097] : memref<80000xf32, #tpu.memory_space<hbm>> -> memref<80000xf32, #tpu.memory_space<hbm>>
    tpu.wait_indirect_dma semaphore(%arg14 : memref<!tpu.dma_semaphore, #tpu.memory_space<semaphore_mem>>) src(%dma_wait3A_4098 : memref<80000xf32, #tpu.memory_space<hbm>>) dst(%dma_wait3A_4093 : memref<128xf32, #tpu.memory_space<vmem>>)
    %dma_wait3A_4099 = arith.constant 2 : i32
    %dma_wait3A_4100 = arith.constant 0 : i32
    %dma_wait3A_4101 = arith.constant 2 : i32
    %dma_wait3A_4102 = arith.constant 0 : i32
    %dma_wait3A_4103 = arith.constant 0 : i32
    %dma_wait3A_4104 = tpu.memref_slice %arg10[%dma_wait3A_4101, %dma_wait3A_4102, %dma_wait3A_4103] : memref<5x4x128xf32, #tpu.memory_space<vmem>> -> memref<1x1x128xf32, #tpu.memory_space<vmem>>
    %dma_wait3A_4105 = tpu.memref_squeeze %dma_wait3A_4104 : memref<1x1x128xf32, #tpu.memory_space<vmem>> -> memref<128xf32, #tpu.memory_space<vmem>>
    %dma_wait3A_4106 = arith.constant 0 : i32
    %dma_wait3A_4107 = tpu.memref_slice %arg9[%dma_wait3A_4099, %dma_wait3A_4100, %dma_wait3A_4106] : memref<5x4x128xi32, #tpu.memory_space<vmem>> -> memref<1x1x128xi32, #tpu.memory_space<vmem>>
    %dma_wait3A_4108 = tpu.memref_squeeze %dma_wait3A_4107 : memref<1x1x128xi32, #tpu.memory_space<vmem>> -> memref<128xi32, #tpu.memory_space<vmem>>
    %dma_wait3A_4109 = arith.constant 0 : i32
    %dma_wait3A_4110 = tpu.memref_slice %arg2[%dma_wait3A_4109] : memref<80000xf32, #tpu.memory_space<hbm>> -> memref<80000xf32, #tpu.memory_space<hbm>>
    tpu.wait_indirect_dma semaphore(%arg14 : memref<!tpu.dma_semaphore, #tpu.memory_space<semaphore_mem>>) src(%dma_wait3A_4110 : memref<80000xf32, #tpu.memory_space<hbm>>) dst(%dma_wait3A_4105 : memref<128xf32, #tpu.memory_space<vmem>>)
    %dma_wait3A_4111 = arith.constant 2 : i32
    %dma_wait3A_4112 = arith.constant 1 : i32
    %dma_wait3A_4113 = arith.constant 2 : i32
    %dma_wait3A_4114 = arith.constant 1 : i32
    %dma_wait3A_4115 = arith.constant 0 : i32
    %dma_wait3A_4116 = tpu.memref_slice %arg10[%dma_wait3A_4113, %dma_wait3A_4114, %dma_wait3A_4115] : memref<5x4x128xf32, #tpu.memory_space<vmem>> -> memref<1x1x128xf32, #tpu.memory_space<vmem>>
    %dma_wait3A_4117 = tpu.memref_squeeze %dma_wait3A_4116 : memref<1x1x128xf32, #tpu.memory_space<vmem>> -> memref<128xf32, #tpu.memory_space<vmem>>
    %dma_wait3A_4118 = arith.constant 0 : i32
    %dma_wait3A_4119 = tpu.memref_slice %arg9[%dma_wait3A_4111, %dma_wait3A_4112, %dma_wait3A_4118] : memref<5x4x128xi32, #tpu.memory_space<vmem>> -> memref<1x1x128xi32, #tpu.memory_space<vmem>>
    %dma_wait3A_4120 = tpu.memref_squeeze %dma_wait3A_4119 : memref<1x1x128xi32, #tpu.memory_space<vmem>> -> memref<128xi32, #tpu.memory_space<vmem>>
    %dma_wait3A_4121 = arith.constant 0 : i32
    %dma_wait3A_4122 = tpu.memref_slice %arg2[%dma_wait3A_4121] : memref<80000xf32, #tpu.memory_space<hbm>> -> memref<80000xf32, #tpu.memory_space<hbm>>
    tpu.wait_indirect_dma semaphore(%arg14 : memref<!tpu.dma_semaphore, #tpu.memory_space<semaphore_mem>>) src(%dma_wait3A_4122 : memref<80000xf32, #tpu.memory_space<hbm>>) dst(%dma_wait3A_4117 : memref<128xf32, #tpu.memory_space<vmem>>)
    %dma_wait3A_4123 = arith.constant 2 : i32
    %dma_wait3A_4124 = arith.constant 2 : i32
    %dma_wait3A_4125 = arith.constant 2 : i32
    %dma_wait3A_4126 = arith.constant 2 : i32
    %dma_wait3A_4127 = arith.constant 0 : i32
    %dma_wait3A_4128 = tpu.memref_slice %arg10[%dma_wait3A_4125, %dma_wait3A_4126, %dma_wait3A_4127] : memref<5x4x128xf32, #tpu.memory_space<vmem>> -> memref<1x1x128xf32, #tpu.memory_space<vmem>>
    %dma_wait3A_4129 = tpu.memref_squeeze %dma_wait3A_4128 : memref<1x1x128xf32, #tpu.memory_space<vmem>> -> memref<128xf32, #tpu.memory_space<vmem>>
    %dma_wait3A_4130 = arith.constant 0 : i32
    %dma_wait3A_4131 = tpu.memref_slice %arg9[%dma_wait3A_4123, %dma_wait3A_4124, %dma_wait3A_4130] : memref<5x4x128xi32, #tpu.memory_space<vmem>> -> memref<1x1x128xi32, #tpu.memory_space<vmem>>
    %dma_wait3A_4132 = tpu.memref_squeeze %dma_wait3A_4131 : memref<1x1x128xi32, #tpu.memory_space<vmem>> -> memref<128xi32, #tpu.memory_space<vmem>>
    %dma_wait3A_4133 = arith.constant 0 : i32
    %dma_wait3A_4134 = tpu.memref_slice %arg2[%dma_wait3A_4133] : memref<80000xf32, #tpu.memory_space<hbm>> -> memref<80000xf32, #tpu.memory_space<hbm>>
    tpu.wait_indirect_dma semaphore(%arg14 : memref<!tpu.dma_semaphore, #tpu.memory_space<semaphore_mem>>) src(%dma_wait3A_4134 : memref<80000xf32, #tpu.memory_space<hbm>>) dst(%dma_wait3A_4129 : memref<128xf32, #tpu.memory_space<vmem>>)
    %dma_wait3A_4135 = arith.constant 2 : i32
    %dma_wait3A_4136 = arith.constant 3 : i32
    %dma_wait3A_4137 = arith.constant 2 : i32
    %dma_wait3A_4138 = arith.constant 3 : i32
    %dma_wait3A_4139 = arith.constant 0 : i32
    %dma_wait3A_4140 = tpu.memref_slice %arg10[%dma_wait3A_4137, %dma_wait3A_4138, %dma_wait3A_4139] : memref<5x4x128xf32, #tpu.memory_space<vmem>> -> memref<1x1x128xf32, #tpu.memory_space<vmem>>
    %dma_wait3A_4141 = tpu.memref_squeeze %dma_wait3A_4140 : memref<1x1x128xf32, #tpu.memory_space<vmem>> -> memref<128xf32, #tpu.memory_space<vmem>>
    %dma_wait3A_4142 = arith.constant 0 : i32
    %dma_wait3A_4143 = tpu.memref_slice %arg9[%dma_wait3A_4135, %dma_wait3A_4136, %dma_wait3A_4142] : memref<5x4x128xi32, #tpu.memory_space<vmem>> -> memref<1x1x128xi32, #tpu.memory_space<vmem>>
    %dma_wait3A_4144 = tpu.memref_squeeze %dma_wait3A_4143 : memref<1x1x128xi32, #tpu.memory_space<vmem>> -> memref<128xi32, #tpu.memory_space<vmem>>
    %dma_wait3A_4145 = arith.constant 0 : i32
    %dma_wait3A_4146 = tpu.memref_slice %arg2[%dma_wait3A_4145] : memref<80000xf32, #tpu.memory_space<hbm>> -> memref<80000xf32, #tpu.memory_space<hbm>>
    tpu.wait_indirect_dma semaphore(%arg14 : memref<!tpu.dma_semaphore, #tpu.memory_space<semaphore_mem>>) src(%dma_wait3A_4146 : memref<80000xf32, #tpu.memory_space<hbm>>) dst(%dma_wait3A_4141 : memref<128xf32, #tpu.memory_space<vmem>>)
    %dma_wait3A_4147 = arith.constant 3 : i32
    %dma_wait3A_4148 = arith.constant 0 : i32
    %dma_wait3A_4149 = arith.constant 3 : i32
    %dma_wait3A_4150 = arith.constant 0 : i32
    %dma_wait3A_4151 = arith.constant 0 : i32
    %dma_wait3A_4152 = tpu.memref_slice %arg10[%dma_wait3A_4149, %dma_wait3A_4150, %dma_wait3A_4151] : memref<5x4x128xf32, #tpu.memory_space<vmem>> -> memref<1x1x128xf32, #tpu.memory_space<vmem>>
    %dma_wait3A_4153 = tpu.memref_squeeze %dma_wait3A_4152 : memref<1x1x128xf32, #tpu.memory_space<vmem>> -> memref<128xf32, #tpu.memory_space<vmem>>
    %dma_wait3A_4154 = arith.constant 0 : i32
    %dma_wait3A_4155 = tpu.memref_slice %arg9[%dma_wait3A_4147, %dma_wait3A_4148, %dma_wait3A_4154] : memref<5x4x128xi32, #tpu.memory_space<vmem>> -> memref<1x1x128xi32, #tpu.memory_space<vmem>>
    %dma_wait3A_4156 = tpu.memref_squeeze %dma_wait3A_4155 : memref<1x1x128xi32, #tpu.memory_space<vmem>> -> memref<128xi32, #tpu.memory_space<vmem>>
    %dma_wait3A_4157 = arith.constant 0 : i32
    %dma_wait3A_4158 = tpu.memref_slice %arg2[%dma_wait3A_4157] : memref<80000xf32, #tpu.memory_space<hbm>> -> memref<80000xf32, #tpu.memory_space<hbm>>
    tpu.wait_indirect_dma semaphore(%arg14 : memref<!tpu.dma_semaphore, #tpu.memory_space<semaphore_mem>>) src(%dma_wait3A_4158 : memref<80000xf32, #tpu.memory_space<hbm>>) dst(%dma_wait3A_4153 : memref<128xf32, #tpu.memory_space<vmem>>)
    %dma_wait3A_4159 = arith.constant 3 : i32
    %dma_wait3A_4160 = arith.constant 1 : i32
    %dma_wait3A_4161 = arith.constant 3 : i32
    %dma_wait3A_4162 = arith.constant 1 : i32
    %dma_wait3A_4163 = arith.constant 0 : i32
    %dma_wait3A_4164 = tpu.memref_slice %arg10[%dma_wait3A_4161, %dma_wait3A_4162, %dma_wait3A_4163] : memref<5x4x128xf32, #tpu.memory_space<vmem>> -> memref<1x1x128xf32, #tpu.memory_space<vmem>>
    %dma_wait3A_4165 = tpu.memref_squeeze %dma_wait3A_4164 : memref<1x1x128xf32, #tpu.memory_space<vmem>> -> memref<128xf32, #tpu.memory_space<vmem>>
    %dma_wait3A_4166 = arith.constant 0 : i32
    %dma_wait3A_4167 = tpu.memref_slice %arg9[%dma_wait3A_4159, %dma_wait3A_4160, %dma_wait3A_4166] : memref<5x4x128xi32, #tpu.memory_space<vmem>> -> memref<1x1x128xi32, #tpu.memory_space<vmem>>
    %dma_wait3A_4168 = tpu.memref_squeeze %dma_wait3A_4167 : memref<1x1x128xi32, #tpu.memory_space<vmem>> -> memref<128xi32, #tpu.memory_space<vmem>>
    %dma_wait3A_4169 = arith.constant 0 : i32
    %dma_wait3A_4170 = tpu.memref_slice %arg2[%dma_wait3A_4169] : memref<80000xf32, #tpu.memory_space<hbm>> -> memref<80000xf32, #tpu.memory_space<hbm>>
    tpu.wait_indirect_dma semaphore(%arg14 : memref<!tpu.dma_semaphore, #tpu.memory_space<semaphore_mem>>) src(%dma_wait3A_4170 : memref<80000xf32, #tpu.memory_space<hbm>>) dst(%dma_wait3A_4165 : memref<128xf32, #tpu.memory_space<vmem>>)
    %dma_wait3A_4171 = arith.constant 3 : i32
    %dma_wait3A_4172 = arith.constant 2 : i32
    %dma_wait3A_4173 = arith.constant 3 : i32
    %dma_wait3A_4174 = arith.constant 2 : i32
    %dma_wait3A_4175 = arith.constant 0 : i32
    %dma_wait3A_4176 = tpu.memref_slice %arg10[%dma_wait3A_4173, %dma_wait3A_4174, %dma_wait3A_4175] : memref<5x4x128xf32, #tpu.memory_space<vmem>> -> memref<1x1x128xf32, #tpu.memory_space<vmem>>
    %dma_wait3A_4177 = tpu.memref_squeeze %dma_wait3A_4176 : memref<1x1x128xf32, #tpu.memory_space<vmem>> -> memref<128xf32, #tpu.memory_space<vmem>>
    %dma_wait3A_4178 = arith.constant 0 : i32
    %dma_wait3A_4179 = tpu.memref_slice %arg9[%dma_wait3A_4171, %dma_wait3A_4172, %dma_wait3A_4178] : memref<5x4x128xi32, #tpu.memory_space<vmem>> -> memref<1x1x128xi32, #tpu.memory_space<vmem>>
    %dma_wait3A_4180 = tpu.memref_squeeze %dma_wait3A_4179 : memref<1x1x128xi32, #tpu.memory_space<vmem>> -> memref<128xi32, #tpu.memory_space<vmem>>
    %dma_wait3A_4181 = arith.constant 0 : i32
    %dma_wait3A_4182 = tpu.memref_slice %arg2[%dma_wait3A_4181] : memref<80000xf32, #tpu.memory_space<hbm>> -> memref<80000xf32, #tpu.memory_space<hbm>>
    tpu.wait_indirect_dma semaphore(%arg14 : memref<!tpu.dma_semaphore, #tpu.memory_space<semaphore_mem>>) src(%dma_wait3A_4182 : memref<80000xf32, #tpu.memory_space<hbm>>) dst(%dma_wait3A_4177 : memref<128xf32, #tpu.memory_space<vmem>>)
    %dma_wait3A_4183 = arith.constant 3 : i32
    %dma_wait3A_4184 = arith.constant 3 : i32
    %dma_wait3A_4185 = arith.constant 3 : i32
    %dma_wait3A_4186 = arith.constant 3 : i32
    %dma_wait3A_4187 = arith.constant 0 : i32
    %dma_wait3A_4188 = tpu.memref_slice %arg10[%dma_wait3A_4185, %dma_wait3A_4186, %dma_wait3A_4187] : memref<5x4x128xf32, #tpu.memory_space<vmem>> -> memref<1x1x128xf32, #tpu.memory_space<vmem>>
    %dma_wait3A_4189 = tpu.memref_squeeze %dma_wait3A_4188 : memref<1x1x128xf32, #tpu.memory_space<vmem>> -> memref<128xf32, #tpu.memory_space<vmem>>
    %dma_wait3A_4190 = arith.constant 0 : i32
    %dma_wait3A_4191 = tpu.memref_slice %arg9[%dma_wait3A_4183, %dma_wait3A_4184, %dma_wait3A_4190] : memref<5x4x128xi32, #tpu.memory_space<vmem>> -> memref<1x1x128xi32, #tpu.memory_space<vmem>>
    %dma_wait3A_4192 = tpu.memref_squeeze %dma_wait3A_4191 : memref<1x1x128xi32, #tpu.memory_space<vmem>> -> memref<128xi32, #tpu.memory_space<vmem>>
    %dma_wait3A_4193 = arith.constant 0 : i32
    %dma_wait3A_4194 = tpu.memref_slice %arg2[%dma_wait3A_4193] : memref<80000xf32, #tpu.memory_space<hbm>> -> memref<80000xf32, #tpu.memory_space<hbm>>
    tpu.wait_indirect_dma semaphore(%arg14 : memref<!tpu.dma_semaphore, #tpu.memory_space<semaphore_mem>>) src(%dma_wait3A_4194 : memref<80000xf32, #tpu.memory_space<hbm>>) dst(%dma_wait3A_4189 : memref<128xf32, #tpu.memory_space<vmem>>)
    %dma_wait3A_4195 = arith.constant 4 : i32
    %dma_wait3A_4196 = arith.constant 0 : i32
    %dma_wait3A_4197 = arith.constant 4 : i32
    %dma_wait3A_4198 = arith.constant 0 : i32
    %dma_wait3A_4199 = arith.constant 0 : i32
    %dma_wait3A_4200 = tpu.memref_slice %arg10[%dma_wait3A_4197, %dma_wait3A_4198, %dma_wait3A_4199] : memref<5x4x128xf32, #tpu.memory_space<vmem>> -> memref<1x1x128xf32, #tpu.memory_space<vmem>>
    %dma_wait3A_4201 = tpu.memref_squeeze %dma_wait3A_4200 : memref<1x1x128xf32, #tpu.memory_space<vmem>> -> memref<128xf32, #tpu.memory_space<vmem>>
    %dma_wait3A_4202 = arith.constant 0 : i32
    %dma_wait3A_4203 = tpu.memref_slice %arg9[%dma_wait3A_4195, %dma_wait3A_4196, %dma_wait3A_4202] : memref<5x4x128xi32, #tpu.memory_space<vmem>> -> memref<1x1x128xi32, #tpu.memory_space<vmem>>
    %dma_wait3A_4204 = tpu.memref_squeeze %dma_wait3A_4203 : memref<1x1x128xi32, #tpu.memory_space<vmem>> -> memref<128xi32, #tpu.memory_space<vmem>>
    %dma_wait3A_4205 = arith.constant 0 : i32
    %dma_wait3A_4206 = tpu.memref_slice %arg2[%dma_wait3A_4205] : memref<80000xf32, #tpu.memory_space<hbm>> -> memref<80000xf32, #tpu.memory_space<hbm>>
    tpu.wait_indirect_dma semaphore(%arg14 : memref<!tpu.dma_semaphore, #tpu.memory_space<semaphore_mem>>) src(%dma_wait3A_4206 : memref<80000xf32, #tpu.memory_space<hbm>>) dst(%dma_wait3A_4201 : memref<128xf32, #tpu.memory_space<vmem>>)
    %dma_wait3A_4207 = arith.constant 4 : i32
    %dma_wait3A_4208 = arith.constant 1 : i32
    %dma_wait3A_4209 = arith.constant 4 : i32
    %dma_wait3A_4210 = arith.constant 1 : i32
    %dma_wait3A_4211 = arith.constant 0 : i32
    %dma_wait3A_4212 = tpu.memref_slice %arg10[%dma_wait3A_4209, %dma_wait3A_4210, %dma_wait3A_4211] : memref<5x4x128xf32, #tpu.memory_space<vmem>> -> memref<1x1x128xf32, #tpu.memory_space<vmem>>
    %dma_wait3A_4213 = tpu.memref_squeeze %dma_wait3A_4212 : memref<1x1x128xf32, #tpu.memory_space<vmem>> -> memref<128xf32, #tpu.memory_space<vmem>>
    %dma_wait3A_4214 = arith.constant 0 : i32
    %dma_wait3A_4215 = tpu.memref_slice %arg9[%dma_wait3A_4207, %dma_wait3A_4208, %dma_wait3A_4214] : memref<5x4x128xi32, #tpu.memory_space<vmem>> -> memref<1x1x128xi32, #tpu.memory_space<vmem>>
    %dma_wait3A_4216 = tpu.memref_squeeze %dma_wait3A_4215 : memref<1x1x128xi32, #tpu.memory_space<vmem>> -> memref<128xi32, #tpu.memory_space<vmem>>
    %dma_wait3A_4217 = arith.constant 0 : i32
    %dma_wait3A_4218 = tpu.memref_slice %arg2[%dma_wait3A_4217] : memref<80000xf32, #tpu.memory_space<hbm>> -> memref<80000xf32, #tpu.memory_space<hbm>>
    tpu.wait_indirect_dma semaphore(%arg14 : memref<!tpu.dma_semaphore, #tpu.memory_space<semaphore_mem>>) src(%dma_wait3A_4218 : memref<80000xf32, #tpu.memory_space<hbm>>) dst(%dma_wait3A_4213 : memref<128xf32, #tpu.memory_space<vmem>>)
    %dma_wait3A_4219 = arith.constant 4 : i32
    %dma_wait3A_4220 = arith.constant 2 : i32
    %dma_wait3A_4221 = arith.constant 4 : i32
    %dma_wait3A_4222 = arith.constant 2 : i32
    %dma_wait3A_4223 = arith.constant 0 : i32
    %dma_wait3A_4224 = tpu.memref_slice %arg10[%dma_wait3A_4221, %dma_wait3A_4222, %dma_wait3A_4223] : memref<5x4x128xf32, #tpu.memory_space<vmem>> -> memref<1x1x128xf32, #tpu.memory_space<vmem>>
    %dma_wait3A_4225 = tpu.memref_squeeze %dma_wait3A_4224 : memref<1x1x128xf32, #tpu.memory_space<vmem>> -> memref<128xf32, #tpu.memory_space<vmem>>
    %dma_wait3A_4226 = arith.constant 0 : i32
    %dma_wait3A_4227 = tpu.memref_slice %arg9[%dma_wait3A_4219, %dma_wait3A_4220, %dma_wait3A_4226] : memref<5x4x128xi32, #tpu.memory_space<vmem>> -> memref<1x1x128xi32, #tpu.memory_space<vmem>>
    %dma_wait3A_4228 = tpu.memref_squeeze %dma_wait3A_4227 : memref<1x1x128xi32, #tpu.memory_space<vmem>> -> memref<128xi32, #tpu.memory_space<vmem>>
    %dma_wait3A_4229 = arith.constant 0 : i32
    %dma_wait3A_4230 = tpu.memref_slice %arg2[%dma_wait3A_4229] : memref<80000xf32, #tpu.memory_space<hbm>> -> memref<80000xf32, #tpu.memory_space<hbm>>
    tpu.wait_indirect_dma semaphore(%arg14 : memref<!tpu.dma_semaphore, #tpu.memory_space<semaphore_mem>>) src(%dma_wait3A_4230 : memref<80000xf32, #tpu.memory_space<hbm>>) dst(%dma_wait3A_4225 : memref<128xf32, #tpu.memory_space<vmem>>)
    %dma_wait3A_4231 = arith.constant 4 : i32
    %dma_wait3A_4232 = arith.constant 3 : i32
    %dma_wait3A_4233 = arith.constant 4 : i32
    %dma_wait3A_4234 = arith.constant 3 : i32
    %dma_wait3A_4235 = arith.constant 0 : i32
    %dma_wait3A_4236 = tpu.memref_slice %arg10[%dma_wait3A_4233, %dma_wait3A_4234, %dma_wait3A_4235] : memref<5x4x128xf32, #tpu.memory_space<vmem>> -> memref<1x1x128xf32, #tpu.memory_space<vmem>>
    %dma_wait3A_4237 = tpu.memref_squeeze %dma_wait3A_4236 : memref<1x1x128xf32, #tpu.memory_space<vmem>> -> memref<128xf32, #tpu.memory_space<vmem>>
    %dma_wait3A_4238 = arith.constant 0 : i32
    %dma_wait3A_4239 = tpu.memref_slice %arg9[%dma_wait3A_4231, %dma_wait3A_4232, %dma_wait3A_4238] : memref<5x4x128xi32, #tpu.memory_space<vmem>> -> memref<1x1x128xi32, #tpu.memory_space<vmem>>
    %dma_wait3A_4240 = tpu.memref_squeeze %dma_wait3A_4239 : memref<1x1x128xi32, #tpu.memory_space<vmem>> -> memref<128xi32, #tpu.memory_space<vmem>>
    %dma_wait3A_4241 = arith.constant 0 : i32
    %dma_wait3A_4242 = tpu.memref_slice %arg2[%dma_wait3A_4241] : memref<80000xf32, #tpu.memory_space<hbm>> -> memref<80000xf32, #tpu.memory_space<hbm>>
    tpu.wait_indirect_dma semaphore(%arg14 : memref<!tpu.dma_semaphore, #tpu.memory_space<semaphore_mem>>) src(%dma_wait3A_4242 : memref<80000xf32, #tpu.memory_space<hbm>>) dst(%dma_wait3A_4237 : memref<128xf32, #tpu.memory_space<vmem>>)
    %mul3A_4243 = arith.constant 5 : i32
    %mul3A_4244 = arith.muli %add3A, %mul3A_4243 : i32
    "tpu.region"() ({
      %run_scoped3A = tpu.sem_alloc : memref<!tpu.dma_semaphore, #tpu.memory_space<semaphore_mem>>
      %dma_start3A_4245 = arith.constant 0 : i32
      %dma_start3A_4246 = arith.constant 0 : i32
      %dma_start3A_4247 = tpu.memref_slice %arg5[%mul3A_4244, %dma_start3A_4245, %dma_start3A_4246] : memref<160x4x128xf32, #tpu.memory_space<hbm>> -> memref<5x4x128xf32, #tpu.memory_space<hbm>>
      %dma_start3A_4248 = arith.constant 0 : i32
      %dma_start3A_4249 = arith.constant 0 : i32
      %dma_start3A_4250 = tpu.memref_slice %arg5[%mul3A_4244, %dma_start3A_4248, %dma_start3A_4249] : memref<160x4x128xf32, #tpu.memory_space<hbm>> -> memref<5x4x128xf32, #tpu.memory_space<hbm>>
      tpu.enqueue_dma source(%arg10 : memref<5x4x128xf32, #tpu.memory_space<vmem>>) target(%dma_start3A_4250 : memref<5x4x128xf32, #tpu.memory_space<hbm>>) target_semaphore(%run_scoped3A : memref<!tpu.dma_semaphore, #tpu.memory_space<semaphore_mem>>)
      %dma_wait3A_4251 = arith.constant 0 : i32
      %dma_wait3A_4252 = arith.constant 0 : i32
      %dma_wait3A_4253 = tpu.memref_slice %arg5[%mul3A_4244, %dma_wait3A_4251, %dma_wait3A_4252] : memref<160x4x128xf32, #tpu.memory_space<hbm>> -> memref<5x4x128xf32, #tpu.memory_space<hbm>>
      %dma_wait3A_4254 = arith.constant 0 : i32
      %dma_wait3A_4255 = arith.constant 0 : i32
      %dma_wait3A_4256 = tpu.memref_slice %arg5[%mul3A_4244, %dma_wait3A_4254, %dma_wait3A_4255] : memref<160x4x128xf32, #tpu.memory_space<hbm>> -> memref<5x4x128xf32, #tpu.memory_space<hbm>>
      tpu.wait_dma2 semaphore(%run_scoped3A : memref<!tpu.dma_semaphore, #tpu.memory_space<semaphore_mem>>) src(%arg10 : memref<5x4x128xf32, #tpu.memory_space<vmem>>) dst(%dma_wait3A_4256 : memref<5x4x128xf32, #tpu.memory_space<hbm>>)
      tpu.yield
    }) : () -> ()
    return
  }
}

</mosaic_0001>

<sc_bundles>
// kernel: kernel.3.cloned.1.call-start
scs
__scs_entry_jumppad:
0x0: {  	(pc) =	sbr.rel $0x88, $3  }
0x1: {  	(tag) =	ssettag $0x0;
	lr =	simm.s32 $0x1  }
0x2: {  	[smem:$0x3F9F] =	sst lr;
	_ =	strace $0xD0000000  }
0x3: {  	_ = 	snop  }
0x4: {  	_ = 	snop  }
0x5: {  	_ = 	snop  }
0x6: {  	_ = 	snop  }
0x7: {  	_ = 	snop  }
__scs_overlays_trampoline_lowered:
0x8: {  	[smem:$0x3FAE] =	sst s0  }
0x9: {  	[smem:$0x3FAF] =	sst s1  }
0xa: {  	[smem:$0x3FB0] =	sst s2  }
0xb: {  	[smem:$0x3FB1] =	sst s3  }
0xc: {  	[smem:$0x3FB2] =	sst s4  }
0xd: {  	[smem:$0x3FB3] =	sst s5  }
0xe: {  	[smem:$0x3FB4] =	sst s6  }
0xf: {  	[smem:$0x3FB5] =	sst s7  }
0x10: {  	[smem:$0x3FB6] =	sst s8  }
0x11: {  	[smem:$0x3FB7] =	sst s9;
	s0 =	simm.s32 @!p0 $0x0  }
0x12: {  	s1 =	sld [smem:$0x3F9D];
	s0 =	simm.s32 @p0 $0x1  }
0x13: {  	[smem:$0x3FB8] =	sst s0;
	s0 =	simm.s32 @!p1 $0x0  }
0x14: {  	s2 =	sld [smem:$0x3F9C];
	s0 =	simm.s32 @p1 $0x1  }
0x15: {  	[smem:$0x3FB9] =	sst s0;
	s0 =	simm.s32 @!p2 $0x0  }
0x16: {  	s3 =	sld [smem:$0x3FDB];
	s0 =	simm.s32 @p2 $0x1  }
0x17: {  	s4 =	simm.s32 $0x1BF5;
	[smem:$0x3FBB] =	sst s0  }
0x18: {  	s0 =	sld [smem:$0x3F9E];
	_ =	swait.ge [sflag:s4], $0x0  }
0x19: {  	s7 =	sld [smem:$0x3F9F]  }
0x1a: {  	s8 =	sadd.s32 $0xFFFFE003, lr  }
0x1b: {  	s9 =	sadd.s32 $0xFFFFFEF7, lr;
	s5 =	simm.s32 $0xFFFFFFFF;
	p2 =	slt.u32 s8, $0xFFFFF086  }
0x1c: {  	p1 =	slt.u32 s9, $0xF7A;
	s5 =	simm.s32 @!p2 $0x0  }
0x1d: {  	s5 =	simm.s32 @p1 $0x1;
	p0 =	seq.s32 s7, s2  }
0x1e: {  	s7 =	smul.u32 @!p0 $0xF7A, s2;
	p2 =	seq.s32 @!p0 s5, $0x0  }
0x1f: {  	s9 =	smul.u32 $0xF7A, s1;
	s8 =	simm.s32 @!p0 $0x1BF5;
	p2 =	por !p2, p0  }
0x20: {  	[sflag:s8] =	ssyncset.s32 @!p0 $0xFFFFF086;
	s6 =	sadd.s32 @!p0 s3, s7;
	s7 =	simm.s32 @!p0 $0x108  }
0x21: {  	s3 =	sadd.s32 s3, s9;
	s6 =	sadd.s32 @!p0 $0x88, s6;
	s7 =	simm.s32 @p2 $0x1082  }
0x22: {  	[simem:s7], [sflag:s8] =	dma.local @!p0 [hbm:s6], $0xF7A  }
0x23: {  	s9 =	sor.u32 $0xD0000000, s2;
	s6 =	simm.s32 $0x108;
	_ =	swait.ge @!p0 [sflag:s8], $0x0  }
0x24: {  	s3 =	sadd.s32 $0x88, s3;
	s6 =	simm.s32 @!p1 $0x1082;
	[sflag:s4] =	ssyncset.s32 $0xFFFFF086  }
0x25: {  	[simem:s6], [sflag:s4] =	dma.local [hbm:s3], $0xF7A  }
0x26: {  	[smem:$0x3F9F] =	sst s1;
	(tag) =	ssettag s2;
	_ =	strace s9  }
0x27: {  	s1 =	sld [smem:$0x3FAF]  }
0x28: {  	s2 =	sld [smem:$0x3FB0]  }
0x29: {  	s4 =	sld [smem:$0x3FB2]  }
0x2a: {  	p0 =	seq.s32 s5, $0x0;
	s5 =	sld [smem:$0x3FB3]  }
0x2b: {  	s6 =	sld [smem:$0x3FB4]  }
0x2c: {  	s7 =	sld [smem:$0x3FB5]  }
0x2d: {  	s3 =	simm.s32 $0x108;
	s8 =	sld [smem:$0x3FB6]  }
0x2e: {  	s3 =	simm.s32 @!p0 $0x1082;
	s9 =	sld [smem:$0x3FB7]  }
0x2f: {  	lr =	sadd.s32 s0, s3;
	s0 =	sld [smem:$0x3FAE]  }
0x30: {  	s3 =	sld [smem:$0x3FB1]  }
0x31: {  	[smem:$0x3FBA] =	sst s10  }
0x32: {  	s10 =	sld [smem:$0x3FB8];
	_ =	sdelay $0x3  }
0x33: {  	p0 =	seq.s32 s10, $0x1;
	s10 =	sld [smem:$0x3FBA];
	_ =	sdelay $0x3  }
0x34: {  	[smem:$0x3FBA] =	sst s10  }
0x35: {  	s10 =	sld [smem:$0x3FB9];
	_ =	sdelay $0x3  }
0x36: {  	p1 =	seq.s32 s10, $0x1;
	s10 =	sld [smem:$0x3FBA];
	_ =	sdelay $0x3  }
0x37: {  	[smem:$0x3FBA] =	sst s10  }
0x38: {  	s10 =	sld [smem:$0x3FBB]  }
0x39: {  	_ = 	snop;
	(pc) =	sbr.ind lr, $3  }
0x3a: {  	_ = 	snop  }
0x3b: {  	_ = 	snop  }
0x3c: {  	p2 =	seq.s32 s10, $0x1;
	s10 =	sld [smem:$0x3FBA]  }
0x3d: {  	_ =	shalt  }
0x3e: {  	_ =	shalt  }
0x3f: {  	_ =	shalt  }
0x40: {  	_ =	shalt  }
0x41: {  	_ =	shalt  }
0x42: {  	_ =	shalt  }
0x43: {  	_ =	shalt  }
0x44: {  	_ =	shalt  }
0x45: {  	_ =	shalt  }
0x46: {  	_ =	shalt  }
0x47: {  	_ =	shalt  }
0x48: {  	_ =	shalt  }
0x49: {  	_ =	shalt  }
0x4a: {  	_ =	shalt  }
0x4b: {  	_ =	shalt  }
0x4c: {  	_ =	shalt  }
0x4d: {  	_ =	shalt  }
0x4e: {  	_ =	shalt  }
0x4f: {  	_ =	shalt  }
0x50: {  	_ =	shalt  }
0x51: {  	_ =	shalt  }
0x52: {  	_ =	shalt  }
0x53: {  	_ =	shalt  }
0x54: {  	_ =	shalt  }
0x55: {  	_ =	shalt  }
0x56: {  	_ =	shalt  }
0x57: {  	_ =	shalt  }
0x58: {  	_ =	shalt  }
0x59: {  	_ =	shalt  }
0x5a: {  	_ =	shalt  }
0x5b: {  	_ =	shalt  }
0x5c: {  	_ =	shalt  }
0x5d: {  	_ =	shalt  }
0x5e: {  	_ =	shalt  }
0x5f: {  	_ =	shalt  }
0x60: {  	_ =	shalt  }
0x61: {  	_ =	shalt  }
0x62: {  	_ =	shalt  }
0x63: {  	_ =	shalt  }
0x64: {  	_ =	shalt  }
0x65: {  	_ =	shalt  }
0x66: {  	_ =	shalt  }
0x67: {  	_ =	shalt  }
0x68: {  	_ =	shalt  }
0x69: {  	_ =	shalt  }
0x6a: {  	_ =	shalt  }
0x6b: {  	_ =	shalt  }
0x6c: {  	_ =	shalt  }
0x6d: {  	_ =	shalt  }
0x6e: {  	_ =	shalt  }
0x6f: {  	_ =	shalt  }
0x70: {  	_ =	shalt  }
0x71: {  	_ =	shalt  }
0x72: {  	_ =	shalt  }
0x73: {  	_ =	shalt  }
0x74: {  	_ =	shalt  }
0x75: {  	_ =	shalt  }
0x76: {  	_ =	shalt  }
0x77: {  	_ =	shalt  }
0x78: {  	_ =	shalt  }
0x79: {  	_ =	shalt  }
0x7a: {  	_ =	shalt  }
0x7b: {  	_ =	shalt  }
0x7c: {  	_ =	shalt  }
0x7d: {  	_ =	shalt  }
0x7e: {  	_ =	shalt  }
0x7f: {  	_ =	shalt  }
0x80: {  	_ =	shalt  }
0x81: {  	_ =	shalt  }
0x82: {  	_ =	shalt  }
0x83: {  	_ =	shalt  }
0x84: {  	_ =	shalt  }
0x85: {  	_ =	shalt  }
0x86: {  	_ =	shalt  }
0x87: {  	_ =	shalt  }
.Lfunc_end0:
.L_simem_size_0:
called_computation_lowered:
.L_overlay_start_0:
0x88: {  	s2 =	sld [smem:$0x3FD9]  }
0x89: {  	s3 =	sld [smem:$0x3FFE];
	_ =	sdelay $0x1  }
0x8a: {  	s1 =	srdreg.scid  }
0x8b: {  	s0 =	sand.u32 $0x1, s1  }
0x8c: {  	s14 =	sshll.u32 s0, $0xA;
	s2 =	sadd.s32 s3, s2  }
0x8d: {  	s2 =	sadd.s32 s2, s14  }
0x8e: {  	[smem:$0x3FC6] =	sst s2  }
0x8f: {  	_ = 	snop  }
0x90: {  	s2 =	sld [smem:$0x3FD0];
	_ =	sdelay $0x2  }
0x91: {  	s15 =	simm.s32 $0xA;
	s4 =	simm.s32 $0x10  }
0x92: {  	[smem:s4], [sflag:s15] =	dma.local [hbm:s2], $0x1  }
0x93: {  	_ =	swait.eq [sflag:s15], $0x1  }
0x94: {  	[sflag:s15] =	ssyncset.done $0x0  }
0x95: {  	[sflag:s15] =	ssyncadd.s32 $0xFFFFFFFF  }
0x96: {  	s16 =	sld [smem:$0x12];
	(tm) =	ssettm $0x1  }
0x97: {  	s17 =	sld [smem:$0x3FFB];
	_ =	sdelay $0x3  }
0x98: {  	_ =	strace s17  }
0x99: {  	s3 =	sld [smem:$0x3FFC];
	_ =	sdelay $0x3  }
0x9a: {  	_ =	strace s3  }
0x9b: {  	s3 =	sld [smem:$0x3FFD];
	_ =	sdelay $0x3  }
0x9c: {  	_ =	strace s3  }
0x9d: {  	_ =	strace $0x8FFFFFFF  }
0x9e: {  	s18 =	sld [smem:$0x3FDB];
	_ =	sdelay $0x1  }
0x9f: {  	s19 =	simm.s32 $_scs_section_size  }
0xa0: {  	s5 =	simm.s32 $_size__tile_overlayer_lowered;
	s6 =	simm.s32 $_tile_overlayer_lowered  }
0xa1: {  	s22 =	simm.s32 $0x1BFF;
	s21 =	sshll.u32 s6, $0x1;
	s3 =	sadd.s32 s19, s18  }
0xa2: {  	s7 =	simm.s32 $0x0;
	s20 =	sshll.u32 s5, $0x1;
	s5 =	sadd.s32 s21, s3  }
0xa3: {  	[timem:s7], [sflag:s22] =	dma.local [hbm:s5], s20  }
0xa4: {  	_ =	swait.ge [sflag:s22], s20  }
0xa5: {  	s4 =	ssub.s32 $0x0, s20;
	[sflag:s22] =	ssyncset.done $0x0  }
0xa6: {  	[sflag:s22] =	ssyncadd.s32 s4;
	_ =	sdelay $0x1  }
0xa7: {  	s23 =	simm.s32 $0x1B8B  }
0xa8: {  	_ =	swait.ge [sflag:s23], $0x1  }
0xa9: {  	[sflag:s23] =	ssyncset.done $0x0  }
0xaa: {  	s25 =	simm.s32 $0x1B8E;
	s24 =	sld [smem:$0x3FFE];
	[sflag:s23] =	ssyncadd.s32 $0xFFFFFFFF  }
0xab: {  	s26 =	simm.s32 $execute0_lowered;
	[smem:$0x3FD2] =	sst s25  }
0xac: {  	s5 =	sshll.u32 s26, $0x1;
	_ =	strace $0x80000046;
	[dreg:$0x1] =	wrdreg $0xFFFFFFFF  }
0xad: {  	s28 =	simm.s32 $_size_execute0_lowered;
	s3 =	sadd.s32 s3, s5;
	[dreg:$0x0] =	wrdreg $0x0  }
0xae: {  	s5 =	sshll.u32 s28, $0x1;
	[dreg:$0x2] =	wrdreg s3  }
0xaf: {  	[dreg:$0x3] =	wrdreg s5  }
0xb0: {  	[dreg:$0x4] =	wrdreg $0xC0  }
0xb1: {  	_ =	task [dreg:s7], $0x5FFFF  }
0xb2: {  	[dreg:$0x1] =	wrdreg $0xFFFFFFFF  }
0xb3: {  	[dreg:$0x0] =	wrdreg $0x60  }
0xb4: {  	[dreg:$0x2] =	wrdreg s24  }
0xb5: {  	[dreg:$0x3] =	wrdreg s16  }
0xb6: {  	[dreg:$0x4] =	wrdreg $0x9  }
0xb7: {  	_ =	task.clear_ibuf [dreg:s7], $0x5FFFF;
	_ =	strace $0x90000046  }
0xb8: {  	s29 =	simm.s32 $0x9;
	_ =	strace $0x80000048  }
0xb9: {  	_ =	swait.ge [sflag:s29], $0x1  }
0xba: {  	[sflag:s29] =	ssyncadd.s32 $0xFFFFFFFF  }
0xbb: {  	_ =	strace $0x90000048  }
0xbc: {  	_ =	sfence  }
0xbd: {  	s30 =	sld [smem:$0x0];
	_ =	sdelay $0x2  }
0xbe: {  	s31 =	sshll.u32 s1, $0xD;
	s1 =	sshrl.u32 s1, $0x2  }
0xbf: {  	s3 =	sand.u32 $0x4000, s31;
	s1 =	sadd.s32 s1, s30  }
0xc0: {  	s0 =	sor.u32 s3, s0;
	s1 =	sshll.u32 s1, $0x11  }
0xc1: {  	s0 =	sor.u32 s1, s0  }
0xc2: {  	s0 =	sadd.s32 $0x8F2B, s0  }
0xc3: {  	[sflag:s0] =	ssyncadd.remote.s32 $0x1  }
0xc4: {  	_ =	sfence.sel $0xFFFF  }
0xc5: {  	[dreg:$0x0] =	wrdreg $0xFFFFFFFF;
	(pc) =	sbr.abs _section_cstart, $3  }
0xc6: {  	[dreg:$0x1] =	wrdreg $0xFFFFFFFF  }
0xc7: {  	_ =	task.clear_ibuf [dreg:s7], $0x2FFFF;
	_ =	strace $0x9FFFFFFF  }
0xc8: {  	(tm) =	ssettm $0x7FFFFFFF  }
0xc9: {  	_ =	shalt  }
tec
execute0_lowered:
.L_overlay_start_1:
0x0: {  	(tag) =	ssettag $0x1  }
0x1: {  	s1 =	srdreg.scid;
	s0 =	stileid.u32  }
0x2: {  	s2 =	rddreg [dreg:$0x0];
	s1 =	sand.u32 $0x1, s1;
	s3 =	sshll.u32 s0, $0x1  }
0x3: {  	s4 =	rddreg [dreg:$0x1];
	s5 =	sor.u32 s1, s3;
	s3 =	simm.s32 $0x0  }
0x4: {  	s8 =	simm.s32 $0x280;
	[smem:$0x7FF] =	sst s3  }
0x5: {  	s9 =	simm.s32 $0x300;
	_ =	strace $0x80000047;
	[dreg:$0x9] =	wrdreg s8  }
0x6: {  	s10 =	simm.s32 $0xD00;
	[dreg:$0xa] =	wrdreg s9  }
0x7: {  	s11 =	simm.s32 $0x380;
	[dreg:$0xb] =	wrdreg s10  }
0x8: {  	s12 =	simm.s32 $0xD80;
	[dreg:$0xc] =	wrdreg s11  }
0x9: {  	s13 =	simm.s32 $0x400;
	[dreg:$0xd] =	wrdreg s12  }
0xa: {  	s14 =	simm.s32 $0xE00;
	[dreg:$0xe] =	wrdreg s13  }
0xb: {  	s15 =	simm.s32 $0x480;
	[dreg:$0xf] =	wrdreg s14  }
0xc: {  	s16 =	simm.s32 $0xE80;
	[dreg:$0x10] =	wrdreg s15  }
0xd: {  	s17 =	simm.s32 $0x500;
	s18 =	simm.s32 $0xF00;
	[dreg:$0x11] =	wrdreg s16  }
0xe: {  	s19 =	simm.s32 $0x580;
	s20 =	simm.s32 $0xF80;
	[dreg:$0x12] =	wrdreg s17  }
0xf: {  	s21 =	simm.s32 $0x600;
	s23 =	simm.s32 $0x1000;
	[dreg:$0x13] =	wrdreg s18  }
0x10: {  	s24 =	simm.s32 $0x680;
	s28 =	simm.s32 $0xC00;
	[dreg:$0x14] =	wrdreg s19  }
0x11: {  	s29 =	simm.s32 $0x1600;
	s30 =	simm.s32 $0x1900;
	[dreg:$0x15] =	wrdreg s20  }
0x12: {  	s31 =	simm.s32 $0x1B80;
	s1 =	ssub.s32 $0x2, s1;
	[dreg:$0x16] =	wrdreg s21  }
0x13: {  	s6 =	smul.u32 $0x50, s5;
	s22 =	sshrl.u32 s1, $0x1;
	[dreg:$0x17] =	wrdreg s23  }
0x14: {  	s5 =	smul.u32 $0x140, s5;
	s1 =	ssub.s32 s1, s22;
	[dreg:$0x18] =	wrdreg s24  }
0x15: {  	s11 =	simm.s32 $0x800;
	s12 =	simm.s32 $0x1200;
	s13 =	simm.s32 $0x880  }
0x16: {  	s14 =	simm.s32 $0x1280;
	s15 =	simm.s32 $0x900;
	s16 =	simm.s32 $0x1300  }
0x17: {  	s17 =	simm.s32 $0x980;
	s18 =	simm.s32 $0x1380;
	s19 =	simm.s32 $0xA00  }
0x18: {  	s20 =	simm.s32 $0x1400;
	s21 =	simm.s32 $0xA80;
	s22 =	simm.s32 $0x1480  }
0x19: {  	s23 =	simm.s32 $0xB00;
	s7 =	sadd.s32 s6, s2;
	s4 =	sadd.s32 s4, s6  }
0x1a: {  	s24 =	simm.s32 $0x1500;
	[dreg:$0x3] =	wrdreg s4;
	s25 =	sadd.s32 $0x2800, s7  }
0x1b: {  	s5 =	sadd.s32 s5, s2;
	s26 =	sadd.s32 $0x5A00, s7;
	[dreg:$0x4] =	wrdreg s25  }
0x1c: {  	s0 =	sadd.s32 $0x6400, s7;
	s6 =	sadd.s32 $0x3200, s5;
	[dreg:$0x5] =	wrdreg s26  }
0x1d: {  	s7 =	simm.s32 $0x1680;
	s4 =	smax.u32 s1, $0x1;
	[dreg:$0x6] =	wrdreg s0  }
0x1e: {  	s5 =	simm.s32 $0x2;
	s1 =	simm.s32 $0x1;
	[dreg:$0x7] =	wrdreg s6  }
0x1f: {  	[dreg:$0x8] =	wrdreg s7;
	s25 =	simm.s32 $0x1080;
	s26 =	simm.s32 $0x700  }
0x20: {  	s6 =	simm.s32 $0x80;
	s7 =	simm.s32 $0xC80;
	[dreg:$0x19] =	wrdreg s25  }
0x21: {  	[dreg:$0x1a] =	wrdreg s26;
	s25 =	simm.s32 $0xB80;
	s26 =	simm.s32 $0x1580  }
.LBB2_1:
0x22: {  	s0 =	rddreg [dreg:$0x3]  }
0x23: {  	[tilespmem:s3], [sflag:$0x2] =	stream.linear.gather [hbm4b:s0+s3], $0x280, $0x38;
	[tilespmem:$0x1E00] =	vst v63  }
0x24: {  	_ =	swait.ge [sflag:s5], $0x280  }
0x25: {  	s9 =	rddreg [dreg:$0x4];
	[sflag:s5] =	ssyncset.done $0x0  }
0x26: {  	s8 =	rddreg [dreg:$0x8];
	[sflag:s5] =	ssyncadd.s32 $0xFFFFFD80  }
0x27: {  	[tilespmem:s8], [sflag:$0x2] =	stream.linear.gather [hbm4b:s9+s3], $0x280, $0x38;
	[tilespmem:$0x1E00] =	vst v63  }
0x28: {  	_ =	swait.ge [sflag:s5], $0x280  }
0x29: {  	[sflag:s5] =	ssyncset.done $0x0  }
0x2a: {  	[sflag:s5] =	ssyncadd.s32 $0xFFFFFD80  }
0x2b: {  	v0 =	vld [tilespmem:$0x0]  }
0x2c: {  	v1 =	vld [tilespmem:$0x10]  }
0x2d: {  	v2 =	vld [tilespmem:$0x20]  }
0x2e: {  	v3 =	vld [tilespmem:$0x30]  }
0x2f: {  	v4 =	vld [tilespmem:$0x40]  }
0x30: {  	v5 =	vld [tilespmem:$0x50]  }
0x31: {  	v6 =	vld [tilespmem:$0x60];
	v0 =	vshll.u32 v0, $0x2  }
0x32: {  	v47 =	vld [tilespmem:$0x70];
	v46 =	vshll.u32 v1, $0x2;
	[tilespmem:$0x280] =	vst v0  }
0x33: {  	v49 =	vld [tilespmem:$0x0];
	v48 =	vshll.u32 v2, $0x2;
	[tilespmem:$0x290] =	vst v46  }
0x34: {  	v51 =	vld [tilespmem:$0x10];
	v50 =	vshll.u32 v3, $0x2;
	[tilespmem:$0x2A0] =	vst v48  }
0x35: {  	v53 =	vld [tilespmem:$0x20];
	v52 =	vshll.u32 v4, $0x2;
	[tilespmem:$0x2B0] =	vst v50  }
0x36: {  	v55 =	vld [tilespmem:$0x30];
	v54 =	vshll.u32 v5, $0x2;
	[tilespmem:$0x2C0] =	vst v52  }
0x37: {  	v57 =	vld [tilespmem:$0x40];
	v56 =	vshll.u32 v6, $0x2;
	[tilespmem:$0x2D0] =	vst v54  }
0x38: {  	v60 =	vld [tilespmem:$0x50];
	v58 =	vshll.u32 v47, $0x2;
	v59 =	vshll.u32 v49, $0x2;
	[tilespmem:$0x2E0] =	vst v56  }
0x39: {  	v63 =	vld [tilespmem:$0x60];
	v62 =	vshll.u32 v51, $0x2;
	[tilespmem:$0x2F0] =	vst v58;
	v61 =	vor.u32 $0x1, v59  }
0x3a: {  	v10 =	vld [tilespmem:$0x70];
	v9 =	vshll.u32 v53, $0x2;
	v8 =	vor.u32 $0x1, v62;
	[tilespmem:$0x300] =	vst v61  }
0x3b: {  	v13 =	vld [tilespmem:$0x0];
	v12 =	vshll.u32 v55, $0x2;
	v11 =	vor.u32 $0x1, v9;
	[tilespmem:$0x310] =	vst v8  }
0x3c: {  	v16 =	vld [tilespmem:$0x10];
	v15 =	vshll.u32 v57, $0x2;
	v14 =	vor.u32 $0x1, v12;
	[tilespmem:$0x320] =	vst v11  }
0x3d: {  	v19 =	vld [tilespmem:$0x20];
	v18 =	vshll.u32 v60, $0x2;
	v17 =	vor.u32 $0x1, v15;
	[tilespmem:$0x330] =	vst v14  }
0x3e: {  	v22 =	vld [tilespmem:$0x30];
	v21 =	vshll.u32 v63, $0x2;
	v20 =	vor.u32 $0x1, v18;
	[tilespmem:$0x340] =	vst v17  }
0x3f: {  	v25 =	vld [tilespmem:$0x40];
	v24 =	vshll.u32 v10, $0x2;
	v23 =	vor.u32 $0x1, v21;
	[tilespmem:$0x350] =	vst v20  }
0x40: {  	v28 =	vld [tilespmem:$0x50];
	v27 =	vshll.u32 v13, $0x2;
	v26 =	vor.u32 $0x1, v24;
	[tilespmem:$0x360] =	vst v23  }
0x41: {  	v31 =	vld [tilespmem:$0x60];
	v30 =	vshll.u32 v16, $0x2;
	v29 =	vor.u32 $0x2, v27;
	[tilespmem:$0x370] =	vst v26  }
0x42: {  	v37 =	vld [tilespmem:$0x0];
	v33 =	vshll.u32 v19, $0x2;
	v32 =	vor.u32 $0x2, v30;
	[tilespmem:$0x380] =	vst v29  }
0x43: {  	v43 =	vld [tilespmem:$0x20];
	v36 =	vshll.u32 v22, $0x2;
	v35 =	vor.u32 $0x2, v33;
	[tilespmem:$0x390] =	vst v32  }
0x44: {  	v34 =	vld [tilespmem:$0x70];
	v39 =	vshll.u32 v25, $0x2;
	v38 =	vor.u32 $0x2, v36;
	[tilespmem:$0x3A0] =	vst v35  }
0x45: {  	v40 =	vld [tilespmem:$0x10];
	v42 =	vshll.u32 v28, $0x2;
	v41 =	vor.u32 $0x2, v39;
	[tilespmem:$0x3B0] =	vst v38  }
0x46: {  	v45 =	vshll.u32 v31, $0x2;
	v49 =	vld [tilespmem:$0x40];
	v44 =	vor.u32 $0x2, v42;
	[tilespmem:$0x3C0] =	vst v41  }
0x47: {  	v51 =	vshll.u32 v37, $0x2;
	v63 =	vld [tilespmem:$0x80];
	v47 =	vor.u32 $0x2, v45;
	[tilespmem:$0x3D0] =	vst v44  }
0x48: {  	v55 =	vld [tilespmem:$0x60];
	v57 =	vshll.u32 v43, $0x2;
	v53 =	vor.u32 $0x3, v51;
	[tilespmem:$0x3E0] =	vst v47  }
0x49: {  	v46 =	vld [tilespmem:$0x30];
	v48 =	vshll.u32 v34, $0x2;
	v59 =	vor.u32 $0x3, v57;
	[tilespmem:$0x400] =	vst v53  }
0x4a: {  	v52 =	vld [tilespmem:$0x50];
	v54 =	vshll.u32 v40, $0x2;
	v50 =	vor.u32 $0x2, v48;
	[tilespmem:$0x420] =	vst v59  }
0x4b: {  	v58 =	vld [tilespmem:$0x70];
	v56 =	vor.u32 $0x3, v54;
	[tilespmem:$0x3F0] =	vst v50  }
0x4c: {  	[tilespmem:$0x410] =	vst v56;
	v62 =	vshll.u32 v49, $0x2;
	v15 =	vshll.u32 v63, $0x2  }
0x4d: {  	v8 =	vld [tilespmem:$0x90];
	v10 =	vshll.u32 v55, $0x2;
	v6 =	vor.u32 $0x3, v62;
	[tilespmem:$0x480] =	vst v15  }
0x4e: {  	v11 =	vld [tilespmem:$0xA0];
	v60 =	vshll.u32 v46, $0x2;
	v12 =	vor.u32 $0x3, v10;
	[tilespmem:$0x440] =	vst v6  }
0x4f: {  	v7 =	vshll.u32 v52, $0x2;
	v61 =	vor.u32 $0x3, v60;
	[tilespmem:$0x460] =	vst v12  }
0x50: {  	v13 =	vshll.u32 v58, $0x2;
	v9 =	vor.u32 $0x3, v7;
	[tilespmem:$0x430] =	vst v61  }
0x51: {  	v14 =	vor.u32 $0x3, v13;
	[tilespmem:$0x450] =	vst v9  }
0x52: {  	v16 =	vshll.u32 v8, $0x2;
	[tilespmem:$0x470] =	vst v14  }
0x53: {  	v17 =	vshll.u32 v11, $0x2;
	[tilespmem:$0x490] =	vst v16  }
0x54: {  	[tilespmem:$0x4A0] =	vst v17  }
0x55: {  	v0 =	vld [tilespmem:$0xB0]  }
0x56: {  	v18 =	vld [tilespmem:$0xC0]  }
0x57: {  	v19 =	vld [tilespmem:$0xD0]  }
0x58: {  	v20 =	vld [tilespmem:$0xE0]  }
0x59: {  	v21 =	vld [tilespmem:$0xF0]  }
0x5a: {  	v22 =	vld [tilespmem:$0x80]  }
0x5b: {  	v23 =	vld [tilespmem:$0x90];
	v0 =	vshll.u32 v0, $0x2  }
0x5c: {  	v25 =	vld [tilespmem:$0xA0];
	v24 =	vshll.u32 v18, $0x2;
	[tilespmem:$0x4B0] =	vst v0  }
0x5d: {  	v27 =	vld [tilespmem:$0xB0];
	v26 =	vshll.u32 v19, $0x2;
	[tilespmem:$0x4C0] =	vst v24  }
0x5e: {  	v29 =	vld [tilespmem:$0xC0];
	v28 =	vshll.u32 v20, $0x2;
	[tilespmem:$0x4D0] =	vst v26  }
0x5f: {  	v32 =	vld [tilespmem:$0xD0];
	v30 =	vshll.u32 v21, $0x2;
	v31 =	vshll.u32 v22, $0x2;
	[tilespmem:$0x4E0] =	vst v28  }
0x60: {  	v35 =	vld [tilespmem:$0xE0];
	v34 =	vshll.u32 v23, $0x2;
	[tilespmem:$0x4F0] =	vst v30;
	v33 =	vor.u32 $0x1, v31  }
0x61: {  	v37 =	vld [tilespmem:$0xF0];
	v1 =	vshll.u32 v25, $0x2;
	v36 =	vor.u32 $0x1, v34;
	[tilespmem:$0x500] =	vst v33  }
0x62: {  	v40 =	vld [tilespmem:$0x80];
	v39 =	vshll.u32 v27, $0x2;
	v38 =	vor.u32 $0x1, v1;
	[tilespmem:$0x510] =	vst v36  }
0x63: {  	v43 =	vld [tilespmem:$0x90];
	v42 =	vshll.u32 v29, $0x2;
	v41 =	vor.u32 $0x1, v39;
	[tilespmem:$0x520] =	vst v38  }
0x64: {  	v46 =	vld [tilespmem:$0xA0];
	v45 =	vshll.u32 v32, $0x2;
	v44 =	vor.u32 $0x1, v42;
	[tilespmem:$0x530] =	vst v41  }
0x65: {  	v49 =	vld [tilespmem:$0xB0];
	v48 =	vshll.u32 v35, $0x2;
	v47 =	vor.u32 $0x1, v45;
	[tilespmem:$0x540] =	vst v44  }
0x66: {  	v52 =	vld [tilespmem:$0xC0];
	v51 =	vshll.u32 v37, $0x2;
	v50 =	vor.u32 $0x1, v48;
	[tilespmem:$0x550] =	vst v47  }
0x67: {  	v55 =	vld [tilespmem:$0xD0];
	v54 =	vshll.u32 v40, $0x2;
	v53 =	vor.u32 $0x1, v51;
	[tilespmem:$0x560] =	vst v50  }
0x68: {  	v58 =	vld [tilespmem:$0xE0];
	v57 =	vshll.u32 v43, $0x2;
	v56 =	vor.u32 $0x2, v54;
	[tilespmem:$0x570] =	vst v53  }
0x69: {  	v61 =	vld [tilespmem:$0xF0];
	v60 =	vshll.u32 v46, $0x2;
	v59 =	vor.u32 $0x2, v57;
	[tilespmem:$0x580] =	vst v56  }
0x6a: {  	v9 =	vld [tilespmem:$0x80];
	v63 =	vshll.u32 v49, $0x2;
	v62 =	vor.u32 $0x2, v60;
	[tilespmem:$0x590] =	vst v59  }
0x6b: {  	v15 =	vld [tilespmem:$0xA0];
	v11 =	vshll.u32 v52, $0x2;
	v10 =	vor.u32 $0x2, v63;
	[tilespmem:$0x5A0] =	vst v62  }
0x6c: {  	v12 =	vld [tilespmem:$0x90];
	v14 =	vshll.u32 v55, $0x2;
	v13 =	vor.u32 $0x2, v11;
	[tilespmem:$0x5B0] =	vst v10  }
0x6d: {  	v17 =	vshll.u32 v58, $0x2;
	v18 =	vld [tilespmem:$0xB0];
	v16 =	vor.u32 $0x2, v14;
	[tilespmem:$0x5C0] =	vst v13  }
0x6e: {  	v20 =	vshll.u32 v61, $0x2;
	v49 =	vld [tilespmem:$0x160];
	v19 =	vor.u32 $0x2, v17;
	[tilespmem:$0x5D0] =	vst v16  }
0x6f: {  	v21 =	vld [tilespmem:$0xC0];
	v23 =	vshll.u32 v9, $0x2;
	v22 =	vor.u32 $0x2, v20;
	[tilespmem:$0x5E0] =	vst v19  }
0x70: {  	v27 =	vld [tilespmem:$0xE0];
	v29 =	vshll.u32 v15, $0x2;
	v25 =	vor.u32 $0x3, v23;
	[tilespmem:$0x5F0] =	vst v22  }
0x71: {  	v55 =	vld [tilespmem:$0x110];
	v26 =	vshll.u32 v12, $0x2;
	v31 =	vor.u32 $0x3, v29;
	[tilespmem:$0x600] =	vst v25  }
0x72: {  	v39 =	vld [tilespmem:$0x120];
	v28 =	vor.u32 $0x3, v26;
	[tilespmem:$0x620] =	vst v31  }
0x73: {  	v42 =	vld [tilespmem:$0x130];
	[tilespmem:$0x610] =	vst v28;
	v32 =	vshll.u32 v18, $0x2;
	v60 =	vshll.u32 v49, $0x2  }
0x74: {  	v45 =	vld [tilespmem:$0x140];
	v35 =	vshll.u32 v21, $0x2;
	v34 =	vor.u32 $0x3, v32;
	[tilespmem:$0x6E0] =	vst v60  }
0x75: {  	v51 =	vld [tilespmem:$0x170];
	v41 =	vshll.u32 v27, $0x2;
	v37 =	vor.u32 $0x3, v35;
	[tilespmem:$0x630] =	vst v34  }
0x76: {  	v61 =	vld [tilespmem:$0x140];
	v43 =	vor.u32 $0x3, v41;
	[tilespmem:$0x640] =	vst v37  }
0x77: {  	v9 =	vld [tilespmem:$0x150];
	v52 =	vshll.u32 v39, $0x2;
	[tilespmem:$0x660] =	vst v43  }
0x78: {  	v15 =	vld [tilespmem:$0x100];
	v54 =	vshll.u32 v42, $0x2;
	[tilespmem:$0x6A0] =	vst v52  }
0x79: {  	v24 =	vld [tilespmem:$0xD0];
	v56 =	vshll.u32 v45, $0x2;
	[tilespmem:$0x6B0] =	vst v54  }
0x7a: {  	v30 =	vld [tilespmem:$0xF0];
	v4 =	vshll.u32 v55, $0x2;
	v62 =	vshll.u32 v51, $0x2;
	[tilespmem:$0x6C0] =	vst v56  }
0x7b: {  	v57 =	vld [tilespmem:$0x120];
	v17 =	vshll.u32 v61, $0x2;
	v12 =	vor.u32 $0x1, v4;
	[tilespmem:$0x6F0] =	vst v62  }
0x7c: {  	v33 =	vld [tilespmem:$0x100];
	v20 =	vshll.u32 v9, $0x2;
	v19 =	vor.u32 $0x1, v17;
	[tilespmem:$0x710] =	vst v12  }
0x7d: {  	v36 =	vld [tilespmem:$0x110];
	v29 =	vshll.u32 v15, $0x2;
	v22 =	vor.u32 $0x1, v20;
	[tilespmem:$0x740] =	vst v19  }
0x7e: {  	v47 =	vld [tilespmem:$0x150];
	v38 =	vshll.u32 v24, $0x2;
	v31 =	vor.u32 $0x2, v29;
	[tilespmem:$0x750] =	vst v22  }
0x7f: {  	v11 =	vld [tilespmem:$0x160];
	v44 =	vshll.u32 v30, $0x2;
	v40 =	vor.u32 $0x3, v38;
	[tilespmem:$0x780] =	vst v31  }
0x80: {  	v53 =	vld [tilespmem:$0x100];
	v46 =	vor.u32 $0x3, v44;
	[tilespmem:$0x650] =	vst v40  }
0x81: {  	v59 =	vld [tilespmem:$0x130];
	v48 =	vshll.u32 v33, $0x2;
	[tilespmem:$0x670] =	vst v46  }
0x82: {  	v13 =	vld [tilespmem:$0x170];
	v50 =	vshll.u32 v36, $0x2;
	[tilespmem:$0x680] =	vst v48  }
0x83: {  	v18 =	vld [tilespmem:$0x110];
	v2 =	vshll.u32 v57, $0x2;
	v58 =	vshll.u32 v47, $0x2;
	[tilespmem:$0x690] =	vst v50  }
0x84: {  	v21 =	vld [tilespmem:$0x120];
	v23 =	vshll.u32 v11, $0x2;
	v14 =	vor.u32 $0x1, v2;
	[tilespmem:$0x6D0] =	vst v58  }
0x85: {  	v27 =	vld [tilespmem:$0x140];
	v63 =	vshll.u32 v53, $0x2;
	v25 =	vor.u32 $0x1, v23;
	[tilespmem:$0x720] =	vst v14  }
0x86: {  	v24 =	vld [tilespmem:$0x130];
	v1 =	vshll.u32 v59, $0x2;
	v10 =	vor.u32 $0x1, v63;
	[tilespmem:$0x760] =	vst v25  }
0x87: {  	v11 =	vld [tilespmem:$0x190];
	v26 =	vshll.u32 v13, $0x2;
	v16 =	vor.u32 $0x1, v1;
	[tilespmem:$0x700] =	vst v10  }
0x88: {  	v17 =	vld [tilespmem:$0x1B0];
	v28 =	vor.u32 $0x1, v26;
	[tilespmem:$0x730] =	vst v16;
	v32 =	vshll.u32 v18, $0x2  }
0x89: {  	v20 =	vld [tilespmem:$0x1C0];
	[tilespmem:$0x770] =	vst v28;
	v35 =	vshll.u32 v21, $0x2;
	v34 =	vor.u32 $0x2, v32  }
0x8a: {  	v30 =	vld [tilespmem:$0x150];
	v41 =	vshll.u32 v27, $0x2;
	v37 =	vor.u32 $0x2, v35;
	[tilespmem:$0x790] =	vst v34  }
0x8b: {  	v39 =	vld [tilespmem:$0x100];
	v43 =	vor.u32 $0x2, v41;
	[tilespmem:$0x7A0] =	vst v37  }
0x8c: {  	v42 =	vld [tilespmem:$0x110];
	v25 =	vshll.u32 v11, $0x2;
	[tilespmem:$0x7C0] =	vst v43  }
0x8d: {  	v45 =	vld [tilespmem:$0x120];
	v29 =	vshll.u32 v17, $0x2;
	[tilespmem:$0x890] =	vst v25  }
0x8e: {  	v51 =	vld [tilespmem:$0x140];
	v38 =	vshll.u32 v24, $0x2;
	v31 =	vshll.u32 v20, $0x2;
	[tilespmem:$0x8B0] =	vst v29  }
0x8f: {  	v57 =	vld [tilespmem:$0x160];
	v44 =	vshll.u32 v30, $0x2;
	v40 =	vor.u32 $0x2, v38;
	[tilespmem:$0x8C0] =	vst v31  }
0x90: {  	v60 =	vld [tilespmem:$0x170];
	v53 =	vshll.u32 v39, $0x2;
	v46 =	vor.u32 $0x2, v44;
	[tilespmem:$0x7B0] =	vst v40  }
0x91: {  	v33 =	vld [tilespmem:$0x160];
	v56 =	vshll.u32 v42, $0x2;
	v55 =	vor.u32 $0x3, v53;
	[tilespmem:$0x7D0] =	vst v46  }
0x92: {  	v22 =	vld [tilespmem:$0x1D0];
	v59 =	vshll.u32 v45, $0x2;
	v58 =	vor.u32 $0x3, v56;
	[tilespmem:$0x800] =	vst v55  }
0x93: {  	v36 =	vld [tilespmem:$0x170];
	v10 =	vshll.u32 v51, $0x2;
	v61 =	vor.u32 $0x3, v59;
	[tilespmem:$0x810] =	vst v58  }
0x94: {  	v54 =	vld [tilespmem:$0x150];
	v16 =	vshll.u32 v57, $0x2;
	v12 =	vor.u32 $0x3, v10;
	[tilespmem:$0x820] =	vst v61  }
0x95: {  	v48 =	vld [tilespmem:$0x130];
	v19 =	vshll.u32 v60, $0x2;
	v18 =	vor.u32 $0x3, v16;
	[tilespmem:$0x840] =	vst v12  }
0x96: {  	v63 =	vld [tilespmem:$0x180];
	v21 =	vor.u32 $0x3, v19;
	[tilespmem:$0x860] =	vst v18  }
0x97: {  	v14 =	vld [tilespmem:$0x1A0];
	v47 =	vshll.u32 v33, $0x2;
	v33 =	vshll.u32 v22, $0x2;
	[tilespmem:$0x870] =	vst v21  }
0x98: {  	v26 =	vld [tilespmem:$0x1F0];
	v50 =	vshll.u32 v36, $0x2;
	v49 =	vor.u32 $0x2, v47;
	[tilespmem:$0x8D0] =	vst v33  }
0x99: {  	v28 =	vld [tilespmem:$0x180];
	v13 =	vshll.u32 v54, $0x2;
	v52 =	vor.u32 $0x2, v50;
	[tilespmem:$0x7E0] =	vst v49  }
0x9a: {  	v24 =	vld [tilespmem:$0x1E0];
	v15 =	vor.u32 $0x3, v13;
	[tilespmem:$0x7F0] =	vst v52  }
0x9b: {  	v30 =	vld [tilespmem:$0x190];
	v23 =	vshll.u32 v63, $0x2;
	[tilespmem:$0x850] =	vst v15  }
0x9c: {  	v32 =	vld [tilespmem:$0x1A0];
	v27 =	vshll.u32 v14, $0x2;
	[tilespmem:$0x880] =	vst v23  }
0x9d: {  	v42 =	vld [tilespmem:$0x1F0];
	v62 =	vshll.u32 v48, $0x2;
	v37 =	vshll.u32 v26, $0x2;
	[tilespmem:$0x8A0] =	vst v27  }
0x9e: {  	v34 =	vld [tilespmem:$0x1B0];
	v9 =	vor.u32 $0x3, v62;
	v5 =	vshll.u32 v28, $0x2;
	[tilespmem:$0x8F0] =	vst v37  }
0x9f: {  	v36 =	vld [tilespmem:$0x1C0];
	[tilespmem:$0x830] =	vst v9;
	v39 =	vor.u32 $0x1, v5  }
0xa0: {  	v38 =	vld [tilespmem:$0x1D0];
	v35 =	vshll.u32 v24, $0x2;
	v4 =	vshll.u32 v30, $0x2;
	[tilespmem:$0x900] =	vst v39  }
0xa1: {  	v44 =	vld [tilespmem:$0x180];
	v2 =	vshll.u32 v32, $0x2;
	[tilespmem:$0x8E0] =	vst v35;
	v41 =	vor.u32 $0x1, v4  }
0xa2: {  	v53 =	vld [tilespmem:$0x1B0];
	v55 =	vshll.u32 v42, $0x2;
	v43 =	vor.u32 $0x1, v2;
	[tilespmem:$0x910] =	vst v41  }
0xa3: {  	v56 =	vld [tilespmem:$0x1C0];
	v1 =	vshll.u32 v34, $0x2;
	v57 =	vor.u32 $0x1, v55;
	[tilespmem:$0x920] =	vst v43  }
0xa4: {  	v59 =	vld [tilespmem:$0x1D0];
	v46 =	vshll.u32 v36, $0x2;
	v45 =	vor.u32 $0x1, v1;
	[tilespmem:$0x970] =	vst v57  }
0xa5: {  	v10 =	vld [tilespmem:$0x1F0];
	v49 =	vshll.u32 v38, $0x2;
	v48 =	vor.u32 $0x1, v46;
	[tilespmem:$0x930] =	vst v45  }
0xa6: {  	v16 =	vld [tilespmem:$0x190];
	v58 =	vshll.u32 v44, $0x2;
	v51 =	vor.u32 $0x1, v49;
	[tilespmem:$0x940] =	vst v48  }
0xa7: {  	v19 =	vld [tilespmem:$0x1A0];
	v12 =	vshll.u32 v53, $0x2;
	v60 =	vor.u32 $0x2, v58;
	[tilespmem:$0x950] =	vst v51  }
0xa8: {  	v22 =	vld [tilespmem:$0x1B0];
	v15 =	vshll.u32 v56, $0x2;
	v14 =	vor.u32 $0x2, v12;
	[tilespmem:$0x980] =	vst v60  }
0xa9: {  	v25 =	vld [tilespmem:$0x1C0];
	v18 =	vshll.u32 v59, $0x2;
	v17 =	vor.u32 $0x2, v15;
	[tilespmem:$0x9B0] =	vst v14  }
0xaa: {  	v40 =	vld [tilespmem:$0x1E0];
	v24 =	vshll.u32 v10, $0x2;
	v20 =	vor.u32 $0x2, v18;
	[tilespmem:$0x9C0] =	vst v17  }
0xab: {  	v47 =	vld [tilespmem:$0x190];
	v30 =	vshll.u32 v16, $0x2;
	v26 =	vor.u32 $0x2, v24;
	[tilespmem:$0x9D0] =	vst v20  }
0xac: {  	v50 =	vld [tilespmem:$0x1A0];
	v33 =	vshll.u32 v19, $0x2;
	v32 =	vor.u32 $0x3, v30;
	[tilespmem:$0x9F0] =	vst v26  }
0xad: {  	v13 =	vld [tilespmem:$0x180];
	v36 =	vshll.u32 v22, $0x2;
	v35 =	vor.u32 $0x3, v33;
	[tilespmem:$0xA10] =	vst v32  }
0xae: {  	v62 =	vld [tilespmem:$0x1E0];
	v39 =	vshll.u32 v25, $0x2;
	v38 =	vor.u32 $0x3, v36;
	[tilespmem:$0xA20] =	vst v35  }
0xaf: {  	v37 =	vld [tilespmem:$0x200];
	v52 =	vshll.u32 v40, $0x2;
	v41 =	vor.u32 $0x3, v39;
	[tilespmem:$0xA30] =	vst v38  }
0xb0: {  	v28 =	vld [tilespmem:$0x1D0];
	v61 =	vshll.u32 v47, $0x2;
	v54 =	vor.u32 $0x1, v52;
	[tilespmem:$0xA40] =	vst v41  }
0xb1: {  	v31 =	vld [tilespmem:$0x1E0];
	v9 =	vshll.u32 v50, $0x2;
	v63 =	vor.u32 $0x2, v61;
	[tilespmem:$0x960] =	vst v54  }
0xb2: {  	v34 =	vld [tilespmem:$0x1F0];
	v27 =	vshll.u32 v13, $0x2;
	v11 =	vor.u32 $0x2, v9;
	[tilespmem:$0x990] =	vst v63  }
0xb3: {  	v53 =	vld [tilespmem:$0x260];
	v29 =	vor.u32 $0x3, v27;
	[tilespmem:$0x9A0] =	vst v11  }
0xb4: {  	v55 =	vld [tilespmem:$0x270];
	v21 =	vshll.u32 v62, $0x2;
	v52 =	vshll.u32 v37, $0x2;
	[tilespmem:$0xA00] =	vst v29  }
0xb5: {  	v59 =	vld [tilespmem:$0x210];
	v42 =	vshll.u32 v28, $0x2;
	v23 =	vor.u32 $0x2, v21;
	[tilespmem:$0xA80] =	vst v52  }
0xb6: {  	v40 =	vld [tilespmem:$0x210];
	v45 =	vshll.u32 v31, $0x2;
	v44 =	vor.u32 $0x3, v42;
	[tilespmem:$0x9E0] =	vst v23  }
0xb7: {  	v43 =	vld [tilespmem:$0x220];
	v47 =	vor.u32 $0x3, v45;
	[tilespmem:$0xA50] =	vst v44  }
0xb8: {  	v46 =	vld [tilespmem:$0x230];
	[tilespmem:$0xA60] =	vst v47;
	v8 =	vshll.u32 v53, $0x2  }
0xb9: {  	v49 =	vld [tilespmem:$0x240];
	v48 =	vshll.u32 v34, $0x2;
	v10 =	vshll.u32 v55, $0x2;
	[tilespmem:$0xAE0] =	vst v8  }
0xba: {  	v57 =	vld [tilespmem:$0x200];
	v50 =	vor.u32 $0x3, v48;
	[tilespmem:$0xAF0] =	vst v10  }
0xbb: {  	v51 =	vld [tilespmem:$0x250];
	v54 =	vshll.u32 v40, $0x2;
	[tilespmem:$0xA70] =	vst v50  }
0xbc: {  	v13 =	vld [tilespmem:$0x260];
	v56 =	vshll.u32 v43, $0x2;
	[tilespmem:$0xA90] =	vst v54  }
0xbd: {  	v15 =	vld [tilespmem:$0x270];
	v58 =	vshll.u32 v46, $0x2;
	[tilespmem:$0xAA0] =	vst v56  }
0xbe: {  	v61 =	vld [tilespmem:$0x220];
	v4 =	vshll.u32 v59, $0x2;
	v60 =	vshll.u32 v49, $0x2;
	[tilespmem:$0xAB0] =	vst v58  }
0xbf: {  	v9 =	vld [tilespmem:$0x240];
	v14 =	vor.u32 $0x1, v4;
	[tilespmem:$0xAC0] =	vst v60  }
0xc0: {  	v17 =	vld [tilespmem:$0x200];
	v5 =	vshll.u32 v57, $0x2;
	v62 =	vshll.u32 v51, $0x2;
	[tilespmem:$0xB10] =	vst v14  }
0xc1: {  	v20 =	vld [tilespmem:$0x210];
	v25 =	vshll.u32 v13, $0x2;
	v12 =	vor.u32 $0x1, v5;
	[tilespmem:$0xAD0] =	vst v62  }
0xc2: {  	v26 =	vld [tilespmem:$0x230];
	v28 =	vshll.u32 v15, $0x2;
	v27 =	vor.u32 $0x1, v25;
	[tilespmem:$0xB00] =	vst v12  }
0xc3: {  	v32 =	vld [tilespmem:$0x250];
	v2 =	vshll.u32 v61, $0x2;
	v30 =	vor.u32 $0x1, v28;
	[tilespmem:$0xB60] =	vst v27  }
0xc4: {  	v35 =	vld [tilespmem:$0x260];
	v19 =	vshll.u32 v9, $0x2;
	v16 =	vor.u32 $0x1, v2;
	[tilespmem:$0xB70] =	vst v30  }
0xc5: {  	v38 =	vld [tilespmem:$0x270];
	v31 =	vshll.u32 v17, $0x2;
	v21 =	vor.u32 $0x1, v19;
	[tilespmem:$0xB20] =	vst v16  }
0xc6: {  	v41 =	vld [tilespmem:$0x200];
	v34 =	vshll.u32 v20, $0x2;
	v33 =	vor.u32 $0x2, v31;
	[tilespmem:$0xB40] =	vst v21  }
0xc7: {  	v63 =	vld [tilespmem:$0x230];
	v40 =	vshll.u32 v26, $0x2;
	v36 =	vor.u32 $0x2, v34;
	[tilespmem:$0xB80] =	vst v33  }
0xc8: {  	v11 =	vld [tilespmem:$0x250];
	v46 =	vshll.u32 v32, $0x2;
	v42 =	vor.u32 $0x2, v40;
	[tilespmem:$0xB90] =	vst v36  }
0xc9: {  	v29 =	vld [tilespmem:$0x240];
	v49 =	vshll.u32 v35, $0x2;
	v48 =	vor.u32 $0x2, v46;
	[tilespmem:$0xBB0] =	vst v42  }
0xca: {  	v23 =	vld [tilespmem:$0x220];
	v52 =	vshll.u32 v38, $0x2;
	v51 =	vor.u32 $0x2, v49;
	[tilespmem:$0xBD0] =	vst v48  }
0xcb: {  	v44 =	vld [tilespmem:$0x210];
	v55 =	vshll.u32 v41, $0x2;
	v54 =	vor.u32 $0x2, v52;
	[tilespmem:$0xBE0] =	vst v51  }
0xcc: {  	v47 =	vld [tilespmem:$0x220];
	v1 =	vshll.u32 v63, $0x2;
	v57 =	vor.u32 $0x3, v55;
	[tilespmem:$0xBF0] =	vst v54  }
0xcd: {  	v53 =	vld [tilespmem:$0x240];
	v22 =	vshll.u32 v11, $0x2;
	v18 =	vor.u32 $0x1, v1;
	[tilespmem:$0xC00] =	vst v57  }
0xce: {  	v59 =	vld [tilespmem:$0x260];
	v43 =	vshll.u32 v29, $0x2;
	v24 =	vor.u32 $0x1, v22;
	[tilespmem:$0xB30] =	vst v18  }
0xcf: {  	v50 =	vld [tilespmem:$0x230];
	v37 =	vshll.u32 v23, $0x2;
	v45 =	vor.u32 $0x2, v43;
	[tilespmem:$0xB50] =	vst v24  }
0xd0: {  	v56 =	vld [tilespmem:$0x250];
	v58 =	vshll.u32 v44, $0x2;
	v39 =	vor.u32 $0x2, v37;
	[tilespmem:$0xBC0] =	vst v45  }
0xd1: {  	v62 =	vld [tilespmem:$0x270];
	v61 =	vshll.u32 v47, $0x2;
	v60 =	vor.u32 $0x3, v58;
	[tilespmem:$0xBA0] =	vst v39  }
0xd2: {  	v63 =	vor.u32 $0x3, v61;
	v9 =	vshll.u32 v53, $0x2;
	[tilespmem:$0xC10] =	vst v60  }
0xd3: {  	v13 =	vshll.u32 v59, $0x2;
	[tilespmem:$0xC20] =	vst v63;
	v10 =	vor.u32 $0x3, v9  }
0xd4: {  	v14 =	vor.u32 $0x3, v13;
	v7 =	vshll.u32 v50, $0x2;
	[tilespmem:$0xC40] =	vst v10  }
0xd5: {  	s10 =	rddreg [dreg:$0x9];
	v11 =	vshll.u32 v56, $0x2;
	[tilespmem:$0xC60] =	vst v14;
	v8 =	vor.u32 $0x3, v7  }
0xd6: {  	s0 =	rddreg [dreg:$0xa];
	v12 =	vor.u32 $0x3, v11;
	v15 =	vshll.u32 v62, $0x2;
	[tilespmem:$0xC30] =	vst v8  }
0xd7: {  	s8 =	rddreg [dreg:$0xb];
	[tilespmem:$0xC50] =	vst v12;
	v16 =	vor.u32 $0x3, v15  }
0xd8: {  	s9 =	rddreg [dreg:$0xc];
	[tilespmem:$0xC70] =	vst v16  }
0xd9: {  	[tilespmem:s7], [sflag:$0x1] =	stream.indirect.gather [hbm4b:s2+s6], $0x1, s10, s6, $0xb8;
	[tilespmem:$0x1E00] =	vst v63  }
0xda: {  	s10 =	rddreg [dreg:$0xd]  }
0xdb: {  	[tilespmem:s8], [sflag:$0x1] =	stream.indirect.gather [hbm4b:s2+s6], $0x1, s0, s6, $0xb8;
	[tilespmem:$0x1E00] =	vst v63  }
0xdc: {  	s0 =	rddreg [dreg:$0xe]  }
0xdd: {  	s8 =	rddreg [dreg:$0xf]  }
0xde: {  	[tilespmem:s10], [sflag:$0x1] =	stream.indirect.gather [hbm4b:s2+s6], $0x1, s9, s6, $0xb8;
	[tilespmem:$0x1E00] =	vst v63  }
0xdf: {  	s9 =	rddreg [dreg:$0x10]  }
0xe0: {  	s10 =	rddreg [dreg:$0x11]  }
0xe1: {  	[tilespmem:s8], [sflag:$0x1] =	stream.indirect.gather [hbm4b:s2+s6], $0x1, s0, s6, $0xb8;
	[tilespmem:$0x1E00] =	vst v63  }
0xe2: {  	s0 =	rddreg [dreg:$0x12]  }
0xe3: {  	s8 =	rddreg [dreg:$0x13]  }
0xe4: {  	[tilespmem:s10], [sflag:$0x1] =	stream.indirect.gather [hbm4b:s2+s6], $0x1, s9, s6, $0xb8;
	[tilespmem:$0x1E00] =	vst v63  }
0xe5: {  	s9 =	rddreg [dreg:$0x14]  }
0xe6: {  	s10 =	rddreg [dreg:$0x15]  }
0xe7: {  	[tilespmem:s8], [sflag:$0x1] =	stream.indirect.gather [hbm4b:s2+s6], $0x1, s0, s6, $0xb8;
	[tilespmem:$0x1E00] =	vst v63  }
0xe8: {  	s0 =	rddreg [dreg:$0x16]  }
0xe9: {  	s8 =	rddreg [dreg:$0x17]  }
0xea: {  	[tilespmem:s10], [sflag:$0x1] =	stream.indirect.gather [hbm4b:s2+s6], $0x1, s9, s6, $0xb8;
	[tilespmem:$0x1E00] =	vst v63  }
0xeb: {  	s9 =	rddreg [dreg:$0x18]  }
0xec: {  	[tilespmem:s8], [sflag:$0x1] =	stream.indirect.gather [hbm4b:s2+s6], $0x1, s0, s6, $0xb8;
	[tilespmem:$0x1E00] =	vst v63  }
0xed: {  	s10 =	rddreg [dreg:$0x19]  }
0xee: {  	[tilespmem:s10], [sflag:$0x1] =	stream.indirect.gather [hbm4b:s2+s6], $0x1, s9, s6, $0xb8;
	[tilespmem:$0x1E00] =	vst v63  }
0xef: {  	s8 =	rddreg [dreg:$0x1a];
	s10 =	simm.s32 $0x1100  }
0xf0: {  	[tilespmem:s10], [sflag:$0x1] =	stream.indirect.gather [hbm4b:s2+s6], $0x1, s8, s6, $0xb8;
	[tilespmem:$0x1E00] =	vst v63  }
0xf1: {  	s9 =	simm.s32 $0x780;
	s10 =	simm.s32 $0x1180  }
0xf2: {  	[tilespmem:s10], [sflag:$0x1] =	stream.indirect.gather [hbm4b:s2+s6], $0x1, s9, s6, $0xb8;
	[tilespmem:$0x1E00] =	vst v63  }
0xf3: {  	_ = 	snop  }
0xf4: {  	[tilespmem:s12], [sflag:$0x1] =	stream.indirect.gather [hbm4b:s2+s6], $0x1, s11, s6, $0xb8;
	[tilespmem:$0x1E00] =	vst v63  }
0xf5: {  	_ = 	snop  }
0xf6: {  	[tilespmem:s14], [sflag:$0x1] =	stream.indirect.gather [hbm4b:s2+s6], $0x1, s13, s6, $0xb8;
	[tilespmem:$0x1E00] =	vst v63  }
0xf7: {  	_ = 	snop  }
0xf8: {  	[tilespmem:s16], [sflag:$0x1] =	stream.indirect.gather [hbm4b:s2+s6], $0x1, s15, s6, $0xb8;
	[tilespmem:$0x1E00] =	vst v63  }
0xf9: {  	_ = 	snop  }
0xfa: {  	[tilespmem:s18], [sflag:$0x1] =	stream.indirect.gather [hbm4b:s2+s6], $0x1, s17, s6, $0xb8;
	[tilespmem:$0x1E00] =	vst v63  }
0xfb: {  	_ = 	snop  }
0xfc: {  	[tilespmem:s20], [sflag:$0x1] =	stream.indirect.gather [hbm4b:s2+s6], $0x1, s19, s6, $0xb8;
	[tilespmem:$0x1E00] =	vst v63  }
0xfd: {  	_ = 	snop  }
0xfe: {  	[tilespmem:s22], [sflag:$0x1] =	stream.indirect.gather [hbm4b:s2+s6], $0x1, s21, s6, $0xb8;
	[tilespmem:$0x1E00] =	vst v63  }
0xff: {  	_ = 	snop  }
0x100: {  	[tilespmem:s24], [sflag:$0x1] =	stream.indirect.gather [hbm4b:s2+s6], $0x1, s23, s6, $0xb8;
	[tilespmem:$0x1E00] =	vst v63  }
0x101: {  	_ = 	snop  }
0x102: {  	[tilespmem:s26], [sflag:$0x1] =	stream.indirect.gather [hbm4b:s2+s6], $0x1, s25, s6, $0xb8;
	[tilespmem:$0x1E00] =	vst v63  }
0x103: {  	_ = 	snop  }
0x104: {  	[tilespmem:s29], [sflag:$0x1] =	stream.indirect.gather [hbm4b:s2+s6], $0x1, s28, s6, $0xb8;
	[tilespmem:$0x1E00] =	vst v63  }
0x105: {  	v17 =	vld [tilespmem:$0x0]  }
0x106: {  	v18 =	vld [tilespmem:$0x1680]  }
0x107: {  	v19 =	vld [tilespmem:$0x10]  }
0x108: {  	v20 =	vld [tilespmem:$0x1690]  }
0x109: {  	v21 =	vld [tilespmem:$0x20]  }
0x10a: {  	v22 =	vld [tilespmem:$0x16A0];
	v0 =	vcvt.s32.f32 v17  }
0x10b: {  	v23 =	vld [tilespmem:$0x30];
	v1 =	vsub.f32 $0.0e+00, v18  }
0x10c: {  	v25 =	vld [tilespmem:$0x16B0];
	v24 =	vcvt.s32.f32 v19;
	[tilespmem:$0x1900] =	vst v0  }
0x10d: {  	v27 =	vld [tilespmem:$0x40];
	v26 =	vsub.f32 $0.0e+00, v20;
	[tilespmem:$0x1B80] =	vst v1  }
0x10e: {  	v29 =	vld [tilespmem:$0x16C0];
	v28 =	vcvt.s32.f32 v21;
	[tilespmem:$0x1910] =	vst v24  }
0x10f: {  	v31 =	vld [tilespmem:$0x50];
	v30 =	vsub.f32 $0.0e+00, v22;
	[tilespmem:$0x1B90] =	vst v26  }
0x110: {  	v33 =	vld [tilespmem:$0x16D0];
	v32 =	vcvt.s32.f32 v23;
	[tilespmem:$0x1920] =	vst v28  }
0x111: {  	v35 =	vld [tilespmem:$0x60];
	v34 =	vsub.f32 $0.0e+00, v25;
	[tilespmem:$0x1BA0] =	vst v30  }
0x112: {  	v37 =	vld [tilespmem:$0x16E0];
	v36 =	vcvt.s32.f32 v27;
	[tilespmem:$0x1930] =	vst v32  }
0x113: {  	v39 =	vld [tilespmem:$0x70];
	v38 =	vsub.f32 $0.0e+00, v29;
	[tilespmem:$0x1BB0] =	vst v34  }
0x114: {  	v41 =	vld [tilespmem:$0x16F0];
	v40 =	vcvt.s32.f32 v31;
	[tilespmem:$0x1940] =	vst v36  }
0x115: {  	v43 =	vld [tilespmem:$0x80];
	v42 =	vsub.f32 $0.0e+00, v33;
	[tilespmem:$0x1BC0] =	vst v38  }
0x116: {  	v45 =	vld [tilespmem:$0x1700];
	v44 =	vcvt.s32.f32 v35;
	[tilespmem:$0x1950] =	vst v40  }
0x117: {  	v47 =	vld [tilespmem:$0x90];
	v46 =	vsub.f32 $0.0e+00, v37;
	[tilespmem:$0x1BD0] =	vst v42  }
0x118: {  	v49 =	vld [tilespmem:$0x1710];
	v48 =	vcvt.s32.f32 v39;
	[tilespmem:$0x1960] =	vst v44  }
0x119: {  	v51 =	vld [tilespmem:$0xA0];
	v50 =	vsub.f32 $0.0e+00, v41;
	[tilespmem:$0x1BE0] =	vst v46  }
0x11a: {  	v53 =	vld [tilespmem:$0x1720];
	v52 =	vcvt.s32.f32 v43;
	[tilespmem:$0x1970] =	vst v48  }
0x11b: {  	v55 =	vld [tilespmem:$0xB0];
	v54 =	vsub.f32 $0.0e+00, v45;
	[tilespmem:$0x1BF0] =	vst v50  }
0x11c: {  	v57 =	vld [tilespmem:$0x1730];
	v56 =	vcvt.s32.f32 v47;
	[tilespmem:$0x1980] =	vst v52  }
0x11d: {  	v59 =	vld [tilespmem:$0xC0];
	v58 =	vsub.f32 $0.0e+00, v49;
	[tilespmem:$0x1C00] =	vst v54  }
0x11e: {  	v61 =	vld [tilespmem:$0x1740];
	v60 =	vcvt.s32.f32 v51;
	[tilespmem:$0x1990] =	vst v56  }
0x11f: {  	v63 =	vld [tilespmem:$0xD0];
	v62 =	vsub.f32 $0.0e+00, v53;
	[tilespmem:$0x1C10] =	vst v58  }
0x120: {  	v9 =	vld [tilespmem:$0x1750];
	v8 =	vcvt.s32.f32 v55;
	[tilespmem:$0x19A0] =	vst v60  }
0x121: {  	v11 =	vld [tilespmem:$0xE0];
	v10 =	vsub.f32 $0.0e+00, v57;
	[tilespmem:$0x1C20] =	vst v62  }
0x122: {  	v13 =	vld [tilespmem:$0x1760];
	v12 =	vcvt.s32.f32 v59;
	[tilespmem:$0x19B0] =	vst v8  }
0x123: {  	v15 =	vld [tilespmem:$0xF0];
	v14 =	vsub.f32 $0.0e+00, v61;
	[tilespmem:$0x1C30] =	vst v10  }
0x124: {  	v16 =	vcvt.s32.f32 v63;
	v17 =	vld [tilespmem:$0x1770];
	[tilespmem:$0x19C0] =	vst v12  }
0x125: {  	v18 =	vsub.f32 $0.0e+00, v9;
	v19 =	vld [tilespmem:$0x100];
	[tilespmem:$0x1C40] =	vst v14  }
0x126: {  	v20 =	vcvt.s32.f32 v11;
	v21 =	vld [tilespmem:$0x1780];
	[tilespmem:$0x19D0] =	vst v16  }
0x127: {  	v22 =	vsub.f32 $0.0e+00, v13;
	v23 =	vld [tilespmem:$0x110];
	[tilespmem:$0x1C50] =	vst v18  }
0x128: {  	v25 =	vld [tilespmem:$0x1790];
	[tilespmem:$0x19E0] =	vst v20;
	v24 =	vcvt.s32.f32 v15  }
0x129: {  	v27 =	vld [tilespmem:$0x120];
	[tilespmem:$0x1C60] =	vst v22;
	v26 =	vsub.f32 $0.0e+00, v17  }
0x12a: {  	v29 =	vld [tilespmem:$0x17A0];
	[tilespmem:$0x19F0] =	vst v24;
	v28 =	vcvt.s32.f32 v19  }
0x12b: {  	v31 =	vld [tilespmem:$0x130];
	v30 =	vsub.f32 $0.0e+00, v21;
	[tilespmem:$0x1C70] =	vst v26  }
0x12c: {  	v33 =	vld [tilespmem:$0x17B0];
	v32 =	vcvt.s32.f32 v23;
	[tilespmem:$0x1A00] =	vst v28  }
0x12d: {  	v35 =	vld [tilespmem:$0x140];
	v34 =	vsub.f32 $0.0e+00, v25;
	[tilespmem:$0x1C80] =	vst v30  }
0x12e: {  	v37 =	vld [tilespmem:$0x17C0];
	v36 =	vcvt.s32.f32 v27;
	[tilespmem:$0x1A10] =	vst v32  }
0x12f: {  	v39 =	vld [tilespmem:$0x150];
	v38 =	vsub.f32 $0.0e+00, v29;
	[tilespmem:$0x1C90] =	vst v34  }
0x130: {  	v41 =	vld [tilespmem:$0x17D0];
	v40 =	vcvt.s32.f32 v31;
	[tilespmem:$0x1A20] =	vst v36  }
0x131: {  	v43 =	vld [tilespmem:$0x160];
	v42 =	vsub.f32 $0.0e+00, v33;
	[tilespmem:$0x1CA0] =	vst v38  }
0x132: {  	v45 =	vld [tilespmem:$0x17E0];
	v44 =	vcvt.s32.f32 v35;
	[tilespmem:$0x1A30] =	vst v40  }
0x133: {  	v47 =	vld [tilespmem:$0x170];
	v46 =	vsub.f32 $0.0e+00, v37;
	[tilespmem:$0x1CB0] =	vst v42  }
0x134: {  	v49 =	vld [tilespmem:$0x17F0];
	v48 =	vcvt.s32.f32 v39;
	[tilespmem:$0x1A40] =	vst v44  }
0x135: {  	v51 =	vld [tilespmem:$0x180];
	v50 =	vsub.f32 $0.0e+00, v41;
	[tilespmem:$0x1CC0] =	vst v46  }
0x136: {  	v53 =	vld [tilespmem:$0x1800];
	v52 =	vcvt.s32.f32 v43;
	[tilespmem:$0x1A50] =	vst v48  }
0x137: {  	v55 =	vld [tilespmem:$0x190];
	v54 =	vsub.f32 $0.0e+00, v45;
	[tilespmem:$0x1CD0] =	vst v50  }
0x138: {  	v57 =	vld [tilespmem:$0x1810];
	v56 =	vcvt.s32.f32 v47;
	[tilespmem:$0x1A60] =	vst v52  }
0x139: {  	v59 =	vld [tilespmem:$0x1A0];
	v58 =	vsub.f32 $0.0e+00, v49;
	[tilespmem:$0x1CE0] =	vst v54  }
0x13a: {  	v61 =	vld [tilespmem:$0x1820];
	v60 =	vcvt.s32.f32 v51;
	[tilespmem:$0x1A70] =	vst v56  }
0x13b: {  	v63 =	vld [tilespmem:$0x1B0];
	v62 =	vsub.f32 $0.0e+00, v53;
	[tilespmem:$0x1CF0] =	vst v58  }
0x13c: {  	v10 =	vld [tilespmem:$0x1830];
	v9 =	vcvt.s32.f32 v55;
	[tilespmem:$0x1A80] =	vst v60  }
0x13d: {  	v12 =	vld [tilespmem:$0x1C0];
	v11 =	vsub.f32 $0.0e+00, v57;
	[tilespmem:$0x1D00] =	vst v62  }
0x13e: {  	v14 =	vld [tilespmem:$0x1840];
	v13 =	vcvt.s32.f32 v59;
	[tilespmem:$0x1A90] =	vst v9  }
0x13f: {  	v16 =	vld [tilespmem:$0x1D0];
	v15 =	vsub.f32 $0.0e+00, v61;
	[tilespmem:$0x1D10] =	vst v11  }
0x140: {  	v18 =	vld [tilespmem:$0x1850];
	v17 =	vcvt.s32.f32 v63;
	[tilespmem:$0x1AA0] =	vst v13  }
0x141: {  	v20 =	vld [tilespmem:$0x1E0];
	[tilespmem:$0x1D20] =	vst v15;
	v19 =	vsub.f32 $0.0e+00, v10  }
0x142: {  	v22 =	vld [tilespmem:$0x1860];
	[tilespmem:$0x1AB0] =	vst v17;
	v21 =	vcvt.s32.f32 v12  }
0x143: {  	v24 =	vld [tilespmem:$0x1F0];
	v23 =	vsub.f32 $0.0e+00, v14;
	[tilespmem:$0x1D30] =	vst v19  }
0x144: {  	v25 =	vcvt.s32.f32 v16;
	v26 =	vld [tilespmem:$0x1870];
	[tilespmem:$0x1AC0] =	vst v21  }
0x145: {  	v27 =	vsub.f32 $0.0e+00, v18;
	v28 =	vld [tilespmem:$0x200];
	[tilespmem:$0x1D40] =	vst v23  }
0x146: {  	v29 =	vcvt.s32.f32 v20;
	v30 =	vld [tilespmem:$0x1880];
	[tilespmem:$0x1AD0] =	vst v25  }
0x147: {  	v31 =	vsub.f32 $0.0e+00, v22;
	v32 =	vld [tilespmem:$0x210];
	[tilespmem:$0x1D50] =	vst v27  }
0x148: {  	v34 =	vld [tilespmem:$0x1890];
	[tilespmem:$0x1AE0] =	vst v29;
	v33 =	vcvt.s32.f32 v24  }
0x149: {  	v36 =	vld [tilespmem:$0x220];
	[tilespmem:$0x1D60] =	vst v31;
	v35 =	vsub.f32 $0.0e+00, v26  }
0x14a: {  	v38 =	vld [tilespmem:$0x18A0];
	[tilespmem:$0x1AF0] =	vst v33;
	v37 =	vcvt.s32.f32 v28  }
0x14b: {  	v40 =	vld [tilespmem:$0x230];
	v39 =	vsub.f32 $0.0e+00, v30;
	[tilespmem:$0x1D70] =	vst v35  }
0x14c: {  	v42 =	vld [tilespmem:$0x18B0];
	v41 =	vcvt.s32.f32 v32;
	[tilespmem:$0x1B00] =	vst v37  }
0x14d: {  	v44 =	vld [tilespmem:$0x240];
	v43 =	vsub.f32 $0.0e+00, v34;
	[tilespmem:$0x1D80] =	vst v39  }
0x14e: {  	v46 =	vld [tilespmem:$0x18C0];
	v45 =	vcvt.s32.f32 v36;
	[tilespmem:$0x1B10] =	vst v41  }
0x14f: {  	v48 =	vld [tilespmem:$0x250];
	v47 =	vsub.f32 $0.0e+00, v38;
	[tilespmem:$0x1D90] =	vst v43  }
0x150: {  	v50 =	vld [tilespmem:$0x18D0];
	v49 =	vcvt.s32.f32 v40;
	[tilespmem:$0x1B20] =	vst v45  }
0x151: {  	v52 =	vld [tilespmem:$0x260];
	v51 =	vsub.f32 $0.0e+00, v42;
	[tilespmem:$0x1DA0] =	vst v47  }
0x152: {  	v54 =	vld [tilespmem:$0x18E0];
	v53 =	vcvt.s32.f32 v44;
	[tilespmem:$0x1B30] =	vst v49  }
0x153: {  	v56 =	vld [tilespmem:$0x270];
	v55 =	vsub.f32 $0.0e+00, v46;
	[tilespmem:$0x1DB0] =	vst v51  }
0x154: {  	v58 =	vld [tilespmem:$0x18F0];
	v57 =	vcvt.s32.f32 v48;
	[tilespmem:$0x1B40] =	vst v53  }
0x155: {  	v59 =	vsub.f32 $0.0e+00, v50;
	[tilespmem:$0x1DC0] =	vst v55  }
0x156: {  	v60 =	vcvt.s32.f32 v52;
	[tilespmem:$0x1B50] =	vst v57  }
0x157: {  	v61 =	vsub.f32 $0.0e+00, v54;
	[tilespmem:$0x1DD0] =	vst v59  }
0x158: {  	v62 =	vcvt.s32.f32 v56;
	[tilespmem:$0x1B60] =	vst v60  }
0x159: {  	v63 =	vsub.f32 $0.0e+00, v58;
	[tilespmem:$0x1DE0] =	vst v61  }
0x15a: {  	[tilespmem:$0x1B70] =	vst v62  }
0x15b: {  	s8 =	rddreg [dreg:$0x5];
	[tilespmem:$0x1DF0] =	vst v63  }
0x15c: {  	[hbm4b:s8+s3] =	stream.linear.scatter [tilespmem:s30], [sflag:$0x2], $0x280, $0x38;
	[tilespmem:$0x1E00] =	vst v63  }
0x15d: {  	_ =	swait.ge [sflag:s5], $0x280  }
0x15e: {  	[sflag:s5] =	ssyncset.done $0x0  }
0x15f: {  	s9 =	rddreg [dreg:$0x6];
	[sflag:s5] =	ssyncadd.s32 $0xFFFFFD80  }
0x160: {  	[hbm4b:s9+s3] =	stream.linear.scatter [tilespmem:s31], [sflag:$0x2], $0x280, $0x38;
	[tilespmem:$0x1E00] =	vst v63  }
0x161: {  	_ =	swait.ge [sflag:s5], $0x280  }
0x162: {  	[sflag:s5] =	ssyncset.done $0x0  }
0x163: {  	[sflag:s5] =	ssyncadd.s32 $0xFFFFFD80  }
0x164: {  	_ =	swait.ge [sflag:s1], $0x80  }
0x165: {  	[sflag:s1] =	ssyncset.done $0x0  }
0x166: {  	[sflag:s1] =	ssyncadd.s32 $0xFFFFFF80  }
0x167: {  	_ =	swait.ge [sflag:s1], $0x80  }
0x168: {  	[sflag:s1] =	ssyncset.done $0x0  }
0x169: {  	[sflag:s1] =	ssyncadd.s32 $0xFFFFFF80  }
0x16a: {  	_ =	swait.ge [sflag:s1], $0x80  }
0x16b: {  	[sflag:s1] =	ssyncset.done $0x0  }
0x16c: {  	[sflag:s1] =	ssyncadd.s32 $0xFFFFFF80  }
0x16d: {  	_ =	swait.ge [sflag:s1], $0x80  }
0x16e: {  	[sflag:s1] =	ssyncset.done $0x0  }
0x16f: {  	[sflag:s1] =	ssyncadd.s32 $0xFFFFFF80  }
0x170: {  	_ =	swait.ge [sflag:s1], $0x80  }
0x171: {  	[sflag:s1] =	ssyncset.done $0x0  }
0x172: {  	[sflag:s1] =	ssyncadd.s32 $0xFFFFFF80  }
0x173: {  	_ =	swait.ge [sflag:s1], $0x80  }
0x174: {  	[sflag:s1] =	ssyncset.done $0x0  }
0x175: {  	[sflag:s1] =	ssyncadd.s32 $0xFFFFFF80  }
0x176: {  	_ =	swait.ge [sflag:s1], $0x80  }
0x177: {  	[sflag:s1] =	ssyncset.done $0x0  }
0x178: {  	[sflag:s1] =	ssyncadd.s32 $0xFFFFFF80  }
0x179: {  	_ =	swait.ge [sflag:s1], $0x80  }
0x17a: {  	[sflag:s1] =	ssyncset.done $0x0  }
0x17b: {  	[sflag:s1] =	ssyncadd.s32 $0xFFFFFF80  }
0x17c: {  	_ =	swait.ge [sflag:s1], $0x80  }
0x17d: {  	[sflag:s1] =	ssyncset.done $0x0  }
0x17e: {  	[sflag:s1] =	ssyncadd.s32 $0xFFFFFF80  }
0x17f: {  	_ =	swait.ge [sflag:s1], $0x80  }
0x180: {  	[sflag:s1] =	ssyncset.done $0x0  }
0x181: {  	[sflag:s1] =	ssyncadd.s32 $0xFFFFFF80  }
0x182: {  	_ =	swait.ge [sflag:s1], $0x80  }
0x183: {  	[sflag:s1] =	ssyncset.done $0x0  }
0x184: {  	[sflag:s1] =	ssyncadd.s32 $0xFFFFFF80  }
0x185: {  	_ =	swait.ge [sflag:s1], $0x80  }
0x186: {  	[sflag:s1] =	ssyncset.done $0x0  }
0x187: {  	[sflag:s1] =	ssyncadd.s32 $0xFFFFFF80  }
0x188: {  	_ =	swait.ge [sflag:s1], $0x80  }
0x189: {  	[sflag:s1] =	ssyncset.done $0x0  }
0x18a: {  	[sflag:s1] =	ssyncadd.s32 $0xFFFFFF80  }
0x18b: {  	_ =	swait.ge [sflag:s1], $0x80  }
0x18c: {  	[sflag:s1] =	ssyncset.done $0x0  }
0x18d: {  	[sflag:s1] =	ssyncadd.s32 $0xFFFFFF80  }
0x18e: {  	_ =	swait.ge [sflag:s1], $0x80  }
0x18f: {  	[sflag:s1] =	ssyncset.done $0x0  }
0x190: {  	[sflag:s1] =	ssyncadd.s32 $0xFFFFFF80  }
0x191: {  	_ =	swait.ge [sflag:s1], $0x80  }
0x192: {  	[sflag:s1] =	ssyncset.done $0x0  }
0x193: {  	[sflag:s1] =	ssyncadd.s32 $0xFFFFFF80  }
0x194: {  	_ =	swait.ge [sflag:s1], $0x80  }
0x195: {  	[sflag:s1] =	ssyncset.done $0x0  }
0x196: {  	[sflag:s1] =	ssyncadd.s32 $0xFFFFFF80  }
0x197: {  	_ =	swait.ge [sflag:s1], $0x80  }
0x198: {  	[sflag:s1] =	ssyncset.done $0x0  }
0x199: {  	[sflag:s1] =	ssyncadd.s32 $0xFFFFFF80  }
0x19a: {  	_ =	swait.ge [sflag:s1], $0x80  }
0x19b: {  	[sflag:s1] =	ssyncset.done $0x0  }
0x19c: {  	[sflag:s1] =	ssyncadd.s32 $0xFFFFFF80  }
0x19d: {  	_ =	swait.ge [sflag:s1], $0x80  }
0x19e: {  	p0 =	sne.s32 s4, $0x1;
	[sflag:s1] =	ssyncset.done $0x0  }
.Ltmp0:
0x19f: {  	s10 =	rddreg [dreg:$0x7];
	[sflag:s1] =	ssyncadd.s32 $0xFFFFFF80;
	(pc) =	sbr.rel @p0 .LBB2_1-.Ltmp0, $4  }
0x1a0: {  	[hbm4b:s10+s3] =	stream.linear.scatter [tilespmem:s7], [sflag:$0x2], $0xA00, $0x38;
	[tilespmem:$0x1E00] =	vst v63  }
0x1a1: {  	_ =	swait.ge [sflag:s5], $0xA00  }
0x1a2: {  	[sflag:s5] =	ssyncset.done $0x0  }
0x1a3: {  	s4 =	sadd.s32 $0xFFFFFFFF, s4;
	[sflag:s5] =	ssyncadd.s32 $0xFFFFF600  }
0x1a4: {  	_ =	sfence.sel $0x180000  }
0x1a5: {  	[bflag:$0x0] =	sbarrier.arrive $0xFFFF  }
0x1a6: {  	_ =	strace $0x90000047  }
0x1a7: {  	s0 =	stileid.u32;
	[bflag:$0x2] =	sbarrier.arrive $0xFFFF  }
0x1a8: {  	p0 =	sne.s32 s0, $0x0;
	s0 =	rddreg [dreg:$0x2]  }
0x1a9: {  	s0 =	sadd.s32 @!p0 $0x100000, s0  }
0x1aa: {  	[sflag:s0] =	ssyncadd.tile.s32 @!p0 $0x1;
	_ =	shalt  }
.Lfunc_end2:
_tile_overlayer_lowered:
.L_overlay_start_2:
0x1ab: {  	(tag) =	ssettag $0x2  }
0x1ac: {  	s0 =	rddreg [dreg:$0x0];
	s2 =	stileid.u32  }
0x1ad: {  	s1 =	rddreg [dreg:$0x1];
	p0 =	sne.s32 s2, $0x0  }
0x1ae: {  	s3 =	rddreg [dreg:$0x2];
	[bflag:$0x3] =	sbarrier.arrive $0xFFFF;
	s2 =	simm.s32 @!p0 $0x1C02  }
0x1af: {  	[timem:s3], [sflag:s2] =	dma.local @!p0 [hbm:s0], s1  }
0x1b0: {  	s0 =	simm.s32 @!p0 $0x2  }
0x1b1: {  	_ =	swait.ge @!p0 [sflag:s0], s1  }
0x1b2: {  	s1 =	ssub.s32 @!p0 $0x0, s1;
	[sflag:s0] =	ssyncset.done @!p0 $0x0  }
0x1b3: {  	[sflag:s0] =	ssyncadd.s32 @!p0 s1  }
0x1b4: {  	[bflag:$0x3] =	sbarrier.arrive $0xFFFF  }
0x1b5: {  	_ =	shalt  }

</sc_bundles>
